<compile_context>
chip_gen: v7x
topology: tpu7x:2x2x1
jax: 0.10.2.dev20260603
libtpu: 0.0.44.dev20260713+nightly
codegen_flags: <defaults>
</compile_context>

<pallas_src>
import functools

import jax
import jax.numpy as jnp
from jax import lax
from jax.experimental import pallas as pl
from jax.experimental.pallas import tpu as pltpu
from jax.experimental.pallas import tpu_sc as plsc

_NC = 2
_NS = 16
_NW = _NC * _NS
_L = 16


def _sc_partials(x0, x1, batch, row_base, n_rows, num_segments, chunk):
    G = num_segments
    R = n_rows // _NW
    CHUNK = chunk
    NCHUNK = R // CHUNK
    BG = 5
    BLOCK = BG * _L
    NBLOCK = CHUNK // BLOCK
    NBUF = 2

    mesh = plsc.VectorSubcoreMesh(core_axis_name="c", subcore_axis_name="s")

    @functools.partial(
        pl.kernel,
        out_type=jax.ShapeDtypeStruct((_NW, 3 * G), jnp.float32),
        mesh=mesh,
        scratch_types=[
            pltpu.VMEM((CHUNK,), jnp.float32),
            pltpu.VMEM((CHUNK,), jnp.float32),
            pltpu.VMEM((CHUNK,), jnp.float32),
            pltpu.VMEM((CHUNK,), jnp.float32),
            pltpu.VMEM((CHUNK,), jnp.int32),
            pltpu.VMEM((CHUNK,), jnp.int32),
            pltpu.VMEM((3 * G,), jnp.float32),
            pltpu.SemaphoreType.DMA,
            pltpu.SemaphoreType.DMA,
        ],
        compiler_params=pltpu.CompilerParams(needs_layout_passes=False),
    )
    def k(x0_hbm, x1_hbm, b_hbm, out_hbm, x0b0, x0b1, x1b0, x1b1,
          bbf0, bbf1, acc, sem0, sem1):
        wid = lax.axis_index("s") * _NC + lax.axis_index("c")
        base = wid * R
        sems = (sem0, sem1)
        x0b = (x0b0, x0b1)
        x1b = (x1b0, x1b1)
        bbf = (bbf0, bbf1)

        zeros_f = jnp.zeros((_L,), jnp.float32)

        def zero_body(i, _):
            acc[pl.ds(i * _L, _L)] = zeros_f
            return 0

        lax.fori_loop(0, (3 * G) // _L, zero_body, 0)

        ones_f = jnp.ones((_L,), jnp.float32)
        zeros_v = jnp.zeros((_L,), jnp.float32)
        iota = lax.iota(jnp.int32, _L)
        lane3 = iota < 3
        giota = G * iota

        def flush(run_id, cnt, v0, v1):
            sa = jnp.sum(v0)
            sb = jnp.sum(v1)
            val = jnp.where(iota == 0, sa, jnp.where(iota == 1, sb, cnt))
            plsc.addupdate_scatter(acc, [run_id + giota], val, mask=lane3)

        def start(ci, slot):
            off = base + ci * CHUNK
            return (
                pltpu.async_copy(x0_hbm.at[pl.ds(off, CHUNK)],
                                 x0b[slot], sems[slot]),
                pltpu.async_copy(x1_hbm.at[pl.ds(off, CHUNK)],
                                 x1b[slot], sems[slot]),
                pltpu.async_copy(b_hbm.at[pl.ds(row_base + off, CHUNK)],
                                 bbf[slot], sems[slot]),
            )

        def group_step(slot, gb, carry):
            run_id, cnt, v0, v1 = carry
            bb = bbf[slot][pl.ds(gb, _L)]
            id_hi = bb[_L - 1]
            xa = x0b[slot][pl.ds(gb, _L)]
            xb = x1b[slot][pl.ds(gb, _L)]

            def cont(run_id, cnt, v0, v1):
                return run_id, cnt + 16.0, v0 + xa, v1 + xb

            def brk(run_id, cnt, v0, v1):
                flush(run_id, cnt, v0, v1)
                id_lo = bb[0]

                def uni(_):
                    return id_hi, 16.0, xa, xb

                def mixed(_):
                    plsc.addupdate_scatter(acc, [bb], xa)
                    plsc.addupdate_scatter(acc, [bb + G], xb)
                    plsc.addupdate_scatter(acc, [bb + 2 * G], ones_f)
                    return id_hi, 0.0, zeros_v, zeros_v

                return lax.cond(id_lo == id_hi, uni, mixed, 0)

            return lax.cond(id_hi == run_id, cont, brk, run_id, cnt, v0, v1)

        def process(slot, carry):
            def blk(i, carry):
                run_id, cnt, v0, v1 = carry
                gb = i * BLOCK
                btail = bbf[slot][pl.ds(gb + BLOCK - _L, _L)]
                id_hi = btail[_L - 1]

                def fast(run_id, cnt, v0, v1):
                    xs0 = [x0b[slot][pl.ds(gb + j * _L, _L)]
                           for j in range(BG)]
                    xs1 = [x1b[slot][pl.ds(gb + j * _L, _L)]
                           for j in range(BG)]
                    s0 = (xs0[0] + xs0[1]) + (xs0[2] + xs0[3]) + xs0[4]
                    s1 = (xs1[0] + xs1[1]) + (xs1[2] + xs1[3]) + xs1[4]
                    return run_id, cnt + float(BLOCK), v0 + s0, v1 + s1

                def slow(run_id, cnt, v0, v1):
                    carry2 = (run_id, cnt, v0, v1)
                    for j in range(BG):
                        carry2 = group_step(slot, gb + j * _L, carry2)
                    return carry2

                return lax.cond(id_hi == run_id, fast, slow,
                                run_id, cnt, v0, v1)

            return lax.fori_loop(0, NBLOCK, blk, carry)

        hs = start(0, 0)
        carry = (jnp.int32(0), jnp.float32(0.0), zeros_v, zeros_v)
        for ci in range(NCHUNK):
            slot = ci % NBUF
            for h in hs:
                h.wait()
            if ci + 1 < NCHUNK:
                hs = start(ci + 1, (ci + 1) % NBUF)
            carry = process(slot, carry)
        flush(*carry)
        pltpu.sync_copy(acc, out_hbm.at[wid])

    return k(x0, x1, batch)


def _tc_finish(parts, uT, W1, b1, W2, b2, num_segments):
    G = num_segments

    def body(*refs):
        p_refs = refs[:len(parts)]
        u_ref, w1_ref, b1_ref, w2_ref, b2_ref, o_ref = refs[len(parts):]
        s = sum(jnp.sum(pr[...], axis=0) for pr in p_refs)
        cnt = jnp.maximum(s[2 * G:3 * G], 1.0)
        m0 = s[0:G] / cnt
        m1 = s[G:2 * G] / cnt
        u = u_ref[...]
        out4 = jnp.concatenate(
            [u[0].reshape(1, G), u[1].reshape(1, G),
             m0.reshape(1, G), m1.reshape(1, G)], axis=0)
        w1 = w1_ref[...]
        w2 = w2_ref[...]
        b1v = b1_ref[...].reshape(4, 1)
        b2v = b2_ref[...].reshape(4, 1)
        h = jnp.maximum(
            jax.lax.dot(w1, out4, preferred_element_type=jnp.float32) + b1v,
            0.0)
        y = jax.lax.dot(w2, h, preferred_element_type=jnp.float32) + b2v
        o_ref[...] = y

    return pl.pallas_call(
        body,
        out_shape=jax.ShapeDtypeStruct((4, G), jnp.float32),
    )(*parts, uT, W1, b1, W2, b2)


def kernel(x, edge_index, edge_attr, u, batch, W1, b1, W2, b2):
    n_rows = x.shape[0]
    G = u.shape[0]
    shards = [(199680, 6240), (698880, 7280), (701440, 10960)]
    parts = []
    off = 0
    for n_sh, chunk in shards:
        parts.append(_sc_partials(x[off:off + n_sh, 0],
                                  x[off:off + n_sh, 1],
                                  batch, off, n_sh, G, chunk))
        off += n_sh
    y4 = _tc_finish(parts, u.T, W1, b1, W2, b2, G)
    return y4.T

# --- scband reference (transcript-rebuilt; emitter-appended) ---
"""Pipeline reference for scband-global-model-67207648247828 (READ-ONLY COPY).

The authoritative reference and input builder live on the scoring server;
editing this copy changes nothing except your own understanding.
"""

import jax, jax.numpy as jnp
import numpy as np

N = 1600000
E = 1600000
G = 2048

def _lin_init(key, fan_in, fan_out):
    k1, k2 = jax.random.split(key)
    bound = 1.0 / np.sqrt(fan_in)
    W = jax.random.uniform(k1, (fan_out, fan_in), minval=-bound, maxval=bound, dtype=jnp.float32)
    b = jax.random.uniform(k2, (fan_out,), minval=-bound, maxval=bound, dtype=jnp.float32)
    return W, b

def setup_inputs(seed: int = 0) -> dict:
    key = jax.random.key(seed)
    ks = jax.random.split(key, 7)
    x = jax.random.normal(ks[0], (N, 2), dtype=jnp.float32)
    edge_index = jax.random.randint(ks[1], (2, E), 0, N, dtype=jnp.int32)
    edge_attr = jax.random.normal(ks[2], (E, 4), dtype=jnp.float32)
    u = jax.random.normal(ks[3], (G, 2), dtype=jnp.float32)
    batch = jnp.sort(jax.random.randint(ks[4], (N,), 0, G, dtype=jnp.int32))
    W1, b1 = _lin_init(ks[5], 4, 4)
    W2, b2 = _lin_init(ks[6], 4, 4)
    return {"x": x, "edge_index": edge_index, "edge_attr": edge_attr, "u": u, "batch": batch,
            "W1": W1, "b1": b1, "W2": W2, "b2": b2}

def reference(x, edge_index, edge_attr, u, batch, W1, b1, W2, b2):
    # scatter_mean(x, batch, dim=0) over G segments
    sums = jax.ops.segment_sum(x, batch, num_segments=G)
    counts = jax.ops.segment_sum(jnp.ones((x.shape[0], 1), dtype=x.dtype), batch, num_segments=G)
    mean = sums / jnp.maximum(counts, 1.0)
    out = jnp.concatenate([u, mean], axis=1)
    h = jnp.maximum(out @ W1.T + b1, 0.0)
    return h @ W2.T + b2

if __name__ == "__main__":
    import jax
    _d = setup_inputs()
    print(jax.jit(kernel)(*tuple(_d.values())))

</pallas_src>

<mosaic_0001>
#map = affine_map<(d0, d1) -> (0)>
#map1 = affine_map<(d0, d1) -> (0, 0)>
module attributes {stable_mosaic.version = 14 : i64} {
  func.func @k(%arg0: i32, %arg1: i32, %arg2: memref<698880xf32, #tpu.memory_space<hbm>>, %arg3: memref<698880xf32, #tpu.memory_space<hbm>>, %arg4: memref<1600000xi32, #tpu.memory_space<hbm>>, %arg5: memref<32x6144xf32, #tpu.memory_space<hbm>>, %arg6: memref<7280xf32, #tpu.memory_space<vmem>>, %arg7: memref<7280xf32, #tpu.memory_space<vmem>>, %arg8: memref<7280xf32, #tpu.memory_space<vmem>>, %arg9: memref<7280xf32, #tpu.memory_space<vmem>>, %arg10: memref<7280xi32, #tpu.memory_space<vmem>>, %arg11: memref<7280xi32, #tpu.memory_space<vmem>>, %arg12: memref<6144xf32, #tpu.memory_space<vmem>>, %arg13: memref<!tpu.dma_semaphore, #tpu.memory_space<semaphore_mem>>, %arg14: memref<!tpu.dma_semaphore, #tpu.memory_space<semaphore_mem>>) attributes {dimension_semantics = [#tpu.dimension_semantics<core_parallel>, #tpu.dimension_semantics<subcore_parallel>], iteration_bounds = array<i64: 2, 16>, scalar_prefetch = 0 : i64, scratch_operands = 9 : i64, tpu.core_type = #tpu.core_type<sc_vector_subcore>, window_params = [{transform_indices = #map}, {transform_indices = #map}, {transform_indices = #map}, {transform_indices = #map1}]} {
    %mul3A = arith.constant 2 : i32
    %mul3A_0 = arith.muli %arg1, %mul3A : i32
    %add3A = arith.addi %mul3A_0, %arg0 : i32
    %mul3A_1 = arith.constant 21840 : i32
    %mul3A_2 = arith.muli %add3A, %mul3A_1 : i32
    %broadcast_in_dim3A = arith.constant 0.000000e+00 : f32
    %broadcast_in_dim3A_3 = vector.broadcast %broadcast_in_dim3A : f32 to vector<16xf32>
    %scan3A = arith.constant 0 : i32
    %scan3A_4 = arith.constant 0 : i32
    %scan3A_5 = arith.constant 384 : i32
    %scan3A_6 = arith.addi %scan3A_4, %scan3A_5 : i32
    %scan3A_7 = arith.constant 1 : i32
    %scan3A_8 = scf.for %scan3A_103 = %scan3A_4 to %scan3A_6 step %scan3A_7 iter_args(%scan3A_104 = %scan3A) -> (i32)  : i32 {
      %mul3A_105 = arith.constant 16 : i32
      %mul3A_106 = arith.muli %scan3A_103, %mul3A_105 : i32
      %swap3A = arith.index_cast %mul3A_106 : i32 to index
      %swap3A_107 = tpu.vector_load %arg12[%swap3A] {strides = array<i32>} : memref<6144xf32, #tpu.memory_space<vmem>>, vector<16xf32>,
      tpu.vector_store %arg12[%swap3A], %broadcast_in_dim3A_3 {strides = array<i32>} : memref<6144xf32, #tpu.memory_space<vmem>>, vector<16xf32>,
      %scan3A_108 = arith.constant 0 : i32
      scf.yield %scan3A_108 : i32
    }
    %scan3A_9 = arith.constant 384 : i32
    %broadcast_in_dim3A_10 = arith.constant 1.000000e+00 : f32
    %broadcast_in_dim3A_11 = vector.broadcast %broadcast_in_dim3A_10 : f32 to vector<16xf32>
    %broadcast_in_dim3A_12 = arith.constant 0.000000e+00 : f32
    %broadcast_in_dim3A_13 = vector.broadcast %broadcast_in_dim3A_12 : f32 to vector<16xf32>
    %iota3A = tpu.iota {dimensions = array<i32: 0>} : vector<16xi32>
    %lt3A = arith.constant 3 : i32
    %lt3A_14 = vector.broadcast %lt3A : i32 to vector<16xi32>
    %lt3A_15 = arith.cmpi slt, %iota3A, %lt3A_14 : vector<16xi32>
    %mul3A_16 = arith.constant 2048 : i32
    %mul3A_17 = vector.broadcast %mul3A_16 : i32 to vector<16xi32>
    %mul3A_18 = arith.muli %mul3A_17, %iota3A : vector<16xi32>
    %add3A_19 = arith.constant 0 : i32
    %add3A_20 = arith.addi %mul3A_2, %add3A_19 : i32
    %dma_start3A = tpu.memref_slice %arg2[%add3A_20] : memref<698880xf32, #tpu.memory_space<hbm>> -> memref<7280xf32, #tpu.memory_space<hbm>>
    %dma_start3A_21 = tpu.memref_slice %arg2[%add3A_20] : memref<698880xf32, #tpu.memory_space<hbm>> -> memref<7280xf32, #tpu.memory_space<hbm>>
    tpu.enqueue_dma source(%dma_start3A_21 : memref<7280xf32, #tpu.memory_space<hbm>>) target(%arg6 : memref<7280xf32, #tpu.memory_space<vmem>>) target_semaphore(%arg13 : memref<!tpu.dma_semaphore, #tpu.memory_space<semaphore_mem>>)
    %dma_start3A_22 = tpu.memref_slice %arg3[%add3A_20] : memref<698880xf32, #tpu.memory_space<hbm>> -> memref<7280xf32, #tpu.memory_space<hbm>>
    %dma_start3A_23 = tpu.memref_slice %arg3[%add3A_20] : memref<698880xf32, #tpu.memory_space<hbm>> -> memref<7280xf32, #tpu.memory_space<hbm>>
    tpu.enqueue_dma source(%dma_start3A_23 : memref<7280xf32, #tpu.memory_space<hbm>>) target(%arg8 : memref<7280xf32, #tpu.memory_space<vmem>>) target_semaphore(%arg13 : memref<!tpu.dma_semaphore, #tpu.memory_space<semaphore_mem>>)
    %add3A_24 = arith.constant 199680 : i32
    %add3A_25 = arith.addi %add3A_24, %add3A_20 : i32
    %dma_start3A_26 = tpu.memref_slice %arg4[%add3A_25] : memref<1600000xi32, #tpu.memory_space<hbm>> -> memref<7280xi32, #tpu.memory_space<hbm>>
    %dma_start3A_27 = tpu.memref_slice %arg4[%add3A_25] : memref<1600000xi32, #tpu.memory_space<hbm>> -> memref<7280xi32, #tpu.memory_space<hbm>>
    tpu.enqueue_dma source(%dma_start3A_27 : memref<7280xi32, #tpu.memory_space<hbm>>) target(%arg10 : memref<7280xi32, #tpu.memory_space<vmem>>) target_semaphore(%arg13 : memref<!tpu.dma_semaphore, #tpu.memory_space<semaphore_mem>>)
    %dma_wait3A = tpu.memref_slice %arg2[%add3A_20] : memref<698880xf32, #tpu.memory_space<hbm>> -> memref<7280xf32, #tpu.memory_space<hbm>>
    %dma_wait3A_28 = tpu.memref_slice %arg2[%add3A_20] : memref<698880xf32, #tpu.memory_space<hbm>> -> memref<7280xf32, #tpu.memory_space<hbm>>
    tpu.wait_dma2 semaphore(%arg13 : memref<!tpu.dma_semaphore, #tpu.memory_space<semaphore_mem>>) src(%dma_wait3A_28 : memref<7280xf32, #tpu.memory_space<hbm>>) dst(%arg6 : memref<7280xf32, #tpu.memory_space<vmem>>)
    %dma_wait3A_29 = tpu.memref_slice %arg3[%add3A_20] : memref<698880xf32, #tpu.memory_space<hbm>> -> memref<7280xf32, #tpu.memory_space<hbm>>
    %dma_wait3A_30 = tpu.memref_slice %arg3[%add3A_20] : memref<698880xf32, #tpu.memory_space<hbm>> -> memref<7280xf32, #tpu.memory_space<hbm>>
    tpu.wait_dma2 semaphore(%arg13 : memref<!tpu.dma_semaphore, #tpu.memory_space<semaphore_mem>>) src(%dma_wait3A_30 : memref<7280xf32, #tpu.memory_space<hbm>>) dst(%arg8 : memref<7280xf32, #tpu.memory_space<vmem>>)
    %dma_wait3A_31 = tpu.memref_slice %arg4[%add3A_25] : memref<1600000xi32, #tpu.memory_space<hbm>> -> memref<7280xi32, #tpu.memory_space<hbm>>
    %dma_wait3A_32 = tpu.memref_slice %arg4[%add3A_25] : memref<1600000xi32, #tpu.memory_space<hbm>> -> memref<7280xi32, #tpu.memory_space<hbm>>
    tpu.wait_dma2 semaphore(%arg13 : memref<!tpu.dma_semaphore, #tpu.memory_space<semaphore_mem>>) src(%dma_wait3A_32 : memref<7280xi32, #tpu.memory_space<hbm>>) dst(%arg10 : memref<7280xi32, #tpu.memory_space<vmem>>)
    %add3A_33 = arith.constant 7280 : i32
    %add3A_34 = arith.addi %mul3A_2, %add3A_33 : i32
    %dma_start3A_35 = tpu.memref_slice %arg2[%add3A_34] : memref<698880xf32, #tpu.memory_space<hbm>> -> memref<7280xf32, #tpu.memory_space<hbm>>
    %dma_start3A_36 = tpu.memref_slice %arg2[%add3A_34] : memref<698880xf32, #tpu.memory_space<hbm>> -> memref<7280xf32, #tpu.memory_space<hbm>>
    tpu.enqueue_dma source(%dma_start3A_36 : memref<7280xf32, #tpu.memory_space<hbm>>) target(%arg7 : memref<7280xf32, #tpu.memory_space<vmem>>) target_semaphore(%arg14 : memref<!tpu.dma_semaphore, #tpu.memory_space<semaphore_mem>>)
    %dma_start3A_37 = tpu.memref_slice %arg3[%add3A_34] : memref<698880xf32, #tpu.memory_space<hbm>> -> memref<7280xf32, #tpu.memory_space<hbm>>
    %dma_start3A_38 = tpu.memref_slice %arg3[%add3A_34] : memref<698880xf32, #tpu.memory_space<hbm>> -> memref<7280xf32, #tpu.memory_space<hbm>>
    tpu.enqueue_dma source(%dma_start3A_38 : memref<7280xf32, #tpu.memory_space<hbm>>) target(%arg9 : memref<7280xf32, #tpu.memory_space<vmem>>) target_semaphore(%arg14 : memref<!tpu.dma_semaphore, #tpu.memory_space<semaphore_mem>>)
    %add3A_39 = arith.constant 199680 : i32
    %add3A_40 = arith.addi %add3A_39, %add3A_34 : i32
    %dma_start3A_41 = tpu.memref_slice %arg4[%add3A_40] : memref<1600000xi32, #tpu.memory_space<hbm>> -> memref<7280xi32, #tpu.memory_space<hbm>>
    %dma_start3A_42 = tpu.memref_slice %arg4[%add3A_40] : memref<1600000xi32, #tpu.memory_space<hbm>> -> memref<7280xi32, #tpu.memory_space<hbm>>
    tpu.enqueue_dma source(%dma_start3A_42 : memref<7280xi32, #tpu.memory_space<hbm>>) target(%arg11 : memref<7280xi32, #tpu.memory_space<vmem>>) target_semaphore(%arg14 : memref<!tpu.dma_semaphore, #tpu.memory_space<semaphore_mem>>)
    %scan3A_43 = arith.constant 0 : i32
    %scan3A_44 = arith.constant 0.000000e+00 : f32
    %scan3A_45 = arith.constant 0 : i32
    %scan3A_46 = arith.constant 91 : i32
    %scan3A_47 = arith.addi %scan3A_45, %scan3A_46 : i32
    %scan3A_48 = arith.constant 1 : i32
    %scan3A_49:4 = scf.for %scan3A_103 = %scan3A_45 to %scan3A_47 step %scan3A_48 iter_args(%scan3A_104 = %scan3A_43, %scan3A_105 = %scan3A_44, %scan3A_106 = %broadcast_in_dim3A_13, %scan3A_107 = %broadcast_in_dim3A_13) -> (i32, f32, vector<16xf32>, vector<16xf32>)  : i32 {
      %mul3A_108 = arith.constant 80 : i32
      %mul3A_109 = arith.muli %scan3A_103, %mul3A_108 : i32
      %add3A_110 = arith.constant 80 : i32
      %add3A_111 = arith.addi %mul3A_109, %add3A_110 : i32
      %sub3A = arith.constant 16 : i32
      %sub3A_112 = arith.subi %add3A_111, %sub3A : i32
      %get3A = arith.index_cast %sub3A_112 : i32 to index
      %get3A_113 = tpu.vector_load %arg10[%get3A] {strides = array<i32>} : memref<7280xi32, #tpu.memory_space<vmem>>, vector<16xi32>,
      %slice3A = vector.extract_strided_slice %get3A_113 {offsets = [15], sizes = [1], strides = [1]} : vector<16xi32> to vector<1xi32>
      %squeeze3A = vector.extract %slice3A[0] : i32 from vector<1xi32>
      %eq3A_114 = arith.cmpi eq, %squeeze3A, %scan3A_104 : i32
      %convert_element_type3A = arith.extui %eq3A_114 : i1 to i32
      %cond3A = arith.constant 0 : i32
      %cond3A_115 = arith.cmpi ne, %convert_element_type3A, %cond3A : i32
      %cond3A_116:4 = scf.if %cond3A_115 -> (i32, f32, vector<16xf32>, vector<16xf32>) {
        %add3A_117 = arith.constant 0 : i32
        %add3A_118 = arith.addi %mul3A_109, %add3A_117 : i32
        %get3A_119 = arith.index_cast %add3A_118 : i32 to index
        %get3A_120 = tpu.vector_load %arg6[%get3A_119] {strides = array<i32>} : memref<7280xf32, #tpu.memory_space<vmem>>, vector<16xf32>,
        %add3A_121 = arith.constant 16 : i32
        %add3A_122 = arith.addi %mul3A_109, %add3A_121 : i32
        %get3A_123 = arith.index_cast %add3A_122 : i32 to index
        %get3A_124 = tpu.vector_load %arg6[%get3A_123] {strides = array<i32>} : memref<7280xf32, #tpu.memory_space<vmem>>, vector<16xf32>,
        %add3A_125 = arith.constant 32 : i32
        %add3A_126 = arith.addi %mul3A_109, %add3A_125 : i32
        %get3A_127 = arith.index_cast %add3A_126 : i32 to index
        %get3A_128 = tpu.vector_load %arg6[%get3A_127] {strides = array<i32>} : memref<7280xf32, #tpu.memory_space<vmem>>, vector<16xf32>,
        %add3A_129 = arith.constant 48 : i32
        %add3A_130 = arith.addi %mul3A_109, %add3A_129 : i32
        %get3A_131 = arith.index_cast %add3A_130 : i32 to index
        %get3A_132 = tpu.vector_load %arg6[%get3A_131] {strides = array<i32>} : memref<7280xf32, #tpu.memory_space<vmem>>, vector<16xf32>,
        %add3A_133 = arith.constant 64 : i32
        %add3A_134 = arith.addi %mul3A_109, %add3A_133 : i32
        %get3A_135 = arith.index_cast %add3A_134 : i32 to index
        %get3A_136 = tpu.vector_load %arg6[%get3A_135] {strides = array<i32>} : memref<7280xf32, #tpu.memory_space<vmem>>, vector<16xf32>,
        %add3A_137 = arith.constant 0 : i32
        %add3A_138 = arith.addi %mul3A_109, %add3A_137 : i32
        %get3A_139 = arith.index_cast %add3A_138 : i32 to index
        %get3A_140 = tpu.vector_load %arg8[%get3A_139] {strides = array<i32>} : memref<7280xf32, #tpu.memory_space<vmem>>, vector<16xf32>,
        %add3A_141 = arith.constant 16 : i32
        %add3A_142 = arith.addi %mul3A_109, %add3A_141 : i32
        %get3A_143 = arith.index_cast %add3A_142 : i32 to index
        %get3A_144 = tpu.vector_load %arg8[%get3A_143] {strides = array<i32>} : memref<7280xf32, #tpu.memory_space<vmem>>, vector<16xf32>,
        %add3A_145 = arith.constant 32 : i32
        %add3A_146 = arith.addi %mul3A_109, %add3A_145 : i32
        %get3A_147 = arith.index_cast %add3A_146 : i32 to index
        %get3A_148 = tpu.vector_load %arg8[%get3A_147] {strides = array<i32>} : memref<7280xf32, #tpu.memory_space<vmem>>, vector<16xf32>,
        %add3A_149 = arith.constant 48 : i32
        %add3A_150 = arith.addi %mul3A_109, %add3A_149 : i32
        %get3A_151 = arith.index_cast %add3A_150 : i32 to index
        %get3A_152 = tpu.vector_load %arg8[%get3A_151] {strides = array<i32>} : memref<7280xf32, #tpu.memory_space<vmem>>, vector<16xf32>,
        %add3A_153 = arith.constant 64 : i32
        %add3A_154 = arith.addi %mul3A_109, %add3A_153 : i32
        %get3A_155 = arith.index_cast %add3A_154 : i32 to index
        %get3A_156 = tpu.vector_load %arg8[%get3A_155] {strides = array<i32>} : memref<7280xf32, #tpu.memory_space<vmem>>, vector<16xf32>,
        %add3A_157 = arith.addf %get3A_120, %get3A_124 : vector<16xf32>
        %add3A_158 = arith.addf %get3A_128, %get3A_132 : vector<16xf32>
        %add3A_159 = arith.addf %add3A_157, %add3A_158 : vector<16xf32>
        %add3A_160 = arith.addf %add3A_159, %get3A_136 : vector<16xf32>
        %add3A_161 = arith.addf %get3A_140, %get3A_144 : vector<16xf32>
        %add3A_162 = arith.addf %get3A_148, %get3A_152 : vector<16xf32>
        %add3A_163 = arith.addf %add3A_161, %add3A_162 : vector<16xf32>
        %add3A_164 = arith.addf %add3A_163, %get3A_156 : vector<16xf32>
        %add3A_165 = arith.constant 8.000000e+01 : f32
        %add3A_166 = arith.addf %scan3A_105, %add3A_165 : f32
        %add3A_167 = arith.addf %scan3A_106, %add3A_160 : vector<16xf32>
        %add3A_168 = arith.addf %scan3A_107, %add3A_164 : vector<16xf32>
        scf.yield %scan3A_104, %add3A_166, %add3A_167, %add3A_168 : i32, f32, vector<16xf32>, vector<16xf32>
      } else {
        %add3A_117 = arith.constant 0 : i32
        %add3A_118 = arith.addi %mul3A_109, %add3A_117 : i32
        %get3A_119 = arith.index_cast %add3A_118 : i32 to index
        %get3A_120 = tpu.vector_load %arg10[%get3A_119] {strides = array<i32>} : memref<7280xi32, #tpu.memory_space<vmem>>, vector<16xi32>,
        %slice3A_121 = vector.extract_strided_slice %get3A_120 {offsets = [15], sizes = [1], strides = [1]} : vector<16xi32> to vector<1xi32>
        %squeeze3A_122 = vector.extract %slice3A_121[0] : i32 from vector<1xi32>
        %get3A_123 = arith.index_cast %add3A_118 : i32 to index
        %get3A_124 = tpu.vector_load %arg6[%get3A_123] {strides = array<i32>} : memref<7280xf32, #tpu.memory_space<vmem>>, vector<16xf32>,
        %get3A_125 = arith.index_cast %add3A_118 : i32 to index
        %get3A_126 = tpu.vector_load %arg8[%get3A_125] {strides = array<i32>} : memref<7280xf32, #tpu.memory_space<vmem>>, vector<16xf32>,
        %eq3A_127 = arith.cmpi eq, %squeeze3A_122, %scan3A_104 : i32
        %convert_element_type3A_128 = arith.extui %eq3A_127 : i1 to i32
        %cond3A_129 = arith.constant 0 : i32
        %cond3A_130 = arith.cmpi ne, %convert_element_type3A_128, %cond3A_129 : i32
        %cond3A_131:4 = scf.if %cond3A_130 -> (i32, f32, vector<16xf32>, vector<16xf32>) {
          %add3A_192 = arith.constant 1.600000e+01 : f32
          %add3A_193 = arith.addf %scan3A_105, %add3A_192 : f32
          %add3A_194 = arith.addf %scan3A_106, %get3A_124 : vector<16xf32>
          %add3A_195 = arith.addf %scan3A_107, %get3A_126 : vector<16xf32>
          scf.yield %scan3A_104, %add3A_193, %add3A_194, %add3A_195 : i32, f32, vector<16xf32>, vector<16xf32>
        } else {
          %reduce_sum3A_192 = arith.constant true
          %reduce_sum3A_193 = vector.broadcast %reduce_sum3A_192 : i1 to vector<16xi1>
          %reduce_sum3A_194 = tpu.scan <sum>, %scan3A_106 masked %reduce_sum3A_193 : vector<16xf32>, vector<16xi1> -> vector<16xf32>
          %reduce_sum3A_195 = vector.extract %reduce_sum3A_194[15] : f32 from vector<16xf32>
          %reduce_sum3A_196 = arith.constant true
          %reduce_sum3A_197 = vector.broadcast %reduce_sum3A_196 : i1 to vector<16xi1>
          %reduce_sum3A_198 = tpu.scan <sum>, %scan3A_107 masked %reduce_sum3A_197 : vector<16xf32>, vector<16xi1> -> vector<16xf32>
          %reduce_sum3A_199 = vector.extract %reduce_sum3A_198[15] : f32 from vector<16xf32>
          %eq3A_200 = arith.constant 0 : i32
          %eq3A_201 = vector.broadcast %eq3A_200 : i32 to vector<16xi32>
          %eq3A_202 = arith.cmpi eq, %iota3A, %eq3A_201 : vector<16xi32>
          %eq3A_203 = arith.constant 1 : i32
          %eq3A_204 = vector.broadcast %eq3A_203 : i32 to vector<16xi32>
          %eq3A_205 = arith.cmpi eq, %iota3A, %eq3A_204 : vector<16xi32>
          %broadcast_in_dim3A_206 = vector.broadcast %reduce_sum3A_199 : f32 to vector<16xf32>
          %broadcast_in_dim3A_207 = vector.broadcast %scan3A_105 : f32 to vector<16xf32>
          %select_n3A_208 = arith.select %eq3A_205, %broadcast_in_dim3A_206, %broadcast_in_dim3A_207 : vector<16xi1>, vector<16xf32>
          %broadcast_in_dim3A_209 = vector.broadcast %reduce_sum3A_195 : f32 to vector<16xf32>
          %select_n3A_210 = arith.select %eq3A_202, %broadcast_in_dim3A_209, %select_n3A_208 : vector<16xi1>, vector<16xf32>
          %add3A_211 = vector.broadcast %scan3A_104 : i32 to vector<16xi32>
          %add3A_212 = arith.addi %add3A_211, %mul3A_18 : vector<16xi32>
          tpu.vector_store_idx %arg12[%add3A_212], %select_n3A_210 masked %lt3A_15 {add = true} : memref<6144xf32, #tpu.memory_space<vmem>>[vector<16xi32>], vector<16xf32>, vector<16xi1>
          %slice3A_213 = vector.extract_strided_slice %get3A_120 {offsets = [0], sizes = [1], strides = [1]} : vector<16xi32> to vector<1xi32>
          %squeeze3A_214 = vector.extract %slice3A_213[0] : i32 from vector<1xi32>
          %eq3A_215 = arith.cmpi eq, %squeeze3A_214, %squeeze3A_122 : i32
          %convert_element_type3A_216 = arith.extui %eq3A_215 : i1 to i32
          %cond3A_217 = arith.constant 0 : i32
          %cond3A_218 = arith.constant 0 : i32
          %cond3A_219 = arith.cmpi ne, %convert_element_type3A_216, %cond3A_218 : i32
          %cond3A_220:3 = scf.if %cond3A_219 -> (f32, vector<16xf32>, vector<16xf32>) {
            %cond3A_221 = arith.constant 1.600000e+01 : f32
            scf.yield %cond3A_221, %get3A_124, %get3A_126 : f32, vector<16xf32>, vector<16xf32>
          } else {
            tpu.vector_store_idx %arg12[%get3A_120], %get3A_124 {add = true} : memref<6144xf32, #tpu.memory_space<vmem>>[vector<16xi32>], vector<16xf32>,
            %add3A_221 = arith.constant 2048 : i32
            %add3A_222 = vector.broadcast %add3A_221 : i32 to vector<16xi32>
            %add3A_223 = arith.addi %get3A_120, %add3A_222 : vector<16xi32>
            tpu.vector_store_idx %arg12[%add3A_223], %get3A_126 {add = true} : memref<6144xf32, #tpu.memory_space<vmem>>[vector<16xi32>], vector<16xf32>,
            %add3A_224 = arith.constant 4096 : i32
            %add3A_225 = vector.broadcast %add3A_224 : i32 to vector<16xi32>
            %add3A_226 = arith.addi %get3A_120, %add3A_225 : vector<16xi32>
            tpu.vector_store_idx %arg12[%add3A_226], %broadcast_in_dim3A_11 {add = true} : memref<6144xf32, #tpu.memory_space<vmem>>[vector<16xi32>], vector<16xf32>,
            %cond3A_227 = arith.constant 0.000000e+00 : f32
            scf.yield %cond3A_227, %broadcast_in_dim3A_13, %broadcast_in_dim3A_13 : f32, vector<16xf32>, vector<16xf32>
          }
          scf.yield %squeeze3A_122, %cond3A_220#0, %cond3A_220#1, %cond3A_220#2 : i32, f32, vector<16xf32>, vector<16xf32>
        }
        %add3A_132 = arith.constant 16 : i32
        %add3A_133 = arith.addi %mul3A_109, %add3A_132 : i32
        %get3A_134 = arith.index_cast %add3A_133 : i32 to index
        %get3A_135 = tpu.vector_load %arg10[%get3A_134] {strides = array<i32>} : memref<7280xi32, #tpu.memory_space<vmem>>, vector<16xi32>,
        %slice3A_136 = vector.extract_strided_slice %get3A_135 {offsets = [15], sizes = [1], strides = [1]} : vector<16xi32> to vector<1xi32>
        %squeeze3A_137 = vector.extract %slice3A_136[0] : i32 from vector<1xi32>
        %get3A_138 = arith.index_cast %add3A_133 : i32 to index
        %get3A_139 = tpu.vector_load %arg6[%get3A_138] {strides = array<i32>} : memref<7280xf32, #tpu.memory_space<vmem>>, vector<16xf32>,
        %get3A_140 = arith.index_cast %add3A_133 : i32 to index
        %get3A_141 = tpu.vector_load %arg8[%get3A_140] {strides = array<i32>} : memref<7280xf32, #tpu.memory_space<vmem>>, vector<16xf32>,
        %eq3A_142 = arith.cmpi eq, %squeeze3A_137, %cond3A_131#0 : i32
        %convert_element_type3A_143 = arith.extui %eq3A_142 : i1 to i32
        %cond3A_144 = arith.constant 0 : i32
        %cond3A_145 = arith.cmpi ne, %convert_element_type3A_143, %cond3A_144 : i32
        %cond3A_146:4 = scf.if %cond3A_145 -> (i32, f32, vector<16xf32>, vector<16xf32>) {
          %add3A_192 = arith.constant 1.600000e+01 : f32
          %add3A_193 = arith.addf %cond3A_131#1, %add3A_192 : f32
          %add3A_194 = arith.addf %cond3A_131#2, %get3A_139 : vector<16xf32>
          %add3A_195 = arith.addf %cond3A_131#3, %get3A_141 : vector<16xf32>
          scf.yield %cond3A_131#0, %add3A_193, %add3A_194, %add3A_195 : i32, f32, vector<16xf32>, vector<16xf32>
        } else {
          %reduce_sum3A_192 = arith.constant true
          %reduce_sum3A_193 = vector.broadcast %reduce_sum3A_192 : i1 to vector<16xi1>
          %reduce_sum3A_194 = tpu.scan <sum>, %cond3A_131#2 masked %reduce_sum3A_193 : vector<16xf32>, vector<16xi1> -> vector<16xf32>
          %reduce_sum3A_195 = vector.extract %reduce_sum3A_194[15] : f32 from vector<16xf32>
          %reduce_sum3A_196 = arith.constant true
          %reduce_sum3A_197 = vector.broadcast %reduce_sum3A_196 : i1 to vector<16xi1>
          %reduce_sum3A_198 = tpu.scan <sum>, %cond3A_131#3 masked %reduce_sum3A_197 : vector<16xf32>, vector<16xi1> -> vector<16xf32>
          %reduce_sum3A_199 = vector.extract %reduce_sum3A_198[15] : f32 from vector<16xf32>
          %eq3A_200 = arith.constant 0 : i32
          %eq3A_201 = vector.broadcast %eq3A_200 : i32 to vector<16xi32>
          %eq3A_202 = arith.cmpi eq, %iota3A, %eq3A_201 : vector<16xi32>
          %eq3A_203 = arith.constant 1 : i32
          %eq3A_204 = vector.broadcast %eq3A_203 : i32 to vector<16xi32>
          %eq3A_205 = arith.cmpi eq, %iota3A, %eq3A_204 : vector<16xi32>
          %broadcast_in_dim3A_206 = vector.broadcast %reduce_sum3A_199 : f32 to vector<16xf32>
          %broadcast_in_dim3A_207 = vector.broadcast %cond3A_131#1 : f32 to vector<16xf32>
          %select_n3A_208 = arith.select %eq3A_205, %broadcast_in_dim3A_206, %broadcast_in_dim3A_207 : vector<16xi1>, vector<16xf32>
          %broadcast_in_dim3A_209 = vector.broadcast %reduce_sum3A_195 : f32 to vector<16xf32>
          %select_n3A_210 = arith.select %eq3A_202, %broadcast_in_dim3A_209, %select_n3A_208 : vector<16xi1>, vector<16xf32>
          %add3A_211 = vector.broadcast %cond3A_131#0 : i32 to vector<16xi32>
          %add3A_212 = arith.addi %add3A_211, %mul3A_18 : vector<16xi32>
          tpu.vector_store_idx %arg12[%add3A_212], %select_n3A_210 masked %lt3A_15 {add = true} : memref<6144xf32, #tpu.memory_space<vmem>>[vector<16xi32>], vector<16xf32>, vector<16xi1>
          %slice3A_213 = vector.extract_strided_slice %get3A_135 {offsets = [0], sizes = [1], strides = [1]} : vector<16xi32> to vector<1xi32>
          %squeeze3A_214 = vector.extract %slice3A_213[0] : i32 from vector<1xi32>
          %eq3A_215 = arith.cmpi eq, %squeeze3A_214, %squeeze3A_137 : i32
          %convert_element_type3A_216 = arith.extui %eq3A_215 : i1 to i32
          %cond3A_217 = arith.constant 0 : i32
          %cond3A_218 = arith.constant 0 : i32
          %cond3A_219 = arith.cmpi ne, %convert_element_type3A_216, %cond3A_218 : i32
          %cond3A_220:3 = scf.if %cond3A_219 -> (f32, vector<16xf32>, vector<16xf32>) {
            %cond3A_221 = arith.constant 1.600000e+01 : f32
            scf.yield %cond3A_221, %get3A_139, %get3A_141 : f32, vector<16xf32>, vector<16xf32>
          } else {
            tpu.vector_store_idx %arg12[%get3A_135], %get3A_139 {add = true} : memref<6144xf32, #tpu.memory_space<vmem>>[vector<16xi32>], vector<16xf32>,
            %add3A_221 = arith.constant 2048 : i32
            %add3A_222 = vector.broadcast %add3A_221 : i32 to vector<16xi32>
            %add3A_223 = arith.addi %get3A_135, %add3A_222 : vector<16xi32>
            tpu.vector_store_idx %arg12[%add3A_223], %get3A_141 {add = true} : memref<6144xf32, #tpu.memory_space<vmem>>[vector<16xi32>], vector<16xf32>,
            %add3A_224 = arith.constant 4096 : i32
            %add3A_225 = vector.broadcast %add3A_224 : i32 to vector<16xi32>
            %add3A_226 = arith.addi %get3A_135, %add3A_225 : vector<16xi32>
            tpu.vector_store_idx %arg12[%add3A_226], %broadcast_in_dim3A_11 {add = true} : memref<6144xf32, #tpu.memory_space<vmem>>[vector<16xi32>], vector<16xf32>,
            %cond3A_227 = arith.constant 0.000000e+00 : f32
            scf.yield %cond3A_227, %broadcast_in_dim3A_13, %broadcast_in_dim3A_13 : f32, vector<16xf32>, vector<16xf32>
          }
          scf.yield %squeeze3A_137, %cond3A_220#0, %cond3A_220#1, %cond3A_220#2 : i32, f32, vector<16xf32>, vector<16xf32>
        }
        %add3A_147 = arith.constant 32 : i32
        %add3A_148 = arith.addi %mul3A_109, %add3A_147 : i32
        %get3A_149 = arith.index_cast %add3A_148 : i32 to index
        %get3A_150 = tpu.vector_load %arg10[%get3A_149] {strides = array<i32>} : memref<7280xi32, #tpu.memory_space<vmem>>, vector<16xi32>,
        %slice3A_151 = vector.extract_strided_slice %get3A_150 {offsets = [15], sizes = [1], strides = [1]} : vector<16xi32> to vector<1xi32>
        %squeeze3A_152 = vector.extract %slice3A_151[0] : i32 from vector<1xi32>
        %get3A_153 = arith.index_cast %add3A_148 : i32 to index
        %get3A_154 = tpu.vector_load %arg6[%get3A_153] {strides = array<i32>} : memref<7280xf32, #tpu.memory_space<vmem>>, vector<16xf32>,
        %get3A_155 = arith.index_cast %add3A_148 : i32 to index
        %get3A_156 = tpu.vector_load %arg8[%get3A_155] {strides = array<i32>} : memref<7280xf32, #tpu.memory_space<vmem>>, vector<16xf32>,
        %eq3A_157 = arith.cmpi eq, %squeeze3A_152, %cond3A_146#0 : i32
        %convert_element_type3A_158 = arith.extui %eq3A_157 : i1 to i32
        %cond3A_159 = arith.constant 0 : i32
        %cond3A_160 = arith.cmpi ne, %convert_element_type3A_158, %cond3A_159 : i32
        %cond3A_161:4 = scf.if %cond3A_160 -> (i32, f32, vector<16xf32>, vector<16xf32>) {
          %add3A_192 = arith.constant 1.600000e+01 : f32
          %add3A_193 = arith.addf %cond3A_146#1, %add3A_192 : f32
          %add3A_194 = arith.addf %cond3A_146#2, %get3A_154 : vector<16xf32>
          %add3A_195 = arith.addf %cond3A_146#3, %get3A_156 : vector<16xf32>
          scf.yield %cond3A_146#0, %add3A_193, %add3A_194, %add3A_195 : i32, f32, vector<16xf32>, vector<16xf32>
        } else {
          %reduce_sum3A_192 = arith.constant true
          %reduce_sum3A_193 = vector.broadcast %reduce_sum3A_192 : i1 to vector<16xi1>
          %reduce_sum3A_194 = tpu.scan <sum>, %cond3A_146#2 masked %reduce_sum3A_193 : vector<16xf32>, vector<16xi1> -> vector<16xf32>
          %reduce_sum3A_195 = vector.extract %reduce_sum3A_194[15] : f32 from vector<16xf32>
          %reduce_sum3A_196 = arith.constant true
          %reduce_sum3A_197 = vector.broadcast %reduce_sum3A_196 : i1 to vector<16xi1>
          %reduce_sum3A_198 = tpu.scan <sum>, %cond3A_146#3 masked %reduce_sum3A_197 : vector<16xf32>, vector<16xi1> -> vector<16xf32>
          %reduce_sum3A_199 = vector.extract %reduce_sum3A_198[15] : f32 from vector<16xf32>
          %eq3A_200 = arith.constant 0 : i32
          %eq3A_201 = vector.broadcast %eq3A_200 : i32 to vector<16xi32>
          %eq3A_202 = arith.cmpi eq, %iota3A, %eq3A_201 : vector<16xi32>
          %eq3A_203 = arith.constant 1 : i32
          %eq3A_204 = vector.broadcast %eq3A_203 : i32 to vector<16xi32>
          %eq3A_205 = arith.cmpi eq, %iota3A, %eq3A_204 : vector<16xi32>
          %broadcast_in_dim3A_206 = vector.broadcast %reduce_sum3A_199 : f32 to vector<16xf32>
          %broadcast_in_dim3A_207 = vector.broadcast %cond3A_146#1 : f32 to vector<16xf32>
          %select_n3A_208 = arith.select %eq3A_205, %broadcast_in_dim3A_206, %broadcast_in_dim3A_207 : vector<16xi1>, vector<16xf32>
          %broadcast_in_dim3A_209 = vector.broadcast %reduce_sum3A_195 : f32 to vector<16xf32>
          %select_n3A_210 = arith.select %eq3A_202, %broadcast_in_dim3A_209, %select_n3A_208 : vector<16xi1>, vector<16xf32>
          %add3A_211 = vector.broadcast %cond3A_146#0 : i32 to vector<16xi32>
          %add3A_212 = arith.addi %add3A_211, %mul3A_18 : vector<16xi32>
          tpu.vector_store_idx %arg12[%add3A_212], %select_n3A_210 masked %lt3A_15 {add = true} : memref<6144xf32, #tpu.memory_space<vmem>>[vector<16xi32>], vector<16xf32>, vector<16xi1>
          %slice3A_213 = vector.extract_strided_slice %get3A_150 {offsets = [0], sizes = [1], strides = [1]} : vector<16xi32> to vector<1xi32>
          %squeeze3A_214 = vector.extract %slice3A_213[0] : i32 from vector<1xi32>
          %eq3A_215 = arith.cmpi eq, %squeeze3A_214, %squeeze3A_152 : i32
          %convert_element_type3A_216 = arith.extui %eq3A_215 : i1 to i32
          %cond3A_217 = arith.constant 0 : i32
          %cond3A_218 = arith.constant 0 : i32
          %cond3A_219 = arith.cmpi ne, %convert_element_type3A_216, %cond3A_218 : i32
          %cond3A_220:3 = scf.if %cond3A_219 -> (f32, vector<16xf32>, vector<16xf32>) {
            %cond3A_221 = arith.constant 1.600000e+01 : f32
            scf.yield %cond3A_221, %get3A_154, %get3A_156 : f32, vector<16xf32>, vector<16xf32>
          } else {
            tpu.vector_store_idx %arg12[%get3A_150], %get3A_154 {add = true} : memref<6144xf32, #tpu.memory_space<vmem>>[vector<16xi32>], vector<16xf32>,
            %add3A_221 = arith.constant 2048 : i32
            %add3A_222 = vector.broadcast %add3A_221 : i32 to vector<16xi32>
            %add3A_223 = arith.addi %get3A_150, %add3A_222 : vector<16xi32>
            tpu.vector_store_idx %arg12[%add3A_223], %get3A_156 {add = true} : memref<6144xf32, #tpu.memory_space<vmem>>[vector<16xi32>], vector<16xf32>,
            %add3A_224 = arith.constant 4096 : i32
            %add3A_225 = vector.broadcast %add3A_224 : i32 to vector<16xi32>
            %add3A_226 = arith.addi %get3A_150, %add3A_225 : vector<16xi32>
            tpu.vector_store_idx %arg12[%add3A_226], %broadcast_in_dim3A_11 {add = true} : memref<6144xf32, #tpu.memory_space<vmem>>[vector<16xi32>], vector<16xf32>,
            %cond3A_227 = arith.constant 0.000000e+00 : f32
            scf.yield %cond3A_227, %broadcast_in_dim3A_13, %broadcast_in_dim3A_13 : f32, vector<16xf32>, vector<16xf32>
          }
          scf.yield %squeeze3A_152, %cond3A_220#0, %cond3A_220#1, %cond3A_220#2 : i32, f32, vector<16xf32>, vector<16xf32>
        }
        %add3A_162 = arith.constant 48 : i32
        %add3A_163 = arith.addi %mul3A_109, %add3A_162 : i32
        %get3A_164 = arith.index_cast %add3A_163 : i32 to index
        %get3A_165 = tpu.vector_load %arg10[%get3A_164] {strides = array<i32>} : memref<7280xi32, #tpu.memory_space<vmem>>, vector<16xi32>,
        %slice3A_166 = vector.extract_strided_slice %get3A_165 {offsets = [15], sizes = [1], strides = [1]} : vector<16xi32> to vector<1xi32>
        %squeeze3A_167 = vector.extract %slice3A_166[0] : i32 from vector<1xi32>
        %get3A_168 = arith.index_cast %add3A_163 : i32 to index
        %get3A_169 = tpu.vector_load %arg6[%get3A_168] {strides = array<i32>} : memref<7280xf32, #tpu.memory_space<vmem>>, vector<16xf32>,
        %get3A_170 = arith.index_cast %add3A_163 : i32 to index
        %get3A_171 = tpu.vector_load %arg8[%get3A_170] {strides = array<i32>} : memref<7280xf32, #tpu.memory_space<vmem>>, vector<16xf32>,
        %eq3A_172 = arith.cmpi eq, %squeeze3A_167, %cond3A_161#0 : i32
        %convert_element_type3A_173 = arith.extui %eq3A_172 : i1 to i32
        %cond3A_174 = arith.constant 0 : i32
        %cond3A_175 = arith.cmpi ne, %convert_element_type3A_173, %cond3A_174 : i32
        %cond3A_176:4 = scf.if %cond3A_175 -> (i32, f32, vector<16xf32>, vector<16xf32>) {
          %add3A_192 = arith.constant 1.600000e+01 : f32
          %add3A_193 = arith.addf %cond3A_161#1, %add3A_192 : f32
          %add3A_194 = arith.addf %cond3A_161#2, %get3A_169 : vector<16xf32>
          %add3A_195 = arith.addf %cond3A_161#3, %get3A_171 : vector<16xf32>
          scf.yield %cond3A_161#0, %add3A_193, %add3A_194, %add3A_195 : i32, f32, vector<16xf32>, vector<16xf32>
        } else {
          %reduce_sum3A_192 = arith.constant true
          %reduce_sum3A_193 = vector.broadcast %reduce_sum3A_192 : i1 to vector<16xi1>
          %reduce_sum3A_194 = tpu.scan <sum>, %cond3A_161#2 masked %reduce_sum3A_193 : vector<16xf32>, vector<16xi1> -> vector<16xf32>
          %reduce_sum3A_195 = vector.extract %reduce_sum3A_194[15] : f32 from vector<16xf32>
          %reduce_sum3A_196 = arith.constant true
          %reduce_sum3A_197 = vector.broadcast %reduce_sum3A_196 : i1 to vector<16xi1>
          %reduce_sum3A_198 = tpu.scan <sum>, %cond3A_161#3 masked %reduce_sum3A_197 : vector<16xf32>, vector<16xi1> -> vector<16xf32>
          %reduce_sum3A_199 = vector.extract %reduce_sum3A_198[15] : f32 from vector<16xf32>
          %eq3A_200 = arith.constant 0 : i32
          %eq3A_201 = vector.broadcast %eq3A_200 : i32 to vector<16xi32>
          %eq3A_202 = arith.cmpi eq, %iota3A, %eq3A_201 : vector<16xi32>
          %eq3A_203 = arith.constant 1 : i32
          %eq3A_204 = vector.broadcast %eq3A_203 : i32 to vector<16xi32>
          %eq3A_205 = arith.cmpi eq, %iota3A, %eq3A_204 : vector<16xi32>
          %broadcast_in_dim3A_206 = vector.broadcast %reduce_sum3A_199 : f32 to vector<16xf32>
          %broadcast_in_dim3A_207 = vector.broadcast %cond3A_161#1 : f32 to vector<16xf32>
          %select_n3A_208 = arith.select %eq3A_205, %broadcast_in_dim3A_206, %broadcast_in_dim3A_207 : vector<16xi1>, vector<16xf32>
          %broadcast_in_dim3A_209 = vector.broadcast %reduce_sum3A_195 : f32 to vector<16xf32>
          %select_n3A_210 = arith.select %eq3A_202, %broadcast_in_dim3A_209, %select_n3A_208 : vector<16xi1>, vector<16xf32>
          %add3A_211 = vector.broadcast %cond3A_161#0 : i32 to vector<16xi32>
          %add3A_212 = arith.addi %add3A_211, %mul3A_18 : vector<16xi32>
          tpu.vector_store_idx %arg12[%add3A_212], %select_n3A_210 masked %lt3A_15 {add = true} : memref<6144xf32, #tpu.memory_space<vmem>>[vector<16xi32>], vector<16xf32>, vector<16xi1>
          %slice3A_213 = vector.extract_strided_slice %get3A_165 {offsets = [0], sizes = [1], strides = [1]} : vector<16xi32> to vector<1xi32>
          %squeeze3A_214 = vector.extract %slice3A_213[0] : i32 from vector<1xi32>
          %eq3A_215 = arith.cmpi eq, %squeeze3A_214, %squeeze3A_167 : i32
          %convert_element_type3A_216 = arith.extui %eq3A_215 : i1 to i32
          %cond3A_217 = arith.constant 0 : i32
          %cond3A_218 = arith.constant 0 : i32
          %cond3A_219 = arith.cmpi ne, %convert_element_type3A_216, %cond3A_218 : i32
          %cond3A_220:3 = scf.if %cond3A_219 -> (f32, vector<16xf32>, vector<16xf32>) {
            %cond3A_221 = arith.constant 1.600000e+01 : f32
            scf.yield %cond3A_221, %get3A_169, %get3A_171 : f32, vector<16xf32>, vector<16xf32>
          } else {
            tpu.vector_store_idx %arg12[%get3A_165], %get3A_169 {add = true} : memref<6144xf32, #tpu.memory_space<vmem>>[vector<16xi32>], vector<16xf32>,
            %add3A_221 = arith.constant 2048 : i32
            %add3A_222 = vector.broadcast %add3A_221 : i32 to vector<16xi32>
            %add3A_223 = arith.addi %get3A_165, %add3A_222 : vector<16xi32>
            tpu.vector_store_idx %arg12[%add3A_223], %get3A_171 {add = true} : memref<6144xf32, #tpu.memory_space<vmem>>[vector<16xi32>], vector<16xf32>,
            %add3A_224 = arith.constant 4096 : i32
            %add3A_225 = vector.broadcast %add3A_224 : i32 to vector<16xi32>
            %add3A_226 = arith.addi %get3A_165, %add3A_225 : vector<16xi32>
            tpu.vector_store_idx %arg12[%add3A_226], %broadcast_in_dim3A_11 {add = true} : memref<6144xf32, #tpu.memory_space<vmem>>[vector<16xi32>], vector<16xf32>,
            %cond3A_227 = arith.constant 0.000000e+00 : f32
            scf.yield %cond3A_227, %broadcast_in_dim3A_13, %broadcast_in_dim3A_13 : f32, vector<16xf32>, vector<16xf32>
          }
          scf.yield %squeeze3A_167, %cond3A_220#0, %cond3A_220#1, %cond3A_220#2 : i32, f32, vector<16xf32>, vector<16xf32>
        }
        %add3A_177 = arith.constant 64 : i32
        %add3A_178 = arith.addi %mul3A_109, %add3A_177 : i32
        %get3A_179 = arith.index_cast %add3A_178 : i32 to index
        %get3A_180 = tpu.vector_load %arg10[%get3A_179] {strides = array<i32>} : memref<7280xi32, #tpu.memory_space<vmem>>, vector<16xi32>,
        %slice3A_181 = vector.extract_strided_slice %get3A_180 {offsets = [15], sizes = [1], strides = [1]} : vector<16xi32> to vector<1xi32>
        %squeeze3A_182 = vector.extract %slice3A_181[0] : i32 from vector<1xi32>
        %get3A_183 = arith.index_cast %add3A_178 : i32 to index
        %get3A_184 = tpu.vector_load %arg6[%get3A_183] {strides = array<i32>} : memref<7280xf32, #tpu.memory_space<vmem>>, vector<16xf32>,
        %get3A_185 = arith.index_cast %add3A_178 : i32 to index
        %get3A_186 = tpu.vector_load %arg8[%get3A_185] {strides = array<i32>} : memref<7280xf32, #tpu.memory_space<vmem>>, vector<16xf32>,
        %eq3A_187 = arith.cmpi eq, %squeeze3A_182, %cond3A_176#0 : i32
        %convert_element_type3A_188 = arith.extui %eq3A_187 : i1 to i32
        %cond3A_189 = arith.constant 0 : i32
        %cond3A_190 = arith.cmpi ne, %convert_element_type3A_188, %cond3A_189 : i32
        %cond3A_191:4 = scf.if %cond3A_190 -> (i32, f32, vector<16xf32>, vector<16xf32>) {
          %add3A_192 = arith.constant 1.600000e+01 : f32
          %add3A_193 = arith.addf %cond3A_176#1, %add3A_192 : f32
          %add3A_194 = arith.addf %cond3A_176#2, %get3A_184 : vector<16xf32>
          %add3A_195 = arith.addf %cond3A_176#3, %get3A_186 : vector<16xf32>
          scf.yield %cond3A_176#0, %add3A_193, %add3A_194, %add3A_195 : i32, f32, vector<16xf32>, vector<16xf32>
        } else {
          %reduce_sum3A_192 = arith.constant true
          %reduce_sum3A_193 = vector.broadcast %reduce_sum3A_192 : i1 to vector<16xi1>
          %reduce_sum3A_194 = tpu.scan <sum>, %cond3A_176#2 masked %reduce_sum3A_193 : vector<16xf32>, vector<16xi1> -> vector<16xf32>
          %reduce_sum3A_195 = vector.extract %reduce_sum3A_194[15] : f32 from vector<16xf32>
          %reduce_sum3A_196 = arith.constant true
          %reduce_sum3A_197 = vector.broadcast %reduce_sum3A_196 : i1 to vector<16xi1>
          %reduce_sum3A_198 = tpu.scan <sum>, %cond3A_176#3 masked %reduce_sum3A_197 : vector<16xf32>, vector<16xi1> -> vector<16xf32>
          %reduce_sum3A_199 = vector.extract %reduce_sum3A_198[15] : f32 from vector<16xf32>
          %eq3A_200 = arith.constant 0 : i32
          %eq3A_201 = vector.broadcast %eq3A_200 : i32 to vector<16xi32>
          %eq3A_202 = arith.cmpi eq, %iota3A, %eq3A_201 : vector<16xi32>
          %eq3A_203 = arith.constant 1 : i32
          %eq3A_204 = vector.broadcast %eq3A_203 : i32 to vector<16xi32>
          %eq3A_205 = arith.cmpi eq, %iota3A, %eq3A_204 : vector<16xi32>
          %broadcast_in_dim3A_206 = vector.broadcast %reduce_sum3A_199 : f32 to vector<16xf32>
          %broadcast_in_dim3A_207 = vector.broadcast %cond3A_176#1 : f32 to vector<16xf32>
          %select_n3A_208 = arith.select %eq3A_205, %broadcast_in_dim3A_206, %broadcast_in_dim3A_207 : vector<16xi1>, vector<16xf32>
          %broadcast_in_dim3A_209 = vector.broadcast %reduce_sum3A_195 : f32 to vector<16xf32>
          %select_n3A_210 = arith.select %eq3A_202, %broadcast_in_dim3A_209, %select_n3A_208 : vector<16xi1>, vector<16xf32>
          %add3A_211 = vector.broadcast %cond3A_176#0 : i32 to vector<16xi32>
          %add3A_212 = arith.addi %add3A_211, %mul3A_18 : vector<16xi32>
          tpu.vector_store_idx %arg12[%add3A_212], %select_n3A_210 masked %lt3A_15 {add = true} : memref<6144xf32, #tpu.memory_space<vmem>>[vector<16xi32>], vector<16xf32>, vector<16xi1>
          %slice3A_213 = vector.extract_strided_slice %get3A_180 {offsets = [0], sizes = [1], strides = [1]} : vector<16xi32> to vector<1xi32>
          %squeeze3A_214 = vector.extract %slice3A_213[0] : i32 from vector<1xi32>
          %eq3A_215 = arith.cmpi eq, %squeeze3A_214, %squeeze3A_182 : i32
          %convert_element_type3A_216 = arith.extui %eq3A_215 : i1 to i32
          %cond3A_217 = arith.constant 0 : i32
          %cond3A_218 = arith.constant 0 : i32
          %cond3A_219 = arith.cmpi ne, %convert_element_type3A_216, %cond3A_218 : i32
          %cond3A_220:3 = scf.if %cond3A_219 -> (f32, vector<16xf32>, vector<16xf32>) {
            %cond3A_221 = arith.constant 1.600000e+01 : f32
            scf.yield %cond3A_221, %get3A_184, %get3A_186 : f32, vector<16xf32>, vector<16xf32>
          } else {
            tpu.vector_store_idx %arg12[%get3A_180], %get3A_184 {add = true} : memref<6144xf32, #tpu.memory_space<vmem>>[vector<16xi32>], vector<16xf32>,
            %add3A_221 = arith.constant 2048 : i32
            %add3A_222 = vector.broadcast %add3A_221 : i32 to vector<16xi32>
            %add3A_223 = arith.addi %get3A_180, %add3A_222 : vector<16xi32>
            tpu.vector_store_idx %arg12[%add3A_223], %get3A_186 {add = true} : memref<6144xf32, #tpu.memory_space<vmem>>[vector<16xi32>], vector<16xf32>,
            %add3A_224 = arith.constant 4096 : i32
            %add3A_225 = vector.broadcast %add3A_224 : i32 to vector<16xi32>
            %add3A_226 = arith.addi %get3A_180, %add3A_225 : vector<16xi32>
            tpu.vector_store_idx %arg12[%add3A_226], %broadcast_in_dim3A_11 {add = true} : memref<6144xf32, #tpu.memory_space<vmem>>[vector<16xi32>], vector<16xf32>,
            %cond3A_227 = arith.constant 0.000000e+00 : f32
            scf.yield %cond3A_227, %broadcast_in_dim3A_13, %broadcast_in_dim3A_13 : f32, vector<16xf32>, vector<16xf32>
          }
          scf.yield %squeeze3A_182, %cond3A_220#0, %cond3A_220#1, %cond3A_220#2 : i32, f32, vector<16xf32>, vector<16xf32>
        }
        scf.yield %cond3A_191#0, %cond3A_191#1, %cond3A_191#2, %cond3A_191#3 : i32, f32, vector<16xf32>, vector<16xf32>
      }
      scf.yield %cond3A_116#0, %cond3A_116#1, %cond3A_116#2, %cond3A_116#3 : i32, f32, vector<16xf32>, vector<16xf32>
    }
    %scan3A_50 = arith.constant 91 : i32
    %dma_wait3A_51 = tpu.memref_slice %arg2[%add3A_34] : memref<698880xf32, #tpu.memory_space<hbm>> -> memref<7280xf32, #tpu.memory_space<hbm>>
    %dma_wait3A_52 = tpu.memref_slice %arg2[%add3A_34] : memref<698880xf32, #tpu.memory_space<hbm>> -> memref<7280xf32, #tpu.memory_space<hbm>>
    tpu.wait_dma2 semaphore(%arg14 : memref<!tpu.dma_semaphore, #tpu.memory_space<semaphore_mem>>) src(%dma_wait3A_52 : memref<7280xf32, #tpu.memory_space<hbm>>) dst(%arg7 : memref<7280xf32, #tpu.memory_space<vmem>>)
    %dma_wait3A_53 = tpu.memref_slice %arg3[%add3A_34] : memref<698880xf32, #tpu.memory_space<hbm>> -> memref<7280xf32, #tpu.memory_space<hbm>>
    %dma_wait3A_54 = tpu.memref_slice %arg3[%add3A_34] : memref<698880xf32, #tpu.memory_space<hbm>> -> memref<7280xf32, #tpu.memory_space<hbm>>
    tpu.wait_dma2 semaphore(%arg14 : memref<!tpu.dma_semaphore, #tpu.memory_space<semaphore_mem>>) src(%dma_wait3A_54 : memref<7280xf32, #tpu.memory_space<hbm>>) dst(%arg9 : memref<7280xf32, #tpu.memory_space<vmem>>)
    %dma_wait3A_55 = tpu.memref_slice %arg4[%add3A_40] : memref<1600000xi32, #tpu.memory_space<hbm>> -> memref<7280xi32, #tpu.memory_space<hbm>>
    %dma_wait3A_56 = tpu.memref_slice %arg4[%add3A_40] : memref<1600000xi32, #tpu.memory_space<hbm>> -> memref<7280xi32, #tpu.memory_space<hbm>>
    tpu.wait_dma2 semaphore(%arg14 : memref<!tpu.dma_semaphore, #tpu.memory_space<semaphore_mem>>) src(%dma_wait3A_56 : memref<7280xi32, #tpu.memory_space<hbm>>) dst(%arg11 : memref<7280xi32, #tpu.memory_space<vmem>>)
    %add3A_57 = arith.constant 14560 : i32
    %add3A_58 = arith.addi %mul3A_2, %add3A_57 : i32
    %dma_start3A_59 = tpu.memref_slice %arg2[%add3A_58] : memref<698880xf32, #tpu.memory_space<hbm>> -> memref<7280xf32, #tpu.memory_space<hbm>>
    %dma_start3A_60 = tpu.memref_slice %arg2[%add3A_58] : memref<698880xf32, #tpu.memory_space<hbm>> -> memref<7280xf32, #tpu.memory_space<hbm>>
    tpu.enqueue_dma source(%dma_start3A_60 : memref<7280xf32, #tpu.memory_space<hbm>>) target(%arg6 : memref<7280xf32, #tpu.memory_space<vmem>>) target_semaphore(%arg13 : memref<!tpu.dma_semaphore, #tpu.memory_space<semaphore_mem>>)
    %dma_start3A_61 = tpu.memref_slice %arg3[%add3A_58] : memref<698880xf32, #tpu.memory_space<hbm>> -> memref<7280xf32, #tpu.memory_space<hbm>>
    %dma_start3A_62 = tpu.memref_slice %arg3[%add3A_58] : memref<698880xf32, #tpu.memory_space<hbm>> -> memref<7280xf32, #tpu.memory_space<hbm>>
    tpu.enqueue_dma source(%dma_start3A_62 : memref<7280xf32, #tpu.memory_space<hbm>>) target(%arg8 : memref<7280xf32, #tpu.memory_space<vmem>>) target_semaphore(%arg13 : memref<!tpu.dma_semaphore, #tpu.memory_space<semaphore_mem>>)
    %add3A_63 = arith.constant 199680 : i32
    %add3A_64 = arith.addi %add3A_63, %add3A_58 : i32
    %dma_start3A_65 = tpu.memref_slice %arg4[%add3A_64] : memref<1600000xi32, #tpu.memory_space<hbm>> -> memref<7280xi32, #tpu.memory_space<hbm>>
    %dma_start3A_66 = tpu.memref_slice %arg4[%add3A_64] : memref<1600000xi32, #tpu.memory_space<hbm>> -> memref<7280xi32, #tpu.memory_space<hbm>>
    tpu.enqueue_dma source(%dma_start3A_66 : memref<7280xi32, #tpu.memory_space<hbm>>) target(%arg10 : memref<7280xi32, #tpu.memory_space<vmem>>) target_semaphore(%arg13 : memref<!tpu.dma_semaphore, #tpu.memory_space<semaphore_mem>>)
    %scan3A_67 = arith.constant 0 : i32
    %scan3A_68 = arith.constant 91 : i32
    %scan3A_69 = arith.addi %scan3A_67, %scan3A_68 : i32
    %scan3A_70 = arith.constant 1 : i32
    %scan3A_71:4 = scf.for %scan3A_103 = %scan3A_67 to %scan3A_69 step %scan3A_70 iter_args(%scan3A_104 = %scan3A_49#0, %scan3A_105 = %scan3A_49#1, %scan3A_106 = %scan3A_49#2, %scan3A_107 = %scan3A_49#3) -> (i32, f32, vector<16xf32>, vector<16xf32>)  : i32 {
      %mul3A_108 = arith.constant 80 : i32
      %mul3A_109 = arith.muli %scan3A_103, %mul3A_108 : i32
      %add3A_110 = arith.constant 80 : i32
      %add3A_111 = arith.addi %mul3A_109, %add3A_110 : i32
      %sub3A = arith.constant 16 : i32
      %sub3A_112 = arith.subi %add3A_111, %sub3A : i32
      %get3A = arith.index_cast %sub3A_112 : i32 to index
      %get3A_113 = tpu.vector_load %arg11[%get3A] {strides = array<i32>} : memref<7280xi32, #tpu.memory_space<vmem>>, vector<16xi32>,
      %slice3A = vector.extract_strided_slice %get3A_113 {offsets = [15], sizes = [1], strides = [1]} : vector<16xi32> to vector<1xi32>
      %squeeze3A = vector.extract %slice3A[0] : i32 from vector<1xi32>
      %eq3A_114 = arith.cmpi eq, %squeeze3A, %scan3A_104 : i32
      %convert_element_type3A = arith.extui %eq3A_114 : i1 to i32
      %cond3A = arith.constant 0 : i32
      %cond3A_115 = arith.cmpi ne, %convert_element_type3A, %cond3A : i32
      %cond3A_116:4 = scf.if %cond3A_115 -> (i32, f32, vector<16xf32>, vector<16xf32>) {
        %add3A_117 = arith.constant 0 : i32
        %add3A_118 = arith.addi %mul3A_109, %add3A_117 : i32
        %get3A_119 = arith.index_cast %add3A_118 : i32 to index
        %get3A_120 = tpu.vector_load %arg7[%get3A_119] {strides = array<i32>} : memref<7280xf32, #tpu.memory_space<vmem>>, vector<16xf32>,
        %add3A_121 = arith.constant 16 : i32
        %add3A_122 = arith.addi %mul3A_109, %add3A_121 : i32
        %get3A_123 = arith.index_cast %add3A_122 : i32 to index
        %get3A_124 = tpu.vector_load %arg7[%get3A_123] {strides = array<i32>} : memref<7280xf32, #tpu.memory_space<vmem>>, vector<16xf32>,
        %add3A_125 = arith.constant 32 : i32
        %add3A_126 = arith.addi %mul3A_109, %add3A_125 : i32
        %get3A_127 = arith.index_cast %add3A_126 : i32 to index
        %get3A_128 = tpu.vector_load %arg7[%get3A_127] {strides = array<i32>} : memref<7280xf32, #tpu.memory_space<vmem>>, vector<16xf32>,
        %add3A_129 = arith.constant 48 : i32
        %add3A_130 = arith.addi %mul3A_109, %add3A_129 : i32
        %get3A_131 = arith.index_cast %add3A_130 : i32 to index
        %get3A_132 = tpu.vector_load %arg7[%get3A_131] {strides = array<i32>} : memref<7280xf32, #tpu.memory_space<vmem>>, vector<16xf32>,
        %add3A_133 = arith.constant 64 : i32
        %add3A_134 = arith.addi %mul3A_109, %add3A_133 : i32
        %get3A_135 = arith.index_cast %add3A_134 : i32 to index
        %get3A_136 = tpu.vector_load %arg7[%get3A_135] {strides = array<i32>} : memref<7280xf32, #tpu.memory_space<vmem>>, vector<16xf32>,
        %add3A_137 = arith.constant 0 : i32
        %add3A_138 = arith.addi %mul3A_109, %add3A_137 : i32
        %get3A_139 = arith.index_cast %add3A_138 : i32 to index
        %get3A_140 = tpu.vector_load %arg9[%get3A_139] {strides = array<i32>} : memref<7280xf32, #tpu.memory_space<vmem>>, vector<16xf32>,
        %add3A_141 = arith.constant 16 : i32
        %add3A_142 = arith.addi %mul3A_109, %add3A_141 : i32
        %get3A_143 = arith.index_cast %add3A_142 : i32 to index
        %get3A_144 = tpu.vector_load %arg9[%get3A_143] {strides = array<i32>} : memref<7280xf32, #tpu.memory_space<vmem>>, vector<16xf32>,
        %add3A_145 = arith.constant 32 : i32
        %add3A_146 = arith.addi %mul3A_109, %add3A_145 : i32
        %get3A_147 = arith.index_cast %add3A_146 : i32 to index
        %get3A_148 = tpu.vector_load %arg9[%get3A_147] {strides = array<i32>} : memref<7280xf32, #tpu.memory_space<vmem>>, vector<16xf32>,
        %add3A_149 = arith.constant 48 : i32
        %add3A_150 = arith.addi %mul3A_109, %add3A_149 : i32
        %get3A_151 = arith.index_cast %add3A_150 : i32 to index
        %get3A_152 = tpu.vector_load %arg9[%get3A_151] {strides = array<i32>} : memref<7280xf32, #tpu.memory_space<vmem>>, vector<16xf32>,
        %add3A_153 = arith.constant 64 : i32
        %add3A_154 = arith.addi %mul3A_109, %add3A_153 : i32
        %get3A_155 = arith.index_cast %add3A_154 : i32 to index
        %get3A_156 = tpu.vector_load %arg9[%get3A_155] {strides = array<i32>} : memref<7280xf32, #tpu.memory_space<vmem>>, vector<16xf32>,
        %add3A_157 = arith.addf %get3A_120, %get3A_124 : vector<16xf32>
        %add3A_158 = arith.addf %get3A_128, %get3A_132 : vector<16xf32>
        %add3A_159 = arith.addf %add3A_157, %add3A_158 : vector<16xf32>
        %add3A_160 = arith.addf %add3A_159, %get3A_136 : vector<16xf32>
        %add3A_161 = arith.addf %get3A_140, %get3A_144 : vector<16xf32>
        %add3A_162 = arith.addf %get3A_148, %get3A_152 : vector<16xf32>
        %add3A_163 = arith.addf %add3A_161, %add3A_162 : vector<16xf32>
        %add3A_164 = arith.addf %add3A_163, %get3A_156 : vector<16xf32>
        %add3A_165 = arith.constant 8.000000e+01 : f32
        %add3A_166 = arith.addf %scan3A_105, %add3A_165 : f32
        %add3A_167 = arith.addf %scan3A_106, %add3A_160 : vector<16xf32>
        %add3A_168 = arith.addf %scan3A_107, %add3A_164 : vector<16xf32>
        scf.yield %scan3A_104, %add3A_166, %add3A_167, %add3A_168 : i32, f32, vector<16xf32>, vector<16xf32>
      } else {
        %add3A_117 = arith.constant 0 : i32
        %add3A_118 = arith.addi %mul3A_109, %add3A_117 : i32
        %get3A_119 = arith.index_cast %add3A_118 : i32 to index
        %get3A_120 = tpu.vector_load %arg11[%get3A_119] {strides = array<i32>} : memref<7280xi32, #tpu.memory_space<vmem>>, vector<16xi32>,
        %slice3A_121 = vector.extract_strided_slice %get3A_120 {offsets = [15], sizes = [1], strides = [1]} : vector<16xi32> to vector<1xi32>
        %squeeze3A_122 = vector.extract %slice3A_121[0] : i32 from vector<1xi32>
        %get3A_123 = arith.index_cast %add3A_118 : i32 to index
        %get3A_124 = tpu.vector_load %arg7[%get3A_123] {strides = array<i32>} : memref<7280xf32, #tpu.memory_space<vmem>>, vector<16xf32>,
        %get3A_125 = arith.index_cast %add3A_118 : i32 to index
        %get3A_126 = tpu.vector_load %arg9[%get3A_125] {strides = array<i32>} : memref<7280xf32, #tpu.memory_space<vmem>>, vector<16xf32>,
        %eq3A_127 = arith.cmpi eq, %squeeze3A_122, %scan3A_104 : i32
        %convert_element_type3A_128 = arith.extui %eq3A_127 : i1 to i32
        %cond3A_129 = arith.constant 0 : i32
        %cond3A_130 = arith.cmpi ne, %convert_element_type3A_128, %cond3A_129 : i32
        %cond3A_131:4 = scf.if %cond3A_130 -> (i32, f32, vector<16xf32>, vector<16xf32>) {
          %add3A_192 = arith.constant 1.600000e+01 : f32
          %add3A_193 = arith.addf %scan3A_105, %add3A_192 : f32
          %add3A_194 = arith.addf %scan3A_106, %get3A_124 : vector<16xf32>
          %add3A_195 = arith.addf %scan3A_107, %get3A_126 : vector<16xf32>
          scf.yield %scan3A_104, %add3A_193, %add3A_194, %add3A_195 : i32, f32, vector<16xf32>, vector<16xf32>
        } else {
          %reduce_sum3A_192 = arith.constant true
          %reduce_sum3A_193 = vector.broadcast %reduce_sum3A_192 : i1 to vector<16xi1>
          %reduce_sum3A_194 = tpu.scan <sum>, %scan3A_106 masked %reduce_sum3A_193 : vector<16xf32>, vector<16xi1> -> vector<16xf32>
          %reduce_sum3A_195 = vector.extract %reduce_sum3A_194[15] : f32 from vector<16xf32>
          %reduce_sum3A_196 = arith.constant true
          %reduce_sum3A_197 = vector.broadcast %reduce_sum3A_196 : i1 to vector<16xi1>
          %reduce_sum3A_198 = tpu.scan <sum>, %scan3A_107 masked %reduce_sum3A_197 : vector<16xf32>, vector<16xi1> -> vector<16xf32>
          %reduce_sum3A_199 = vector.extract %reduce_sum3A_198[15] : f32 from vector<16xf32>
          %eq3A_200 = arith.constant 0 : i32
          %eq3A_201 = vector.broadcast %eq3A_200 : i32 to vector<16xi32>
          %eq3A_202 = arith.cmpi eq, %iota3A, %eq3A_201 : vector<16xi32>
          %eq3A_203 = arith.constant 1 : i32
          %eq3A_204 = vector.broadcast %eq3A_203 : i32 to vector<16xi32>
          %eq3A_205 = arith.cmpi eq, %iota3A, %eq3A_204 : vector<16xi32>
          %broadcast_in_dim3A_206 = vector.broadcast %reduce_sum3A_199 : f32 to vector<16xf32>
          %broadcast_in_dim3A_207 = vector.broadcast %scan3A_105 : f32 to vector<16xf32>
          %select_n3A_208 = arith.select %eq3A_205, %broadcast_in_dim3A_206, %broadcast_in_dim3A_207 : vector<16xi1>, vector<16xf32>
          %broadcast_in_dim3A_209 = vector.broadcast %reduce_sum3A_195 : f32 to vector<16xf32>
          %select_n3A_210 = arith.select %eq3A_202, %broadcast_in_dim3A_209, %select_n3A_208 : vector<16xi1>, vector<16xf32>
          %add3A_211 = vector.broadcast %scan3A_104 : i32 to vector<16xi32>
          %add3A_212 = arith.addi %add3A_211, %mul3A_18 : vector<16xi32>
          tpu.vector_store_idx %arg12[%add3A_212], %select_n3A_210 masked %lt3A_15 {add = true} : memref<6144xf32, #tpu.memory_space<vmem>>[vector<16xi32>], vector<16xf32>, vector<16xi1>
          %slice3A_213 = vector.extract_strided_slice %get3A_120 {offsets = [0], sizes = [1], strides = [1]} : vector<16xi32> to vector<1xi32>
          %squeeze3A_214 = vector.extract %slice3A_213[0] : i32 from vector<1xi32>
          %eq3A_215 = arith.cmpi eq, %squeeze3A_214, %squeeze3A_122 : i32
          %convert_element_type3A_216 = arith.extui %eq3A_215 : i1 to i32
          %cond3A_217 = arith.constant 0 : i32
          %cond3A_218 = arith.constant 0 : i32
          %cond3A_219 = arith.cmpi ne, %convert_element_type3A_216, %cond3A_218 : i32
          %cond3A_220:3 = scf.if %cond3A_219 -> (f32, vector<16xf32>, vector<16xf32>) {
            %cond3A_221 = arith.constant 1.600000e+01 : f32
            scf.yield %cond3A_221, %get3A_124, %get3A_126 : f32, vector<16xf32>, vector<16xf32>
          } else {
            tpu.vector_store_idx %arg12[%get3A_120], %get3A_124 {add = true} : memref<6144xf32, #tpu.memory_space<vmem>>[vector<16xi32>], vector<16xf32>,
            %add3A_221 = arith.constant 2048 : i32
            %add3A_222 = vector.broadcast %add3A_221 : i32 to vector<16xi32>
            %add3A_223 = arith.addi %get3A_120, %add3A_222 : vector<16xi32>
            tpu.vector_store_idx %arg12[%add3A_223], %get3A_126 {add = true} : memref<6144xf32, #tpu.memory_space<vmem>>[vector<16xi32>], vector<16xf32>,
            %add3A_224 = arith.constant 4096 : i32
            %add3A_225 = vector.broadcast %add3A_224 : i32 to vector<16xi32>
            %add3A_226 = arith.addi %get3A_120, %add3A_225 : vector<16xi32>
            tpu.vector_store_idx %arg12[%add3A_226], %broadcast_in_dim3A_11 {add = true} : memref<6144xf32, #tpu.memory_space<vmem>>[vector<16xi32>], vector<16xf32>,
            %cond3A_227 = arith.constant 0.000000e+00 : f32
            scf.yield %cond3A_227, %broadcast_in_dim3A_13, %broadcast_in_dim3A_13 : f32, vector<16xf32>, vector<16xf32>
          }
          scf.yield %squeeze3A_122, %cond3A_220#0, %cond3A_220#1, %cond3A_220#2 : i32, f32, vector<16xf32>, vector<16xf32>
        }
        %add3A_132 = arith.constant 16 : i32
        %add3A_133 = arith.addi %mul3A_109, %add3A_132 : i32
        %get3A_134 = arith.index_cast %add3A_133 : i32 to index
        %get3A_135 = tpu.vector_load %arg11[%get3A_134] {strides = array<i32>} : memref<7280xi32, #tpu.memory_space<vmem>>, vector<16xi32>,
        %slice3A_136 = vector.extract_strided_slice %get3A_135 {offsets = [15], sizes = [1], strides = [1]} : vector<16xi32> to vector<1xi32>
        %squeeze3A_137 = vector.extract %slice3A_136[0] : i32 from vector<1xi32>
        %get3A_138 = arith.index_cast %add3A_133 : i32 to index
        %get3A_139 = tpu.vector_load %arg7[%get3A_138] {strides = array<i32>} : memref<7280xf32, #tpu.memory_space<vmem>>, vector<16xf32>,
        %get3A_140 = arith.index_cast %add3A_133 : i32 to index
        %get3A_141 = tpu.vector_load %arg9[%get3A_140] {strides = array<i32>} : memref<7280xf32, #tpu.memory_space<vmem>>, vector<16xf32>,
        %eq3A_142 = arith.cmpi eq, %squeeze3A_137, %cond3A_131#0 : i32
        %convert_element_type3A_143 = arith.extui %eq3A_142 : i1 to i32
        %cond3A_144 = arith.constant 0 : i32
        %cond3A_145 = arith.cmpi ne, %convert_element_type3A_143, %cond3A_144 : i32
        %cond3A_146:4 = scf.if %cond3A_145 -> (i32, f32, vector<16xf32>, vector<16xf32>) {
          %add3A_192 = arith.constant 1.600000e+01 : f32
          %add3A_193 = arith.addf %cond3A_131#1, %add3A_192 : f32
          %add3A_194 = arith.addf %cond3A_131#2, %get3A_139 : vector<16xf32>
          %add3A_195 = arith.addf %cond3A_131#3, %get3A_141 : vector<16xf32>
          scf.yield %cond3A_131#0, %add3A_193, %add3A_194, %add3A_195 : i32, f32, vector<16xf32>, vector<16xf32>
        } else {
          %reduce_sum3A_192 = arith.constant true
          %reduce_sum3A_193 = vector.broadcast %reduce_sum3A_192 : i1 to vector<16xi1>
          %reduce_sum3A_194 = tpu.scan <sum>, %cond3A_131#2 masked %reduce_sum3A_193 : vector<16xf32>, vector<16xi1> -> vector<16xf32>
          %reduce_sum3A_195 = vector.extract %reduce_sum3A_194[15] : f32 from vector<16xf32>
          %reduce_sum3A_196 = arith.constant true
          %reduce_sum3A_197 = vector.broadcast %reduce_sum3A_196 : i1 to vector<16xi1>
          %reduce_sum3A_198 = tpu.scan <sum>, %cond3A_131#3 masked %reduce_sum3A_197 : vector<16xf32>, vector<16xi1> -> vector<16xf32>
          %reduce_sum3A_199 = vector.extract %reduce_sum3A_198[15] : f32 from vector<16xf32>
          %eq3A_200 = arith.constant 0 : i32
          %eq3A_201 = vector.broadcast %eq3A_200 : i32 to vector<16xi32>
          %eq3A_202 = arith.cmpi eq, %iota3A, %eq3A_201 : vector<16xi32>
          %eq3A_203 = arith.constant 1 : i32
          %eq3A_204 = vector.broadcast %eq3A_203 : i32 to vector<16xi32>
          %eq3A_205 = arith.cmpi eq, %iota3A, %eq3A_204 : vector<16xi32>
          %broadcast_in_dim3A_206 = vector.broadcast %reduce_sum3A_199 : f32 to vector<16xf32>
          %broadcast_in_dim3A_207 = vector.broadcast %cond3A_131#1 : f32 to vector<16xf32>
          %select_n3A_208 = arith.select %eq3A_205, %broadcast_in_dim3A_206, %broadcast_in_dim3A_207 : vector<16xi1>, vector<16xf32>
          %broadcast_in_dim3A_209 = vector.broadcast %reduce_sum3A_195 : f32 to vector<16xf32>
          %select_n3A_210 = arith.select %eq3A_202, %broadcast_in_dim3A_209, %select_n3A_208 : vector<16xi1>, vector<16xf32>
          %add3A_211 = vector.broadcast %cond3A_131#0 : i32 to vector<16xi32>
          %add3A_212 = arith.addi %add3A_211, %mul3A_18 : vector<16xi32>
          tpu.vector_store_idx %arg12[%add3A_212], %select_n3A_210 masked %lt3A_15 {add = true} : memref<6144xf32, #tpu.memory_space<vmem>>[vector<16xi32>], vector<16xf32>, vector<16xi1>
          %slice3A_213 = vector.extract_strided_slice %get3A_135 {offsets = [0], sizes = [1], strides = [1]} : vector<16xi32> to vector<1xi32>
          %squeeze3A_214 = vector.extract %slice3A_213[0] : i32 from vector<1xi32>
          %eq3A_215 = arith.cmpi eq, %squeeze3A_214, %squeeze3A_137 : i32
          %convert_element_type3A_216 = arith.extui %eq3A_215 : i1 to i32
          %cond3A_217 = arith.constant 0 : i32
          %cond3A_218 = arith.constant 0 : i32
          %cond3A_219 = arith.cmpi ne, %convert_element_type3A_216, %cond3A_218 : i32
          %cond3A_220:3 = scf.if %cond3A_219 -> (f32, vector<16xf32>, vector<16xf32>) {
            %cond3A_221 = arith.constant 1.600000e+01 : f32
            scf.yield %cond3A_221, %get3A_139, %get3A_141 : f32, vector<16xf32>, vector<16xf32>
          } else {
            tpu.vector_store_idx %arg12[%get3A_135], %get3A_139 {add = true} : memref<6144xf32, #tpu.memory_space<vmem>>[vector<16xi32>], vector<16xf32>,
            %add3A_221 = arith.constant 2048 : i32
            %add3A_222 = vector.broadcast %add3A_221 : i32 to vector<16xi32>
            %add3A_223 = arith.addi %get3A_135, %add3A_222 : vector<16xi32>
            tpu.vector_store_idx %arg12[%add3A_223], %get3A_141 {add = true} : memref<6144xf32, #tpu.memory_space<vmem>>[vector<16xi32>], vector<16xf32>,
            %add3A_224 = arith.constant 4096 : i32
            %add3A_225 = vector.broadcast %add3A_224 : i32 to vector<16xi32>
            %add3A_226 = arith.addi %get3A_135, %add3A_225 : vector<16xi32>
            tpu.vector_store_idx %arg12[%add3A_226], %broadcast_in_dim3A_11 {add = true} : memref<6144xf32, #tpu.memory_space<vmem>>[vector<16xi32>], vector<16xf32>,
            %cond3A_227 = arith.constant 0.000000e+00 : f32
            scf.yield %cond3A_227, %broadcast_in_dim3A_13, %broadcast_in_dim3A_13 : f32, vector<16xf32>, vector<16xf32>
          }
          scf.yield %squeeze3A_137, %cond3A_220#0, %cond3A_220#1, %cond3A_220#2 : i32, f32, vector<16xf32>, vector<16xf32>
        }
        %add3A_147 = arith.constant 32 : i32
        %add3A_148 = arith.addi %mul3A_109, %add3A_147 : i32
        %get3A_149 = arith.index_cast %add3A_148 : i32 to index
        %get3A_150 = tpu.vector_load %arg11[%get3A_149] {strides = array<i32>} : memref<7280xi32, #tpu.memory_space<vmem>>, vector<16xi32>,
        %slice3A_151 = vector.extract_strided_slice %get3A_150 {offsets = [15], sizes = [1], strides = [1]} : vector<16xi32> to vector<1xi32>
        %squeeze3A_152 = vector.extract %slice3A_151[0] : i32 from vector<1xi32>
        %get3A_153 = arith.index_cast %add3A_148 : i32 to index
        %get3A_154 = tpu.vector_load %arg7[%get3A_153] {strides = array<i32>} : memref<7280xf32, #tpu.memory_space<vmem>>, vector<16xf32>,
        %get3A_155 = arith.index_cast %add3A_148 : i32 to index
        %get3A_156 = tpu.vector_load %arg9[%get3A_155] {strides = array<i32>} : memref<7280xf32, #tpu.memory_space<vmem>>, vector<16xf32>,
        %eq3A_157 = arith.cmpi eq, %squeeze3A_152, %cond3A_146#0 : i32
        %convert_element_type3A_158 = arith.extui %eq3A_157 : i1 to i32
        %cond3A_159 = arith.constant 0 : i32
        %cond3A_160 = arith.cmpi ne, %convert_element_type3A_158, %cond3A_159 : i32
        %cond3A_161:4 = scf.if %cond3A_160 -> (i32, f32, vector<16xf32>, vector<16xf32>) {
          %add3A_192 = arith.constant 1.600000e+01 : f32
          %add3A_193 = arith.addf %cond3A_146#1, %add3A_192 : f32
          %add3A_194 = arith.addf %cond3A_146#2, %get3A_154 : vector<16xf32>
          %add3A_195 = arith.addf %cond3A_146#3, %get3A_156 : vector<16xf32>
          scf.yield %cond3A_146#0, %add3A_193, %add3A_194, %add3A_195 : i32, f32, vector<16xf32>, vector<16xf32>
        } else {
          %reduce_sum3A_192 = arith.constant true
          %reduce_sum3A_193 = vector.broadcast %reduce_sum3A_192 : i1 to vector<16xi1>
          %reduce_sum3A_194 = tpu.scan <sum>, %cond3A_146#2 masked %reduce_sum3A_193 : vector<16xf32>, vector<16xi1> -> vector<16xf32>
          %reduce_sum3A_195 = vector.extract %reduce_sum3A_194[15] : f32 from vector<16xf32>
          %reduce_sum3A_196 = arith.constant true
          %reduce_sum3A_197 = vector.broadcast %reduce_sum3A_196 : i1 to vector<16xi1>
          %reduce_sum3A_198 = tpu.scan <sum>, %cond3A_146#3 masked %reduce_sum3A_197 : vector<16xf32>, vector<16xi1> -> vector<16xf32>
          %reduce_sum3A_199 = vector.extract %reduce_sum3A_198[15] : f32 from vector<16xf32>
          %eq3A_200 = arith.constant 0 : i32
          %eq3A_201 = vector.broadcast %eq3A_200 : i32 to vector<16xi32>
          %eq3A_202 = arith.cmpi eq, %iota3A, %eq3A_201 : vector<16xi32>
          %eq3A_203 = arith.constant 1 : i32
          %eq3A_204 = vector.broadcast %eq3A_203 : i32 to vector<16xi32>
          %eq3A_205 = arith.cmpi eq, %iota3A, %eq3A_204 : vector<16xi32>
          %broadcast_in_dim3A_206 = vector.broadcast %reduce_sum3A_199 : f32 to vector<16xf32>
          %broadcast_in_dim3A_207 = vector.broadcast %cond3A_146#1 : f32 to vector<16xf32>
          %select_n3A_208 = arith.select %eq3A_205, %broadcast_in_dim3A_206, %broadcast_in_dim3A_207 : vector<16xi1>, vector<16xf32>
          %broadcast_in_dim3A_209 = vector.broadcast %reduce_sum3A_195 : f32 to vector<16xf32>
          %select_n3A_210 = arith.select %eq3A_202, %broadcast_in_dim3A_209, %select_n3A_208 : vector<16xi1>, vector<16xf32>
          %add3A_211 = vector.broadcast %cond3A_146#0 : i32 to vector<16xi32>
          %add3A_212 = arith.addi %add3A_211, %mul3A_18 : vector<16xi32>
          tpu.vector_store_idx %arg12[%add3A_212], %select_n3A_210 masked %lt3A_15 {add = true} : memref<6144xf32, #tpu.memory_space<vmem>>[vector<16xi32>], vector<16xf32>, vector<16xi1>
          %slice3A_213 = vector.extract_strided_slice %get3A_150 {offsets = [0], sizes = [1], strides = [1]} : vector<16xi32> to vector<1xi32>
          %squeeze3A_214 = vector.extract %slice3A_213[0] : i32 from vector<1xi32>
          %eq3A_215 = arith.cmpi eq, %squeeze3A_214, %squeeze3A_152 : i32
          %convert_element_type3A_216 = arith.extui %eq3A_215 : i1 to i32
          %cond3A_217 = arith.constant 0 : i32
          %cond3A_218 = arith.constant 0 : i32
          %cond3A_219 = arith.cmpi ne, %convert_element_type3A_216, %cond3A_218 : i32
          %cond3A_220:3 = scf.if %cond3A_219 -> (f32, vector<16xf32>, vector<16xf32>) {
            %cond3A_221 = arith.constant 1.600000e+01 : f32
            scf.yield %cond3A_221, %get3A_154, %get3A_156 : f32, vector<16xf32>, vector<16xf32>
          } else {
            tpu.vector_store_idx %arg12[%get3A_150], %get3A_154 {add = true} : memref<6144xf32, #tpu.memory_space<vmem>>[vector<16xi32>], vector<16xf32>,
            %add3A_221 = arith.constant 2048 : i32
            %add3A_222 = vector.broadcast %add3A_221 : i32 to vector<16xi32>
            %add3A_223 = arith.addi %get3A_150, %add3A_222 : vector<16xi32>
            tpu.vector_store_idx %arg12[%add3A_223], %get3A_156 {add = true} : memref<6144xf32, #tpu.memory_space<vmem>>[vector<16xi32>], vector<16xf32>,
            %add3A_224 = arith.constant 4096 : i32
            %add3A_225 = vector.broadcast %add3A_224 : i32 to vector<16xi32>
            %add3A_226 = arith.addi %get3A_150, %add3A_225 : vector<16xi32>
            tpu.vector_store_idx %arg12[%add3A_226], %broadcast_in_dim3A_11 {add = true} : memref<6144xf32, #tpu.memory_space<vmem>>[vector<16xi32>], vector<16xf32>,
            %cond3A_227 = arith.constant 0.000000e+00 : f32
            scf.yield %cond3A_227, %broadcast_in_dim3A_13, %broadcast_in_dim3A_13 : f32, vector<16xf32>, vector<16xf32>
          }
          scf.yield %squeeze3A_152, %cond3A_220#0, %cond3A_220#1, %cond3A_220#2 : i32, f32, vector<16xf32>, vector<16xf32>
        }
        %add3A_162 = arith.constant 48 : i32
        %add3A_163 = arith.addi %mul3A_109, %add3A_162 : i32
        %get3A_164 = arith.index_cast %add3A_163 : i32 to index
        %get3A_165 = tpu.vector_load %arg11[%get3A_164] {strides = array<i32>} : memref<7280xi32, #tpu.memory_space<vmem>>, vector<16xi32>,
        %slice3A_166 = vector.extract_strided_slice %get3A_165 {offsets = [15], sizes = [1], strides = [1]} : vector<16xi32> to vector<1xi32>
        %squeeze3A_167 = vector.extract %slice3A_166[0] : i32 from vector<1xi32>
        %get3A_168 = arith.index_cast %add3A_163 : i32 to index
        %get3A_169 = tpu.vector_load %arg7[%get3A_168] {strides = array<i32>} : memref<7280xf32, #tpu.memory_space<vmem>>, vector<16xf32>,
        %get3A_170 = arith.index_cast %add3A_163 : i32 to index
        %get3A_171 = tpu.vector_load %arg9[%get3A_170] {strides = array<i32>} : memref<7280xf32, #tpu.memory_space<vmem>>, vector<16xf32>,
        %eq3A_172 = arith.cmpi eq, %squeeze3A_167, %cond3A_161#0 : i32
        %convert_element_type3A_173 = arith.extui %eq3A_172 : i1 to i32
        %cond3A_174 = arith.constant 0 : i32
        %cond3A_175 = arith.cmpi ne, %convert_element_type3A_173, %cond3A_174 : i32
        %cond3A_176:4 = scf.if %cond3A_175 -> (i32, f32, vector<16xf32>, vector<16xf32>) {
          %add3A_192 = arith.constant 1.600000e+01 : f32
          %add3A_193 = arith.addf %cond3A_161#1, %add3A_192 : f32
          %add3A_194 = arith.addf %cond3A_161#2, %get3A_169 : vector<16xf32>
          %add3A_195 = arith.addf %cond3A_161#3, %get3A_171 : vector<16xf32>
          scf.yield %cond3A_161#0, %add3A_193, %add3A_194, %add3A_195 : i32, f32, vector<16xf32>, vector<16xf32>
        } else {
          %reduce_sum3A_192 = arith.constant true
          %reduce_sum3A_193 = vector.broadcast %reduce_sum3A_192 : i1 to vector<16xi1>
          %reduce_sum3A_194 = tpu.scan <sum>, %cond3A_161#2 masked %reduce_sum3A_193 : vector<16xf32>, vector<16xi1> -> vector<16xf32>
          %reduce_sum3A_195 = vector.extract %reduce_sum3A_194[15] : f32 from vector<16xf32>
          %reduce_sum3A_196 = arith.constant true
          %reduce_sum3A_197 = vector.broadcast %reduce_sum3A_196 : i1 to vector<16xi1>
          %reduce_sum3A_198 = tpu.scan <sum>, %cond3A_161#3 masked %reduce_sum3A_197 : vector<16xf32>, vector<16xi1> -> vector<16xf32>
          %reduce_sum3A_199 = vector.extract %reduce_sum3A_198[15] : f32 from vector<16xf32>
          %eq3A_200 = arith.constant 0 : i32
          %eq3A_201 = vector.broadcast %eq3A_200 : i32 to vector<16xi32>
          %eq3A_202 = arith.cmpi eq, %iota3A, %eq3A_201 : vector<16xi32>
          %eq3A_203 = arith.constant 1 : i32
          %eq3A_204 = vector.broadcast %eq3A_203 : i32 to vector<16xi32>
          %eq3A_205 = arith.cmpi eq, %iota3A, %eq3A_204 : vector<16xi32>
          %broadcast_in_dim3A_206 = vector.broadcast %reduce_sum3A_199 : f32 to vector<16xf32>
          %broadcast_in_dim3A_207 = vector.broadcast %cond3A_161#1 : f32 to vector<16xf32>
          %select_n3A_208 = arith.select %eq3A_205, %broadcast_in_dim3A_206, %broadcast_in_dim3A_207 : vector<16xi1>, vector<16xf32>
          %broadcast_in_dim3A_209 = vector.broadcast %reduce_sum3A_195 : f32 to vector<16xf32>
          %select_n3A_210 = arith.select %eq3A_202, %broadcast_in_dim3A_209, %select_n3A_208 : vector<16xi1>, vector<16xf32>
          %add3A_211 = vector.broadcast %cond3A_161#0 : i32 to vector<16xi32>
          %add3A_212 = arith.addi %add3A_211, %mul3A_18 : vector<16xi32>
          tpu.vector_store_idx %arg12[%add3A_212], %select_n3A_210 masked %lt3A_15 {add = true} : memref<6144xf32, #tpu.memory_space<vmem>>[vector<16xi32>], vector<16xf32>, vector<16xi1>
          %slice3A_213 = vector.extract_strided_slice %get3A_165 {offsets = [0], sizes = [1], strides = [1]} : vector<16xi32> to vector<1xi32>
          %squeeze3A_214 = vector.extract %slice3A_213[0] : i32 from vector<1xi32>
          %eq3A_215 = arith.cmpi eq, %squeeze3A_214, %squeeze3A_167 : i32
          %convert_element_type3A_216 = arith.extui %eq3A_215 : i1 to i32
          %cond3A_217 = arith.constant 0 : i32
          %cond3A_218 = arith.constant 0 : i32
          %cond3A_219 = arith.cmpi ne, %convert_element_type3A_216, %cond3A_218 : i32
          %cond3A_220:3 = scf.if %cond3A_219 -> (f32, vector<16xf32>, vector<16xf32>) {
            %cond3A_221 = arith.constant 1.600000e+01 : f32
            scf.yield %cond3A_221, %get3A_169, %get3A_171 : f32, vector<16xf32>, vector<16xf32>
          } else {
            tpu.vector_store_idx %arg12[%get3A_165], %get3A_169 {add = true} : memref<6144xf32, #tpu.memory_space<vmem>>[vector<16xi32>], vector<16xf32>,
            %add3A_221 = arith.constant 2048 : i32
            %add3A_222 = vector.broadcast %add3A_221 : i32 to vector<16xi32>
            %add3A_223 = arith.addi %get3A_165, %add3A_222 : vector<16xi32>
            tpu.vector_store_idx %arg12[%add3A_223], %get3A_171 {add = true} : memref<6144xf32, #tpu.memory_space<vmem>>[vector<16xi32>], vector<16xf32>,
            %add3A_224 = arith.constant 4096 : i32
            %add3A_225 = vector.broadcast %add3A_224 : i32 to vector<16xi32>
            %add3A_226 = arith.addi %get3A_165, %add3A_225 : vector<16xi32>
            tpu.vector_store_idx %arg12[%add3A_226], %broadcast_in_dim3A_11 {add = true} : memref<6144xf32, #tpu.memory_space<vmem>>[vector<16xi32>], vector<16xf32>,
            %cond3A_227 = arith.constant 0.000000e+00 : f32
            scf.yield %cond3A_227, %broadcast_in_dim3A_13, %broadcast_in_dim3A_13 : f32, vector<16xf32>, vector<16xf32>
          }
          scf.yield %squeeze3A_167, %cond3A_220#0, %cond3A_220#1, %cond3A_220#2 : i32, f32, vector<16xf32>, vector<16xf32>
        }
        %add3A_177 = arith.constant 64 : i32
        %add3A_178 = arith.addi %mul3A_109, %add3A_177 : i32
        %get3A_179 = arith.index_cast %add3A_178 : i32 to index
        %get3A_180 = tpu.vector_load %arg11[%get3A_179] {strides = array<i32>} : memref<7280xi32, #tpu.memory_space<vmem>>, vector<16xi32>,
        %slice3A_181 = vector.extract_strided_slice %get3A_180 {offsets = [15], sizes = [1], strides = [1]} : vector<16xi32> to vector<1xi32>
        %squeeze3A_182 = vector.extract %slice3A_181[0] : i32 from vector<1xi32>
        %get3A_183 = arith.index_cast %add3A_178 : i32 to index
        %get3A_184 = tpu.vector_load %arg7[%get3A_183] {strides = array<i32>} : memref<7280xf32, #tpu.memory_space<vmem>>, vector<16xf32>,
        %get3A_185 = arith.index_cast %add3A_178 : i32 to index
        %get3A_186 = tpu.vector_load %arg9[%get3A_185] {strides = array<i32>} : memref<7280xf32, #tpu.memory_space<vmem>>, vector<16xf32>,
        %eq3A_187 = arith.cmpi eq, %squeeze3A_182, %cond3A_176#0 : i32
        %convert_element_type3A_188 = arith.extui %eq3A_187 : i1 to i32
        %cond3A_189 = arith.constant 0 : i32
        %cond3A_190 = arith.cmpi ne, %convert_element_type3A_188, %cond3A_189 : i32
        %cond3A_191:4 = scf.if %cond3A_190 -> (i32, f32, vector<16xf32>, vector<16xf32>) {
          %add3A_192 = arith.constant 1.600000e+01 : f32
          %add3A_193 = arith.addf %cond3A_176#1, %add3A_192 : f32
          %add3A_194 = arith.addf %cond3A_176#2, %get3A_184 : vector<16xf32>
          %add3A_195 = arith.addf %cond3A_176#3, %get3A_186 : vector<16xf32>
          scf.yield %cond3A_176#0, %add3A_193, %add3A_194, %add3A_195 : i32, f32, vector<16xf32>, vector<16xf32>
        } else {
          %reduce_sum3A_192 = arith.constant true
          %reduce_sum3A_193 = vector.broadcast %reduce_sum3A_192 : i1 to vector<16xi1>
          %reduce_sum3A_194 = tpu.scan <sum>, %cond3A_176#2 masked %reduce_sum3A_193 : vector<16xf32>, vector<16xi1> -> vector<16xf32>
          %reduce_sum3A_195 = vector.extract %reduce_sum3A_194[15] : f32 from vector<16xf32>
          %reduce_sum3A_196 = arith.constant true
          %reduce_sum3A_197 = vector.broadcast %reduce_sum3A_196 : i1 to vector<16xi1>
          %reduce_sum3A_198 = tpu.scan <sum>, %cond3A_176#3 masked %reduce_sum3A_197 : vector<16xf32>, vector<16xi1> -> vector<16xf32>
          %reduce_sum3A_199 = vector.extract %reduce_sum3A_198[15] : f32 from vector<16xf32>
          %eq3A_200 = arith.constant 0 : i32
          %eq3A_201 = vector.broadcast %eq3A_200 : i32 to vector<16xi32>
          %eq3A_202 = arith.cmpi eq, %iota3A, %eq3A_201 : vector<16xi32>
          %eq3A_203 = arith.constant 1 : i32
          %eq3A_204 = vector.broadcast %eq3A_203 : i32 to vector<16xi32>
          %eq3A_205 = arith.cmpi eq, %iota3A, %eq3A_204 : vector<16xi32>
          %broadcast_in_dim3A_206 = vector.broadcast %reduce_sum3A_199 : f32 to vector<16xf32>
          %broadcast_in_dim3A_207 = vector.broadcast %cond3A_176#1 : f32 to vector<16xf32>
          %select_n3A_208 = arith.select %eq3A_205, %broadcast_in_dim3A_206, %broadcast_in_dim3A_207 : vector<16xi1>, vector<16xf32>
          %broadcast_in_dim3A_209 = vector.broadcast %reduce_sum3A_195 : f32 to vector<16xf32>
          %select_n3A_210 = arith.select %eq3A_202, %broadcast_in_dim3A_209, %select_n3A_208 : vector<16xi1>, vector<16xf32>
          %add3A_211 = vector.broadcast %cond3A_176#0 : i32 to vector<16xi32>
          %add3A_212 = arith.addi %add3A_211, %mul3A_18 : vector<16xi32>
          tpu.vector_store_idx %arg12[%add3A_212], %select_n3A_210 masked %lt3A_15 {add = true} : memref<6144xf32, #tpu.memory_space<vmem>>[vector<16xi32>], vector<16xf32>, vector<16xi1>
          %slice3A_213 = vector.extract_strided_slice %get3A_180 {offsets = [0], sizes = [1], strides = [1]} : vector<16xi32> to vector<1xi32>
          %squeeze3A_214 = vector.extract %slice3A_213[0] : i32 from vector<1xi32>
          %eq3A_215 = arith.cmpi eq, %squeeze3A_214, %squeeze3A_182 : i32
          %convert_element_type3A_216 = arith.extui %eq3A_215 : i1 to i32
          %cond3A_217 = arith.constant 0 : i32
          %cond3A_218 = arith.constant 0 : i32
          %cond3A_219 = arith.cmpi ne, %convert_element_type3A_216, %cond3A_218 : i32
          %cond3A_220:3 = scf.if %cond3A_219 -> (f32, vector<16xf32>, vector<16xf32>) {
            %cond3A_221 = arith.constant 1.600000e+01 : f32
            scf.yield %cond3A_221, %get3A_184, %get3A_186 : f32, vector<16xf32>, vector<16xf32>
          } else {
            tpu.vector_store_idx %arg12[%get3A_180], %get3A_184 {add = true} : memref<6144xf32, #tpu.memory_space<vmem>>[vector<16xi32>], vector<16xf32>,
            %add3A_221 = arith.constant 2048 : i32
            %add3A_222 = vector.broadcast %add3A_221 : i32 to vector<16xi32>
            %add3A_223 = arith.addi %get3A_180, %add3A_222 : vector<16xi32>
            tpu.vector_store_idx %arg12[%add3A_223], %get3A_186 {add = true} : memref<6144xf32, #tpu.memory_space<vmem>>[vector<16xi32>], vector<16xf32>,
            %add3A_224 = arith.constant 4096 : i32
            %add3A_225 = vector.broadcast %add3A_224 : i32 to vector<16xi32>
            %add3A_226 = arith.addi %get3A_180, %add3A_225 : vector<16xi32>
            tpu.vector_store_idx %arg12[%add3A_226], %broadcast_in_dim3A_11 {add = true} : memref<6144xf32, #tpu.memory_space<vmem>>[vector<16xi32>], vector<16xf32>,
            %cond3A_227 = arith.constant 0.000000e+00 : f32
            scf.yield %cond3A_227, %broadcast_in_dim3A_13, %broadcast_in_dim3A_13 : f32, vector<16xf32>, vector<16xf32>
          }
          scf.yield %squeeze3A_182, %cond3A_220#0, %cond3A_220#1, %cond3A_220#2 : i32, f32, vector<16xf32>, vector<16xf32>
        }
        scf.yield %cond3A_191#0, %cond3A_191#1, %cond3A_191#2, %cond3A_191#3 : i32, f32, vector<16xf32>, vector<16xf32>
      }
      scf.yield %cond3A_116#0, %cond3A_116#1, %cond3A_116#2, %cond3A_116#3 : i32, f32, vector<16xf32>, vector<16xf32>
    }
    %scan3A_72 = arith.constant 91 : i32
    %dma_wait3A_73 = tpu.memref_slice %arg2[%add3A_58] : memref<698880xf32, #tpu.memory_space<hbm>> -> memref<7280xf32, #tpu.memory_space<hbm>>
    %dma_wait3A_74 = tpu.memref_slice %arg2[%add3A_58] : memref<698880xf32, #tpu.memory_space<hbm>> -> memref<7280xf32, #tpu.memory_space<hbm>>
    tpu.wait_dma2 semaphore(%arg13 : memref<!tpu.dma_semaphore, #tpu.memory_space<semaphore_mem>>) src(%dma_wait3A_74 : memref<7280xf32, #tpu.memory_space<hbm>>) dst(%arg6 : memref<7280xf32, #tpu.memory_space<vmem>>)
    %dma_wait3A_75 = tpu.memref_slice %arg3[%add3A_58] : memref<698880xf32, #tpu.memory_space<hbm>> -> memref<7280xf32, #tpu.memory_space<hbm>>
    %dma_wait3A_76 = tpu.memref_slice %arg3[%add3A_58] : memref<698880xf32, #tpu.memory_space<hbm>> -> memref<7280xf32, #tpu.memory_space<hbm>>
    tpu.wait_dma2 semaphore(%arg13 : memref<!tpu.dma_semaphore, #tpu.memory_space<semaphore_mem>>) src(%dma_wait3A_76 : memref<7280xf32, #tpu.memory_space<hbm>>) dst(%arg8 : memref<7280xf32, #tpu.memory_space<vmem>>)
    %dma_wait3A_77 = tpu.memref_slice %arg4[%add3A_64] : memref<1600000xi32, #tpu.memory_space<hbm>> -> memref<7280xi32, #tpu.memory_space<hbm>>
    %dma_wait3A_78 = tpu.memref_slice %arg4[%add3A_64] : memref<1600000xi32, #tpu.memory_space<hbm>> -> memref<7280xi32, #tpu.memory_space<hbm>>
    tpu.wait_dma2 semaphore(%arg13 : memref<!tpu.dma_semaphore, #tpu.memory_space<semaphore_mem>>) src(%dma_wait3A_78 : memref<7280xi32, #tpu.memory_space<hbm>>) dst(%arg10 : memref<7280xi32, #tpu.memory_space<vmem>>)
    %scan3A_79 = arith.constant 0 : i32
    %scan3A_80 = arith.constant 91 : i32
    %scan3A_81 = arith.addi %scan3A_79, %scan3A_80 : i32
    %scan3A_82 = arith.constant 1 : i32
    %scan3A_83:4 = scf.for %scan3A_103 = %scan3A_79 to %scan3A_81 step %scan3A_82 iter_args(%scan3A_104 = %scan3A_71#0, %scan3A_105 = %scan3A_71#1, %scan3A_106 = %scan3A_71#2, %scan3A_107 = %scan3A_71#3) -> (i32, f32, vector<16xf32>, vector<16xf32>)  : i32 {
      %mul3A_108 = arith.constant 80 : i32
      %mul3A_109 = arith.muli %scan3A_103, %mul3A_108 : i32
      %add3A_110 = arith.constant 80 : i32
      %add3A_111 = arith.addi %mul3A_109, %add3A_110 : i32
      %sub3A = arith.constant 16 : i32
      %sub3A_112 = arith.subi %add3A_111, %sub3A : i32
      %get3A = arith.index_cast %sub3A_112 : i32 to index
      %get3A_113 = tpu.vector_load %arg10[%get3A] {strides = array<i32>} : memref<7280xi32, #tpu.memory_space<vmem>>, vector<16xi32>,
      %slice3A = vector.extract_strided_slice %get3A_113 {offsets = [15], sizes = [1], strides = [1]} : vector<16xi32> to vector<1xi32>
      %squeeze3A = vector.extract %slice3A[0] : i32 from vector<1xi32>
      %eq3A_114 = arith.cmpi eq, %squeeze3A, %scan3A_104 : i32
      %convert_element_type3A = arith.extui %eq3A_114 : i1 to i32
      %cond3A = arith.constant 0 : i32
      %cond3A_115 = arith.cmpi ne, %convert_element_type3A, %cond3A : i32
      %cond3A_116:4 = scf.if %cond3A_115 -> (i32, f32, vector<16xf32>, vector<16xf32>) {
        %add3A_117 = arith.constant 0 : i32
        %add3A_118 = arith.addi %mul3A_109, %add3A_117 : i32
        %get3A_119 = arith.index_cast %add3A_118 : i32 to index
        %get3A_120 = tpu.vector_load %arg6[%get3A_119] {strides = array<i32>} : memref<7280xf32, #tpu.memory_space<vmem>>, vector<16xf32>,
        %add3A_121 = arith.constant 16 : i32
        %add3A_122 = arith.addi %mul3A_109, %add3A_121 : i32
        %get3A_123 = arith.index_cast %add3A_122 : i32 to index
        %get3A_124 = tpu.vector_load %arg6[%get3A_123] {strides = array<i32>} : memref<7280xf32, #tpu.memory_space<vmem>>, vector<16xf32>,
        %add3A_125 = arith.constant 32 : i32
        %add3A_126 = arith.addi %mul3A_109, %add3A_125 : i32
        %get3A_127 = arith.index_cast %add3A_126 : i32 to index
        %get3A_128 = tpu.vector_load %arg6[%get3A_127] {strides = array<i32>} : memref<7280xf32, #tpu.memory_space<vmem>>, vector<16xf32>,
        %add3A_129 = arith.constant 48 : i32
        %add3A_130 = arith.addi %mul3A_109, %add3A_129 : i32
        %get3A_131 = arith.index_cast %add3A_130 : i32 to index
        %get3A_132 = tpu.vector_load %arg6[%get3A_131] {strides = array<i32>} : memref<7280xf32, #tpu.memory_space<vmem>>, vector<16xf32>,
        %add3A_133 = arith.constant 64 : i32
        %add3A_134 = arith.addi %mul3A_109, %add3A_133 : i32
        %get3A_135 = arith.index_cast %add3A_134 : i32 to index
        %get3A_136 = tpu.vector_load %arg6[%get3A_135] {strides = array<i32>} : memref<7280xf32, #tpu.memory_space<vmem>>, vector<16xf32>,
        %add3A_137 = arith.constant 0 : i32
        %add3A_138 = arith.addi %mul3A_109, %add3A_137 : i32
        %get3A_139 = arith.index_cast %add3A_138 : i32 to index
        %get3A_140 = tpu.vector_load %arg8[%get3A_139] {strides = array<i32>} : memref<7280xf32, #tpu.memory_space<vmem>>, vector<16xf32>,
        %add3A_141 = arith.constant 16 : i32
        %add3A_142 = arith.addi %mul3A_109, %add3A_141 : i32
        %get3A_143 = arith.index_cast %add3A_142 : i32 to index
        %get3A_144 = tpu.vector_load %arg8[%get3A_143] {strides = array<i32>} : memref<7280xf32, #tpu.memory_space<vmem>>, vector<16xf32>,
        %add3A_145 = arith.constant 32 : i32
        %add3A_146 = arith.addi %mul3A_109, %add3A_145 : i32
        %get3A_147 = arith.index_cast %add3A_146 : i32 to index
        %get3A_148 = tpu.vector_load %arg8[%get3A_147] {strides = array<i32>} : memref<7280xf32, #tpu.memory_space<vmem>>, vector<16xf32>,
        %add3A_149 = arith.constant 48 : i32
        %add3A_150 = arith.addi %mul3A_109, %add3A_149 : i32
        %get3A_151 = arith.index_cast %add3A_150 : i32 to index
        %get3A_152 = tpu.vector_load %arg8[%get3A_151] {strides = array<i32>} : memref<7280xf32, #tpu.memory_space<vmem>>, vector<16xf32>,
        %add3A_153 = arith.constant 64 : i32
        %add3A_154 = arith.addi %mul3A_109, %add3A_153 : i32
        %get3A_155 = arith.index_cast %add3A_154 : i32 to index
        %get3A_156 = tpu.vector_load %arg8[%get3A_155] {strides = array<i32>} : memref<7280xf32, #tpu.memory_space<vmem>>, vector<16xf32>,
        %add3A_157 = arith.addf %get3A_120, %get3A_124 : vector<16xf32>
        %add3A_158 = arith.addf %get3A_128, %get3A_132 : vector<16xf32>
        %add3A_159 = arith.addf %add3A_157, %add3A_158 : vector<16xf32>
        %add3A_160 = arith.addf %add3A_159, %get3A_136 : vector<16xf32>
        %add3A_161 = arith.addf %get3A_140, %get3A_144 : vector<16xf32>
        %add3A_162 = arith.addf %get3A_148, %get3A_152 : vector<16xf32>
        %add3A_163 = arith.addf %add3A_161, %add3A_162 : vector<16xf32>
        %add3A_164 = arith.addf %add3A_163, %get3A_156 : vector<16xf32>
        %add3A_165 = arith.constant 8.000000e+01 : f32
        %add3A_166 = arith.addf %scan3A_105, %add3A_165 : f32
        %add3A_167 = arith.addf %scan3A_106, %add3A_160 : vector<16xf32>
        %add3A_168 = arith.addf %scan3A_107, %add3A_164 : vector<16xf32>
        scf.yield %scan3A_104, %add3A_166, %add3A_167, %add3A_168 : i32, f32, vector<16xf32>, vector<16xf32>
      } else {
        %add3A_117 = arith.constant 0 : i32
        %add3A_118 = arith.addi %mul3A_109, %add3A_117 : i32
        %get3A_119 = arith.index_cast %add3A_118 : i32 to index
        %get3A_120 = tpu.vector_load %arg10[%get3A_119] {strides = array<i32>} : memref<7280xi32, #tpu.memory_space<vmem>>, vector<16xi32>,
        %slice3A_121 = vector.extract_strided_slice %get3A_120 {offsets = [15], sizes = [1], strides = [1]} : vector<16xi32> to vector<1xi32>
        %squeeze3A_122 = vector.extract %slice3A_121[0] : i32 from vector<1xi32>
        %get3A_123 = arith.index_cast %add3A_118 : i32 to index
        %get3A_124 = tpu.vector_load %arg6[%get3A_123] {strides = array<i32>} : memref<7280xf32, #tpu.memory_space<vmem>>, vector<16xf32>,
        %get3A_125 = arith.index_cast %add3A_118 : i32 to index
        %get3A_126 = tpu.vector_load %arg8[%get3A_125] {strides = array<i32>} : memref<7280xf32, #tpu.memory_space<vmem>>, vector<16xf32>,
        %eq3A_127 = arith.cmpi eq, %squeeze3A_122, %scan3A_104 : i32
        %convert_element_type3A_128 = arith.extui %eq3A_127 : i1 to i32
        %cond3A_129 = arith.constant 0 : i32
        %cond3A_130 = arith.cmpi ne, %convert_element_type3A_128, %cond3A_129 : i32
        %cond3A_131:4 = scf.if %cond3A_130 -> (i32, f32, vector<16xf32>, vector<16xf32>) {
          %add3A_192 = arith.constant 1.600000e+01 : f32
          %add3A_193 = arith.addf %scan3A_105, %add3A_192 : f32
          %add3A_194 = arith.addf %scan3A_106, %get3A_124 : vector<16xf32>
          %add3A_195 = arith.addf %scan3A_107, %get3A_126 : vector<16xf32>
          scf.yield %scan3A_104, %add3A_193, %add3A_194, %add3A_195 : i32, f32, vector<16xf32>, vector<16xf32>
        } else {
          %reduce_sum3A_192 = arith.constant true
          %reduce_sum3A_193 = vector.broadcast %reduce_sum3A_192 : i1 to vector<16xi1>
          %reduce_sum3A_194 = tpu.scan <sum>, %scan3A_106 masked %reduce_sum3A_193 : vector<16xf32>, vector<16xi1> -> vector<16xf32>
          %reduce_sum3A_195 = vector.extract %reduce_sum3A_194[15] : f32 from vector<16xf32>
          %reduce_sum3A_196 = arith.constant true
          %reduce_sum3A_197 = vector.broadcast %reduce_sum3A_196 : i1 to vector<16xi1>
          %reduce_sum3A_198 = tpu.scan <sum>, %scan3A_107 masked %reduce_sum3A_197 : vector<16xf32>, vector<16xi1> -> vector<16xf32>
          %reduce_sum3A_199 = vector.extract %reduce_sum3A_198[15] : f32 from vector<16xf32>
          %eq3A_200 = arith.constant 0 : i32
          %eq3A_201 = vector.broadcast %eq3A_200 : i32 to vector<16xi32>
          %eq3A_202 = arith.cmpi eq, %iota3A, %eq3A_201 : vector<16xi32>
          %eq3A_203 = arith.constant 1 : i32
          %eq3A_204 = vector.broadcast %eq3A_203 : i32 to vector<16xi32>
          %eq3A_205 = arith.cmpi eq, %iota3A, %eq3A_204 : vector<16xi32>
          %broadcast_in_dim3A_206 = vector.broadcast %reduce_sum3A_199 : f32 to vector<16xf32>
          %broadcast_in_dim3A_207 = vector.broadcast %scan3A_105 : f32 to vector<16xf32>
          %select_n3A_208 = arith.select %eq3A_205, %broadcast_in_dim3A_206, %broadcast_in_dim3A_207 : vector<16xi1>, vector<16xf32>
          %broadcast_in_dim3A_209 = vector.broadcast %reduce_sum3A_195 : f32 to vector<16xf32>
          %select_n3A_210 = arith.select %eq3A_202, %broadcast_in_dim3A_209, %select_n3A_208 : vector<16xi1>, vector<16xf32>
          %add3A_211 = vector.broadcast %scan3A_104 : i32 to vector<16xi32>
          %add3A_212 = arith.addi %add3A_211, %mul3A_18 : vector<16xi32>
          tpu.vector_store_idx %arg12[%add3A_212], %select_n3A_210 masked %lt3A_15 {add = true} : memref<6144xf32, #tpu.memory_space<vmem>>[vector<16xi32>], vector<16xf32>, vector<16xi1>
          %slice3A_213 = vector.extract_strided_slice %get3A_120 {offsets = [0], sizes = [1], strides = [1]} : vector<16xi32> to vector<1xi32>
          %squeeze3A_214 = vector.extract %slice3A_213[0] : i32 from vector<1xi32>
          %eq3A_215 = arith.cmpi eq, %squeeze3A_214, %squeeze3A_122 : i32
          %convert_element_type3A_216 = arith.extui %eq3A_215 : i1 to i32
          %cond3A_217 = arith.constant 0 : i32
          %cond3A_218 = arith.constant 0 : i32
          %cond3A_219 = arith.cmpi ne, %convert_element_type3A_216, %cond3A_218 : i32
          %cond3A_220:3 = scf.if %cond3A_219 -> (f32, vector<16xf32>, vector<16xf32>) {
            %cond3A_221 = arith.constant 1.600000e+01 : f32
            scf.yield %cond3A_221, %get3A_124, %get3A_126 : f32, vector<16xf32>, vector<16xf32>
          } else {
            tpu.vector_store_idx %arg12[%get3A_120], %get3A_124 {add = true} : memref<6144xf32, #tpu.memory_space<vmem>>[vector<16xi32>], vector<16xf32>,
            %add3A_221 = arith.constant 2048 : i32
            %add3A_222 = vector.broadcast %add3A_221 : i32 to vector<16xi32>
            %add3A_223 = arith.addi %get3A_120, %add3A_222 : vector<16xi32>
            tpu.vector_store_idx %arg12[%add3A_223], %get3A_126 {add = true} : memref<6144xf32, #tpu.memory_space<vmem>>[vector<16xi32>], vector<16xf32>,
            %add3A_224 = arith.constant 4096 : i32
            %add3A_225 = vector.broadcast %add3A_224 : i32 to vector<16xi32>
            %add3A_226 = arith.addi %get3A_120, %add3A_225 : vector<16xi32>
            tpu.vector_store_idx %arg12[%add3A_226], %broadcast_in_dim3A_11 {add = true} : memref<6144xf32, #tpu.memory_space<vmem>>[vector<16xi32>], vector<16xf32>,
            %cond3A_227 = arith.constant 0.000000e+00 : f32
            scf.yield %cond3A_227, %broadcast_in_dim3A_13, %broadcast_in_dim3A_13 : f32, vector<16xf32>, vector<16xf32>
          }
          scf.yield %squeeze3A_122, %cond3A_220#0, %cond3A_220#1, %cond3A_220#2 : i32, f32, vector<16xf32>, vector<16xf32>
        }
        %add3A_132 = arith.constant 16 : i32
        %add3A_133 = arith.addi %mul3A_109, %add3A_132 : i32
        %get3A_134 = arith.index_cast %add3A_133 : i32 to index
        %get3A_135 = tpu.vector_load %arg10[%get3A_134] {strides = array<i32>} : memref<7280xi32, #tpu.memory_space<vmem>>, vector<16xi32>,
        %slice3A_136 = vector.extract_strided_slice %get3A_135 {offsets = [15], sizes = [1], strides = [1]} : vector<16xi32> to vector<1xi32>
        %squeeze3A_137 = vector.extract %slice3A_136[0] : i32 from vector<1xi32>
        %get3A_138 = arith.index_cast %add3A_133 : i32 to index
        %get3A_139 = tpu.vector_load %arg6[%get3A_138] {strides = array<i32>} : memref<7280xf32, #tpu.memory_space<vmem>>, vector<16xf32>,
        %get3A_140 = arith.index_cast %add3A_133 : i32 to index
        %get3A_141 = tpu.vector_load %arg8[%get3A_140] {strides = array<i32>} : memref<7280xf32, #tpu.memory_space<vmem>>, vector<16xf32>,
        %eq3A_142 = arith.cmpi eq, %squeeze3A_137, %cond3A_131#0 : i32
        %convert_element_type3A_143 = arith.extui %eq3A_142 : i1 to i32
        %cond3A_144 = arith.constant 0 : i32
        %cond3A_145 = arith.cmpi ne, %convert_element_type3A_143, %cond3A_144 : i32
        %cond3A_146:4 = scf.if %cond3A_145 -> (i32, f32, vector<16xf32>, vector<16xf32>) {
          %add3A_192 = arith.constant 1.600000e+01 : f32
          %add3A_193 = arith.addf %cond3A_131#1, %add3A_192 : f32
          %add3A_194 = arith.addf %cond3A_131#2, %get3A_139 : vector<16xf32>
          %add3A_195 = arith.addf %cond3A_131#3, %get3A_141 : vector<16xf32>
          scf.yield %cond3A_131#0, %add3A_193, %add3A_194, %add3A_195 : i32, f32, vector<16xf32>, vector<16xf32>
        } else {
          %reduce_sum3A_192 = arith.constant true
          %reduce_sum3A_193 = vector.broadcast %reduce_sum3A_192 : i1 to vector<16xi1>
          %reduce_sum3A_194 = tpu.scan <sum>, %cond3A_131#2 masked %reduce_sum3A_193 : vector<16xf32>, vector<16xi1> -> vector<16xf32>
          %reduce_sum3A_195 = vector.extract %reduce_sum3A_194[15] : f32 from vector<16xf32>
          %reduce_sum3A_196 = arith.constant true
          %reduce_sum3A_197 = vector.broadcast %reduce_sum3A_196 : i1 to vector<16xi1>
          %reduce_sum3A_198 = tpu.scan <sum>, %cond3A_131#3 masked %reduce_sum3A_197 : vector<16xf32>, vector<16xi1> -> vector<16xf32>
          %reduce_sum3A_199 = vector.extract %reduce_sum3A_198[15] : f32 from vector<16xf32>
          %eq3A_200 = arith.constant 0 : i32
          %eq3A_201 = vector.broadcast %eq3A_200 : i32 to vector<16xi32>
          %eq3A_202 = arith.cmpi eq, %iota3A, %eq3A_201 : vector<16xi32>
          %eq3A_203 = arith.constant 1 : i32
          %eq3A_204 = vector.broadcast %eq3A_203 : i32 to vector<16xi32>
          %eq3A_205 = arith.cmpi eq, %iota3A, %eq3A_204 : vector<16xi32>
          %broadcast_in_dim3A_206 = vector.broadcast %reduce_sum3A_199 : f32 to vector<16xf32>
          %broadcast_in_dim3A_207 = vector.broadcast %cond3A_131#1 : f32 to vector<16xf32>
          %select_n3A_208 = arith.select %eq3A_205, %broadcast_in_dim3A_206, %broadcast_in_dim3A_207 : vector<16xi1>, vector<16xf32>
          %broadcast_in_dim3A_209 = vector.broadcast %reduce_sum3A_195 : f32 to vector<16xf32>
          %select_n3A_210 = arith.select %eq3A_202, %broadcast_in_dim3A_209, %select_n3A_208 : vector<16xi1>, vector<16xf32>
          %add3A_211 = vector.broadcast %cond3A_131#0 : i32 to vector<16xi32>
          %add3A_212 = arith.addi %add3A_211, %mul3A_18 : vector<16xi32>
          tpu.vector_store_idx %arg12[%add3A_212], %select_n3A_210 masked %lt3A_15 {add = true} : memref<6144xf32, #tpu.memory_space<vmem>>[vector<16xi32>], vector<16xf32>, vector<16xi1>
          %slice3A_213 = vector.extract_strided_slice %get3A_135 {offsets = [0], sizes = [1], strides = [1]} : vector<16xi32> to vector<1xi32>
          %squeeze3A_214 = vector.extract %slice3A_213[0] : i32 from vector<1xi32>
          %eq3A_215 = arith.cmpi eq, %squeeze3A_214, %squeeze3A_137 : i32
          %convert_element_type3A_216 = arith.extui %eq3A_215 : i1 to i32
          %cond3A_217 = arith.constant 0 : i32
          %cond3A_218 = arith.constant 0 : i32
          %cond3A_219 = arith.cmpi ne, %convert_element_type3A_216, %cond3A_218 : i32
          %cond3A_220:3 = scf.if %cond3A_219 -> (f32, vector<16xf32>, vector<16xf32>) {
            %cond3A_221 = arith.constant 1.600000e+01 : f32
            scf.yield %cond3A_221, %get3A_139, %get3A_141 : f32, vector<16xf32>, vector<16xf32>
          } else {
            tpu.vector_store_idx %arg12[%get3A_135], %get3A_139 {add = true} : memref<6144xf32, #tpu.memory_space<vmem>>[vector<16xi32>], vector<16xf32>,
            %add3A_221 = arith.constant 2048 : i32
            %add3A_222 = vector.broadcast %add3A_221 : i32 to vector<16xi32>
            %add3A_223 = arith.addi %get3A_135, %add3A_222 : vector<16xi32>
            tpu.vector_store_idx %arg12[%add3A_223], %get3A_141 {add = true} : memref<6144xf32, #tpu.memory_space<vmem>>[vector<16xi32>], vector<16xf32>,
            %add3A_224 = arith.constant 4096 : i32
            %add3A_225 = vector.broadcast %add3A_224 : i32 to vector<16xi32>
            %add3A_226 = arith.addi %get3A_135, %add3A_225 : vector<16xi32>
            tpu.vector_store_idx %arg12[%add3A_226], %broadcast_in_dim3A_11 {add = true} : memref<6144xf32, #tpu.memory_space<vmem>>[vector<16xi32>], vector<16xf32>,
            %cond3A_227 = arith.constant 0.000000e+00 : f32
            scf.yield %cond3A_227, %broadcast_in_dim3A_13, %broadcast_in_dim3A_13 : f32, vector<16xf32>, vector<16xf32>
          }
          scf.yield %squeeze3A_137, %cond3A_220#0, %cond3A_220#1, %cond3A_220#2 : i32, f32, vector<16xf32>, vector<16xf32>
        }
        %add3A_147 = arith.constant 32 : i32
        %add3A_148 = arith.addi %mul3A_109, %add3A_147 : i32
        %get3A_149 = arith.index_cast %add3A_148 : i32 to index
        %get3A_150 = tpu.vector_load %arg10[%get3A_149] {strides = array<i32>} : memref<7280xi32, #tpu.memory_space<vmem>>, vector<16xi32>,
        %slice3A_151 = vector.extract_strided_slice %get3A_150 {offsets = [15], sizes = [1], strides = [1]} : vector<16xi32> to vector<1xi32>
        %squeeze3A_152 = vector.extract %slice3A_151[0] : i32 from vector<1xi32>
        %get3A_153 = arith.index_cast %add3A_148 : i32 to index
        %get3A_154 = tpu.vector_load %arg6[%get3A_153] {strides = array<i32>} : memref<7280xf32, #tpu.memory_space<vmem>>, vector<16xf32>,
        %get3A_155 = arith.index_cast %add3A_148 : i32 to index
        %get3A_156 = tpu.vector_load %arg8[%get3A_155] {strides = array<i32>} : memref<7280xf32, #tpu.memory_space<vmem>>, vector<16xf32>,
        %eq3A_157 = arith.cmpi eq, %squeeze3A_152, %cond3A_146#0 : i32
        %convert_element_type3A_158 = arith.extui %eq3A_157 : i1 to i32
        %cond3A_159 = arith.constant 0 : i32
        %cond3A_160 = arith.cmpi ne, %convert_element_type3A_158, %cond3A_159 : i32
        %cond3A_161:4 = scf.if %cond3A_160 -> (i32, f32, vector<16xf32>, vector<16xf32>) {
          %add3A_192 = arith.constant 1.600000e+01 : f32
          %add3A_193 = arith.addf %cond3A_146#1, %add3A_192 : f32
          %add3A_194 = arith.addf %cond3A_146#2, %get3A_154 : vector<16xf32>
          %add3A_195 = arith.addf %cond3A_146#3, %get3A_156 : vector<16xf32>
          scf.yield %cond3A_146#0, %add3A_193, %add3A_194, %add3A_195 : i32, f32, vector<16xf32>, vector<16xf32>
        } else {
          %reduce_sum3A_192 = arith.constant true
          %reduce_sum3A_193 = vector.broadcast %reduce_sum3A_192 : i1 to vector<16xi1>
          %reduce_sum3A_194 = tpu.scan <sum>, %cond3A_146#2 masked %reduce_sum3A_193 : vector<16xf32>, vector<16xi1> -> vector<16xf32>
          %reduce_sum3A_195 = vector.extract %reduce_sum3A_194[15] : f32 from vector<16xf32>
          %reduce_sum3A_196 = arith.constant true
          %reduce_sum3A_197 = vector.broadcast %reduce_sum3A_196 : i1 to vector<16xi1>
          %reduce_sum3A_198 = tpu.scan <sum>, %cond3A_146#3 masked %reduce_sum3A_197 : vector<16xf32>, vector<16xi1> -> vector<16xf32>
          %reduce_sum3A_199 = vector.extract %reduce_sum3A_198[15] : f32 from vector<16xf32>
          %eq3A_200 = arith.constant 0 : i32
          %eq3A_201 = vector.broadcast %eq3A_200 : i32 to vector<16xi32>
          %eq3A_202 = arith.cmpi eq, %iota3A, %eq3A_201 : vector<16xi32>
          %eq3A_203 = arith.constant 1 : i32
          %eq3A_204 = vector.broadcast %eq3A_203 : i32 to vector<16xi32>
          %eq3A_205 = arith.cmpi eq, %iota3A, %eq3A_204 : vector<16xi32>
          %broadcast_in_dim3A_206 = vector.broadcast %reduce_sum3A_199 : f32 to vector<16xf32>
          %broadcast_in_dim3A_207 = vector.broadcast %cond3A_146#1 : f32 to vector<16xf32>
          %select_n3A_208 = arith.select %eq3A_205, %broadcast_in_dim3A_206, %broadcast_in_dim3A_207 : vector<16xi1>, vector<16xf32>
          %broadcast_in_dim3A_209 = vector.broadcast %reduce_sum3A_195 : f32 to vector<16xf32>
          %select_n3A_210 = arith.select %eq3A_202, %broadcast_in_dim3A_209, %select_n3A_208 : vector<16xi1>, vector<16xf32>
          %add3A_211 = vector.broadcast %cond3A_146#0 : i32 to vector<16xi32>
          %add3A_212 = arith.addi %add3A_211, %mul3A_18 : vector<16xi32>
          tpu.vector_store_idx %arg12[%add3A_212], %select_n3A_210 masked %lt3A_15 {add = true} : memref<6144xf32, #tpu.memory_space<vmem>>[vector<16xi32>], vector<16xf32>, vector<16xi1>
          %slice3A_213 = vector.extract_strided_slice %get3A_150 {offsets = [0], sizes = [1], strides = [1]} : vector<16xi32> to vector<1xi32>
          %squeeze3A_214 = vector.extract %slice3A_213[0] : i32 from vector<1xi32>
          %eq3A_215 = arith.cmpi eq, %squeeze3A_214, %squeeze3A_152 : i32
          %convert_element_type3A_216 = arith.extui %eq3A_215 : i1 to i32
          %cond3A_217 = arith.constant 0 : i32
          %cond3A_218 = arith.constant 0 : i32
          %cond3A_219 = arith.cmpi ne, %convert_element_type3A_216, %cond3A_218 : i32
          %cond3A_220:3 = scf.if %cond3A_219 -> (f32, vector<16xf32>, vector<16xf32>) {
            %cond3A_221 = arith.constant 1.600000e+01 : f32
            scf.yield %cond3A_221, %get3A_154, %get3A_156 : f32, vector<16xf32>, vector<16xf32>
          } else {
            tpu.vector_store_idx %arg12[%get3A_150], %get3A_154 {add = true} : memref<6144xf32, #tpu.memory_space<vmem>>[vector<16xi32>], vector<16xf32>,
            %add3A_221 = arith.constant 2048 : i32
            %add3A_222 = vector.broadcast %add3A_221 : i32 to vector<16xi32>
            %add3A_223 = arith.addi %get3A_150, %add3A_222 : vector<16xi32>
            tpu.vector_store_idx %arg12[%add3A_223], %get3A_156 {add = true} : memref<6144xf32, #tpu.memory_space<vmem>>[vector<16xi32>], vector<16xf32>,
            %add3A_224 = arith.constant 4096 : i32
            %add3A_225 = vector.broadcast %add3A_224 : i32 to vector<16xi32>
            %add3A_226 = arith.addi %get3A_150, %add3A_225 : vector<16xi32>
            tpu.vector_store_idx %arg12[%add3A_226], %broadcast_in_dim3A_11 {add = true} : memref<6144xf32, #tpu.memory_space<vmem>>[vector<16xi32>], vector<16xf32>,
            %cond3A_227 = arith.constant 0.000000e+00 : f32
            scf.yield %cond3A_227, %broadcast_in_dim3A_13, %broadcast_in_dim3A_13 : f32, vector<16xf32>, vector<16xf32>
          }
          scf.yield %squeeze3A_152, %cond3A_220#0, %cond3A_220#1, %cond3A_220#2 : i32, f32, vector<16xf32>, vector<16xf32>
        }
        %add3A_162 = arith.constant 48 : i32
        %add3A_163 = arith.addi %mul3A_109, %add3A_162 : i32
        %get3A_164 = arith.index_cast %add3A_163 : i32 to index
        %get3A_165 = tpu.vector_load %arg10[%get3A_164] {strides = array<i32>} : memref<7280xi32, #tpu.memory_space<vmem>>, vector<16xi32>,
        %slice3A_166 = vector.extract_strided_slice %get3A_165 {offsets = [15], sizes = [1], strides = [1]} : vector<16xi32> to vector<1xi32>
        %squeeze3A_167 = vector.extract %slice3A_166[0] : i32 from vector<1xi32>
        %get3A_168 = arith.index_cast %add3A_163 : i32 to index
        %get3A_169 = tpu.vector_load %arg6[%get3A_168] {strides = array<i32>} : memref<7280xf32, #tpu.memory_space<vmem>>, vector<16xf32>,
        %get3A_170 = arith.index_cast %add3A_163 : i32 to index
        %get3A_171 = tpu.vector_load %arg8[%get3A_170] {strides = array<i32>} : memref<7280xf32, #tpu.memory_space<vmem>>, vector<16xf32>,
        %eq3A_172 = arith.cmpi eq, %squeeze3A_167, %cond3A_161#0 : i32
        %convert_element_type3A_173 = arith.extui %eq3A_172 : i1 to i32
        %cond3A_174 = arith.constant 0 : i32
        %cond3A_175 = arith.cmpi ne, %convert_element_type3A_173, %cond3A_174 : i32
        %cond3A_176:4 = scf.if %cond3A_175 -> (i32, f32, vector<16xf32>, vector<16xf32>) {
          %add3A_192 = arith.constant 1.600000e+01 : f32
          %add3A_193 = arith.addf %cond3A_161#1, %add3A_192 : f32
          %add3A_194 = arith.addf %cond3A_161#2, %get3A_169 : vector<16xf32>
          %add3A_195 = arith.addf %cond3A_161#3, %get3A_171 : vector<16xf32>
          scf.yield %cond3A_161#0, %add3A_193, %add3A_194, %add3A_195 : i32, f32, vector<16xf32>, vector<16xf32>
        } else {
          %reduce_sum3A_192 = arith.constant true
          %reduce_sum3A_193 = vector.broadcast %reduce_sum3A_192 : i1 to vector<16xi1>
          %reduce_sum3A_194 = tpu.scan <sum>, %cond3A_161#2 masked %reduce_sum3A_193 : vector<16xf32>, vector<16xi1> -> vector<16xf32>
          %reduce_sum3A_195 = vector.extract %reduce_sum3A_194[15] : f32 from vector<16xf32>
          %reduce_sum3A_196 = arith.constant true
          %reduce_sum3A_197 = vector.broadcast %reduce_sum3A_196 : i1 to vector<16xi1>
          %reduce_sum3A_198 = tpu.scan <sum>, %cond3A_161#3 masked %reduce_sum3A_197 : vector<16xf32>, vector<16xi1> -> vector<16xf32>
          %reduce_sum3A_199 = vector.extract %reduce_sum3A_198[15] : f32 from vector<16xf32>
          %eq3A_200 = arith.constant 0 : i32
          %eq3A_201 = vector.broadcast %eq3A_200 : i32 to vector<16xi32>
          %eq3A_202 = arith.cmpi eq, %iota3A, %eq3A_201 : vector<16xi32>
          %eq3A_203 = arith.constant 1 : i32
          %eq3A_204 = vector.broadcast %eq3A_203 : i32 to vector<16xi32>
          %eq3A_205 = arith.cmpi eq, %iota3A, %eq3A_204 : vector<16xi32>
          %broadcast_in_dim3A_206 = vector.broadcast %reduce_sum3A_199 : f32 to vector<16xf32>
          %broadcast_in_dim3A_207 = vector.broadcast %cond3A_161#1 : f32 to vector<16xf32>
          %select_n3A_208 = arith.select %eq3A_205, %broadcast_in_dim3A_206, %broadcast_in_dim3A_207 : vector<16xi1>, vector<16xf32>
          %broadcast_in_dim3A_209 = vector.broadcast %reduce_sum3A_195 : f32 to vector<16xf32>
          %select_n3A_210 = arith.select %eq3A_202, %broadcast_in_dim3A_209, %select_n3A_208 : vector<16xi1>, vector<16xf32>
          %add3A_211 = vector.broadcast %cond3A_161#0 : i32 to vector<16xi32>
          %add3A_212 = arith.addi %add3A_211, %mul3A_18 : vector<16xi32>
          tpu.vector_store_idx %arg12[%add3A_212], %select_n3A_210 masked %lt3A_15 {add = true} : memref<6144xf32, #tpu.memory_space<vmem>>[vector<16xi32>], vector<16xf32>, vector<16xi1>
          %slice3A_213 = vector.extract_strided_slice %get3A_165 {offsets = [0], sizes = [1], strides = [1]} : vector<16xi32> to vector<1xi32>
          %squeeze3A_214 = vector.extract %slice3A_213[0] : i32 from vector<1xi32>
          %eq3A_215 = arith.cmpi eq, %squeeze3A_214, %squeeze3A_167 : i32
          %convert_element_type3A_216 = arith.extui %eq3A_215 : i1 to i32
          %cond3A_217 = arith.constant 0 : i32
          %cond3A_218 = arith.constant 0 : i32
          %cond3A_219 = arith.cmpi ne, %convert_element_type3A_216, %cond3A_218 : i32
          %cond3A_220:3 = scf.if %cond3A_219 -> (f32, vector<16xf32>, vector<16xf32>) {
            %cond3A_221 = arith.constant 1.600000e+01 : f32
            scf.yield %cond3A_221, %get3A_169, %get3A_171 : f32, vector<16xf32>, vector<16xf32>
          } else {
            tpu.vector_store_idx %arg12[%get3A_165], %get3A_169 {add = true} : memref<6144xf32, #tpu.memory_space<vmem>>[vector<16xi32>], vector<16xf32>,
            %add3A_221 = arith.constant 2048 : i32
            %add3A_222 = vector.broadcast %add3A_221 : i32 to vector<16xi32>
            %add3A_223 = arith.addi %get3A_165, %add3A_222 : vector<16xi32>
            tpu.vector_store_idx %arg12[%add3A_223], %get3A_171 {add = true} : memref<6144xf32, #tpu.memory_space<vmem>>[vector<16xi32>], vector<16xf32>,
            %add3A_224 = arith.constant 4096 : i32
            %add3A_225 = vector.broadcast %add3A_224 : i32 to vector<16xi32>
            %add3A_226 = arith.addi %get3A_165, %add3A_225 : vector<16xi32>
            tpu.vector_store_idx %arg12[%add3A_226], %broadcast_in_dim3A_11 {add = true} : memref<6144xf32, #tpu.memory_space<vmem>>[vector<16xi32>], vector<16xf32>,
            %cond3A_227 = arith.constant 0.000000e+00 : f32
            scf.yield %cond3A_227, %broadcast_in_dim3A_13, %broadcast_in_dim3A_13 : f32, vector<16xf32>, vector<16xf32>
          }
          scf.yield %squeeze3A_167, %cond3A_220#0, %cond3A_220#1, %cond3A_220#2 : i32, f32, vector<16xf32>, vector<16xf32>
        }
        %add3A_177 = arith.constant 64 : i32
        %add3A_178 = arith.addi %mul3A_109, %add3A_177 : i32
        %get3A_179 = arith.index_cast %add3A_178 : i32 to index
        %get3A_180 = tpu.vector_load %arg10[%get3A_179] {strides = array<i32>} : memref<7280xi32, #tpu.memory_space<vmem>>, vector<16xi32>,
        %slice3A_181 = vector.extract_strided_slice %get3A_180 {offsets = [15], sizes = [1], strides = [1]} : vector<16xi32> to vector<1xi32>
        %squeeze3A_182 = vector.extract %slice3A_181[0] : i32 from vector<1xi32>
        %get3A_183 = arith.index_cast %add3A_178 : i32 to index
        %get3A_184 = tpu.vector_load %arg6[%get3A_183] {strides = array<i32>} : memref<7280xf32, #tpu.memory_space<vmem>>, vector<16xf32>,
        %get3A_185 = arith.index_cast %add3A_178 : i32 to index
        %get3A_186 = tpu.vector_load %arg8[%get3A_185] {strides = array<i32>} : memref<7280xf32, #tpu.memory_space<vmem>>, vector<16xf32>,
        %eq3A_187 = arith.cmpi eq, %squeeze3A_182, %cond3A_176#0 : i32
        %convert_element_type3A_188 = arith.extui %eq3A_187 : i1 to i32
        %cond3A_189 = arith.constant 0 : i32
        %cond3A_190 = arith.cmpi ne, %convert_element_type3A_188, %cond3A_189 : i32
        %cond3A_191:4 = scf.if %cond3A_190 -> (i32, f32, vector<16xf32>, vector<16xf32>) {
          %add3A_192 = arith.constant 1.600000e+01 : f32
          %add3A_193 = arith.addf %cond3A_176#1, %add3A_192 : f32
          %add3A_194 = arith.addf %cond3A_176#2, %get3A_184 : vector<16xf32>
          %add3A_195 = arith.addf %cond3A_176#3, %get3A_186 : vector<16xf32>
          scf.yield %cond3A_176#0, %add3A_193, %add3A_194, %add3A_195 : i32, f32, vector<16xf32>, vector<16xf32>
        } else {
          %reduce_sum3A_192 = arith.constant true
          %reduce_sum3A_193 = vector.broadcast %reduce_sum3A_192 : i1 to vector<16xi1>
          %reduce_sum3A_194 = tpu.scan <sum>, %cond3A_176#2 masked %reduce_sum3A_193 : vector<16xf32>, vector<16xi1> -> vector<16xf32>
          %reduce_sum3A_195 = vector.extract %reduce_sum3A_194[15] : f32 from vector<16xf32>
          %reduce_sum3A_196 = arith.constant true
          %reduce_sum3A_197 = vector.broadcast %reduce_sum3A_196 : i1 to vector<16xi1>
          %reduce_sum3A_198 = tpu.scan <sum>, %cond3A_176#3 masked %reduce_sum3A_197 : vector<16xf32>, vector<16xi1> -> vector<16xf32>
          %reduce_sum3A_199 = vector.extract %reduce_sum3A_198[15] : f32 from vector<16xf32>
          %eq3A_200 = arith.constant 0 : i32
          %eq3A_201 = vector.broadcast %eq3A_200 : i32 to vector<16xi32>
          %eq3A_202 = arith.cmpi eq, %iota3A, %eq3A_201 : vector<16xi32>
          %eq3A_203 = arith.constant 1 : i32
          %eq3A_204 = vector.broadcast %eq3A_203 : i32 to vector<16xi32>
          %eq3A_205 = arith.cmpi eq, %iota3A, %eq3A_204 : vector<16xi32>
          %broadcast_in_dim3A_206 = vector.broadcast %reduce_sum3A_199 : f32 to vector<16xf32>
          %broadcast_in_dim3A_207 = vector.broadcast %cond3A_176#1 : f32 to vector<16xf32>
          %select_n3A_208 = arith.select %eq3A_205, %broadcast_in_dim3A_206, %broadcast_in_dim3A_207 : vector<16xi1>, vector<16xf32>
          %broadcast_in_dim3A_209 = vector.broadcast %reduce_sum3A_195 : f32 to vector<16xf32>
          %select_n3A_210 = arith.select %eq3A_202, %broadcast_in_dim3A_209, %select_n3A_208 : vector<16xi1>, vector<16xf32>
          %add3A_211 = vector.broadcast %cond3A_176#0 : i32 to vector<16xi32>
          %add3A_212 = arith.addi %add3A_211, %mul3A_18 : vector<16xi32>
          tpu.vector_store_idx %arg12[%add3A_212], %select_n3A_210 masked %lt3A_15 {add = true} : memref<6144xf32, #tpu.memory_space<vmem>>[vector<16xi32>], vector<16xf32>, vector<16xi1>
          %slice3A_213 = vector.extract_strided_slice %get3A_180 {offsets = [0], sizes = [1], strides = [1]} : vector<16xi32> to vector<1xi32>
          %squeeze3A_214 = vector.extract %slice3A_213[0] : i32 from vector<1xi32>
          %eq3A_215 = arith.cmpi eq, %squeeze3A_214, %squeeze3A_182 : i32
          %convert_element_type3A_216 = arith.extui %eq3A_215 : i1 to i32
          %cond3A_217 = arith.constant 0 : i32
          %cond3A_218 = arith.constant 0 : i32
          %cond3A_219 = arith.cmpi ne, %convert_element_type3A_216, %cond3A_218 : i32
          %cond3A_220:3 = scf.if %cond3A_219 -> (f32, vector<16xf32>, vector<16xf32>) {
            %cond3A_221 = arith.constant 1.600000e+01 : f32
            scf.yield %cond3A_221, %get3A_184, %get3A_186 : f32, vector<16xf32>, vector<16xf32>
          } else {
            tpu.vector_store_idx %arg12[%get3A_180], %get3A_184 {add = true} : memref<6144xf32, #tpu.memory_space<vmem>>[vector<16xi32>], vector<16xf32>,
            %add3A_221 = arith.constant 2048 : i32
            %add3A_222 = vector.broadcast %add3A_221 : i32 to vector<16xi32>
            %add3A_223 = arith.addi %get3A_180, %add3A_222 : vector<16xi32>
            tpu.vector_store_idx %arg12[%add3A_223], %get3A_186 {add = true} : memref<6144xf32, #tpu.memory_space<vmem>>[vector<16xi32>], vector<16xf32>,
            %add3A_224 = arith.constant 4096 : i32
            %add3A_225 = vector.broadcast %add3A_224 : i32 to vector<16xi32>
            %add3A_226 = arith.addi %get3A_180, %add3A_225 : vector<16xi32>
            tpu.vector_store_idx %arg12[%add3A_226], %broadcast_in_dim3A_11 {add = true} : memref<6144xf32, #tpu.memory_space<vmem>>[vector<16xi32>], vector<16xf32>,
            %cond3A_227 = arith.constant 0.000000e+00 : f32
            scf.yield %cond3A_227, %broadcast_in_dim3A_13, %broadcast_in_dim3A_13 : f32, vector<16xf32>, vector<16xf32>
          }
          scf.yield %squeeze3A_182, %cond3A_220#0, %cond3A_220#1, %cond3A_220#2 : i32, f32, vector<16xf32>, vector<16xf32>
        }
        scf.yield %cond3A_191#0, %cond3A_191#1, %cond3A_191#2, %cond3A_191#3 : i32, f32, vector<16xf32>, vector<16xf32>
      }
      scf.yield %cond3A_116#0, %cond3A_116#1, %cond3A_116#2, %cond3A_116#3 : i32, f32, vector<16xf32>, vector<16xf32>
    }
    %scan3A_84 = arith.constant 91 : i32
    %reduce_sum3A = arith.constant true
    %reduce_sum3A_85 = vector.broadcast %reduce_sum3A : i1 to vector<16xi1>
    %reduce_sum3A_86 = tpu.scan <sum>, %scan3A_83#2 masked %reduce_sum3A_85 : vector<16xf32>, vector<16xi1> -> vector<16xf32>
    %reduce_sum3A_87 = vector.extract %reduce_sum3A_86[15] : f32 from vector<16xf32>
    %reduce_sum3A_88 = arith.constant true
    %reduce_sum3A_89 = vector.broadcast %reduce_sum3A_88 : i1 to vector<16xi1>
    %reduce_sum3A_90 = tpu.scan <sum>, %scan3A_83#3 masked %reduce_sum3A_89 : vector<16xf32>, vector<16xi1> -> vector<16xf32>
    %reduce_sum3A_91 = vector.extract %reduce_sum3A_90[15] : f32 from vector<16xf32>
    %eq3A = arith.constant 0 : i32
    %eq3A_92 = vector.broadcast %eq3A : i32 to vector<16xi32>
    %eq3A_93 = arith.cmpi eq, %iota3A, %eq3A_92 : vector<16xi32>
    %eq3A_94 = arith.constant 1 : i32
    %eq3A_95 = vector.broadcast %eq3A_94 : i32 to vector<16xi32>
    %eq3A_96 = arith.cmpi eq, %iota3A, %eq3A_95 : vector<16xi32>
    %broadcast_in_dim3A_97 = vector.broadcast %reduce_sum3A_91 : f32 to vector<16xf32>
    %broadcast_in_dim3A_98 = vector.broadcast %scan3A_83#1 : f32 to vector<16xf32>
    %select_n3A = arith.select %eq3A_96, %broadcast_in_dim3A_97, %broadcast_in_dim3A_98 : vector<16xi1>, vector<16xf32>
    %broadcast_in_dim3A_99 = vector.broadcast %reduce_sum3A_87 : f32 to vector<16xf32>
    %select_n3A_100 = arith.select %eq3A_93, %broadcast_in_dim3A_99, %select_n3A : vector<16xi1>, vector<16xf32>
    %add3A_101 = vector.broadcast %scan3A_83#0 : i32 to vector<16xi32>
    %add3A_102 = arith.addi %add3A_101, %mul3A_18 : vector<16xi32>
    tpu.vector_store_idx %arg12[%add3A_102], %select_n3A_100 masked %lt3A_15 {add = true} : memref<6144xf32, #tpu.memory_space<vmem>>[vector<16xi32>], vector<16xf32>, vector<16xi1>
    "tpu.region"() ({
      %run_scoped3A = tpu.sem_alloc : memref<!tpu.dma_semaphore, #tpu.memory_space<semaphore_mem>>
      %dma_start3A_103 = arith.constant 0 : i32
      %dma_start3A_104 = tpu.memref_slice %arg5[%add3A, %dma_start3A_103] : memref<32x6144xf32, #tpu.memory_space<hbm>> -> memref<1x6144xf32, #tpu.memory_space<hbm>>
      %dma_start3A_105 = tpu.memref_squeeze %dma_start3A_104 : memref<1x6144xf32, #tpu.memory_space<hbm>> -> memref<6144xf32, #tpu.memory_space<hbm>>
      %dma_start3A_106 = arith.constant 0 : i32
      %dma_start3A_107 = tpu.memref_slice %arg5[%add3A, %dma_start3A_106] : memref<32x6144xf32, #tpu.memory_space<hbm>> -> memref<1x6144xf32, #tpu.memory_space<hbm>>
      %dma_start3A_108 = tpu.memref_squeeze %dma_start3A_107 : memref<1x6144xf32, #tpu.memory_space<hbm>> -> memref<6144xf32, #tpu.memory_space<hbm>>
      tpu.enqueue_dma source(%arg12 : memref<6144xf32, #tpu.memory_space<vmem>>) target(%dma_start3A_108 : memref<6144xf32, #tpu.memory_space<hbm>>) target_semaphore(%run_scoped3A : memref<!tpu.dma_semaphore, #tpu.memory_space<semaphore_mem>>)
      %dma_wait3A_109 = arith.constant 0 : i32
      %dma_wait3A_110 = tpu.memref_slice %arg5[%add3A, %dma_wait3A_109] : memref<32x6144xf32, #tpu.memory_space<hbm>> -> memref<1x6144xf32, #tpu.memory_space<hbm>>
      %dma_wait3A_111 = tpu.memref_squeeze %dma_wait3A_110 : memref<1x6144xf32, #tpu.memory_space<hbm>> -> memref<6144xf32, #tpu.memory_space<hbm>>
      %dma_wait3A_112 = arith.constant 0 : i32
      %dma_wait3A_113 = tpu.memref_slice %arg5[%add3A, %dma_wait3A_112] : memref<32x6144xf32, #tpu.memory_space<hbm>> -> memref<1x6144xf32, #tpu.memory_space<hbm>>
      %dma_wait3A_114 = tpu.memref_squeeze %dma_wait3A_113 : memref<1x6144xf32, #tpu.memory_space<hbm>> -> memref<6144xf32, #tpu.memory_space<hbm>>
      tpu.wait_dma2 semaphore(%run_scoped3A : memref<!tpu.dma_semaphore, #tpu.memory_space<semaphore_mem>>) src(%arg12 : memref<6144xf32, #tpu.memory_space<vmem>>) dst(%dma_wait3A_114 : memref<6144xf32, #tpu.memory_space<hbm>>)
      tpu.yield
    }) : () -> ()
    return
  }
}

#map = affine_map<(d0, d1) -> (0)>
#map1 = affine_map<(d0, d1) -> (0, 0)>
module attributes {stable_mosaic.version = 14 : i64} {
  func.func @k(%arg0: i32, %arg1: i32, %arg2: memref<701440xf32, #tpu.memory_space<hbm>>, %arg3: memref<701440xf32, #tpu.memory_space<hbm>>, %arg4: memref<1600000xi32, #tpu.memory_space<hbm>>, %arg5: memref<32x6144xf32, #tpu.memory_space<hbm>>, %arg6: memref<10960xf32, #tpu.memory_space<vmem>>, %arg7: memref<10960xf32, #tpu.memory_space<vmem>>, %arg8: memref<10960xf32, #tpu.memory_space<vmem>>, %arg9: memref<10960xf32, #tpu.memory_space<vmem>>, %arg10: memref<10960xi32, #tpu.memory_space<vmem>>, %arg11: memref<10960xi32, #tpu.memory_space<vmem>>, %arg12: memref<6144xf32, #tpu.memory_space<vmem>>, %arg13: memref<!tpu.dma_semaphore, #tpu.memory_space<semaphore_mem>>, %arg14: memref<!tpu.dma_semaphore, #tpu.memory_space<semaphore_mem>>) attributes {dimension_semantics = [#tpu.dimension_semantics<core_parallel>, #tpu.dimension_semantics<subcore_parallel>], iteration_bounds = array<i64: 2, 16>, scalar_prefetch = 0 : i64, scratch_operands = 9 : i64, tpu.core_type = #tpu.core_type<sc_vector_subcore>, window_params = [{transform_indices = #map}, {transform_indices = #map}, {transform_indices = #map}, {transform_indices = #map1}]} {
    %mul3A = arith.constant 2 : i32
    %mul3A_0 = arith.muli %arg1, %mul3A : i32
    %add3A = arith.addi %mul3A_0, %arg0 : i32
    %mul3A_1 = arith.constant 21920 : i32
    %mul3A_2 = arith.muli %add3A, %mul3A_1 : i32
    %broadcast_in_dim3A = arith.constant 0.000000e+00 : f32
    %broadcast_in_dim3A_3 = vector.broadcast %broadcast_in_dim3A : f32 to vector<16xf32>
    %scan3A = arith.constant 0 : i32
    %scan3A_4 = arith.constant 0 : i32
    %scan3A_5 = arith.constant 384 : i32
    %scan3A_6 = arith.addi %scan3A_4, %scan3A_5 : i32
    %scan3A_7 = arith.constant 1 : i32
    %scan3A_8 = scf.for %scan3A_81 = %scan3A_4 to %scan3A_6 step %scan3A_7 iter_args(%scan3A_82 = %scan3A) -> (i32)  : i32 {
      %mul3A_83 = arith.constant 16 : i32
      %mul3A_84 = arith.muli %scan3A_81, %mul3A_83 : i32
      %swap3A = arith.index_cast %mul3A_84 : i32 to index
      %swap3A_85 = tpu.vector_load %arg12[%swap3A] {strides = array<i32>} : memref<6144xf32, #tpu.memory_space<vmem>>, vector<16xf32>,
      tpu.vector_store %arg12[%swap3A], %broadcast_in_dim3A_3 {strides = array<i32>} : memref<6144xf32, #tpu.memory_space<vmem>>, vector<16xf32>,
      %scan3A_86 = arith.constant 0 : i32
      scf.yield %scan3A_86 : i32
    }
    %scan3A_9 = arith.constant 384 : i32
    %broadcast_in_dim3A_10 = arith.constant 1.000000e+00 : f32
    %broadcast_in_dim3A_11 = vector.broadcast %broadcast_in_dim3A_10 : f32 to vector<16xf32>
    %broadcast_in_dim3A_12 = arith.constant 0.000000e+00 : f32
    %broadcast_in_dim3A_13 = vector.broadcast %broadcast_in_dim3A_12 : f32 to vector<16xf32>
    %iota3A = tpu.iota {dimensions = array<i32: 0>} : vector<16xi32>
    %lt3A = arith.constant 3 : i32
    %lt3A_14 = vector.broadcast %lt3A : i32 to vector<16xi32>
    %lt3A_15 = arith.cmpi slt, %iota3A, %lt3A_14 : vector<16xi32>
    %mul3A_16 = arith.constant 2048 : i32
    %mul3A_17 = vector.broadcast %mul3A_16 : i32 to vector<16xi32>
    %mul3A_18 = arith.muli %mul3A_17, %iota3A : vector<16xi32>
    %add3A_19 = arith.constant 0 : i32
    %add3A_20 = arith.addi %mul3A_2, %add3A_19 : i32
    %dma_start3A = tpu.memref_slice %arg2[%add3A_20] : memref<701440xf32, #tpu.memory_space<hbm>> -> memref<10960xf32, #tpu.memory_space<hbm>>
    %dma_start3A_21 = tpu.memref_slice %arg2[%add3A_20] : memref<701440xf32, #tpu.memory_space<hbm>> -> memref<10960xf32, #tpu.memory_space<hbm>>
    tpu.enqueue_dma source(%dma_start3A_21 : memref<10960xf32, #tpu.memory_space<hbm>>) target(%arg6 : memref<10960xf32, #tpu.memory_space<vmem>>) target_semaphore(%arg13 : memref<!tpu.dma_semaphore, #tpu.memory_space<semaphore_mem>>)
    %dma_start3A_22 = tpu.memref_slice %arg3[%add3A_20] : memref<701440xf32, #tpu.memory_space<hbm>> -> memref<10960xf32, #tpu.memory_space<hbm>>
    %dma_start3A_23 = tpu.memref_slice %arg3[%add3A_20] : memref<701440xf32, #tpu.memory_space<hbm>> -> memref<10960xf32, #tpu.memory_space<hbm>>
    tpu.enqueue_dma source(%dma_start3A_23 : memref<10960xf32, #tpu.memory_space<hbm>>) target(%arg8 : memref<10960xf32, #tpu.memory_space<vmem>>) target_semaphore(%arg13 : memref<!tpu.dma_semaphore, #tpu.memory_space<semaphore_mem>>)
    %add3A_24 = arith.constant 898560 : i32
    %add3A_25 = arith.addi %add3A_24, %add3A_20 : i32
    %dma_start3A_26 = tpu.memref_slice %arg4[%add3A_25] : memref<1600000xi32, #tpu.memory_space<hbm>> -> memref<10960xi32, #tpu.memory_space<hbm>>
    %dma_start3A_27 = tpu.memref_slice %arg4[%add3A_25] : memref<1600000xi32, #tpu.memory_space<hbm>> -> memref<10960xi32, #tpu.memory_space<hbm>>
    tpu.enqueue_dma source(%dma_start3A_27 : memref<10960xi32, #tpu.memory_space<hbm>>) target(%arg10 : memref<10960xi32, #tpu.memory_space<vmem>>) target_semaphore(%arg13 : memref<!tpu.dma_semaphore, #tpu.memory_space<semaphore_mem>>)
    %dma_wait3A = tpu.memref_slice %arg2[%add3A_20] : memref<701440xf32, #tpu.memory_space<hbm>> -> memref<10960xf32, #tpu.memory_space<hbm>>
    %dma_wait3A_28 = tpu.memref_slice %arg2[%add3A_20] : memref<701440xf32, #tpu.memory_space<hbm>> -> memref<10960xf32, #tpu.memory_space<hbm>>
    tpu.wait_dma2 semaphore(%arg13 : memref<!tpu.dma_semaphore, #tpu.memory_space<semaphore_mem>>) src(%dma_wait3A_28 : memref<10960xf32, #tpu.memory_space<hbm>>) dst(%arg6 : memref<10960xf32, #tpu.memory_space<vmem>>)
    %dma_wait3A_29 = tpu.memref_slice %arg3[%add3A_20] : memref<701440xf32, #tpu.memory_space<hbm>> -> memref<10960xf32, #tpu.memory_space<hbm>>
    %dma_wait3A_30 = tpu.memref_slice %arg3[%add3A_20] : memref<701440xf32, #tpu.memory_space<hbm>> -> memref<10960xf32, #tpu.memory_space<hbm>>
    tpu.wait_dma2 semaphore(%arg13 : memref<!tpu.dma_semaphore, #tpu.memory_space<semaphore_mem>>) src(%dma_wait3A_30 : memref<10960xf32, #tpu.memory_space<hbm>>) dst(%arg8 : memref<10960xf32, #tpu.memory_space<vmem>>)
    %dma_wait3A_31 = tpu.memref_slice %arg4[%add3A_25] : memref<1600000xi32, #tpu.memory_space<hbm>> -> memref<10960xi32, #tpu.memory_space<hbm>>
    %dma_wait3A_32 = tpu.memref_slice %arg4[%add3A_25] : memref<1600000xi32, #tpu.memory_space<hbm>> -> memref<10960xi32, #tpu.memory_space<hbm>>
    tpu.wait_dma2 semaphore(%arg13 : memref<!tpu.dma_semaphore, #tpu.memory_space<semaphore_mem>>) src(%dma_wait3A_32 : memref<10960xi32, #tpu.memory_space<hbm>>) dst(%arg10 : memref<10960xi32, #tpu.memory_space<vmem>>)
    %add3A_33 = arith.constant 10960 : i32
    %add3A_34 = arith.addi %mul3A_2, %add3A_33 : i32
    %dma_start3A_35 = tpu.memref_slice %arg2[%add3A_34] : memref<701440xf32, #tpu.memory_space<hbm>> -> memref<10960xf32, #tpu.memory_space<hbm>>
    %dma_start3A_36 = tpu.memref_slice %arg2[%add3A_34] : memref<701440xf32, #tpu.memory_space<hbm>> -> memref<10960xf32, #tpu.memory_space<hbm>>
    tpu.enqueue_dma source(%dma_start3A_36 : memref<10960xf32, #tpu.memory_space<hbm>>) target(%arg7 : memref<10960xf32, #tpu.memory_space<vmem>>) target_semaphore(%arg14 : memref<!tpu.dma_semaphore, #tpu.memory_space<semaphore_mem>>)
    %dma_start3A_37 = tpu.memref_slice %arg3[%add3A_34] : memref<701440xf32, #tpu.memory_space<hbm>> -> memref<10960xf32, #tpu.memory_space<hbm>>
    %dma_start3A_38 = tpu.memref_slice %arg3[%add3A_34] : memref<701440xf32, #tpu.memory_space<hbm>> -> memref<10960xf32, #tpu.memory_space<hbm>>
    tpu.enqueue_dma source(%dma_start3A_38 : memref<10960xf32, #tpu.memory_space<hbm>>) target(%arg9 : memref<10960xf32, #tpu.memory_space<vmem>>) target_semaphore(%arg14 : memref<!tpu.dma_semaphore, #tpu.memory_space<semaphore_mem>>)
    %add3A_39 = arith.constant 898560 : i32
    %add3A_40 = arith.addi %add3A_39, %add3A_34 : i32
    %dma_start3A_41 = tpu.memref_slice %arg4[%add3A_40] : memref<1600000xi32, #tpu.memory_space<hbm>> -> memref<10960xi32, #tpu.memory_space<hbm>>
    %dma_start3A_42 = tpu.memref_slice %arg4[%add3A_40] : memref<1600000xi32, #tpu.memory_space<hbm>> -> memref<10960xi32, #tpu.memory_space<hbm>>
    tpu.enqueue_dma source(%dma_start3A_42 : memref<10960xi32, #tpu.memory_space<hbm>>) target(%arg11 : memref<10960xi32, #tpu.memory_space<vmem>>) target_semaphore(%arg14 : memref<!tpu.dma_semaphore, #tpu.memory_space<semaphore_mem>>)
    %scan3A_43 = arith.constant 0 : i32
    %scan3A_44 = arith.constant 0.000000e+00 : f32
    %scan3A_45 = arith.constant 0 : i32
    %scan3A_46 = arith.constant 137 : i32
    %scan3A_47 = arith.addi %scan3A_45, %scan3A_46 : i32
    %scan3A_48 = arith.constant 1 : i32
    %scan3A_49:4 = scf.for %scan3A_81 = %scan3A_45 to %scan3A_47 step %scan3A_48 iter_args(%scan3A_82 = %scan3A_43, %scan3A_83 = %scan3A_44, %scan3A_84 = %broadcast_in_dim3A_13, %scan3A_85 = %broadcast_in_dim3A_13) -> (i32, f32, vector<16xf32>, vector<16xf32>)  : i32 {
      %mul3A_86 = arith.constant 80 : i32
      %mul3A_87 = arith.muli %scan3A_81, %mul3A_86 : i32
      %add3A_88 = arith.constant 80 : i32
      %add3A_89 = arith.addi %mul3A_87, %add3A_88 : i32
      %sub3A = arith.constant 16 : i32
      %sub3A_90 = arith.subi %add3A_89, %sub3A : i32
      %get3A = arith.index_cast %sub3A_90 : i32 to index
      %get3A_91 = tpu.vector_load %arg10[%get3A] {strides = array<i32>} : memref<10960xi32, #tpu.memory_space<vmem>>, vector<16xi32>,
      %slice3A = vector.extract_strided_slice %get3A_91 {offsets = [15], sizes = [1], strides = [1]} : vector<16xi32> to vector<1xi32>
      %squeeze3A = vector.extract %slice3A[0] : i32 from vector<1xi32>
      %eq3A_92 = arith.cmpi eq, %squeeze3A, %scan3A_82 : i32
      %convert_element_type3A = arith.extui %eq3A_92 : i1 to i32
      %cond3A = arith.constant 0 : i32
      %cond3A_93 = arith.cmpi ne, %convert_element_type3A, %cond3A : i32
      %cond3A_94:4 = scf.if %cond3A_93 -> (i32, f32, vector<16xf32>, vector<16xf32>) {
        %add3A_95 = arith.constant 0 : i32
        %add3A_96 = arith.addi %mul3A_87, %add3A_95 : i32
        %get3A_97 = arith.index_cast %add3A_96 : i32 to index
        %get3A_98 = tpu.vector_load %arg6[%get3A_97] {strides = array<i32>} : memref<10960xf32, #tpu.memory_space<vmem>>, vector<16xf32>,
        %add3A_99 = arith.constant 16 : i32
        %add3A_100 = arith.addi %mul3A_87, %add3A_99 : i32
        %get3A_101 = arith.index_cast %add3A_100 : i32 to index
        %get3A_102 = tpu.vector_load %arg6[%get3A_101] {strides = array<i32>} : memref<10960xf32, #tpu.memory_space<vmem>>, vector<16xf32>,
        %add3A_103 = arith.constant 32 : i32
        %add3A_104 = arith.addi %mul3A_87, %add3A_103 : i32
        %get3A_105 = arith.index_cast %add3A_104 : i32 to index
        %get3A_106 = tpu.vector_load %arg6[%get3A_105] {strides = array<i32>} : memref<10960xf32, #tpu.memory_space<vmem>>, vector<16xf32>,
        %add3A_107 = arith.constant 48 : i32
        %add3A_108 = arith.addi %mul3A_87, %add3A_107 : i32
        %get3A_109 = arith.index_cast %add3A_108 : i32 to index
        %get3A_110 = tpu.vector_load %arg6[%get3A_109] {strides = array<i32>} : memref<10960xf32, #tpu.memory_space<vmem>>, vector<16xf32>,
        %add3A_111 = arith.constant 64 : i32
        %add3A_112 = arith.addi %mul3A_87, %add3A_111 : i32
        %get3A_113 = arith.index_cast %add3A_112 : i32 to index
        %get3A_114 = tpu.vector_load %arg6[%get3A_113] {strides = array<i32>} : memref<10960xf32, #tpu.memory_space<vmem>>, vector<16xf32>,
        %add3A_115 = arith.constant 0 : i32
        %add3A_116 = arith.addi %mul3A_87, %add3A_115 : i32
        %get3A_117 = arith.index_cast %add3A_116 : i32 to index
        %get3A_118 = tpu.vector_load %arg8[%get3A_117] {strides = array<i32>} : memref<10960xf32, #tpu.memory_space<vmem>>, vector<16xf32>,
        %add3A_119 = arith.constant 16 : i32
        %add3A_120 = arith.addi %mul3A_87, %add3A_119 : i32
        %get3A_121 = arith.index_cast %add3A_120 : i32 to index
        %get3A_122 = tpu.vector_load %arg8[%get3A_121] {strides = array<i32>} : memref<10960xf32, #tpu.memory_space<vmem>>, vector<16xf32>,
        %add3A_123 = arith.constant 32 : i32
        %add3A_124 = arith.addi %mul3A_87, %add3A_123 : i32
        %get3A_125 = arith.index_cast %add3A_124 : i32 to index
        %get3A_126 = tpu.vector_load %arg8[%get3A_125] {strides = array<i32>} : memref<10960xf32, #tpu.memory_space<vmem>>, vector<16xf32>,
        %add3A_127 = arith.constant 48 : i32
        %add3A_128 = arith.addi %mul3A_87, %add3A_127 : i32
        %get3A_129 = arith.index_cast %add3A_128 : i32 to index
        %get3A_130 = tpu.vector_load %arg8[%get3A_129] {strides = array<i32>} : memref<10960xf32, #tpu.memory_space<vmem>>, vector<16xf32>,
        %add3A_131 = arith.constant 64 : i32
        %add3A_132 = arith.addi %mul3A_87, %add3A_131 : i32
        %get3A_133 = arith.index_cast %add3A_132 : i32 to index
        %get3A_134 = tpu.vector_load %arg8[%get3A_133] {strides = array<i32>} : memref<10960xf32, #tpu.memory_space<vmem>>, vector<16xf32>,
        %add3A_135 = arith.addf %get3A_98, %get3A_102 : vector<16xf32>
        %add3A_136 = arith.addf %get3A_106, %get3A_110 : vector<16xf32>
        %add3A_137 = arith.addf %add3A_135, %add3A_136 : vector<16xf32>
        %add3A_138 = arith.addf %add3A_137, %get3A_114 : vector<16xf32>
        %add3A_139 = arith.addf %get3A_118, %get3A_122 : vector<16xf32>
        %add3A_140 = arith.addf %get3A_126, %get3A_130 : vector<16xf32>
        %add3A_141 = arith.addf %add3A_139, %add3A_140 : vector<16xf32>
        %add3A_142 = arith.addf %add3A_141, %get3A_134 : vector<16xf32>
        %add3A_143 = arith.constant 8.000000e+01 : f32
        %add3A_144 = arith.addf %scan3A_83, %add3A_143 : f32
        %add3A_145 = arith.addf %scan3A_84, %add3A_138 : vector<16xf32>
        %add3A_146 = arith.addf %scan3A_85, %add3A_142 : vector<16xf32>
        scf.yield %scan3A_82, %add3A_144, %add3A_145, %add3A_146 : i32, f32, vector<16xf32>, vector<16xf32>
      } else {
        %add3A_95 = arith.constant 0 : i32
        %add3A_96 = arith.addi %mul3A_87, %add3A_95 : i32
        %get3A_97 = arith.index_cast %add3A_96 : i32 to index
        %get3A_98 = tpu.vector_load %arg10[%get3A_97] {strides = array<i32>} : memref<10960xi32, #tpu.memory_space<vmem>>, vector<16xi32>,
        %slice3A_99 = vector.extract_strided_slice %get3A_98 {offsets = [15], sizes = [1], strides = [1]} : vector<16xi32> to vector<1xi32>
        %squeeze3A_100 = vector.extract %slice3A_99[0] : i32 from vector<1xi32>
        %get3A_101 = arith.index_cast %add3A_96 : i32 to index
        %get3A_102 = tpu.vector_load %arg6[%get3A_101] {strides = array<i32>} : memref<10960xf32, #tpu.memory_space<vmem>>, vector<16xf32>,
        %get3A_103 = arith.index_cast %add3A_96 : i32 to index
        %get3A_104 = tpu.vector_load %arg8[%get3A_103] {strides = array<i32>} : memref<10960xf32, #tpu.memory_space<vmem>>, vector<16xf32>,
        %eq3A_105 = arith.cmpi eq, %squeeze3A_100, %scan3A_82 : i32
        %convert_element_type3A_106 = arith.extui %eq3A_105 : i1 to i32
        %cond3A_107 = arith.constant 0 : i32
        %cond3A_108 = arith.cmpi ne, %convert_element_type3A_106, %cond3A_107 : i32
        %cond3A_109:4 = scf.if %cond3A_108 -> (i32, f32, vector<16xf32>, vector<16xf32>) {
          %add3A_170 = arith.constant 1.600000e+01 : f32
          %add3A_171 = arith.addf %scan3A_83, %add3A_170 : f32
          %add3A_172 = arith.addf %scan3A_84, %get3A_102 : vector<16xf32>
          %add3A_173 = arith.addf %scan3A_85, %get3A_104 : vector<16xf32>
          scf.yield %scan3A_82, %add3A_171, %add3A_172, %add3A_173 : i32, f32, vector<16xf32>, vector<16xf32>
        } else {
          %reduce_sum3A_170 = arith.constant true
          %reduce_sum3A_171 = vector.broadcast %reduce_sum3A_170 : i1 to vector<16xi1>
          %reduce_sum3A_172 = tpu.scan <sum>, %scan3A_84 masked %reduce_sum3A_171 : vector<16xf32>, vector<16xi1> -> vector<16xf32>
          %reduce_sum3A_173 = vector.extract %reduce_sum3A_172[15] : f32 from vector<16xf32>
          %reduce_sum3A_174 = arith.constant true
          %reduce_sum3A_175 = vector.broadcast %reduce_sum3A_174 : i1 to vector<16xi1>
          %reduce_sum3A_176 = tpu.scan <sum>, %scan3A_85 masked %reduce_sum3A_175 : vector<16xf32>, vector<16xi1> -> vector<16xf32>
          %reduce_sum3A_177 = vector.extract %reduce_sum3A_176[15] : f32 from vector<16xf32>
          %eq3A_178 = arith.constant 0 : i32
          %eq3A_179 = vector.broadcast %eq3A_178 : i32 to vector<16xi32>
          %eq3A_180 = arith.cmpi eq, %iota3A, %eq3A_179 : vector<16xi32>
          %eq3A_181 = arith.constant 1 : i32
          %eq3A_182 = vector.broadcast %eq3A_181 : i32 to vector<16xi32>
          %eq3A_183 = arith.cmpi eq, %iota3A, %eq3A_182 : vector<16xi32>
          %broadcast_in_dim3A_184 = vector.broadcast %reduce_sum3A_177 : f32 to vector<16xf32>
          %broadcast_in_dim3A_185 = vector.broadcast %scan3A_83 : f32 to vector<16xf32>
          %select_n3A_186 = arith.select %eq3A_183, %broadcast_in_dim3A_184, %broadcast_in_dim3A_185 : vector<16xi1>, vector<16xf32>
          %broadcast_in_dim3A_187 = vector.broadcast %reduce_sum3A_173 : f32 to vector<16xf32>
          %select_n3A_188 = arith.select %eq3A_180, %broadcast_in_dim3A_187, %select_n3A_186 : vector<16xi1>, vector<16xf32>
          %add3A_189 = vector.broadcast %scan3A_82 : i32 to vector<16xi32>
          %add3A_190 = arith.addi %add3A_189, %mul3A_18 : vector<16xi32>
          tpu.vector_store_idx %arg12[%add3A_190], %select_n3A_188 masked %lt3A_15 {add = true} : memref<6144xf32, #tpu.memory_space<vmem>>[vector<16xi32>], vector<16xf32>, vector<16xi1>
          %slice3A_191 = vector.extract_strided_slice %get3A_98 {offsets = [0], sizes = [1], strides = [1]} : vector<16xi32> to vector<1xi32>
          %squeeze3A_192 = vector.extract %slice3A_191[0] : i32 from vector<1xi32>
          %eq3A_193 = arith.cmpi eq, %squeeze3A_192, %squeeze3A_100 : i32
          %convert_element_type3A_194 = arith.extui %eq3A_193 : i1 to i32
          %cond3A_195 = arith.constant 0 : i32
          %cond3A_196 = arith.constant 0 : i32
          %cond3A_197 = arith.cmpi ne, %convert_element_type3A_194, %cond3A_196 : i32
          %cond3A_198:3 = scf.if %cond3A_197 -> (f32, vector<16xf32>, vector<16xf32>) {
            %cond3A_199 = arith.constant 1.600000e+01 : f32
            scf.yield %cond3A_199, %get3A_102, %get3A_104 : f32, vector<16xf32>, vector<16xf32>
          } else {
            tpu.vector_store_idx %arg12[%get3A_98], %get3A_102 {add = true} : memref<6144xf32, #tpu.memory_space<vmem>>[vector<16xi32>], vector<16xf32>,
            %add3A_199 = arith.constant 2048 : i32
            %add3A_200 = vector.broadcast %add3A_199 : i32 to vector<16xi32>
            %add3A_201 = arith.addi %get3A_98, %add3A_200 : vector<16xi32>
            tpu.vector_store_idx %arg12[%add3A_201], %get3A_104 {add = true} : memref<6144xf32, #tpu.memory_space<vmem>>[vector<16xi32>], vector<16xf32>,
            %add3A_202 = arith.constant 4096 : i32
            %add3A_203 = vector.broadcast %add3A_202 : i32 to vector<16xi32>
            %add3A_204 = arith.addi %get3A_98, %add3A_203 : vector<16xi32>
            tpu.vector_store_idx %arg12[%add3A_204], %broadcast_in_dim3A_11 {add = true} : memref<6144xf32, #tpu.memory_space<vmem>>[vector<16xi32>], vector<16xf32>,
            %cond3A_205 = arith.constant 0.000000e+00 : f32
            scf.yield %cond3A_205, %broadcast_in_dim3A_13, %broadcast_in_dim3A_13 : f32, vector<16xf32>, vector<16xf32>
          }
          scf.yield %squeeze3A_100, %cond3A_198#0, %cond3A_198#1, %cond3A_198#2 : i32, f32, vector<16xf32>, vector<16xf32>
        }
        %add3A_110 = arith.constant 16 : i32
        %add3A_111 = arith.addi %mul3A_87, %add3A_110 : i32
        %get3A_112 = arith.index_cast %add3A_111 : i32 to index
        %get3A_113 = tpu.vector_load %arg10[%get3A_112] {strides = array<i32>} : memref<10960xi32, #tpu.memory_space<vmem>>, vector<16xi32>,
        %slice3A_114 = vector.extract_strided_slice %get3A_113 {offsets = [15], sizes = [1], strides = [1]} : vector<16xi32> to vector<1xi32>
        %squeeze3A_115 = vector.extract %slice3A_114[0] : i32 from vector<1xi32>
        %get3A_116 = arith.index_cast %add3A_111 : i32 to index
        %get3A_117 = tpu.vector_load %arg6[%get3A_116] {strides = array<i32>} : memref<10960xf32, #tpu.memory_space<vmem>>, vector<16xf32>,
        %get3A_118 = arith.index_cast %add3A_111 : i32 to index
        %get3A_119 = tpu.vector_load %arg8[%get3A_118] {strides = array<i32>} : memref<10960xf32, #tpu.memory_space<vmem>>, vector<16xf32>,
        %eq3A_120 = arith.cmpi eq, %squeeze3A_115, %cond3A_109#0 : i32
        %convert_element_type3A_121 = arith.extui %eq3A_120 : i1 to i32
        %cond3A_122 = arith.constant 0 : i32
        %cond3A_123 = arith.cmpi ne, %convert_element_type3A_121, %cond3A_122 : i32
        %cond3A_124:4 = scf.if %cond3A_123 -> (i32, f32, vector<16xf32>, vector<16xf32>) {
          %add3A_170 = arith.constant 1.600000e+01 : f32
          %add3A_171 = arith.addf %cond3A_109#1, %add3A_170 : f32
          %add3A_172 = arith.addf %cond3A_109#2, %get3A_117 : vector<16xf32>
          %add3A_173 = arith.addf %cond3A_109#3, %get3A_119 : vector<16xf32>
          scf.yield %cond3A_109#0, %add3A_171, %add3A_172, %add3A_173 : i32, f32, vector<16xf32>, vector<16xf32>
        } else {
          %reduce_sum3A_170 = arith.constant true
          %reduce_sum3A_171 = vector.broadcast %reduce_sum3A_170 : i1 to vector<16xi1>
          %reduce_sum3A_172 = tpu.scan <sum>, %cond3A_109#2 masked %reduce_sum3A_171 : vector<16xf32>, vector<16xi1> -> vector<16xf32>
          %reduce_sum3A_173 = vector.extract %reduce_sum3A_172[15] : f32 from vector<16xf32>
          %reduce_sum3A_174 = arith.constant true
          %reduce_sum3A_175 = vector.broadcast %reduce_sum3A_174 : i1 to vector<16xi1>
          %reduce_sum3A_176 = tpu.scan <sum>, %cond3A_109#3 masked %reduce_sum3A_175 : vector<16xf32>, vector<16xi1> -> vector<16xf32>
          %reduce_sum3A_177 = vector.extract %reduce_sum3A_176[15] : f32 from vector<16xf32>
          %eq3A_178 = arith.constant 0 : i32
          %eq3A_179 = vector.broadcast %eq3A_178 : i32 to vector<16xi32>
          %eq3A_180 = arith.cmpi eq, %iota3A, %eq3A_179 : vector<16xi32>
          %eq3A_181 = arith.constant 1 : i32
          %eq3A_182 = vector.broadcast %eq3A_181 : i32 to vector<16xi32>
          %eq3A_183 = arith.cmpi eq, %iota3A, %eq3A_182 : vector<16xi32>
          %broadcast_in_dim3A_184 = vector.broadcast %reduce_sum3A_177 : f32 to vector<16xf32>
          %broadcast_in_dim3A_185 = vector.broadcast %cond3A_109#1 : f32 to vector<16xf32>
          %select_n3A_186 = arith.select %eq3A_183, %broadcast_in_dim3A_184, %broadcast_in_dim3A_185 : vector<16xi1>, vector<16xf32>
          %broadcast_in_dim3A_187 = vector.broadcast %reduce_sum3A_173 : f32 to vector<16xf32>
          %select_n3A_188 = arith.select %eq3A_180, %broadcast_in_dim3A_187, %select_n3A_186 : vector<16xi1>, vector<16xf32>
          %add3A_189 = vector.broadcast %cond3A_109#0 : i32 to vector<16xi32>
          %add3A_190 = arith.addi %add3A_189, %mul3A_18 : vector<16xi32>
          tpu.vector_store_idx %arg12[%add3A_190], %select_n3A_188 masked %lt3A_15 {add = true} : memref<6144xf32, #tpu.memory_space<vmem>>[vector<16xi32>], vector<16xf32>, vector<16xi1>
          %slice3A_191 = vector.extract_strided_slice %get3A_113 {offsets = [0], sizes = [1], strides = [1]} : vector<16xi32> to vector<1xi32>
          %squeeze3A_192 = vector.extract %slice3A_191[0] : i32 from vector<1xi32>
          %eq3A_193 = arith.cmpi eq, %squeeze3A_192, %squeeze3A_115 : i32
          %convert_element_type3A_194 = arith.extui %eq3A_193 : i1 to i32
          %cond3A_195 = arith.constant 0 : i32
          %cond3A_196 = arith.constant 0 : i32
          %cond3A_197 = arith.cmpi ne, %convert_element_type3A_194, %cond3A_196 : i32
          %cond3A_198:3 = scf.if %cond3A_197 -> (f32, vector<16xf32>, vector<16xf32>) {
            %cond3A_199 = arith.constant 1.600000e+01 : f32
            scf.yield %cond3A_199, %get3A_117, %get3A_119 : f32, vector<16xf32>, vector<16xf32>
          } else {
            tpu.vector_store_idx %arg12[%get3A_113], %get3A_117 {add = true} : memref<6144xf32, #tpu.memory_space<vmem>>[vector<16xi32>], vector<16xf32>,
            %add3A_199 = arith.constant 2048 : i32
            %add3A_200 = vector.broadcast %add3A_199 : i32 to vector<16xi32>
            %add3A_201 = arith.addi %get3A_113, %add3A_200 : vector<16xi32>
            tpu.vector_store_idx %arg12[%add3A_201], %get3A_119 {add = true} : memref<6144xf32, #tpu.memory_space<vmem>>[vector<16xi32>], vector<16xf32>,
            %add3A_202 = arith.constant 4096 : i32
            %add3A_203 = vector.broadcast %add3A_202 : i32 to vector<16xi32>
            %add3A_204 = arith.addi %get3A_113, %add3A_203 : vector<16xi32>
            tpu.vector_store_idx %arg12[%add3A_204], %broadcast_in_dim3A_11 {add = true} : memref<6144xf32, #tpu.memory_space<vmem>>[vector<16xi32>], vector<16xf32>,
            %cond3A_205 = arith.constant 0.000000e+00 : f32
            scf.yield %cond3A_205, %broadcast_in_dim3A_13, %broadcast_in_dim3A_13 : f32, vector<16xf32>, vector<16xf32>
          }
          scf.yield %squeeze3A_115, %cond3A_198#0, %cond3A_198#1, %cond3A_198#2 : i32, f32, vector<16xf32>, vector<16xf32>
        }
        %add3A_125 = arith.constant 32 : i32
        %add3A_126 = arith.addi %mul3A_87, %add3A_125 : i32
        %get3A_127 = arith.index_cast %add3A_126 : i32 to index
        %get3A_128 = tpu.vector_load %arg10[%get3A_127] {strides = array<i32>} : memref<10960xi32, #tpu.memory_space<vmem>>, vector<16xi32>,
        %slice3A_129 = vector.extract_strided_slice %get3A_128 {offsets = [15], sizes = [1], strides = [1]} : vector<16xi32> to vector<1xi32>
        %squeeze3A_130 = vector.extract %slice3A_129[0] : i32 from vector<1xi32>
        %get3A_131 = arith.index_cast %add3A_126 : i32 to index
        %get3A_132 = tpu.vector_load %arg6[%get3A_131] {strides = array<i32>} : memref<10960xf32, #tpu.memory_space<vmem>>, vector<16xf32>,
        %get3A_133 = arith.index_cast %add3A_126 : i32 to index
        %get3A_134 = tpu.vector_load %arg8[%get3A_133] {strides = array<i32>} : memref<10960xf32, #tpu.memory_space<vmem>>, vector<16xf32>,
        %eq3A_135 = arith.cmpi eq, %squeeze3A_130, %cond3A_124#0 : i32
        %convert_element_type3A_136 = arith.extui %eq3A_135 : i1 to i32
        %cond3A_137 = arith.constant 0 : i32
        %cond3A_138 = arith.cmpi ne, %convert_element_type3A_136, %cond3A_137 : i32
        %cond3A_139:4 = scf.if %cond3A_138 -> (i32, f32, vector<16xf32>, vector<16xf32>) {
          %add3A_170 = arith.constant 1.600000e+01 : f32
          %add3A_171 = arith.addf %cond3A_124#1, %add3A_170 : f32
          %add3A_172 = arith.addf %cond3A_124#2, %get3A_132 : vector<16xf32>
          %add3A_173 = arith.addf %cond3A_124#3, %get3A_134 : vector<16xf32>
          scf.yield %cond3A_124#0, %add3A_171, %add3A_172, %add3A_173 : i32, f32, vector<16xf32>, vector<16xf32>
        } else {
          %reduce_sum3A_170 = arith.constant true
          %reduce_sum3A_171 = vector.broadcast %reduce_sum3A_170 : i1 to vector<16xi1>
          %reduce_sum3A_172 = tpu.scan <sum>, %cond3A_124#2 masked %reduce_sum3A_171 : vector<16xf32>, vector<16xi1> -> vector<16xf32>
          %reduce_sum3A_173 = vector.extract %reduce_sum3A_172[15] : f32 from vector<16xf32>
          %reduce_sum3A_174 = arith.constant true
          %reduce_sum3A_175 = vector.broadcast %reduce_sum3A_174 : i1 to vector<16xi1>
          %reduce_sum3A_176 = tpu.scan <sum>, %cond3A_124#3 masked %reduce_sum3A_175 : vector<16xf32>, vector<16xi1> -> vector<16xf32>
          %reduce_sum3A_177 = vector.extract %reduce_sum3A_176[15] : f32 from vector<16xf32>
          %eq3A_178 = arith.constant 0 : i32
          %eq3A_179 = vector.broadcast %eq3A_178 : i32 to vector<16xi32>
          %eq3A_180 = arith.cmpi eq, %iota3A, %eq3A_179 : vector<16xi32>
          %eq3A_181 = arith.constant 1 : i32
          %eq3A_182 = vector.broadcast %eq3A_181 : i32 to vector<16xi32>
          %eq3A_183 = arith.cmpi eq, %iota3A, %eq3A_182 : vector<16xi32>
          %broadcast_in_dim3A_184 = vector.broadcast %reduce_sum3A_177 : f32 to vector<16xf32>
          %broadcast_in_dim3A_185 = vector.broadcast %cond3A_124#1 : f32 to vector<16xf32>
          %select_n3A_186 = arith.select %eq3A_183, %broadcast_in_dim3A_184, %broadcast_in_dim3A_185 : vector<16xi1>, vector<16xf32>
          %broadcast_in_dim3A_187 = vector.broadcast %reduce_sum3A_173 : f32 to vector<16xf32>
          %select_n3A_188 = arith.select %eq3A_180, %broadcast_in_dim3A_187, %select_n3A_186 : vector<16xi1>, vector<16xf32>
          %add3A_189 = vector.broadcast %cond3A_124#0 : i32 to vector<16xi32>
          %add3A_190 = arith.addi %add3A_189, %mul3A_18 : vector<16xi32>
          tpu.vector_store_idx %arg12[%add3A_190], %select_n3A_188 masked %lt3A_15 {add = true} : memref<6144xf32, #tpu.memory_space<vmem>>[vector<16xi32>], vector<16xf32>, vector<16xi1>
          %slice3A_191 = vector.extract_strided_slice %get3A_128 {offsets = [0], sizes = [1], strides = [1]} : vector<16xi32> to vector<1xi32>
          %squeeze3A_192 = vector.extract %slice3A_191[0] : i32 from vector<1xi32>
          %eq3A_193 = arith.cmpi eq, %squeeze3A_192, %squeeze3A_130 : i32
          %convert_element_type3A_194 = arith.extui %eq3A_193 : i1 to i32
          %cond3A_195 = arith.constant 0 : i32
          %cond3A_196 = arith.constant 0 : i32
          %cond3A_197 = arith.cmpi ne, %convert_element_type3A_194, %cond3A_196 : i32
          %cond3A_198:3 = scf.if %cond3A_197 -> (f32, vector<16xf32>, vector<16xf32>) {
            %cond3A_199 = arith.constant 1.600000e+01 : f32
            scf.yield %cond3A_199, %get3A_132, %get3A_134 : f32, vector<16xf32>, vector<16xf32>
          } else {
            tpu.vector_store_idx %arg12[%get3A_128], %get3A_132 {add = true} : memref<6144xf32, #tpu.memory_space<vmem>>[vector<16xi32>], vector<16xf32>,
            %add3A_199 = arith.constant 2048 : i32
            %add3A_200 = vector.broadcast %add3A_199 : i32 to vector<16xi32>
            %add3A_201 = arith.addi %get3A_128, %add3A_200 : vector<16xi32>
            tpu.vector_store_idx %arg12[%add3A_201], %get3A_134 {add = true} : memref<6144xf32, #tpu.memory_space<vmem>>[vector<16xi32>], vector<16xf32>,
            %add3A_202 = arith.constant 4096 : i32
            %add3A_203 = vector.broadcast %add3A_202 : i32 to vector<16xi32>
            %add3A_204 = arith.addi %get3A_128, %add3A_203 : vector<16xi32>
            tpu.vector_store_idx %arg12[%add3A_204], %broadcast_in_dim3A_11 {add = true} : memref<6144xf32, #tpu.memory_space<vmem>>[vector<16xi32>], vector<16xf32>,
            %cond3A_205 = arith.constant 0.000000e+00 : f32
            scf.yield %cond3A_205, %broadcast_in_dim3A_13, %broadcast_in_dim3A_13 : f32, vector<16xf32>, vector<16xf32>
          }
          scf.yield %squeeze3A_130, %cond3A_198#0, %cond3A_198#1, %cond3A_198#2 : i32, f32, vector<16xf32>, vector<16xf32>
        }
        %add3A_140 = arith.constant 48 : i32
        %add3A_141 = arith.addi %mul3A_87, %add3A_140 : i32
        %get3A_142 = arith.index_cast %add3A_141 : i32 to index
        %get3A_143 = tpu.vector_load %arg10[%get3A_142] {strides = array<i32>} : memref<10960xi32, #tpu.memory_space<vmem>>, vector<16xi32>,
        %slice3A_144 = vector.extract_strided_slice %get3A_143 {offsets = [15], sizes = [1], strides = [1]} : vector<16xi32> to vector<1xi32>
        %squeeze3A_145 = vector.extract %slice3A_144[0] : i32 from vector<1xi32>
        %get3A_146 = arith.index_cast %add3A_141 : i32 to index
        %get3A_147 = tpu.vector_load %arg6[%get3A_146] {strides = array<i32>} : memref<10960xf32, #tpu.memory_space<vmem>>, vector<16xf32>,
        %get3A_148 = arith.index_cast %add3A_141 : i32 to index
        %get3A_149 = tpu.vector_load %arg8[%get3A_148] {strides = array<i32>} : memref<10960xf32, #tpu.memory_space<vmem>>, vector<16xf32>,
        %eq3A_150 = arith.cmpi eq, %squeeze3A_145, %cond3A_139#0 : i32
        %convert_element_type3A_151 = arith.extui %eq3A_150 : i1 to i32
        %cond3A_152 = arith.constant 0 : i32
        %cond3A_153 = arith.cmpi ne, %convert_element_type3A_151, %cond3A_152 : i32
        %cond3A_154:4 = scf.if %cond3A_153 -> (i32, f32, vector<16xf32>, vector<16xf32>) {
          %add3A_170 = arith.constant 1.600000e+01 : f32
          %add3A_171 = arith.addf %cond3A_139#1, %add3A_170 : f32
          %add3A_172 = arith.addf %cond3A_139#2, %get3A_147 : vector<16xf32>
          %add3A_173 = arith.addf %cond3A_139#3, %get3A_149 : vector<16xf32>
          scf.yield %cond3A_139#0, %add3A_171, %add3A_172, %add3A_173 : i32, f32, vector<16xf32>, vector<16xf32>
        } else {
          %reduce_sum3A_170 = arith.constant true
          %reduce_sum3A_171 = vector.broadcast %reduce_sum3A_170 : i1 to vector<16xi1>
          %reduce_sum3A_172 = tpu.scan <sum>, %cond3A_139#2 masked %reduce_sum3A_171 : vector<16xf32>, vector<16xi1> -> vector<16xf32>
          %reduce_sum3A_173 = vector.extract %reduce_sum3A_172[15] : f32 from vector<16xf32>
          %reduce_sum3A_174 = arith.constant true
          %reduce_sum3A_175 = vector.broadcast %reduce_sum3A_174 : i1 to vector<16xi1>
          %reduce_sum3A_176 = tpu.scan <sum>, %cond3A_139#3 masked %reduce_sum3A_175 : vector<16xf32>, vector<16xi1> -> vector<16xf32>
          %reduce_sum3A_177 = vector.extract %reduce_sum3A_176[15] : f32 from vector<16xf32>
          %eq3A_178 = arith.constant 0 : i32
          %eq3A_179 = vector.broadcast %eq3A_178 : i32 to vector<16xi32>
          %eq3A_180 = arith.cmpi eq, %iota3A, %eq3A_179 : vector<16xi32>
          %eq3A_181 = arith.constant 1 : i32
          %eq3A_182 = vector.broadcast %eq3A_181 : i32 to vector<16xi32>
          %eq3A_183 = arith.cmpi eq, %iota3A, %eq3A_182 : vector<16xi32>
          %broadcast_in_dim3A_184 = vector.broadcast %reduce_sum3A_177 : f32 to vector<16xf32>
          %broadcast_in_dim3A_185 = vector.broadcast %cond3A_139#1 : f32 to vector<16xf32>
          %select_n3A_186 = arith.select %eq3A_183, %broadcast_in_dim3A_184, %broadcast_in_dim3A_185 : vector<16xi1>, vector<16xf32>
          %broadcast_in_dim3A_187 = vector.broadcast %reduce_sum3A_173 : f32 to vector<16xf32>
          %select_n3A_188 = arith.select %eq3A_180, %broadcast_in_dim3A_187, %select_n3A_186 : vector<16xi1>, vector<16xf32>
          %add3A_189 = vector.broadcast %cond3A_139#0 : i32 to vector<16xi32>
          %add3A_190 = arith.addi %add3A_189, %mul3A_18 : vector<16xi32>
          tpu.vector_store_idx %arg12[%add3A_190], %select_n3A_188 masked %lt3A_15 {add = true} : memref<6144xf32, #tpu.memory_space<vmem>>[vector<16xi32>], vector<16xf32>, vector<16xi1>
          %slice3A_191 = vector.extract_strided_slice %get3A_143 {offsets = [0], sizes = [1], strides = [1]} : vector<16xi32> to vector<1xi32>
          %squeeze3A_192 = vector.extract %slice3A_191[0] : i32 from vector<1xi32>
          %eq3A_193 = arith.cmpi eq, %squeeze3A_192, %squeeze3A_145 : i32
          %convert_element_type3A_194 = arith.extui %eq3A_193 : i1 to i32
          %cond3A_195 = arith.constant 0 : i32
          %cond3A_196 = arith.constant 0 : i32
          %cond3A_197 = arith.cmpi ne, %convert_element_type3A_194, %cond3A_196 : i32
          %cond3A_198:3 = scf.if %cond3A_197 -> (f32, vector<16xf32>, vector<16xf32>) {
            %cond3A_199 = arith.constant 1.600000e+01 : f32
            scf.yield %cond3A_199, %get3A_147, %get3A_149 : f32, vector<16xf32>, vector<16xf32>
          } else {
            tpu.vector_store_idx %arg12[%get3A_143], %get3A_147 {add = true} : memref<6144xf32, #tpu.memory_space<vmem>>[vector<16xi32>], vector<16xf32>,
            %add3A_199 = arith.constant 2048 : i32
            %add3A_200 = vector.broadcast %add3A_199 : i32 to vector<16xi32>
            %add3A_201 = arith.addi %get3A_143, %add3A_200 : vector<16xi32>
            tpu.vector_store_idx %arg12[%add3A_201], %get3A_149 {add = true} : memref<6144xf32, #tpu.memory_space<vmem>>[vector<16xi32>], vector<16xf32>,
            %add3A_202 = arith.constant 4096 : i32
            %add3A_203 = vector.broadcast %add3A_202 : i32 to vector<16xi32>
            %add3A_204 = arith.addi %get3A_143, %add3A_203 : vector<16xi32>
            tpu.vector_store_idx %arg12[%add3A_204], %broadcast_in_dim3A_11 {add = true} : memref<6144xf32, #tpu.memory_space<vmem>>[vector<16xi32>], vector<16xf32>,
            %cond3A_205 = arith.constant 0.000000e+00 : f32
            scf.yield %cond3A_205, %broadcast_in_dim3A_13, %broadcast_in_dim3A_13 : f32, vector<16xf32>, vector<16xf32>
          }
          scf.yield %squeeze3A_145, %cond3A_198#0, %cond3A_198#1, %cond3A_198#2 : i32, f32, vector<16xf32>, vector<16xf32>
        }
        %add3A_155 = arith.constant 64 : i32
        %add3A_156 = arith.addi %mul3A_87, %add3A_155 : i32
        %get3A_157 = arith.index_cast %add3A_156 : i32 to index
        %get3A_158 = tpu.vector_load %arg10[%get3A_157] {strides = array<i32>} : memref<10960xi32, #tpu.memory_space<vmem>>, vector<16xi32>,
        %slice3A_159 = vector.extract_strided_slice %get3A_158 {offsets = [15], sizes = [1], strides = [1]} : vector<16xi32> to vector<1xi32>
        %squeeze3A_160 = vector.extract %slice3A_159[0] : i32 from vector<1xi32>
        %get3A_161 = arith.index_cast %add3A_156 : i32 to index
        %get3A_162 = tpu.vector_load %arg6[%get3A_161] {strides = array<i32>} : memref<10960xf32, #tpu.memory_space<vmem>>, vector<16xf32>,
        %get3A_163 = arith.index_cast %add3A_156 : i32 to index
        %get3A_164 = tpu.vector_load %arg8[%get3A_163] {strides = array<i32>} : memref<10960xf32, #tpu.memory_space<vmem>>, vector<16xf32>,
        %eq3A_165 = arith.cmpi eq, %squeeze3A_160, %cond3A_154#0 : i32
        %convert_element_type3A_166 = arith.extui %eq3A_165 : i1 to i32
        %cond3A_167 = arith.constant 0 : i32
        %cond3A_168 = arith.cmpi ne, %convert_element_type3A_166, %cond3A_167 : i32
        %cond3A_169:4 = scf.if %cond3A_168 -> (i32, f32, vector<16xf32>, vector<16xf32>) {
          %add3A_170 = arith.constant 1.600000e+01 : f32
          %add3A_171 = arith.addf %cond3A_154#1, %add3A_170 : f32
          %add3A_172 = arith.addf %cond3A_154#2, %get3A_162 : vector<16xf32>
          %add3A_173 = arith.addf %cond3A_154#3, %get3A_164 : vector<16xf32>
          scf.yield %cond3A_154#0, %add3A_171, %add3A_172, %add3A_173 : i32, f32, vector<16xf32>, vector<16xf32>
        } else {
          %reduce_sum3A_170 = arith.constant true
          %reduce_sum3A_171 = vector.broadcast %reduce_sum3A_170 : i1 to vector<16xi1>
          %reduce_sum3A_172 = tpu.scan <sum>, %cond3A_154#2 masked %reduce_sum3A_171 : vector<16xf32>, vector<16xi1> -> vector<16xf32>
          %reduce_sum3A_173 = vector.extract %reduce_sum3A_172[15] : f32 from vector<16xf32>
          %reduce_sum3A_174 = arith.constant true
          %reduce_sum3A_175 = vector.broadcast %reduce_sum3A_174 : i1 to vector<16xi1>
          %reduce_sum3A_176 = tpu.scan <sum>, %cond3A_154#3 masked %reduce_sum3A_175 : vector<16xf32>, vector<16xi1> -> vector<16xf32>
          %reduce_sum3A_177 = vector.extract %reduce_sum3A_176[15] : f32 from vector<16xf32>
          %eq3A_178 = arith.constant 0 : i32
          %eq3A_179 = vector.broadcast %eq3A_178 : i32 to vector<16xi32>
          %eq3A_180 = arith.cmpi eq, %iota3A, %eq3A_179 : vector<16xi32>
          %eq3A_181 = arith.constant 1 : i32
          %eq3A_182 = vector.broadcast %eq3A_181 : i32 to vector<16xi32>
          %eq3A_183 = arith.cmpi eq, %iota3A, %eq3A_182 : vector<16xi32>
          %broadcast_in_dim3A_184 = vector.broadcast %reduce_sum3A_177 : f32 to vector<16xf32>
          %broadcast_in_dim3A_185 = vector.broadcast %cond3A_154#1 : f32 to vector<16xf32>
          %select_n3A_186 = arith.select %eq3A_183, %broadcast_in_dim3A_184, %broadcast_in_dim3A_185 : vector<16xi1>, vector<16xf32>
          %broadcast_in_dim3A_187 = vector.broadcast %reduce_sum3A_173 : f32 to vector<16xf32>
          %select_n3A_188 = arith.select %eq3A_180, %broadcast_in_dim3A_187, %select_n3A_186 : vector<16xi1>, vector<16xf32>
          %add3A_189 = vector.broadcast %cond3A_154#0 : i32 to vector<16xi32>
          %add3A_190 = arith.addi %add3A_189, %mul3A_18 : vector<16xi32>
          tpu.vector_store_idx %arg12[%add3A_190], %select_n3A_188 masked %lt3A_15 {add = true} : memref<6144xf32, #tpu.memory_space<vmem>>[vector<16xi32>], vector<16xf32>, vector<16xi1>
          %slice3A_191 = vector.extract_strided_slice %get3A_158 {offsets = [0], sizes = [1], strides = [1]} : vector<16xi32> to vector<1xi32>
          %squeeze3A_192 = vector.extract %slice3A_191[0] : i32 from vector<1xi32>
          %eq3A_193 = arith.cmpi eq, %squeeze3A_192, %squeeze3A_160 : i32
          %convert_element_type3A_194 = arith.extui %eq3A_193 : i1 to i32
          %cond3A_195 = arith.constant 0 : i32
          %cond3A_196 = arith.constant 0 : i32
          %cond3A_197 = arith.cmpi ne, %convert_element_type3A_194, %cond3A_196 : i32
          %cond3A_198:3 = scf.if %cond3A_197 -> (f32, vector<16xf32>, vector<16xf32>) {
            %cond3A_199 = arith.constant 1.600000e+01 : f32
            scf.yield %cond3A_199, %get3A_162, %get3A_164 : f32, vector<16xf32>, vector<16xf32>
          } else {
            tpu.vector_store_idx %arg12[%get3A_158], %get3A_162 {add = true} : memref<6144xf32, #tpu.memory_space<vmem>>[vector<16xi32>], vector<16xf32>,
            %add3A_199 = arith.constant 2048 : i32
            %add3A_200 = vector.broadcast %add3A_199 : i32 to vector<16xi32>
            %add3A_201 = arith.addi %get3A_158, %add3A_200 : vector<16xi32>
            tpu.vector_store_idx %arg12[%add3A_201], %get3A_164 {add = true} : memref<6144xf32, #tpu.memory_space<vmem>>[vector<16xi32>], vector<16xf32>,
            %add3A_202 = arith.constant 4096 : i32
            %add3A_203 = vector.broadcast %add3A_202 : i32 to vector<16xi32>
            %add3A_204 = arith.addi %get3A_158, %add3A_203 : vector<16xi32>
            tpu.vector_store_idx %arg12[%add3A_204], %broadcast_in_dim3A_11 {add = true} : memref<6144xf32, #tpu.memory_space<vmem>>[vector<16xi32>], vector<16xf32>,
            %cond3A_205 = arith.constant 0.000000e+00 : f32
            scf.yield %cond3A_205, %broadcast_in_dim3A_13, %broadcast_in_dim3A_13 : f32, vector<16xf32>, vector<16xf32>
          }
          scf.yield %squeeze3A_160, %cond3A_198#0, %cond3A_198#1, %cond3A_198#2 : i32, f32, vector<16xf32>, vector<16xf32>
        }
        scf.yield %cond3A_169#0, %cond3A_169#1, %cond3A_169#2, %cond3A_169#3 : i32, f32, vector<16xf32>, vector<16xf32>
      }
      scf.yield %cond3A_94#0, %cond3A_94#1, %cond3A_94#2, %cond3A_94#3 : i32, f32, vector<16xf32>, vector<16xf32>
    }
    %scan3A_50 = arith.constant 137 : i32
    %dma_wait3A_51 = tpu.memref_slice %arg2[%add3A_34] : memref<701440xf32, #tpu.memory_space<hbm>> -> memref<10960xf32, #tpu.memory_space<hbm>>
    %dma_wait3A_52 = tpu.memref_slice %arg2[%add3A_34] : memref<701440xf32, #tpu.memory_space<hbm>> -> memref<10960xf32, #tpu.memory_space<hbm>>
    tpu.wait_dma2 semaphore(%arg14 : memref<!tpu.dma_semaphore, #tpu.memory_space<semaphore_mem>>) src(%dma_wait3A_52 : memref<10960xf32, #tpu.memory_space<hbm>>) dst(%arg7 : memref<10960xf32, #tpu.memory_space<vmem>>)
    %dma_wait3A_53 = tpu.memref_slice %arg3[%add3A_34] : memref<701440xf32, #tpu.memory_space<hbm>> -> memref<10960xf32, #tpu.memory_space<hbm>>
    %dma_wait3A_54 = tpu.memref_slice %arg3[%add3A_34] : memref<701440xf32, #tpu.memory_space<hbm>> -> memref<10960xf32, #tpu.memory_space<hbm>>
    tpu.wait_dma2 semaphore(%arg14 : memref<!tpu.dma_semaphore, #tpu.memory_space<semaphore_mem>>) src(%dma_wait3A_54 : memref<10960xf32, #tpu.memory_space<hbm>>) dst(%arg9 : memref<10960xf32, #tpu.memory_space<vmem>>)
    %dma_wait3A_55 = tpu.memref_slice %arg4[%add3A_40] : memref<1600000xi32, #tpu.memory_space<hbm>> -> memref<10960xi32, #tpu.memory_space<hbm>>
    %dma_wait3A_56 = tpu.memref_slice %arg4[%add3A_40] : memref<1600000xi32, #tpu.memory_space<hbm>> -> memref<10960xi32, #tpu.memory_space<hbm>>
    tpu.wait_dma2 semaphore(%arg14 : memref<!tpu.dma_semaphore, #tpu.memory_space<semaphore_mem>>) src(%dma_wait3A_56 : memref<10960xi32, #tpu.memory_space<hbm>>) dst(%arg11 : memref<10960xi32, #tpu.memory_space<vmem>>)
    %scan3A_57 = arith.constant 0 : i32
    %scan3A_58 = arith.constant 137 : i32
    %scan3A_59 = arith.addi %scan3A_57, %scan3A_58 : i32
    %scan3A_60 = arith.constant 1 : i32
    %scan3A_61:4 = scf.for %scan3A_81 = %scan3A_57 to %scan3A_59 step %scan3A_60 iter_args(%scan3A_82 = %scan3A_49#0, %scan3A_83 = %scan3A_49#1, %scan3A_84 = %scan3A_49#2, %scan3A_85 = %scan3A_49#3) -> (i32, f32, vector<16xf32>, vector<16xf32>)  : i32 {
      %mul3A_86 = arith.constant 80 : i32
      %mul3A_87 = arith.muli %scan3A_81, %mul3A_86 : i32
      %add3A_88 = arith.constant 80 : i32
      %add3A_89 = arith.addi %mul3A_87, %add3A_88 : i32
      %sub3A = arith.constant 16 : i32
      %sub3A_90 = arith.subi %add3A_89, %sub3A : i32
      %get3A = arith.index_cast %sub3A_90 : i32 to index
      %get3A_91 = tpu.vector_load %arg11[%get3A] {strides = array<i32>} : memref<10960xi32, #tpu.memory_space<vmem>>, vector<16xi32>,
      %slice3A = vector.extract_strided_slice %get3A_91 {offsets = [15], sizes = [1], strides = [1]} : vector<16xi32> to vector<1xi32>
      %squeeze3A = vector.extract %slice3A[0] : i32 from vector<1xi32>
      %eq3A_92 = arith.cmpi eq, %squeeze3A, %scan3A_82 : i32
      %convert_element_type3A = arith.extui %eq3A_92 : i1 to i32
      %cond3A = arith.constant 0 : i32
      %cond3A_93 = arith.cmpi ne, %convert_element_type3A, %cond3A : i32
      %cond3A_94:4 = scf.if %cond3A_93 -> (i32, f32, vector<16xf32>, vector<16xf32>) {
        %add3A_95 = arith.constant 0 : i32
        %add3A_96 = arith.addi %mul3A_87, %add3A_95 : i32
        %get3A_97 = arith.index_cast %add3A_96 : i32 to index
        %get3A_98 = tpu.vector_load %arg7[%get3A_97] {strides = array<i32>} : memref<10960xf32, #tpu.memory_space<vmem>>, vector<16xf32>,
        %add3A_99 = arith.constant 16 : i32
        %add3A_100 = arith.addi %mul3A_87, %add3A_99 : i32
        %get3A_101 = arith.index_cast %add3A_100 : i32 to index
        %get3A_102 = tpu.vector_load %arg7[%get3A_101] {strides = array<i32>} : memref<10960xf32, #tpu.memory_space<vmem>>, vector<16xf32>,
        %add3A_103 = arith.constant 32 : i32
        %add3A_104 = arith.addi %mul3A_87, %add3A_103 : i32
        %get3A_105 = arith.index_cast %add3A_104 : i32 to index
        %get3A_106 = tpu.vector_load %arg7[%get3A_105] {strides = array<i32>} : memref<10960xf32, #tpu.memory_space<vmem>>, vector<16xf32>,
        %add3A_107 = arith.constant 48 : i32
        %add3A_108 = arith.addi %mul3A_87, %add3A_107 : i32
        %get3A_109 = arith.index_cast %add3A_108 : i32 to index
        %get3A_110 = tpu.vector_load %arg7[%get3A_109] {strides = array<i32>} : memref<10960xf32, #tpu.memory_space<vmem>>, vector<16xf32>,
        %add3A_111 = arith.constant 64 : i32
        %add3A_112 = arith.addi %mul3A_87, %add3A_111 : i32
        %get3A_113 = arith.index_cast %add3A_112 : i32 to index
        %get3A_114 = tpu.vector_load %arg7[%get3A_113] {strides = array<i32>} : memref<10960xf32, #tpu.memory_space<vmem>>, vector<16xf32>,
        %add3A_115 = arith.constant 0 : i32
        %add3A_116 = arith.addi %mul3A_87, %add3A_115 : i32
        %get3A_117 = arith.index_cast %add3A_116 : i32 to index
        %get3A_118 = tpu.vector_load %arg9[%get3A_117] {strides = array<i32>} : memref<10960xf32, #tpu.memory_space<vmem>>, vector<16xf32>,
        %add3A_119 = arith.constant 16 : i32
        %add3A_120 = arith.addi %mul3A_87, %add3A_119 : i32
        %get3A_121 = arith.index_cast %add3A_120 : i32 to index
        %get3A_122 = tpu.vector_load %arg9[%get3A_121] {strides = array<i32>} : memref<10960xf32, #tpu.memory_space<vmem>>, vector<16xf32>,
        %add3A_123 = arith.constant 32 : i32
        %add3A_124 = arith.addi %mul3A_87, %add3A_123 : i32
        %get3A_125 = arith.index_cast %add3A_124 : i32 to index
        %get3A_126 = tpu.vector_load %arg9[%get3A_125] {strides = array<i32>} : memref<10960xf32, #tpu.memory_space<vmem>>, vector<16xf32>,
        %add3A_127 = arith.constant 48 : i32
        %add3A_128 = arith.addi %mul3A_87, %add3A_127 : i32
        %get3A_129 = arith.index_cast %add3A_128 : i32 to index
        %get3A_130 = tpu.vector_load %arg9[%get3A_129] {strides = array<i32>} : memref<10960xf32, #tpu.memory_space<vmem>>, vector<16xf32>,
        %add3A_131 = arith.constant 64 : i32
        %add3A_132 = arith.addi %mul3A_87, %add3A_131 : i32
        %get3A_133 = arith.index_cast %add3A_132 : i32 to index
        %get3A_134 = tpu.vector_load %arg9[%get3A_133] {strides = array<i32>} : memref<10960xf32, #tpu.memory_space<vmem>>, vector<16xf32>,
        %add3A_135 = arith.addf %get3A_98, %get3A_102 : vector<16xf32>
        %add3A_136 = arith.addf %get3A_106, %get3A_110 : vector<16xf32>
        %add3A_137 = arith.addf %add3A_135, %add3A_136 : vector<16xf32>
        %add3A_138 = arith.addf %add3A_137, %get3A_114 : vector<16xf32>
        %add3A_139 = arith.addf %get3A_118, %get3A_122 : vector<16xf32>
        %add3A_140 = arith.addf %get3A_126, %get3A_130 : vector<16xf32>
        %add3A_141 = arith.addf %add3A_139, %add3A_140 : vector<16xf32>
        %add3A_142 = arith.addf %add3A_141, %get3A_134 : vector<16xf32>
        %add3A_143 = arith.constant 8.000000e+01 : f32
        %add3A_144 = arith.addf %scan3A_83, %add3A_143 : f32
        %add3A_145 = arith.addf %scan3A_84, %add3A_138 : vector<16xf32>
        %add3A_146 = arith.addf %scan3A_85, %add3A_142 : vector<16xf32>
        scf.yield %scan3A_82, %add3A_144, %add3A_145, %add3A_146 : i32, f32, vector<16xf32>, vector<16xf32>
      } else {
        %add3A_95 = arith.constant 0 : i32
        %add3A_96 = arith.addi %mul3A_87, %add3A_95 : i32
        %get3A_97 = arith.index_cast %add3A_96 : i32 to index
        %get3A_98 = tpu.vector_load %arg11[%get3A_97] {strides = array<i32>} : memref<10960xi32, #tpu.memory_space<vmem>>, vector<16xi32>,
        %slice3A_99 = vector.extract_strided_slice %get3A_98 {offsets = [15], sizes = [1], strides = [1]} : vector<16xi32> to vector<1xi32>
        %squeeze3A_100 = vector.extract %slice3A_99[0] : i32 from vector<1xi32>
        %get3A_101 = arith.index_cast %add3A_96 : i32 to index
        %get3A_102 = tpu.vector_load %arg7[%get3A_101] {strides = array<i32>} : memref<10960xf32, #tpu.memory_space<vmem>>, vector<16xf32>,
        %get3A_103 = arith.index_cast %add3A_96 : i32 to index
        %get3A_104 = tpu.vector_load %arg9[%get3A_103] {strides = array<i32>} : memref<10960xf32, #tpu.memory_space<vmem>>, vector<16xf32>,
        %eq3A_105 = arith.cmpi eq, %squeeze3A_100, %scan3A_82 : i32
        %convert_element_type3A_106 = arith.extui %eq3A_105 : i1 to i32
        %cond3A_107 = arith.constant 0 : i32
        %cond3A_108 = arith.cmpi ne, %convert_element_type3A_106, %cond3A_107 : i32
        %cond3A_109:4 = scf.if %cond3A_108 -> (i32, f32, vector<16xf32>, vector<16xf32>) {
          %add3A_170 = arith.constant 1.600000e+01 : f32
          %add3A_171 = arith.addf %scan3A_83, %add3A_170 : f32
          %add3A_172 = arith.addf %scan3A_84, %get3A_102 : vector<16xf32>
          %add3A_173 = arith.addf %scan3A_85, %get3A_104 : vector<16xf32>
          scf.yield %scan3A_82, %add3A_171, %add3A_172, %add3A_173 : i32, f32, vector<16xf32>, vector<16xf32>
        } else {
          %reduce_sum3A_170 = arith.constant true
          %reduce_sum3A_171 = vector.broadcast %reduce_sum3A_170 : i1 to vector<16xi1>
          %reduce_sum3A_172 = tpu.scan <sum>, %scan3A_84 masked %reduce_sum3A_171 : vector<16xf32>, vector<16xi1> -> vector<16xf32>
          %reduce_sum3A_173 = vector.extract %reduce_sum3A_172[15] : f32 from vector<16xf32>
          %reduce_sum3A_174 = arith.constant true
          %reduce_sum3A_175 = vector.broadcast %reduce_sum3A_174 : i1 to vector<16xi1>
          %reduce_sum3A_176 = tpu.scan <sum>, %scan3A_85 masked %reduce_sum3A_175 : vector<16xf32>, vector<16xi1> -> vector<16xf32>
          %reduce_sum3A_177 = vector.extract %reduce_sum3A_176[15] : f32 from vector<16xf32>
          %eq3A_178 = arith.constant 0 : i32
          %eq3A_179 = vector.broadcast %eq3A_178 : i32 to vector<16xi32>
          %eq3A_180 = arith.cmpi eq, %iota3A, %eq3A_179 : vector<16xi32>
          %eq3A_181 = arith.constant 1 : i32
          %eq3A_182 = vector.broadcast %eq3A_181 : i32 to vector<16xi32>
          %eq3A_183 = arith.cmpi eq, %iota3A, %eq3A_182 : vector<16xi32>
          %broadcast_in_dim3A_184 = vector.broadcast %reduce_sum3A_177 : f32 to vector<16xf32>
          %broadcast_in_dim3A_185 = vector.broadcast %scan3A_83 : f32 to vector<16xf32>
          %select_n3A_186 = arith.select %eq3A_183, %broadcast_in_dim3A_184, %broadcast_in_dim3A_185 : vector<16xi1>, vector<16xf32>
          %broadcast_in_dim3A_187 = vector.broadcast %reduce_sum3A_173 : f32 to vector<16xf32>
          %select_n3A_188 = arith.select %eq3A_180, %broadcast_in_dim3A_187, %select_n3A_186 : vector<16xi1>, vector<16xf32>
          %add3A_189 = vector.broadcast %scan3A_82 : i32 to vector<16xi32>
          %add3A_190 = arith.addi %add3A_189, %mul3A_18 : vector<16xi32>
          tpu.vector_store_idx %arg12[%add3A_190], %select_n3A_188 masked %lt3A_15 {add = true} : memref<6144xf32, #tpu.memory_space<vmem>>[vector<16xi32>], vector<16xf32>, vector<16xi1>
          %slice3A_191 = vector.extract_strided_slice %get3A_98 {offsets = [0], sizes = [1], strides = [1]} : vector<16xi32> to vector<1xi32>
          %squeeze3A_192 = vector.extract %slice3A_191[0] : i32 from vector<1xi32>
          %eq3A_193 = arith.cmpi eq, %squeeze3A_192, %squeeze3A_100 : i32
          %convert_element_type3A_194 = arith.extui %eq3A_193 : i1 to i32
          %cond3A_195 = arith.constant 0 : i32
          %cond3A_196 = arith.constant 0 : i32
          %cond3A_197 = arith.cmpi ne, %convert_element_type3A_194, %cond3A_196 : i32
          %cond3A_198:3 = scf.if %cond3A_197 -> (f32, vector<16xf32>, vector<16xf32>) {
            %cond3A_199 = arith.constant 1.600000e+01 : f32
            scf.yield %cond3A_199, %get3A_102, %get3A_104 : f32, vector<16xf32>, vector<16xf32>
          } else {
            tpu.vector_store_idx %arg12[%get3A_98], %get3A_102 {add = true} : memref<6144xf32, #tpu.memory_space<vmem>>[vector<16xi32>], vector<16xf32>,
            %add3A_199 = arith.constant 2048 : i32
            %add3A_200 = vector.broadcast %add3A_199 : i32 to vector<16xi32>
            %add3A_201 = arith.addi %get3A_98, %add3A_200 : vector<16xi32>
            tpu.vector_store_idx %arg12[%add3A_201], %get3A_104 {add = true} : memref<6144xf32, #tpu.memory_space<vmem>>[vector<16xi32>], vector<16xf32>,
            %add3A_202 = arith.constant 4096 : i32
            %add3A_203 = vector.broadcast %add3A_202 : i32 to vector<16xi32>
            %add3A_204 = arith.addi %get3A_98, %add3A_203 : vector<16xi32>
            tpu.vector_store_idx %arg12[%add3A_204], %broadcast_in_dim3A_11 {add = true} : memref<6144xf32, #tpu.memory_space<vmem>>[vector<16xi32>], vector<16xf32>,
            %cond3A_205 = arith.constant 0.000000e+00 : f32
            scf.yield %cond3A_205, %broadcast_in_dim3A_13, %broadcast_in_dim3A_13 : f32, vector<16xf32>, vector<16xf32>
          }
          scf.yield %squeeze3A_100, %cond3A_198#0, %cond3A_198#1, %cond3A_198#2 : i32, f32, vector<16xf32>, vector<16xf32>
        }
        %add3A_110 = arith.constant 16 : i32
        %add3A_111 = arith.addi %mul3A_87, %add3A_110 : i32
        %get3A_112 = arith.index_cast %add3A_111 : i32 to index
        %get3A_113 = tpu.vector_load %arg11[%get3A_112] {strides = array<i32>} : memref<10960xi32, #tpu.memory_space<vmem>>, vector<16xi32>,
        %slice3A_114 = vector.extract_strided_slice %get3A_113 {offsets = [15], sizes = [1], strides = [1]} : vector<16xi32> to vector<1xi32>
        %squeeze3A_115 = vector.extract %slice3A_114[0] : i32 from vector<1xi32>
        %get3A_116 = arith.index_cast %add3A_111 : i32 to index
        %get3A_117 = tpu.vector_load %arg7[%get3A_116] {strides = array<i32>} : memref<10960xf32, #tpu.memory_space<vmem>>, vector<16xf32>,
        %get3A_118 = arith.index_cast %add3A_111 : i32 to index
        %get3A_119 = tpu.vector_load %arg9[%get3A_118] {strides = array<i32>} : memref<10960xf32, #tpu.memory_space<vmem>>, vector<16xf32>,
        %eq3A_120 = arith.cmpi eq, %squeeze3A_115, %cond3A_109#0 : i32
        %convert_element_type3A_121 = arith.extui %eq3A_120 : i1 to i32
        %cond3A_122 = arith.constant 0 : i32
        %cond3A_123 = arith.cmpi ne, %convert_element_type3A_121, %cond3A_122 : i32
        %cond3A_124:4 = scf.if %cond3A_123 -> (i32, f32, vector<16xf32>, vector<16xf32>) {
          %add3A_170 = arith.constant 1.600000e+01 : f32
          %add3A_171 = arith.addf %cond3A_109#1, %add3A_170 : f32
          %add3A_172 = arith.addf %cond3A_109#2, %get3A_117 : vector<16xf32>
          %add3A_173 = arith.addf %cond3A_109#3, %get3A_119 : vector<16xf32>
          scf.yield %cond3A_109#0, %add3A_171, %add3A_172, %add3A_173 : i32, f32, vector<16xf32>, vector<16xf32>
        } else {
          %reduce_sum3A_170 = arith.constant true
          %reduce_sum3A_171 = vector.broadcast %reduce_sum3A_170 : i1 to vector<16xi1>
          %reduce_sum3A_172 = tpu.scan <sum>, %cond3A_109#2 masked %reduce_sum3A_171 : vector<16xf32>, vector<16xi1> -> vector<16xf32>
          %reduce_sum3A_173 = vector.extract %reduce_sum3A_172[15] : f32 from vector<16xf32>
          %reduce_sum3A_174 = arith.constant true
          %reduce_sum3A_175 = vector.broadcast %reduce_sum3A_174 : i1 to vector<16xi1>
          %reduce_sum3A_176 = tpu.scan <sum>, %cond3A_109#3 masked %reduce_sum3A_175 : vector<16xf32>, vector<16xi1> -> vector<16xf32>
          %reduce_sum3A_177 = vector.extract %reduce_sum3A_176[15] : f32 from vector<16xf32>
          %eq3A_178 = arith.constant 0 : i32
          %eq3A_179 = vector.broadcast %eq3A_178 : i32 to vector<16xi32>
          %eq3A_180 = arith.cmpi eq, %iota3A, %eq3A_179 : vector<16xi32>
          %eq3A_181 = arith.constant 1 : i32
          %eq3A_182 = vector.broadcast %eq3A_181 : i32 to vector<16xi32>
          %eq3A_183 = arith.cmpi eq, %iota3A, %eq3A_182 : vector<16xi32>
          %broadcast_in_dim3A_184 = vector.broadcast %reduce_sum3A_177 : f32 to vector<16xf32>
          %broadcast_in_dim3A_185 = vector.broadcast %cond3A_109#1 : f32 to vector<16xf32>
          %select_n3A_186 = arith.select %eq3A_183, %broadcast_in_dim3A_184, %broadcast_in_dim3A_185 : vector<16xi1>, vector<16xf32>
          %broadcast_in_dim3A_187 = vector.broadcast %reduce_sum3A_173 : f32 to vector<16xf32>
          %select_n3A_188 = arith.select %eq3A_180, %broadcast_in_dim3A_187, %select_n3A_186 : vector<16xi1>, vector<16xf32>
          %add3A_189 = vector.broadcast %cond3A_109#0 : i32 to vector<16xi32>
          %add3A_190 = arith.addi %add3A_189, %mul3A_18 : vector<16xi32>
          tpu.vector_store_idx %arg12[%add3A_190], %select_n3A_188 masked %lt3A_15 {add = true} : memref<6144xf32, #tpu.memory_space<vmem>>[vector<16xi32>], vector<16xf32>, vector<16xi1>
          %slice3A_191 = vector.extract_strided_slice %get3A_113 {offsets = [0], sizes = [1], strides = [1]} : vector<16xi32> to vector<1xi32>
          %squeeze3A_192 = vector.extract %slice3A_191[0] : i32 from vector<1xi32>
          %eq3A_193 = arith.cmpi eq, %squeeze3A_192, %squeeze3A_115 : i32
          %convert_element_type3A_194 = arith.extui %eq3A_193 : i1 to i32
          %cond3A_195 = arith.constant 0 : i32
          %cond3A_196 = arith.constant 0 : i32
          %cond3A_197 = arith.cmpi ne, %convert_element_type3A_194, %cond3A_196 : i32
          %cond3A_198:3 = scf.if %cond3A_197 -> (f32, vector<16xf32>, vector<16xf32>) {
            %cond3A_199 = arith.constant 1.600000e+01 : f32
            scf.yield %cond3A_199, %get3A_117, %get3A_119 : f32, vector<16xf32>, vector<16xf32>
          } else {
            tpu.vector_store_idx %arg12[%get3A_113], %get3A_117 {add = true} : memref<6144xf32, #tpu.memory_space<vmem>>[vector<16xi32>], vector<16xf32>,
            %add3A_199 = arith.constant 2048 : i32
            %add3A_200 = vector.broadcast %add3A_199 : i32 to vector<16xi32>
            %add3A_201 = arith.addi %get3A_113, %add3A_200 : vector<16xi32>
            tpu.vector_store_idx %arg12[%add3A_201], %get3A_119 {add = true} : memref<6144xf32, #tpu.memory_space<vmem>>[vector<16xi32>], vector<16xf32>,
            %add3A_202 = arith.constant 4096 : i32
            %add3A_203 = vector.broadcast %add3A_202 : i32 to vector<16xi32>
            %add3A_204 = arith.addi %get3A_113, %add3A_203 : vector<16xi32>
            tpu.vector_store_idx %arg12[%add3A_204], %broadcast_in_dim3A_11 {add = true} : memref<6144xf32, #tpu.memory_space<vmem>>[vector<16xi32>], vector<16xf32>,
            %cond3A_205 = arith.constant 0.000000e+00 : f32
            scf.yield %cond3A_205, %broadcast_in_dim3A_13, %broadcast_in_dim3A_13 : f32, vector<16xf32>, vector<16xf32>
          }
          scf.yield %squeeze3A_115, %cond3A_198#0, %cond3A_198#1, %cond3A_198#2 : i32, f32, vector<16xf32>, vector<16xf32>
        }
        %add3A_125 = arith.constant 32 : i32
        %add3A_126 = arith.addi %mul3A_87, %add3A_125 : i32
        %get3A_127 = arith.index_cast %add3A_126 : i32 to index
        %get3A_128 = tpu.vector_load %arg11[%get3A_127] {strides = array<i32>} : memref<10960xi32, #tpu.memory_space<vmem>>, vector<16xi32>,
        %slice3A_129 = vector.extract_strided_slice %get3A_128 {offsets = [15], sizes = [1], strides = [1]} : vector<16xi32> to vector<1xi32>
        %squeeze3A_130 = vector.extract %slice3A_129[0] : i32 from vector<1xi32>
        %get3A_131 = arith.index_cast %add3A_126 : i32 to index
        %get3A_132 = tpu.vector_load %arg7[%get3A_131] {strides = array<i32>} : memref<10960xf32, #tpu.memory_space<vmem>>, vector<16xf32>,
        %get3A_133 = arith.index_cast %add3A_126 : i32 to index
        %get3A_134 = tpu.vector_load %arg9[%get3A_133] {strides = array<i32>} : memref<10960xf32, #tpu.memory_space<vmem>>, vector<16xf32>,
        %eq3A_135 = arith.cmpi eq, %squeeze3A_130, %cond3A_124#0 : i32
        %convert_element_type3A_136 = arith.extui %eq3A_135 : i1 to i32
        %cond3A_137 = arith.constant 0 : i32
        %cond3A_138 = arith.cmpi ne, %convert_element_type3A_136, %cond3A_137 : i32
        %cond3A_139:4 = scf.if %cond3A_138 -> (i32, f32, vector<16xf32>, vector<16xf32>) {
          %add3A_170 = arith.constant 1.600000e+01 : f32
          %add3A_171 = arith.addf %cond3A_124#1, %add3A_170 : f32
          %add3A_172 = arith.addf %cond3A_124#2, %get3A_132 : vector<16xf32>
          %add3A_173 = arith.addf %cond3A_124#3, %get3A_134 : vector<16xf32>
          scf.yield %cond3A_124#0, %add3A_171, %add3A_172, %add3A_173 : i32, f32, vector<16xf32>, vector<16xf32>
        } else {
          %reduce_sum3A_170 = arith.constant true
          %reduce_sum3A_171 = vector.broadcast %reduce_sum3A_170 : i1 to vector<16xi1>
          %reduce_sum3A_172 = tpu.scan <sum>, %cond3A_124#2 masked %reduce_sum3A_171 : vector<16xf32>, vector<16xi1> -> vector<16xf32>
          %reduce_sum3A_173 = vector.extract %reduce_sum3A_172[15] : f32 from vector<16xf32>
          %reduce_sum3A_174 = arith.constant true
          %reduce_sum3A_175 = vector.broadcast %reduce_sum3A_174 : i1 to vector<16xi1>
          %reduce_sum3A_176 = tpu.scan <sum>, %cond3A_124#3 masked %reduce_sum3A_175 : vector<16xf32>, vector<16xi1> -> vector<16xf32>
          %reduce_sum3A_177 = vector.extract %reduce_sum3A_176[15] : f32 from vector<16xf32>
          %eq3A_178 = arith.constant 0 : i32
          %eq3A_179 = vector.broadcast %eq3A_178 : i32 to vector<16xi32>
          %eq3A_180 = arith.cmpi eq, %iota3A, %eq3A_179 : vector<16xi32>
          %eq3A_181 = arith.constant 1 : i32
          %eq3A_182 = vector.broadcast %eq3A_181 : i32 to vector<16xi32>
          %eq3A_183 = arith.cmpi eq, %iota3A, %eq3A_182 : vector<16xi32>
          %broadcast_in_dim3A_184 = vector.broadcast %reduce_sum3A_177 : f32 to vector<16xf32>
          %broadcast_in_dim3A_185 = vector.broadcast %cond3A_124#1 : f32 to vector<16xf32>
          %select_n3A_186 = arith.select %eq3A_183, %broadcast_in_dim3A_184, %broadcast_in_dim3A_185 : vector<16xi1>, vector<16xf32>
          %broadcast_in_dim3A_187 = vector.broadcast %reduce_sum3A_173 : f32 to vector<16xf32>
          %select_n3A_188 = arith.select %eq3A_180, %broadcast_in_dim3A_187, %select_n3A_186 : vector<16xi1>, vector<16xf32>
          %add3A_189 = vector.broadcast %cond3A_124#0 : i32 to vector<16xi32>
          %add3A_190 = arith.addi %add3A_189, %mul3A_18 : vector<16xi32>
          tpu.vector_store_idx %arg12[%add3A_190], %select_n3A_188 masked %lt3A_15 {add = true} : memref<6144xf32, #tpu.memory_space<vmem>>[vector<16xi32>], vector<16xf32>, vector<16xi1>
          %slice3A_191 = vector.extract_strided_slice %get3A_128 {offsets = [0], sizes = [1], strides = [1]} : vector<16xi32> to vector<1xi32>
          %squeeze3A_192 = vector.extract %slice3A_191[0] : i32 from vector<1xi32>
          %eq3A_193 = arith.cmpi eq, %squeeze3A_192, %squeeze3A_130 : i32
          %convert_element_type3A_194 = arith.extui %eq3A_193 : i1 to i32
          %cond3A_195 = arith.constant 0 : i32
          %cond3A_196 = arith.constant 0 : i32
          %cond3A_197 = arith.cmpi ne, %convert_element_type3A_194, %cond3A_196 : i32
          %cond3A_198:3 = scf.if %cond3A_197 -> (f32, vector<16xf32>, vector<16xf32>) {
            %cond3A_199 = arith.constant 1.600000e+01 : f32
            scf.yield %cond3A_199, %get3A_132, %get3A_134 : f32, vector<16xf32>, vector<16xf32>
          } else {
            tpu.vector_store_idx %arg12[%get3A_128], %get3A_132 {add = true} : memref<6144xf32, #tpu.memory_space<vmem>>[vector<16xi32>], vector<16xf32>,
            %add3A_199 = arith.constant 2048 : i32
            %add3A_200 = vector.broadcast %add3A_199 : i32 to vector<16xi32>
            %add3A_201 = arith.addi %get3A_128, %add3A_200 : vector<16xi32>
            tpu.vector_store_idx %arg12[%add3A_201], %get3A_134 {add = true} : memref<6144xf32, #tpu.memory_space<vmem>>[vector<16xi32>], vector<16xf32>,
            %add3A_202 = arith.constant 4096 : i32
            %add3A_203 = vector.broadcast %add3A_202 : i32 to vector<16xi32>
            %add3A_204 = arith.addi %get3A_128, %add3A_203 : vector<16xi32>
            tpu.vector_store_idx %arg12[%add3A_204], %broadcast_in_dim3A_11 {add = true} : memref<6144xf32, #tpu.memory_space<vmem>>[vector<16xi32>], vector<16xf32>,
            %cond3A_205 = arith.constant 0.000000e+00 : f32
            scf.yield %cond3A_205, %broadcast_in_dim3A_13, %broadcast_in_dim3A_13 : f32, vector<16xf32>, vector<16xf32>
          }
          scf.yield %squeeze3A_130, %cond3A_198#0, %cond3A_198#1, %cond3A_198#2 : i32, f32, vector<16xf32>, vector<16xf32>
        }
        %add3A_140 = arith.constant 48 : i32
        %add3A_141 = arith.addi %mul3A_87, %add3A_140 : i32
        %get3A_142 = arith.index_cast %add3A_141 : i32 to index
        %get3A_143 = tpu.vector_load %arg11[%get3A_142] {strides = array<i32>} : memref<10960xi32, #tpu.memory_space<vmem>>, vector<16xi32>,
        %slice3A_144 = vector.extract_strided_slice %get3A_143 {offsets = [15], sizes = [1], strides = [1]} : vector<16xi32> to vector<1xi32>
        %squeeze3A_145 = vector.extract %slice3A_144[0] : i32 from vector<1xi32>
        %get3A_146 = arith.index_cast %add3A_141 : i32 to index
        %get3A_147 = tpu.vector_load %arg7[%get3A_146] {strides = array<i32>} : memref<10960xf32, #tpu.memory_space<vmem>>, vector<16xf32>,
        %get3A_148 = arith.index_cast %add3A_141 : i32 to index
        %get3A_149 = tpu.vector_load %arg9[%get3A_148] {strides = array<i32>} : memref<10960xf32, #tpu.memory_space<vmem>>, vector<16xf32>,
        %eq3A_150 = arith.cmpi eq, %squeeze3A_145, %cond3A_139#0 : i32
        %convert_element_type3A_151 = arith.extui %eq3A_150 : i1 to i32
        %cond3A_152 = arith.constant 0 : i32
        %cond3A_153 = arith.cmpi ne, %convert_element_type3A_151, %cond3A_152 : i32
        %cond3A_154:4 = scf.if %cond3A_153 -> (i32, f32, vector<16xf32>, vector<16xf32>) {
          %add3A_170 = arith.constant 1.600000e+01 : f32
          %add3A_171 = arith.addf %cond3A_139#1, %add3A_170 : f32
          %add3A_172 = arith.addf %cond3A_139#2, %get3A_147 : vector<16xf32>
          %add3A_173 = arith.addf %cond3A_139#3, %get3A_149 : vector<16xf32>
          scf.yield %cond3A_139#0, %add3A_171, %add3A_172, %add3A_173 : i32, f32, vector<16xf32>, vector<16xf32>
        } else {
          %reduce_sum3A_170 = arith.constant true
          %reduce_sum3A_171 = vector.broadcast %reduce_sum3A_170 : i1 to vector<16xi1>
          %reduce_sum3A_172 = tpu.scan <sum>, %cond3A_139#2 masked %reduce_sum3A_171 : vector<16xf32>, vector<16xi1> -> vector<16xf32>
          %reduce_sum3A_173 = vector.extract %reduce_sum3A_172[15] : f32 from vector<16xf32>
          %reduce_sum3A_174 = arith.constant true
          %reduce_sum3A_175 = vector.broadcast %reduce_sum3A_174 : i1 to vector<16xi1>
          %reduce_sum3A_176 = tpu.scan <sum>, %cond3A_139#3 masked %reduce_sum3A_175 : vector<16xf32>, vector<16xi1> -> vector<16xf32>
          %reduce_sum3A_177 = vector.extract %reduce_sum3A_176[15] : f32 from vector<16xf32>
          %eq3A_178 = arith.constant 0 : i32
          %eq3A_179 = vector.broadcast %eq3A_178 : i32 to vector<16xi32>
          %eq3A_180 = arith.cmpi eq, %iota3A, %eq3A_179 : vector<16xi32>
          %eq3A_181 = arith.constant 1 : i32
          %eq3A_182 = vector.broadcast %eq3A_181 : i32 to vector<16xi32>
          %eq3A_183 = arith.cmpi eq, %iota3A, %eq3A_182 : vector<16xi32>
          %broadcast_in_dim3A_184 = vector.broadcast %reduce_sum3A_177 : f32 to vector<16xf32>
          %broadcast_in_dim3A_185 = vector.broadcast %cond3A_139#1 : f32 to vector<16xf32>
          %select_n3A_186 = arith.select %eq3A_183, %broadcast_in_dim3A_184, %broadcast_in_dim3A_185 : vector<16xi1>, vector<16xf32>
          %broadcast_in_dim3A_187 = vector.broadcast %reduce_sum3A_173 : f32 to vector<16xf32>
          %select_n3A_188 = arith.select %eq3A_180, %broadcast_in_dim3A_187, %select_n3A_186 : vector<16xi1>, vector<16xf32>
          %add3A_189 = vector.broadcast %cond3A_139#0 : i32 to vector<16xi32>
          %add3A_190 = arith.addi %add3A_189, %mul3A_18 : vector<16xi32>
          tpu.vector_store_idx %arg12[%add3A_190], %select_n3A_188 masked %lt3A_15 {add = true} : memref<6144xf32, #tpu.memory_space<vmem>>[vector<16xi32>], vector<16xf32>, vector<16xi1>
          %slice3A_191 = vector.extract_strided_slice %get3A_143 {offsets = [0], sizes = [1], strides = [1]} : vector<16xi32> to vector<1xi32>
          %squeeze3A_192 = vector.extract %slice3A_191[0] : i32 from vector<1xi32>
          %eq3A_193 = arith.cmpi eq, %squeeze3A_192, %squeeze3A_145 : i32
          %convert_element_type3A_194 = arith.extui %eq3A_193 : i1 to i32
          %cond3A_195 = arith.constant 0 : i32
          %cond3A_196 = arith.constant 0 : i32
          %cond3A_197 = arith.cmpi ne, %convert_element_type3A_194, %cond3A_196 : i32
          %cond3A_198:3 = scf.if %cond3A_197 -> (f32, vector<16xf32>, vector<16xf32>) {
            %cond3A_199 = arith.constant 1.600000e+01 : f32
            scf.yield %cond3A_199, %get3A_147, %get3A_149 : f32, vector<16xf32>, vector<16xf32>
          } else {
            tpu.vector_store_idx %arg12[%get3A_143], %get3A_147 {add = true} : memref<6144xf32, #tpu.memory_space<vmem>>[vector<16xi32>], vector<16xf32>,
            %add3A_199 = arith.constant 2048 : i32
            %add3A_200 = vector.broadcast %add3A_199 : i32 to vector<16xi32>
            %add3A_201 = arith.addi %get3A_143, %add3A_200 : vector<16xi32>
            tpu.vector_store_idx %arg12[%add3A_201], %get3A_149 {add = true} : memref<6144xf32, #tpu.memory_space<vmem>>[vector<16xi32>], vector<16xf32>,
            %add3A_202 = arith.constant 4096 : i32
            %add3A_203 = vector.broadcast %add3A_202 : i32 to vector<16xi32>
            %add3A_204 = arith.addi %get3A_143, %add3A_203 : vector<16xi32>
            tpu.vector_store_idx %arg12[%add3A_204], %broadcast_in_dim3A_11 {add = true} : memref<6144xf32, #tpu.memory_space<vmem>>[vector<16xi32>], vector<16xf32>,
            %cond3A_205 = arith.constant 0.000000e+00 : f32
            scf.yield %cond3A_205, %broadcast_in_dim3A_13, %broadcast_in_dim3A_13 : f32, vector<16xf32>, vector<16xf32>
          }
          scf.yield %squeeze3A_145, %cond3A_198#0, %cond3A_198#1, %cond3A_198#2 : i32, f32, vector<16xf32>, vector<16xf32>
        }
        %add3A_155 = arith.constant 64 : i32
        %add3A_156 = arith.addi %mul3A_87, %add3A_155 : i32
        %get3A_157 = arith.index_cast %add3A_156 : i32 to index
        %get3A_158 = tpu.vector_load %arg11[%get3A_157] {strides = array<i32>} : memref<10960xi32, #tpu.memory_space<vmem>>, vector<16xi32>,
        %slice3A_159 = vector.extract_strided_slice %get3A_158 {offsets = [15], sizes = [1], strides = [1]} : vector<16xi32> to vector<1xi32>
        %squeeze3A_160 = vector.extract %slice3A_159[0] : i32 from vector<1xi32>
        %get3A_161 = arith.index_cast %add3A_156 : i32 to index
        %get3A_162 = tpu.vector_load %arg7[%get3A_161] {strides = array<i32>} : memref<10960xf32, #tpu.memory_space<vmem>>, vector<16xf32>,
        %get3A_163 = arith.index_cast %add3A_156 : i32 to index
        %get3A_164 = tpu.vector_load %arg9[%get3A_163] {strides = array<i32>} : memref<10960xf32, #tpu.memory_space<vmem>>, vector<16xf32>,
        %eq3A_165 = arith.cmpi eq, %squeeze3A_160, %cond3A_154#0 : i32
        %convert_element_type3A_166 = arith.extui %eq3A_165 : i1 to i32
        %cond3A_167 = arith.constant 0 : i32
        %cond3A_168 = arith.cmpi ne, %convert_element_type3A_166, %cond3A_167 : i32
        %cond3A_169:4 = scf.if %cond3A_168 -> (i32, f32, vector<16xf32>, vector<16xf32>) {
          %add3A_170 = arith.constant 1.600000e+01 : f32
          %add3A_171 = arith.addf %cond3A_154#1, %add3A_170 : f32
          %add3A_172 = arith.addf %cond3A_154#2, %get3A_162 : vector<16xf32>
          %add3A_173 = arith.addf %cond3A_154#3, %get3A_164 : vector<16xf32>
          scf.yield %cond3A_154#0, %add3A_171, %add3A_172, %add3A_173 : i32, f32, vector<16xf32>, vector<16xf32>
        } else {
          %reduce_sum3A_170 = arith.constant true
          %reduce_sum3A_171 = vector.broadcast %reduce_sum3A_170 : i1 to vector<16xi1>
          %reduce_sum3A_172 = tpu.scan <sum>, %cond3A_154#2 masked %reduce_sum3A_171 : vector<16xf32>, vector<16xi1> -> vector<16xf32>
          %reduce_sum3A_173 = vector.extract %reduce_sum3A_172[15] : f32 from vector<16xf32>
          %reduce_sum3A_174 = arith.constant true
          %reduce_sum3A_175 = vector.broadcast %reduce_sum3A_174 : i1 to vector<16xi1>
          %reduce_sum3A_176 = tpu.scan <sum>, %cond3A_154#3 masked %reduce_sum3A_175 : vector<16xf32>, vector<16xi1> -> vector<16xf32>
          %reduce_sum3A_177 = vector.extract %reduce_sum3A_176[15] : f32 from vector<16xf32>
          %eq3A_178 = arith.constant 0 : i32
          %eq3A_179 = vector.broadcast %eq3A_178 : i32 to vector<16xi32>
          %eq3A_180 = arith.cmpi eq, %iota3A, %eq3A_179 : vector<16xi32>
          %eq3A_181 = arith.constant 1 : i32
          %eq3A_182 = vector.broadcast %eq3A_181 : i32 to vector<16xi32>
          %eq3A_183 = arith.cmpi eq, %iota3A, %eq3A_182 : vector<16xi32>
          %broadcast_in_dim3A_184 = vector.broadcast %reduce_sum3A_177 : f32 to vector<16xf32>
          %broadcast_in_dim3A_185 = vector.broadcast %cond3A_154#1 : f32 to vector<16xf32>
          %select_n3A_186 = arith.select %eq3A_183, %broadcast_in_dim3A_184, %broadcast_in_dim3A_185 : vector<16xi1>, vector<16xf32>
          %broadcast_in_dim3A_187 = vector.broadcast %reduce_sum3A_173 : f32 to vector<16xf32>
          %select_n3A_188 = arith.select %eq3A_180, %broadcast_in_dim3A_187, %select_n3A_186 : vector<16xi1>, vector<16xf32>
          %add3A_189 = vector.broadcast %cond3A_154#0 : i32 to vector<16xi32>
          %add3A_190 = arith.addi %add3A_189, %mul3A_18 : vector<16xi32>
          tpu.vector_store_idx %arg12[%add3A_190], %select_n3A_188 masked %lt3A_15 {add = true} : memref<6144xf32, #tpu.memory_space<vmem>>[vector<16xi32>], vector<16xf32>, vector<16xi1>
          %slice3A_191 = vector.extract_strided_slice %get3A_158 {offsets = [0], sizes = [1], strides = [1]} : vector<16xi32> to vector<1xi32>
          %squeeze3A_192 = vector.extract %slice3A_191[0] : i32 from vector<1xi32>
          %eq3A_193 = arith.cmpi eq, %squeeze3A_192, %squeeze3A_160 : i32
          %convert_element_type3A_194 = arith.extui %eq3A_193 : i1 to i32
          %cond3A_195 = arith.constant 0 : i32
          %cond3A_196 = arith.constant 0 : i32
          %cond3A_197 = arith.cmpi ne, %convert_element_type3A_194, %cond3A_196 : i32
          %cond3A_198:3 = scf.if %cond3A_197 -> (f32, vector<16xf32>, vector<16xf32>) {
            %cond3A_199 = arith.constant 1.600000e+01 : f32
            scf.yield %cond3A_199, %get3A_162, %get3A_164 : f32, vector<16xf32>, vector<16xf32>
          } else {
            tpu.vector_store_idx %arg12[%get3A_158], %get3A_162 {add = true} : memref<6144xf32, #tpu.memory_space<vmem>>[vector<16xi32>], vector<16xf32>,
            %add3A_199 = arith.constant 2048 : i32
            %add3A_200 = vector.broadcast %add3A_199 : i32 to vector<16xi32>
            %add3A_201 = arith.addi %get3A_158, %add3A_200 : vector<16xi32>
            tpu.vector_store_idx %arg12[%add3A_201], %get3A_164 {add = true} : memref<6144xf32, #tpu.memory_space<vmem>>[vector<16xi32>], vector<16xf32>,
            %add3A_202 = arith.constant 4096 : i32
            %add3A_203 = vector.broadcast %add3A_202 : i32 to vector<16xi32>
            %add3A_204 = arith.addi %get3A_158, %add3A_203 : vector<16xi32>
            tpu.vector_store_idx %arg12[%add3A_204], %broadcast_in_dim3A_11 {add = true} : memref<6144xf32, #tpu.memory_space<vmem>>[vector<16xi32>], vector<16xf32>,
            %cond3A_205 = arith.constant 0.000000e+00 : f32
            scf.yield %cond3A_205, %broadcast_in_dim3A_13, %broadcast_in_dim3A_13 : f32, vector<16xf32>, vector<16xf32>
          }
          scf.yield %squeeze3A_160, %cond3A_198#0, %cond3A_198#1, %cond3A_198#2 : i32, f32, vector<16xf32>, vector<16xf32>
        }
        scf.yield %cond3A_169#0, %cond3A_169#1, %cond3A_169#2, %cond3A_169#3 : i32, f32, vector<16xf32>, vector<16xf32>
      }
      scf.yield %cond3A_94#0, %cond3A_94#1, %cond3A_94#2, %cond3A_94#3 : i32, f32, vector<16xf32>, vector<16xf32>
    }
    %scan3A_62 = arith.constant 137 : i32
    %reduce_sum3A = arith.constant true
    %reduce_sum3A_63 = vector.broadcast %reduce_sum3A : i1 to vector<16xi1>
    %reduce_sum3A_64 = tpu.scan <sum>, %scan3A_61#2 masked %reduce_sum3A_63 : vector<16xf32>, vector<16xi1> -> vector<16xf32>
    %reduce_sum3A_65 = vector.extract %reduce_sum3A_64[15] : f32 from vector<16xf32>
    %reduce_sum3A_66 = arith.constant true
    %reduce_sum3A_67 = vector.broadcast %reduce_sum3A_66 : i1 to vector<16xi1>
    %reduce_sum3A_68 = tpu.scan <sum>, %scan3A_61#3 masked %reduce_sum3A_67 : vector<16xf32>, vector<16xi1> -> vector<16xf32>
    %reduce_sum3A_69 = vector.extract %reduce_sum3A_68[15] : f32 from vector<16xf32>
    %eq3A = arith.constant 0 : i32
    %eq3A_70 = vector.broadcast %eq3A : i32 to vector<16xi32>
    %eq3A_71 = arith.cmpi eq, %iota3A, %eq3A_70 : vector<16xi32>
    %eq3A_72 = arith.constant 1 : i32
    %eq3A_73 = vector.broadcast %eq3A_72 : i32 to vector<16xi32>
    %eq3A_74 = arith.cmpi eq, %iota3A, %eq3A_73 : vector<16xi32>
    %broadcast_in_dim3A_75 = vector.broadcast %reduce_sum3A_69 : f32 to vector<16xf32>
    %broadcast_in_dim3A_76 = vector.broadcast %scan3A_61#1 : f32 to vector<16xf32>
    %select_n3A = arith.select %eq3A_74, %broadcast_in_dim3A_75, %broadcast_in_dim3A_76 : vector<16xi1>, vector<16xf32>
    %broadcast_in_dim3A_77 = vector.broadcast %reduce_sum3A_65 : f32 to vector<16xf32>
    %select_n3A_78 = arith.select %eq3A_71, %broadcast_in_dim3A_77, %select_n3A : vector<16xi1>, vector<16xf32>
    %add3A_79 = vector.broadcast %scan3A_61#0 : i32 to vector<16xi32>
    %add3A_80 = arith.addi %add3A_79, %mul3A_18 : vector<16xi32>
    tpu.vector_store_idx %arg12[%add3A_80], %select_n3A_78 masked %lt3A_15 {add = true} : memref<6144xf32, #tpu.memory_space<vmem>>[vector<16xi32>], vector<16xf32>, vector<16xi1>
    "tpu.region"() ({
      %run_scoped3A = tpu.sem_alloc : memref<!tpu.dma_semaphore, #tpu.memory_space<semaphore_mem>>
      %dma_start3A_81 = arith.constant 0 : i32
      %dma_start3A_82 = tpu.memref_slice %arg5[%add3A, %dma_start3A_81] : memref<32x6144xf32, #tpu.memory_space<hbm>> -> memref<1x6144xf32, #tpu.memory_space<hbm>>
      %dma_start3A_83 = tpu.memref_squeeze %dma_start3A_82 : memref<1x6144xf32, #tpu.memory_space<hbm>> -> memref<6144xf32, #tpu.memory_space<hbm>>
      %dma_start3A_84 = arith.constant 0 : i32
      %dma_start3A_85 = tpu.memref_slice %arg5[%add3A, %dma_start3A_84] : memref<32x6144xf32, #tpu.memory_space<hbm>> -> memref<1x6144xf32, #tpu.memory_space<hbm>>
      %dma_start3A_86 = tpu.memref_squeeze %dma_start3A_85 : memref<1x6144xf32, #tpu.memory_space<hbm>> -> memref<6144xf32, #tpu.memory_space<hbm>>
      tpu.enqueue_dma source(%arg12 : memref<6144xf32, #tpu.memory_space<vmem>>) target(%dma_start3A_86 : memref<6144xf32, #tpu.memory_space<hbm>>) target_semaphore(%run_scoped3A : memref<!tpu.dma_semaphore, #tpu.memory_space<semaphore_mem>>)
      %dma_wait3A_87 = arith.constant 0 : i32
      %dma_wait3A_88 = tpu.memref_slice %arg5[%add3A, %dma_wait3A_87] : memref<32x6144xf32, #tpu.memory_space<hbm>> -> memref<1x6144xf32, #tpu.memory_space<hbm>>
      %dma_wait3A_89 = tpu.memref_squeeze %dma_wait3A_88 : memref<1x6144xf32, #tpu.memory_space<hbm>> -> memref<6144xf32, #tpu.memory_space<hbm>>
      %dma_wait3A_90 = arith.constant 0 : i32
      %dma_wait3A_91 = tpu.memref_slice %arg5[%add3A, %dma_wait3A_90] : memref<32x6144xf32, #tpu.memory_space<hbm>> -> memref<1x6144xf32, #tpu.memory_space<hbm>>
      %dma_wait3A_92 = tpu.memref_squeeze %dma_wait3A_91 : memref<1x6144xf32, #tpu.memory_space<hbm>> -> memref<6144xf32, #tpu.memory_space<hbm>>
      tpu.wait_dma2 semaphore(%run_scoped3A : memref<!tpu.dma_semaphore, #tpu.memory_space<semaphore_mem>>) src(%arg12 : memref<6144xf32, #tpu.memory_space<vmem>>) dst(%dma_wait3A_92 : memref<6144xf32, #tpu.memory_space<hbm>>)
      tpu.yield
    }) : () -> ()
    return
  }
}

#map = affine_map<(d0, d1) -> (0)>
#map1 = affine_map<(d0, d1) -> (0, 0)>
module attributes {stable_mosaic.version = 14 : i64} {
  func.func @k(%arg0: i32, %arg1: i32, %arg2: memref<199680xf32, #tpu.memory_space<hbm>>, %arg3: memref<199680xf32, #tpu.memory_space<hbm>>, %arg4: memref<1600000xi32, #tpu.memory_space<hbm>>, %arg5: memref<32x6144xf32, #tpu.memory_space<hbm>>, %arg6: memref<6240xf32, #tpu.memory_space<vmem>>, %arg7: memref<6240xf32, #tpu.memory_space<vmem>>, %arg8: memref<6240xf32, #tpu.memory_space<vmem>>, %arg9: memref<6240xf32, #tpu.memory_space<vmem>>, %arg10: memref<6240xi32, #tpu.memory_space<vmem>>, %arg11: memref<6240xi32, #tpu.memory_space<vmem>>, %arg12: memref<6144xf32, #tpu.memory_space<vmem>>, %arg13: memref<!tpu.dma_semaphore, #tpu.memory_space<semaphore_mem>>, %arg14: memref<!tpu.dma_semaphore, #tpu.memory_space<semaphore_mem>>) attributes {dimension_semantics = [#tpu.dimension_semantics<core_parallel>, #tpu.dimension_semantics<subcore_parallel>], iteration_bounds = array<i64: 2, 16>, scalar_prefetch = 0 : i64, scratch_operands = 9 : i64, tpu.core_type = #tpu.core_type<sc_vector_subcore>, window_params = [{transform_indices = #map}, {transform_indices = #map}, {transform_indices = #map}, {transform_indices = #map1}]} {
    %mul3A = arith.constant 2 : i32
    %mul3A_0 = arith.muli %arg1, %mul3A : i32
    %add3A = arith.addi %mul3A_0, %arg0 : i32
    %mul3A_1 = arith.constant 6240 : i32
    %mul3A_2 = arith.muli %add3A, %mul3A_1 : i32
    %broadcast_in_dim3A = arith.constant 0.000000e+00 : f32
    %broadcast_in_dim3A_3 = vector.broadcast %broadcast_in_dim3A : f32 to vector<16xf32>
    %scan3A = arith.constant 0 : i32
    %scan3A_4 = arith.constant 0 : i32
    %scan3A_5 = arith.constant 384 : i32
    %scan3A_6 = arith.addi %scan3A_4, %scan3A_5 : i32
    %scan3A_7 = arith.constant 1 : i32
    %scan3A_8 = scf.for %scan3A_59 = %scan3A_4 to %scan3A_6 step %scan3A_7 iter_args(%scan3A_60 = %scan3A) -> (i32)  : i32 {
      %mul3A_61 = arith.constant 16 : i32
      %mul3A_62 = arith.muli %scan3A_59, %mul3A_61 : i32
      %swap3A = arith.index_cast %mul3A_62 : i32 to index
      %swap3A_63 = tpu.vector_load %arg12[%swap3A] {strides = array<i32>} : memref<6144xf32, #tpu.memory_space<vmem>>, vector<16xf32>,
      tpu.vector_store %arg12[%swap3A], %broadcast_in_dim3A_3 {strides = array<i32>} : memref<6144xf32, #tpu.memory_space<vmem>>, vector<16xf32>,
      %scan3A_64 = arith.constant 0 : i32
      scf.yield %scan3A_64 : i32
    }
    %scan3A_9 = arith.constant 384 : i32
    %broadcast_in_dim3A_10 = arith.constant 1.000000e+00 : f32
    %broadcast_in_dim3A_11 = vector.broadcast %broadcast_in_dim3A_10 : f32 to vector<16xf32>
    %broadcast_in_dim3A_12 = arith.constant 0.000000e+00 : f32
    %broadcast_in_dim3A_13 = vector.broadcast %broadcast_in_dim3A_12 : f32 to vector<16xf32>
    %iota3A = tpu.iota {dimensions = array<i32: 0>} : vector<16xi32>
    %lt3A = arith.constant 3 : i32
    %lt3A_14 = vector.broadcast %lt3A : i32 to vector<16xi32>
    %lt3A_15 = arith.cmpi slt, %iota3A, %lt3A_14 : vector<16xi32>
    %mul3A_16 = arith.constant 2048 : i32
    %mul3A_17 = vector.broadcast %mul3A_16 : i32 to vector<16xi32>
    %mul3A_18 = arith.muli %mul3A_17, %iota3A : vector<16xi32>
    %add3A_19 = arith.constant 0 : i32
    %add3A_20 = arith.addi %mul3A_2, %add3A_19 : i32
    %dma_start3A = tpu.memref_slice %arg2[%add3A_20] : memref<199680xf32, #tpu.memory_space<hbm>> -> memref<6240xf32, #tpu.memory_space<hbm>>
    %dma_start3A_21 = tpu.memref_slice %arg2[%add3A_20] : memref<199680xf32, #tpu.memory_space<hbm>> -> memref<6240xf32, #tpu.memory_space<hbm>>
    tpu.enqueue_dma source(%dma_start3A_21 : memref<6240xf32, #tpu.memory_space<hbm>>) target(%arg6 : memref<6240xf32, #tpu.memory_space<vmem>>) target_semaphore(%arg13 : memref<!tpu.dma_semaphore, #tpu.memory_space<semaphore_mem>>)
    %dma_start3A_22 = tpu.memref_slice %arg3[%add3A_20] : memref<199680xf32, #tpu.memory_space<hbm>> -> memref<6240xf32, #tpu.memory_space<hbm>>
    %dma_start3A_23 = tpu.memref_slice %arg3[%add3A_20] : memref<199680xf32, #tpu.memory_space<hbm>> -> memref<6240xf32, #tpu.memory_space<hbm>>
    tpu.enqueue_dma source(%dma_start3A_23 : memref<6240xf32, #tpu.memory_space<hbm>>) target(%arg8 : memref<6240xf32, #tpu.memory_space<vmem>>) target_semaphore(%arg13 : memref<!tpu.dma_semaphore, #tpu.memory_space<semaphore_mem>>)
    %add3A_24 = arith.constant 0 : i32
    %add3A_25 = arith.addi %add3A_24, %add3A_20 : i32
    %dma_start3A_26 = tpu.memref_slice %arg4[%add3A_25] : memref<1600000xi32, #tpu.memory_space<hbm>> -> memref<6240xi32, #tpu.memory_space<hbm>>
    %dma_start3A_27 = tpu.memref_slice %arg4[%add3A_25] : memref<1600000xi32, #tpu.memory_space<hbm>> -> memref<6240xi32, #tpu.memory_space<hbm>>
    tpu.enqueue_dma source(%dma_start3A_27 : memref<6240xi32, #tpu.memory_space<hbm>>) target(%arg10 : memref<6240xi32, #tpu.memory_space<vmem>>) target_semaphore(%arg13 : memref<!tpu.dma_semaphore, #tpu.memory_space<semaphore_mem>>)
    %dma_wait3A = tpu.memref_slice %arg2[%add3A_20] : memref<199680xf32, #tpu.memory_space<hbm>> -> memref<6240xf32, #tpu.memory_space<hbm>>
    %dma_wait3A_28 = tpu.memref_slice %arg2[%add3A_20] : memref<199680xf32, #tpu.memory_space<hbm>> -> memref<6240xf32, #tpu.memory_space<hbm>>
    tpu.wait_dma2 semaphore(%arg13 : memref<!tpu.dma_semaphore, #tpu.memory_space<semaphore_mem>>) src(%dma_wait3A_28 : memref<6240xf32, #tpu.memory_space<hbm>>) dst(%arg6 : memref<6240xf32, #tpu.memory_space<vmem>>)
    %dma_wait3A_29 = tpu.memref_slice %arg3[%add3A_20] : memref<199680xf32, #tpu.memory_space<hbm>> -> memref<6240xf32, #tpu.memory_space<hbm>>
    %dma_wait3A_30 = tpu.memref_slice %arg3[%add3A_20] : memref<199680xf32, #tpu.memory_space<hbm>> -> memref<6240xf32, #tpu.memory_space<hbm>>
    tpu.wait_dma2 semaphore(%arg13 : memref<!tpu.dma_semaphore, #tpu.memory_space<semaphore_mem>>) src(%dma_wait3A_30 : memref<6240xf32, #tpu.memory_space<hbm>>) dst(%arg8 : memref<6240xf32, #tpu.memory_space<vmem>>)
    %dma_wait3A_31 = tpu.memref_slice %arg4[%add3A_25] : memref<1600000xi32, #tpu.memory_space<hbm>> -> memref<6240xi32, #tpu.memory_space<hbm>>
    %dma_wait3A_32 = tpu.memref_slice %arg4[%add3A_25] : memref<1600000xi32, #tpu.memory_space<hbm>> -> memref<6240xi32, #tpu.memory_space<hbm>>
    tpu.wait_dma2 semaphore(%arg13 : memref<!tpu.dma_semaphore, #tpu.memory_space<semaphore_mem>>) src(%dma_wait3A_32 : memref<6240xi32, #tpu.memory_space<hbm>>) dst(%arg10 : memref<6240xi32, #tpu.memory_space<vmem>>)
    %scan3A_33 = arith.constant 0 : i32
    %scan3A_34 = arith.constant 0.000000e+00 : f32
    %scan3A_35 = arith.constant 0 : i32
    %scan3A_36 = arith.constant 78 : i32
    %scan3A_37 = arith.addi %scan3A_35, %scan3A_36 : i32
    %scan3A_38 = arith.constant 1 : i32
    %scan3A_39:4 = scf.for %scan3A_59 = %scan3A_35 to %scan3A_37 step %scan3A_38 iter_args(%scan3A_60 = %scan3A_33, %scan3A_61 = %scan3A_34, %scan3A_62 = %broadcast_in_dim3A_13, %scan3A_63 = %broadcast_in_dim3A_13) -> (i32, f32, vector<16xf32>, vector<16xf32>)  : i32 {
      %mul3A_64 = arith.constant 80 : i32
      %mul3A_65 = arith.muli %scan3A_59, %mul3A_64 : i32
      %add3A_66 = arith.constant 80 : i32
      %add3A_67 = arith.addi %mul3A_65, %add3A_66 : i32
      %sub3A = arith.constant 16 : i32
      %sub3A_68 = arith.subi %add3A_67, %sub3A : i32
      %get3A = arith.index_cast %sub3A_68 : i32 to index
      %get3A_69 = tpu.vector_load %arg10[%get3A] {strides = array<i32>} : memref<6240xi32, #tpu.memory_space<vmem>>, vector<16xi32>,
      %slice3A = vector.extract_strided_slice %get3A_69 {offsets = [15], sizes = [1], strides = [1]} : vector<16xi32> to vector<1xi32>
      %squeeze3A = vector.extract %slice3A[0] : i32 from vector<1xi32>
      %eq3A_70 = arith.cmpi eq, %squeeze3A, %scan3A_60 : i32
      %convert_element_type3A = arith.extui %eq3A_70 : i1 to i32
      %cond3A = arith.constant 0 : i32
      %cond3A_71 = arith.cmpi ne, %convert_element_type3A, %cond3A : i32
      %cond3A_72:4 = scf.if %cond3A_71 -> (i32, f32, vector<16xf32>, vector<16xf32>) {
        %add3A_73 = arith.constant 0 : i32
        %add3A_74 = arith.addi %mul3A_65, %add3A_73 : i32
        %get3A_75 = arith.index_cast %add3A_74 : i32 to index
        %get3A_76 = tpu.vector_load %arg6[%get3A_75] {strides = array<i32>} : memref<6240xf32, #tpu.memory_space<vmem>>, vector<16xf32>,
        %add3A_77 = arith.constant 16 : i32
        %add3A_78 = arith.addi %mul3A_65, %add3A_77 : i32
        %get3A_79 = arith.index_cast %add3A_78 : i32 to index
        %get3A_80 = tpu.vector_load %arg6[%get3A_79] {strides = array<i32>} : memref<6240xf32, #tpu.memory_space<vmem>>, vector<16xf32>,
        %add3A_81 = arith.constant 32 : i32
        %add3A_82 = arith.addi %mul3A_65, %add3A_81 : i32
        %get3A_83 = arith.index_cast %add3A_82 : i32 to index
        %get3A_84 = tpu.vector_load %arg6[%get3A_83] {strides = array<i32>} : memref<6240xf32, #tpu.memory_space<vmem>>, vector<16xf32>,
        %add3A_85 = arith.constant 48 : i32
        %add3A_86 = arith.addi %mul3A_65, %add3A_85 : i32
        %get3A_87 = arith.index_cast %add3A_86 : i32 to index
        %get3A_88 = tpu.vector_load %arg6[%get3A_87] {strides = array<i32>} : memref<6240xf32, #tpu.memory_space<vmem>>, vector<16xf32>,
        %add3A_89 = arith.constant 64 : i32
        %add3A_90 = arith.addi %mul3A_65, %add3A_89 : i32
        %get3A_91 = arith.index_cast %add3A_90 : i32 to index
        %get3A_92 = tpu.vector_load %arg6[%get3A_91] {strides = array<i32>} : memref<6240xf32, #tpu.memory_space<vmem>>, vector<16xf32>,
        %add3A_93 = arith.constant 0 : i32
        %add3A_94 = arith.addi %mul3A_65, %add3A_93 : i32
        %get3A_95 = arith.index_cast %add3A_94 : i32 to index
        %get3A_96 = tpu.vector_load %arg8[%get3A_95] {strides = array<i32>} : memref<6240xf32, #tpu.memory_space<vmem>>, vector<16xf32>,
        %add3A_97 = arith.constant 16 : i32
        %add3A_98 = arith.addi %mul3A_65, %add3A_97 : i32
        %get3A_99 = arith.index_cast %add3A_98 : i32 to index
        %get3A_100 = tpu.vector_load %arg8[%get3A_99] {strides = array<i32>} : memref<6240xf32, #tpu.memory_space<vmem>>, vector<16xf32>,
        %add3A_101 = arith.constant 32 : i32
        %add3A_102 = arith.addi %mul3A_65, %add3A_101 : i32
        %get3A_103 = arith.index_cast %add3A_102 : i32 to index
        %get3A_104 = tpu.vector_load %arg8[%get3A_103] {strides = array<i32>} : memref<6240xf32, #tpu.memory_space<vmem>>, vector<16xf32>,
        %add3A_105 = arith.constant 48 : i32
        %add3A_106 = arith.addi %mul3A_65, %add3A_105 : i32
        %get3A_107 = arith.index_cast %add3A_106 : i32 to index
        %get3A_108 = tpu.vector_load %arg8[%get3A_107] {strides = array<i32>} : memref<6240xf32, #tpu.memory_space<vmem>>, vector<16xf32>,
        %add3A_109 = arith.constant 64 : i32
        %add3A_110 = arith.addi %mul3A_65, %add3A_109 : i32
        %get3A_111 = arith.index_cast %add3A_110 : i32 to index
        %get3A_112 = tpu.vector_load %arg8[%get3A_111] {strides = array<i32>} : memref<6240xf32, #tpu.memory_space<vmem>>, vector<16xf32>,
        %add3A_113 = arith.addf %get3A_76, %get3A_80 : vector<16xf32>
        %add3A_114 = arith.addf %get3A_84, %get3A_88 : vector<16xf32>
        %add3A_115 = arith.addf %add3A_113, %add3A_114 : vector<16xf32>
        %add3A_116 = arith.addf %add3A_115, %get3A_92 : vector<16xf32>
        %add3A_117 = arith.addf %get3A_96, %get3A_100 : vector<16xf32>
        %add3A_118 = arith.addf %get3A_104, %get3A_108 : vector<16xf32>
        %add3A_119 = arith.addf %add3A_117, %add3A_118 : vector<16xf32>
        %add3A_120 = arith.addf %add3A_119, %get3A_112 : vector<16xf32>
        %add3A_121 = arith.constant 8.000000e+01 : f32
        %add3A_122 = arith.addf %scan3A_61, %add3A_121 : f32
        %add3A_123 = arith.addf %scan3A_62, %add3A_116 : vector<16xf32>
        %add3A_124 = arith.addf %scan3A_63, %add3A_120 : vector<16xf32>
        scf.yield %scan3A_60, %add3A_122, %add3A_123, %add3A_124 : i32, f32, vector<16xf32>, vector<16xf32>
      } else {
        %add3A_73 = arith.constant 0 : i32
        %add3A_74 = arith.addi %mul3A_65, %add3A_73 : i32
        %get3A_75 = arith.index_cast %add3A_74 : i32 to index
        %get3A_76 = tpu.vector_load %arg10[%get3A_75] {strides = array<i32>} : memref<6240xi32, #tpu.memory_space<vmem>>, vector<16xi32>,
        %slice3A_77 = vector.extract_strided_slice %get3A_76 {offsets = [15], sizes = [1], strides = [1]} : vector<16xi32> to vector<1xi32>
        %squeeze3A_78 = vector.extract %slice3A_77[0] : i32 from vector<1xi32>
        %get3A_79 = arith.index_cast %add3A_74 : i32 to index
        %get3A_80 = tpu.vector_load %arg6[%get3A_79] {strides = array<i32>} : memref<6240xf32, #tpu.memory_space<vmem>>, vector<16xf32>,
        %get3A_81 = arith.index_cast %add3A_74 : i32 to index
        %get3A_82 = tpu.vector_load %arg8[%get3A_81] {strides = array<i32>} : memref<6240xf32, #tpu.memory_space<vmem>>, vector<16xf32>,
        %eq3A_83 = arith.cmpi eq, %squeeze3A_78, %scan3A_60 : i32
        %convert_element_type3A_84 = arith.extui %eq3A_83 : i1 to i32
        %cond3A_85 = arith.constant 0 : i32
        %cond3A_86 = arith.cmpi ne, %convert_element_type3A_84, %cond3A_85 : i32
        %cond3A_87:4 = scf.if %cond3A_86 -> (i32, f32, vector<16xf32>, vector<16xf32>) {
          %add3A_148 = arith.constant 1.600000e+01 : f32
          %add3A_149 = arith.addf %scan3A_61, %add3A_148 : f32
          %add3A_150 = arith.addf %scan3A_62, %get3A_80 : vector<16xf32>
          %add3A_151 = arith.addf %scan3A_63, %get3A_82 : vector<16xf32>
          scf.yield %scan3A_60, %add3A_149, %add3A_150, %add3A_151 : i32, f32, vector<16xf32>, vector<16xf32>
        } else {
          %reduce_sum3A_148 = arith.constant true
          %reduce_sum3A_149 = vector.broadcast %reduce_sum3A_148 : i1 to vector<16xi1>
          %reduce_sum3A_150 = tpu.scan <sum>, %scan3A_62 masked %reduce_sum3A_149 : vector<16xf32>, vector<16xi1> -> vector<16xf32>
          %reduce_sum3A_151 = vector.extract %reduce_sum3A_150[15] : f32 from vector<16xf32>
          %reduce_sum3A_152 = arith.constant true
          %reduce_sum3A_153 = vector.broadcast %reduce_sum3A_152 : i1 to vector<16xi1>
          %reduce_sum3A_154 = tpu.scan <sum>, %scan3A_63 masked %reduce_sum3A_153 : vector<16xf32>, vector<16xi1> -> vector<16xf32>
          %reduce_sum3A_155 = vector.extract %reduce_sum3A_154[15] : f32 from vector<16xf32>
          %eq3A_156 = arith.constant 0 : i32
          %eq3A_157 = vector.broadcast %eq3A_156 : i32 to vector<16xi32>
          %eq3A_158 = arith.cmpi eq, %iota3A, %eq3A_157 : vector<16xi32>
          %eq3A_159 = arith.constant 1 : i32
          %eq3A_160 = vector.broadcast %eq3A_159 : i32 to vector<16xi32>
          %eq3A_161 = arith.cmpi eq, %iota3A, %eq3A_160 : vector<16xi32>
          %broadcast_in_dim3A_162 = vector.broadcast %reduce_sum3A_155 : f32 to vector<16xf32>
          %broadcast_in_dim3A_163 = vector.broadcast %scan3A_61 : f32 to vector<16xf32>
          %select_n3A_164 = arith.select %eq3A_161, %broadcast_in_dim3A_162, %broadcast_in_dim3A_163 : vector<16xi1>, vector<16xf32>
          %broadcast_in_dim3A_165 = vector.broadcast %reduce_sum3A_151 : f32 to vector<16xf32>
          %select_n3A_166 = arith.select %eq3A_158, %broadcast_in_dim3A_165, %select_n3A_164 : vector<16xi1>, vector<16xf32>
          %add3A_167 = vector.broadcast %scan3A_60 : i32 to vector<16xi32>
          %add3A_168 = arith.addi %add3A_167, %mul3A_18 : vector<16xi32>
          tpu.vector_store_idx %arg12[%add3A_168], %select_n3A_166 masked %lt3A_15 {add = true} : memref<6144xf32, #tpu.memory_space<vmem>>[vector<16xi32>], vector<16xf32>, vector<16xi1>
          %slice3A_169 = vector.extract_strided_slice %get3A_76 {offsets = [0], sizes = [1], strides = [1]} : vector<16xi32> to vector<1xi32>
          %squeeze3A_170 = vector.extract %slice3A_169[0] : i32 from vector<1xi32>
          %eq3A_171 = arith.cmpi eq, %squeeze3A_170, %squeeze3A_78 : i32
          %convert_element_type3A_172 = arith.extui %eq3A_171 : i1 to i32
          %cond3A_173 = arith.constant 0 : i32
          %cond3A_174 = arith.constant 0 : i32
          %cond3A_175 = arith.cmpi ne, %convert_element_type3A_172, %cond3A_174 : i32
          %cond3A_176:3 = scf.if %cond3A_175 -> (f32, vector<16xf32>, vector<16xf32>) {
            %cond3A_177 = arith.constant 1.600000e+01 : f32
            scf.yield %cond3A_177, %get3A_80, %get3A_82 : f32, vector<16xf32>, vector<16xf32>
          } else {
            tpu.vector_store_idx %arg12[%get3A_76], %get3A_80 {add = true} : memref<6144xf32, #tpu.memory_space<vmem>>[vector<16xi32>], vector<16xf32>,
            %add3A_177 = arith.constant 2048 : i32
            %add3A_178 = vector.broadcast %add3A_177 : i32 to vector<16xi32>
            %add3A_179 = arith.addi %get3A_76, %add3A_178 : vector<16xi32>
            tpu.vector_store_idx %arg12[%add3A_179], %get3A_82 {add = true} : memref<6144xf32, #tpu.memory_space<vmem>>[vector<16xi32>], vector<16xf32>,
            %add3A_180 = arith.constant 4096 : i32
            %add3A_181 = vector.broadcast %add3A_180 : i32 to vector<16xi32>
            %add3A_182 = arith.addi %get3A_76, %add3A_181 : vector<16xi32>
            tpu.vector_store_idx %arg12[%add3A_182], %broadcast_in_dim3A_11 {add = true} : memref<6144xf32, #tpu.memory_space<vmem>>[vector<16xi32>], vector<16xf32>,
            %cond3A_183 = arith.constant 0.000000e+00 : f32
            scf.yield %cond3A_183, %broadcast_in_dim3A_13, %broadcast_in_dim3A_13 : f32, vector<16xf32>, vector<16xf32>
          }
          scf.yield %squeeze3A_78, %cond3A_176#0, %cond3A_176#1, %cond3A_176#2 : i32, f32, vector<16xf32>, vector<16xf32>
        }
        %add3A_88 = arith.constant 16 : i32
        %add3A_89 = arith.addi %mul3A_65, %add3A_88 : i32
        %get3A_90 = arith.index_cast %add3A_89 : i32 to index
        %get3A_91 = tpu.vector_load %arg10[%get3A_90] {strides = array<i32>} : memref<6240xi32, #tpu.memory_space<vmem>>, vector<16xi32>,
        %slice3A_92 = vector.extract_strided_slice %get3A_91 {offsets = [15], sizes = [1], strides = [1]} : vector<16xi32> to vector<1xi32>
        %squeeze3A_93 = vector.extract %slice3A_92[0] : i32 from vector<1xi32>
        %get3A_94 = arith.index_cast %add3A_89 : i32 to index
        %get3A_95 = tpu.vector_load %arg6[%get3A_94] {strides = array<i32>} : memref<6240xf32, #tpu.memory_space<vmem>>, vector<16xf32>,
        %get3A_96 = arith.index_cast %add3A_89 : i32 to index
        %get3A_97 = tpu.vector_load %arg8[%get3A_96] {strides = array<i32>} : memref<6240xf32, #tpu.memory_space<vmem>>, vector<16xf32>,
        %eq3A_98 = arith.cmpi eq, %squeeze3A_93, %cond3A_87#0 : i32
        %convert_element_type3A_99 = arith.extui %eq3A_98 : i1 to i32
        %cond3A_100 = arith.constant 0 : i32
        %cond3A_101 = arith.cmpi ne, %convert_element_type3A_99, %cond3A_100 : i32
        %cond3A_102:4 = scf.if %cond3A_101 -> (i32, f32, vector<16xf32>, vector<16xf32>) {
          %add3A_148 = arith.constant 1.600000e+01 : f32
          %add3A_149 = arith.addf %cond3A_87#1, %add3A_148 : f32
          %add3A_150 = arith.addf %cond3A_87#2, %get3A_95 : vector<16xf32>
          %add3A_151 = arith.addf %cond3A_87#3, %get3A_97 : vector<16xf32>
          scf.yield %cond3A_87#0, %add3A_149, %add3A_150, %add3A_151 : i32, f32, vector<16xf32>, vector<16xf32>
        } else {
          %reduce_sum3A_148 = arith.constant true
          %reduce_sum3A_149 = vector.broadcast %reduce_sum3A_148 : i1 to vector<16xi1>
          %reduce_sum3A_150 = tpu.scan <sum>, %cond3A_87#2 masked %reduce_sum3A_149 : vector<16xf32>, vector<16xi1> -> vector<16xf32>
          %reduce_sum3A_151 = vector.extract %reduce_sum3A_150[15] : f32 from vector<16xf32>
          %reduce_sum3A_152 = arith.constant true
          %reduce_sum3A_153 = vector.broadcast %reduce_sum3A_152 : i1 to vector<16xi1>
          %reduce_sum3A_154 = tpu.scan <sum>, %cond3A_87#3 masked %reduce_sum3A_153 : vector<16xf32>, vector<16xi1> -> vector<16xf32>
          %reduce_sum3A_155 = vector.extract %reduce_sum3A_154[15] : f32 from vector<16xf32>
          %eq3A_156 = arith.constant 0 : i32
          %eq3A_157 = vector.broadcast %eq3A_156 : i32 to vector<16xi32>
          %eq3A_158 = arith.cmpi eq, %iota3A, %eq3A_157 : vector<16xi32>
          %eq3A_159 = arith.constant 1 : i32
          %eq3A_160 = vector.broadcast %eq3A_159 : i32 to vector<16xi32>
          %eq3A_161 = arith.cmpi eq, %iota3A, %eq3A_160 : vector<16xi32>
          %broadcast_in_dim3A_162 = vector.broadcast %reduce_sum3A_155 : f32 to vector<16xf32>
          %broadcast_in_dim3A_163 = vector.broadcast %cond3A_87#1 : f32 to vector<16xf32>
          %select_n3A_164 = arith.select %eq3A_161, %broadcast_in_dim3A_162, %broadcast_in_dim3A_163 : vector<16xi1>, vector<16xf32>
          %broadcast_in_dim3A_165 = vector.broadcast %reduce_sum3A_151 : f32 to vector<16xf32>
          %select_n3A_166 = arith.select %eq3A_158, %broadcast_in_dim3A_165, %select_n3A_164 : vector<16xi1>, vector<16xf32>
          %add3A_167 = vector.broadcast %cond3A_87#0 : i32 to vector<16xi32>
          %add3A_168 = arith.addi %add3A_167, %mul3A_18 : vector<16xi32>
          tpu.vector_store_idx %arg12[%add3A_168], %select_n3A_166 masked %lt3A_15 {add = true} : memref<6144xf32, #tpu.memory_space<vmem>>[vector<16xi32>], vector<16xf32>, vector<16xi1>
          %slice3A_169 = vector.extract_strided_slice %get3A_91 {offsets = [0], sizes = [1], strides = [1]} : vector<16xi32> to vector<1xi32>
          %squeeze3A_170 = vector.extract %slice3A_169[0] : i32 from vector<1xi32>
          %eq3A_171 = arith.cmpi eq, %squeeze3A_170, %squeeze3A_93 : i32
          %convert_element_type3A_172 = arith.extui %eq3A_171 : i1 to i32
          %cond3A_173 = arith.constant 0 : i32
          %cond3A_174 = arith.constant 0 : i32
          %cond3A_175 = arith.cmpi ne, %convert_element_type3A_172, %cond3A_174 : i32
          %cond3A_176:3 = scf.if %cond3A_175 -> (f32, vector<16xf32>, vector<16xf32>) {
            %cond3A_177 = arith.constant 1.600000e+01 : f32
            scf.yield %cond3A_177, %get3A_95, %get3A_97 : f32, vector<16xf32>, vector<16xf32>
          } else {
            tpu.vector_store_idx %arg12[%get3A_91], %get3A_95 {add = true} : memref<6144xf32, #tpu.memory_space<vmem>>[vector<16xi32>], vector<16xf32>,
            %add3A_177 = arith.constant 2048 : i32
            %add3A_178 = vector.broadcast %add3A_177 : i32 to vector<16xi32>
            %add3A_179 = arith.addi %get3A_91, %add3A_178 : vector<16xi32>
            tpu.vector_store_idx %arg12[%add3A_179], %get3A_97 {add = true} : memref<6144xf32, #tpu.memory_space<vmem>>[vector<16xi32>], vector<16xf32>,
            %add3A_180 = arith.constant 4096 : i32
            %add3A_181 = vector.broadcast %add3A_180 : i32 to vector<16xi32>
            %add3A_182 = arith.addi %get3A_91, %add3A_181 : vector<16xi32>
            tpu.vector_store_idx %arg12[%add3A_182], %broadcast_in_dim3A_11 {add = true} : memref<6144xf32, #tpu.memory_space<vmem>>[vector<16xi32>], vector<16xf32>,
            %cond3A_183 = arith.constant 0.000000e+00 : f32
            scf.yield %cond3A_183, %broadcast_in_dim3A_13, %broadcast_in_dim3A_13 : f32, vector<16xf32>, vector<16xf32>
          }
          scf.yield %squeeze3A_93, %cond3A_176#0, %cond3A_176#1, %cond3A_176#2 : i32, f32, vector<16xf32>, vector<16xf32>
        }
        %add3A_103 = arith.constant 32 : i32
        %add3A_104 = arith.addi %mul3A_65, %add3A_103 : i32
        %get3A_105 = arith.index_cast %add3A_104 : i32 to index
        %get3A_106 = tpu.vector_load %arg10[%get3A_105] {strides = array<i32>} : memref<6240xi32, #tpu.memory_space<vmem>>, vector<16xi32>,
        %slice3A_107 = vector.extract_strided_slice %get3A_106 {offsets = [15], sizes = [1], strides = [1]} : vector<16xi32> to vector<1xi32>
        %squeeze3A_108 = vector.extract %slice3A_107[0] : i32 from vector<1xi32>
        %get3A_109 = arith.index_cast %add3A_104 : i32 to index
        %get3A_110 = tpu.vector_load %arg6[%get3A_109] {strides = array<i32>} : memref<6240xf32, #tpu.memory_space<vmem>>, vector<16xf32>,
        %get3A_111 = arith.index_cast %add3A_104 : i32 to index
        %get3A_112 = tpu.vector_load %arg8[%get3A_111] {strides = array<i32>} : memref<6240xf32, #tpu.memory_space<vmem>>, vector<16xf32>,
        %eq3A_113 = arith.cmpi eq, %squeeze3A_108, %cond3A_102#0 : i32
        %convert_element_type3A_114 = arith.extui %eq3A_113 : i1 to i32
        %cond3A_115 = arith.constant 0 : i32
        %cond3A_116 = arith.cmpi ne, %convert_element_type3A_114, %cond3A_115 : i32
        %cond3A_117:4 = scf.if %cond3A_116 -> (i32, f32, vector<16xf32>, vector<16xf32>) {
          %add3A_148 = arith.constant 1.600000e+01 : f32
          %add3A_149 = arith.addf %cond3A_102#1, %add3A_148 : f32
          %add3A_150 = arith.addf %cond3A_102#2, %get3A_110 : vector<16xf32>
          %add3A_151 = arith.addf %cond3A_102#3, %get3A_112 : vector<16xf32>
          scf.yield %cond3A_102#0, %add3A_149, %add3A_150, %add3A_151 : i32, f32, vector<16xf32>, vector<16xf32>
        } else {
          %reduce_sum3A_148 = arith.constant true
          %reduce_sum3A_149 = vector.broadcast %reduce_sum3A_148 : i1 to vector<16xi1>
          %reduce_sum3A_150 = tpu.scan <sum>, %cond3A_102#2 masked %reduce_sum3A_149 : vector<16xf32>, vector<16xi1> -> vector<16xf32>
          %reduce_sum3A_151 = vector.extract %reduce_sum3A_150[15] : f32 from vector<16xf32>
          %reduce_sum3A_152 = arith.constant true
          %reduce_sum3A_153 = vector.broadcast %reduce_sum3A_152 : i1 to vector<16xi1>
          %reduce_sum3A_154 = tpu.scan <sum>, %cond3A_102#3 masked %reduce_sum3A_153 : vector<16xf32>, vector<16xi1> -> vector<16xf32>
          %reduce_sum3A_155 = vector.extract %reduce_sum3A_154[15] : f32 from vector<16xf32>
          %eq3A_156 = arith.constant 0 : i32
          %eq3A_157 = vector.broadcast %eq3A_156 : i32 to vector<16xi32>
          %eq3A_158 = arith.cmpi eq, %iota3A, %eq3A_157 : vector<16xi32>
          %eq3A_159 = arith.constant 1 : i32
          %eq3A_160 = vector.broadcast %eq3A_159 : i32 to vector<16xi32>
          %eq3A_161 = arith.cmpi eq, %iota3A, %eq3A_160 : vector<16xi32>
          %broadcast_in_dim3A_162 = vector.broadcast %reduce_sum3A_155 : f32 to vector<16xf32>
          %broadcast_in_dim3A_163 = vector.broadcast %cond3A_102#1 : f32 to vector<16xf32>
          %select_n3A_164 = arith.select %eq3A_161, %broadcast_in_dim3A_162, %broadcast_in_dim3A_163 : vector<16xi1>, vector<16xf32>
          %broadcast_in_dim3A_165 = vector.broadcast %reduce_sum3A_151 : f32 to vector<16xf32>
          %select_n3A_166 = arith.select %eq3A_158, %broadcast_in_dim3A_165, %select_n3A_164 : vector<16xi1>, vector<16xf32>
          %add3A_167 = vector.broadcast %cond3A_102#0 : i32 to vector<16xi32>
          %add3A_168 = arith.addi %add3A_167, %mul3A_18 : vector<16xi32>
          tpu.vector_store_idx %arg12[%add3A_168], %select_n3A_166 masked %lt3A_15 {add = true} : memref<6144xf32, #tpu.memory_space<vmem>>[vector<16xi32>], vector<16xf32>, vector<16xi1>
          %slice3A_169 = vector.extract_strided_slice %get3A_106 {offsets = [0], sizes = [1], strides = [1]} : vector<16xi32> to vector<1xi32>
          %squeeze3A_170 = vector.extract %slice3A_169[0] : i32 from vector<1xi32>
          %eq3A_171 = arith.cmpi eq, %squeeze3A_170, %squeeze3A_108 : i32
          %convert_element_type3A_172 = arith.extui %eq3A_171 : i1 to i32
          %cond3A_173 = arith.constant 0 : i32
          %cond3A_174 = arith.constant 0 : i32
          %cond3A_175 = arith.cmpi ne, %convert_element_type3A_172, %cond3A_174 : i32
          %cond3A_176:3 = scf.if %cond3A_175 -> (f32, vector<16xf32>, vector<16xf32>) {
            %cond3A_177 = arith.constant 1.600000e+01 : f32
            scf.yield %cond3A_177, %get3A_110, %get3A_112 : f32, vector<16xf32>, vector<16xf32>
          } else {
            tpu.vector_store_idx %arg12[%get3A_106], %get3A_110 {add = true} : memref<6144xf32, #tpu.memory_space<vmem>>[vector<16xi32>], vector<16xf32>,
            %add3A_177 = arith.constant 2048 : i32
            %add3A_178 = vector.broadcast %add3A_177 : i32 to vector<16xi32>
            %add3A_179 = arith.addi %get3A_106, %add3A_178 : vector<16xi32>
            tpu.vector_store_idx %arg12[%add3A_179], %get3A_112 {add = true} : memref<6144xf32, #tpu.memory_space<vmem>>[vector<16xi32>], vector<16xf32>,
            %add3A_180 = arith.constant 4096 : i32
            %add3A_181 = vector.broadcast %add3A_180 : i32 to vector<16xi32>
            %add3A_182 = arith.addi %get3A_106, %add3A_181 : vector<16xi32>
            tpu.vector_store_idx %arg12[%add3A_182], %broadcast_in_dim3A_11 {add = true} : memref<6144xf32, #tpu.memory_space<vmem>>[vector<16xi32>], vector<16xf32>,
            %cond3A_183 = arith.constant 0.000000e+00 : f32
            scf.yield %cond3A_183, %broadcast_in_dim3A_13, %broadcast_in_dim3A_13 : f32, vector<16xf32>, vector<16xf32>
          }
          scf.yield %squeeze3A_108, %cond3A_176#0, %cond3A_176#1, %cond3A_176#2 : i32, f32, vector<16xf32>, vector<16xf32>
        }
        %add3A_118 = arith.constant 48 : i32
        %add3A_119 = arith.addi %mul3A_65, %add3A_118 : i32
        %get3A_120 = arith.index_cast %add3A_119 : i32 to index
        %get3A_121 = tpu.vector_load %arg10[%get3A_120] {strides = array<i32>} : memref<6240xi32, #tpu.memory_space<vmem>>, vector<16xi32>,
        %slice3A_122 = vector.extract_strided_slice %get3A_121 {offsets = [15], sizes = [1], strides = [1]} : vector<16xi32> to vector<1xi32>
        %squeeze3A_123 = vector.extract %slice3A_122[0] : i32 from vector<1xi32>
        %get3A_124 = arith.index_cast %add3A_119 : i32 to index
        %get3A_125 = tpu.vector_load %arg6[%get3A_124] {strides = array<i32>} : memref<6240xf32, #tpu.memory_space<vmem>>, vector<16xf32>,
        %get3A_126 = arith.index_cast %add3A_119 : i32 to index
        %get3A_127 = tpu.vector_load %arg8[%get3A_126] {strides = array<i32>} : memref<6240xf32, #tpu.memory_space<vmem>>, vector<16xf32>,
        %eq3A_128 = arith.cmpi eq, %squeeze3A_123, %cond3A_117#0 : i32
        %convert_element_type3A_129 = arith.extui %eq3A_128 : i1 to i32
        %cond3A_130 = arith.constant 0 : i32
        %cond3A_131 = arith.cmpi ne, %convert_element_type3A_129, %cond3A_130 : i32
        %cond3A_132:4 = scf.if %cond3A_131 -> (i32, f32, vector<16xf32>, vector<16xf32>) {
          %add3A_148 = arith.constant 1.600000e+01 : f32
          %add3A_149 = arith.addf %cond3A_117#1, %add3A_148 : f32
          %add3A_150 = arith.addf %cond3A_117#2, %get3A_125 : vector<16xf32>
          %add3A_151 = arith.addf %cond3A_117#3, %get3A_127 : vector<16xf32>
          scf.yield %cond3A_117#0, %add3A_149, %add3A_150, %add3A_151 : i32, f32, vector<16xf32>, vector<16xf32>
        } else {
          %reduce_sum3A_148 = arith.constant true
          %reduce_sum3A_149 = vector.broadcast %reduce_sum3A_148 : i1 to vector<16xi1>
          %reduce_sum3A_150 = tpu.scan <sum>, %cond3A_117#2 masked %reduce_sum3A_149 : vector<16xf32>, vector<16xi1> -> vector<16xf32>
          %reduce_sum3A_151 = vector.extract %reduce_sum3A_150[15] : f32 from vector<16xf32>
          %reduce_sum3A_152 = arith.constant true
          %reduce_sum3A_153 = vector.broadcast %reduce_sum3A_152 : i1 to vector<16xi1>
          %reduce_sum3A_154 = tpu.scan <sum>, %cond3A_117#3 masked %reduce_sum3A_153 : vector<16xf32>, vector<16xi1> -> vector<16xf32>
          %reduce_sum3A_155 = vector.extract %reduce_sum3A_154[15] : f32 from vector<16xf32>
          %eq3A_156 = arith.constant 0 : i32
          %eq3A_157 = vector.broadcast %eq3A_156 : i32 to vector<16xi32>
          %eq3A_158 = arith.cmpi eq, %iota3A, %eq3A_157 : vector<16xi32>
          %eq3A_159 = arith.constant 1 : i32
          %eq3A_160 = vector.broadcast %eq3A_159 : i32 to vector<16xi32>
          %eq3A_161 = arith.cmpi eq, %iota3A, %eq3A_160 : vector<16xi32>
          %broadcast_in_dim3A_162 = vector.broadcast %reduce_sum3A_155 : f32 to vector<16xf32>
          %broadcast_in_dim3A_163 = vector.broadcast %cond3A_117#1 : f32 to vector<16xf32>
          %select_n3A_164 = arith.select %eq3A_161, %broadcast_in_dim3A_162, %broadcast_in_dim3A_163 : vector<16xi1>, vector<16xf32>
          %broadcast_in_dim3A_165 = vector.broadcast %reduce_sum3A_151 : f32 to vector<16xf32>
          %select_n3A_166 = arith.select %eq3A_158, %broadcast_in_dim3A_165, %select_n3A_164 : vector<16xi1>, vector<16xf32>
          %add3A_167 = vector.broadcast %cond3A_117#0 : i32 to vector<16xi32>
          %add3A_168 = arith.addi %add3A_167, %mul3A_18 : vector<16xi32>
          tpu.vector_store_idx %arg12[%add3A_168], %select_n3A_166 masked %lt3A_15 {add = true} : memref<6144xf32, #tpu.memory_space<vmem>>[vector<16xi32>], vector<16xf32>, vector<16xi1>
          %slice3A_169 = vector.extract_strided_slice %get3A_121 {offsets = [0], sizes = [1], strides = [1]} : vector<16xi32> to vector<1xi32>
          %squeeze3A_170 = vector.extract %slice3A_169[0] : i32 from vector<1xi32>
          %eq3A_171 = arith.cmpi eq, %squeeze3A_170, %squeeze3A_123 : i32
          %convert_element_type3A_172 = arith.extui %eq3A_171 : i1 to i32
          %cond3A_173 = arith.constant 0 : i32
          %cond3A_174 = arith.constant 0 : i32
          %cond3A_175 = arith.cmpi ne, %convert_element_type3A_172, %cond3A_174 : i32
          %cond3A_176:3 = scf.if %cond3A_175 -> (f32, vector<16xf32>, vector<16xf32>) {
            %cond3A_177 = arith.constant 1.600000e+01 : f32
            scf.yield %cond3A_177, %get3A_125, %get3A_127 : f32, vector<16xf32>, vector<16xf32>
          } else {
            tpu.vector_store_idx %arg12[%get3A_121], %get3A_125 {add = true} : memref<6144xf32, #tpu.memory_space<vmem>>[vector<16xi32>], vector<16xf32>,
            %add3A_177 = arith.constant 2048 : i32
            %add3A_178 = vector.broadcast %add3A_177 : i32 to vector<16xi32>
            %add3A_179 = arith.addi %get3A_121, %add3A_178 : vector<16xi32>
            tpu.vector_store_idx %arg12[%add3A_179], %get3A_127 {add = true} : memref<6144xf32, #tpu.memory_space<vmem>>[vector<16xi32>], vector<16xf32>,
            %add3A_180 = arith.constant 4096 : i32
            %add3A_181 = vector.broadcast %add3A_180 : i32 to vector<16xi32>
            %add3A_182 = arith.addi %get3A_121, %add3A_181 : vector<16xi32>
            tpu.vector_store_idx %arg12[%add3A_182], %broadcast_in_dim3A_11 {add = true} : memref<6144xf32, #tpu.memory_space<vmem>>[vector<16xi32>], vector<16xf32>,
            %cond3A_183 = arith.constant 0.000000e+00 : f32
            scf.yield %cond3A_183, %broadcast_in_dim3A_13, %broadcast_in_dim3A_13 : f32, vector<16xf32>, vector<16xf32>
          }
          scf.yield %squeeze3A_123, %cond3A_176#0, %cond3A_176#1, %cond3A_176#2 : i32, f32, vector<16xf32>, vector<16xf32>
        }
        %add3A_133 = arith.constant 64 : i32
        %add3A_134 = arith.addi %mul3A_65, %add3A_133 : i32
        %get3A_135 = arith.index_cast %add3A_134 : i32 to index
        %get3A_136 = tpu.vector_load %arg10[%get3A_135] {strides = array<i32>} : memref<6240xi32, #tpu.memory_space<vmem>>, vector<16xi32>,
        %slice3A_137 = vector.extract_strided_slice %get3A_136 {offsets = [15], sizes = [1], strides = [1]} : vector<16xi32> to vector<1xi32>
        %squeeze3A_138 = vector.extract %slice3A_137[0] : i32 from vector<1xi32>
        %get3A_139 = arith.index_cast %add3A_134 : i32 to index
        %get3A_140 = tpu.vector_load %arg6[%get3A_139] {strides = array<i32>} : memref<6240xf32, #tpu.memory_space<vmem>>, vector<16xf32>,
        %get3A_141 = arith.index_cast %add3A_134 : i32 to index
        %get3A_142 = tpu.vector_load %arg8[%get3A_141] {strides = array<i32>} : memref<6240xf32, #tpu.memory_space<vmem>>, vector<16xf32>,
        %eq3A_143 = arith.cmpi eq, %squeeze3A_138, %cond3A_132#0 : i32
        %convert_element_type3A_144 = arith.extui %eq3A_143 : i1 to i32
        %cond3A_145 = arith.constant 0 : i32
        %cond3A_146 = arith.cmpi ne, %convert_element_type3A_144, %cond3A_145 : i32
        %cond3A_147:4 = scf.if %cond3A_146 -> (i32, f32, vector<16xf32>, vector<16xf32>) {
          %add3A_148 = arith.constant 1.600000e+01 : f32
          %add3A_149 = arith.addf %cond3A_132#1, %add3A_148 : f32
          %add3A_150 = arith.addf %cond3A_132#2, %get3A_140 : vector<16xf32>
          %add3A_151 = arith.addf %cond3A_132#3, %get3A_142 : vector<16xf32>
          scf.yield %cond3A_132#0, %add3A_149, %add3A_150, %add3A_151 : i32, f32, vector<16xf32>, vector<16xf32>
        } else {
          %reduce_sum3A_148 = arith.constant true
          %reduce_sum3A_149 = vector.broadcast %reduce_sum3A_148 : i1 to vector<16xi1>
          %reduce_sum3A_150 = tpu.scan <sum>, %cond3A_132#2 masked %reduce_sum3A_149 : vector<16xf32>, vector<16xi1> -> vector<16xf32>
          %reduce_sum3A_151 = vector.extract %reduce_sum3A_150[15] : f32 from vector<16xf32>
          %reduce_sum3A_152 = arith.constant true
          %reduce_sum3A_153 = vector.broadcast %reduce_sum3A_152 : i1 to vector<16xi1>
          %reduce_sum3A_154 = tpu.scan <sum>, %cond3A_132#3 masked %reduce_sum3A_153 : vector<16xf32>, vector<16xi1> -> vector<16xf32>
          %reduce_sum3A_155 = vector.extract %reduce_sum3A_154[15] : f32 from vector<16xf32>
          %eq3A_156 = arith.constant 0 : i32
          %eq3A_157 = vector.broadcast %eq3A_156 : i32 to vector<16xi32>
          %eq3A_158 = arith.cmpi eq, %iota3A, %eq3A_157 : vector<16xi32>
          %eq3A_159 = arith.constant 1 : i32
          %eq3A_160 = vector.broadcast %eq3A_159 : i32 to vector<16xi32>
          %eq3A_161 = arith.cmpi eq, %iota3A, %eq3A_160 : vector<16xi32>
          %broadcast_in_dim3A_162 = vector.broadcast %reduce_sum3A_155 : f32 to vector<16xf32>
          %broadcast_in_dim3A_163 = vector.broadcast %cond3A_132#1 : f32 to vector<16xf32>
          %select_n3A_164 = arith.select %eq3A_161, %broadcast_in_dim3A_162, %broadcast_in_dim3A_163 : vector<16xi1>, vector<16xf32>
          %broadcast_in_dim3A_165 = vector.broadcast %reduce_sum3A_151 : f32 to vector<16xf32>
          %select_n3A_166 = arith.select %eq3A_158, %broadcast_in_dim3A_165, %select_n3A_164 : vector<16xi1>, vector<16xf32>
          %add3A_167 = vector.broadcast %cond3A_132#0 : i32 to vector<16xi32>
          %add3A_168 = arith.addi %add3A_167, %mul3A_18 : vector<16xi32>
          tpu.vector_store_idx %arg12[%add3A_168], %select_n3A_166 masked %lt3A_15 {add = true} : memref<6144xf32, #tpu.memory_space<vmem>>[vector<16xi32>], vector<16xf32>, vector<16xi1>
          %slice3A_169 = vector.extract_strided_slice %get3A_136 {offsets = [0], sizes = [1], strides = [1]} : vector<16xi32> to vector<1xi32>
          %squeeze3A_170 = vector.extract %slice3A_169[0] : i32 from vector<1xi32>
          %eq3A_171 = arith.cmpi eq, %squeeze3A_170, %squeeze3A_138 : i32
          %convert_element_type3A_172 = arith.extui %eq3A_171 : i1 to i32
          %cond3A_173 = arith.constant 0 : i32
          %cond3A_174 = arith.constant 0 : i32
          %cond3A_175 = arith.cmpi ne, %convert_element_type3A_172, %cond3A_174 : i32
          %cond3A_176:3 = scf.if %cond3A_175 -> (f32, vector<16xf32>, vector<16xf32>) {
            %cond3A_177 = arith.constant 1.600000e+01 : f32
            scf.yield %cond3A_177, %get3A_140, %get3A_142 : f32, vector<16xf32>, vector<16xf32>
          } else {
            tpu.vector_store_idx %arg12[%get3A_136], %get3A_140 {add = true} : memref<6144xf32, #tpu.memory_space<vmem>>[vector<16xi32>], vector<16xf32>,
            %add3A_177 = arith.constant 2048 : i32
            %add3A_178 = vector.broadcast %add3A_177 : i32 to vector<16xi32>
            %add3A_179 = arith.addi %get3A_136, %add3A_178 : vector<16xi32>
            tpu.vector_store_idx %arg12[%add3A_179], %get3A_142 {add = true} : memref<6144xf32, #tpu.memory_space<vmem>>[vector<16xi32>], vector<16xf32>,
            %add3A_180 = arith.constant 4096 : i32
            %add3A_181 = vector.broadcast %add3A_180 : i32 to vector<16xi32>
            %add3A_182 = arith.addi %get3A_136, %add3A_181 : vector<16xi32>
            tpu.vector_store_idx %arg12[%add3A_182], %broadcast_in_dim3A_11 {add = true} : memref<6144xf32, #tpu.memory_space<vmem>>[vector<16xi32>], vector<16xf32>,
            %cond3A_183 = arith.constant 0.000000e+00 : f32
            scf.yield %cond3A_183, %broadcast_in_dim3A_13, %broadcast_in_dim3A_13 : f32, vector<16xf32>, vector<16xf32>
          }
          scf.yield %squeeze3A_138, %cond3A_176#0, %cond3A_176#1, %cond3A_176#2 : i32, f32, vector<16xf32>, vector<16xf32>
        }
        scf.yield %cond3A_147#0, %cond3A_147#1, %cond3A_147#2, %cond3A_147#3 : i32, f32, vector<16xf32>, vector<16xf32>
      }
      scf.yield %cond3A_72#0, %cond3A_72#1, %cond3A_72#2, %cond3A_72#3 : i32, f32, vector<16xf32>, vector<16xf32>
    }
    %scan3A_40 = arith.constant 78 : i32
    %reduce_sum3A = arith.constant true
    %reduce_sum3A_41 = vector.broadcast %reduce_sum3A : i1 to vector<16xi1>
    %reduce_sum3A_42 = tpu.scan <sum>, %scan3A_39#2 masked %reduce_sum3A_41 : vector<16xf32>, vector<16xi1> -> vector<16xf32>
    %reduce_sum3A_43 = vector.extract %reduce_sum3A_42[15] : f32 from vector<16xf32>
    %reduce_sum3A_44 = arith.constant true
    %reduce_sum3A_45 = vector.broadcast %reduce_sum3A_44 : i1 to vector<16xi1>
    %reduce_sum3A_46 = tpu.scan <sum>, %scan3A_39#3 masked %reduce_sum3A_45 : vector<16xf32>, vector<16xi1> -> vector<16xf32>
    %reduce_sum3A_47 = vector.extract %reduce_sum3A_46[15] : f32 from vector<16xf32>
    %eq3A = arith.constant 0 : i32
    %eq3A_48 = vector.broadcast %eq3A : i32 to vector<16xi32>
    %eq3A_49 = arith.cmpi eq, %iota3A, %eq3A_48 : vector<16xi32>
    %eq3A_50 = arith.constant 1 : i32
    %eq3A_51 = vector.broadcast %eq3A_50 : i32 to vector<16xi32>
    %eq3A_52 = arith.cmpi eq, %iota3A, %eq3A_51 : vector<16xi32>
    %broadcast_in_dim3A_53 = vector.broadcast %reduce_sum3A_47 : f32 to vector<16xf32>
    %broadcast_in_dim3A_54 = vector.broadcast %scan3A_39#1 : f32 to vector<16xf32>
    %select_n3A = arith.select %eq3A_52, %broadcast_in_dim3A_53, %broadcast_in_dim3A_54 : vector<16xi1>, vector<16xf32>
    %broadcast_in_dim3A_55 = vector.broadcast %reduce_sum3A_43 : f32 to vector<16xf32>
    %select_n3A_56 = arith.select %eq3A_49, %broadcast_in_dim3A_55, %select_n3A : vector<16xi1>, vector<16xf32>
    %add3A_57 = vector.broadcast %scan3A_39#0 : i32 to vector<16xi32>
    %add3A_58 = arith.addi %add3A_57, %mul3A_18 : vector<16xi32>
    tpu.vector_store_idx %arg12[%add3A_58], %select_n3A_56 masked %lt3A_15 {add = true} : memref<6144xf32, #tpu.memory_space<vmem>>[vector<16xi32>], vector<16xf32>, vector<16xi1>
    "tpu.region"() ({
      %run_scoped3A = tpu.sem_alloc : memref<!tpu.dma_semaphore, #tpu.memory_space<semaphore_mem>>
      %dma_start3A_59 = arith.constant 0 : i32
      %dma_start3A_60 = tpu.memref_slice %arg5[%add3A, %dma_start3A_59] : memref<32x6144xf32, #tpu.memory_space<hbm>> -> memref<1x6144xf32, #tpu.memory_space<hbm>>
      %dma_start3A_61 = tpu.memref_squeeze %dma_start3A_60 : memref<1x6144xf32, #tpu.memory_space<hbm>> -> memref<6144xf32, #tpu.memory_space<hbm>>
      %dma_start3A_62 = arith.constant 0 : i32
      %dma_start3A_63 = tpu.memref_slice %arg5[%add3A, %dma_start3A_62] : memref<32x6144xf32, #tpu.memory_space<hbm>> -> memref<1x6144xf32, #tpu.memory_space<hbm>>
      %dma_start3A_64 = tpu.memref_squeeze %dma_start3A_63 : memref<1x6144xf32, #tpu.memory_space<hbm>> -> memref<6144xf32, #tpu.memory_space<hbm>>
      tpu.enqueue_dma source(%arg12 : memref<6144xf32, #tpu.memory_space<vmem>>) target(%dma_start3A_64 : memref<6144xf32, #tpu.memory_space<hbm>>) target_semaphore(%run_scoped3A : memref<!tpu.dma_semaphore, #tpu.memory_space<semaphore_mem>>)
      %dma_wait3A_65 = arith.constant 0 : i32
      %dma_wait3A_66 = tpu.memref_slice %arg5[%add3A, %dma_wait3A_65] : memref<32x6144xf32, #tpu.memory_space<hbm>> -> memref<1x6144xf32, #tpu.memory_space<hbm>>
      %dma_wait3A_67 = tpu.memref_squeeze %dma_wait3A_66 : memref<1x6144xf32, #tpu.memory_space<hbm>> -> memref<6144xf32, #tpu.memory_space<hbm>>
      %dma_wait3A_68 = arith.constant 0 : i32
      %dma_wait3A_69 = tpu.memref_slice %arg5[%add3A, %dma_wait3A_68] : memref<32x6144xf32, #tpu.memory_space<hbm>> -> memref<1x6144xf32, #tpu.memory_space<hbm>>
      %dma_wait3A_70 = tpu.memref_squeeze %dma_wait3A_69 : memref<1x6144xf32, #tpu.memory_space<hbm>> -> memref<6144xf32, #tpu.memory_space<hbm>>
      tpu.wait_dma2 semaphore(%run_scoped3A : memref<!tpu.dma_semaphore, #tpu.memory_space<semaphore_mem>>) src(%arg12 : memref<6144xf32, #tpu.memory_space<vmem>>) dst(%dma_wait3A_70 : memref<6144xf32, #tpu.memory_space<hbm>>)
      tpu.yield
    }) : () -> ()
    return
  }
}

module attributes {stable_mosaic.version = 14 : i64} {
  func.func @body(%arg0: memref<32x6144xf32, #tpu.memory_space<vmem>>, %arg1: memref<32x6144xf32, #tpu.memory_space<vmem>>, %arg2: memref<32x6144xf32, #tpu.memory_space<vmem>>, %arg3: memref<2x2048xf32, #tpu.memory_space<vmem>>, %arg4: memref<4x4xf32, #tpu.memory_space<vmem>>, %arg5: memref<4xf32, #tpu.memory_space<vmem>>, %arg6: memref<4x4xf32, #tpu.memory_space<vmem>>, %arg7: memref<4xf32, #tpu.memory_space<vmem>>, %arg8: memref<4x2048xf32, #tpu.memory_space<vmem>>) attributes {dimension_semantics = [], scalar_prefetch = 0 : i64, scratch_operands = 0 : i64, tpu.core_type = #tpu.core_type<tc>} {
    %get3A = arith.constant 0 : index
    %get3A_0 = arith.constant 0 : index
    %get3A_1 = vector.load %arg0[%get3A, %get3A_0] : memref<32x6144xf32, #tpu.memory_space<vmem>>, vector<32x6144xf32>
    %reduce_sum3A = arith.constant dense<0.000000e+00> : vector<6144xf32>
    %reduce_sum3A_2 = vector.multi_reduction <add>, %get3A_1, %reduce_sum3A [0] : vector<32x6144xf32> to vector<6144xf32>
    %add3A = arith.constant 0.000000e+00 : f32
    %add3A_3 = vector.broadcast %add3A : f32 to vector<6144xf32>
    %add3A_4 = arith.addf %add3A_3, %reduce_sum3A_2 : vector<6144xf32>
    %get3A_5 = arith.constant 0 : index
    %get3A_6 = arith.constant 0 : index
    %get3A_7 = vector.load %arg1[%get3A_5, %get3A_6] : memref<32x6144xf32, #tpu.memory_space<vmem>>, vector<32x6144xf32>
    %reduce_sum3A_8 = arith.constant dense<0.000000e+00> : vector<6144xf32>
    %reduce_sum3A_9 = vector.multi_reduction <add>, %get3A_7, %reduce_sum3A_8 [0] : vector<32x6144xf32> to vector<6144xf32>
    %add3A_10 = arith.addf %add3A_4, %reduce_sum3A_9 : vector<6144xf32>
    %get3A_11 = arith.constant 0 : index
    %get3A_12 = arith.constant 0 : index
    %get3A_13 = vector.load %arg2[%get3A_11, %get3A_12] : memref<32x6144xf32, #tpu.memory_space<vmem>>, vector<32x6144xf32>
    %reduce_sum3A_14 = arith.constant dense<0.000000e+00> : vector<6144xf32>
    %reduce_sum3A_15 = vector.multi_reduction <add>, %get3A_13, %reduce_sum3A_14 [0] : vector<32x6144xf32> to vector<6144xf32>
    %add3A_16 = arith.addf %add3A_10, %reduce_sum3A_15 : vector<6144xf32>
    %slice3A = vector.extract_strided_slice %add3A_16 {offsets = [4096], sizes = [2048], strides = [1]} : vector<6144xf32> to vector<2048xf32>
    %max3A = arith.constant 1.000000e+00 : f32
    %max3A_17 = vector.broadcast %max3A : f32 to vector<2048xf32>
    %max3A_18 = arith.maximumf %slice3A, %max3A_17 : vector<2048xf32>
    %slice3A_19 = vector.extract_strided_slice %add3A_16 {offsets = [0], sizes = [2048], strides = [1]} : vector<6144xf32> to vector<2048xf32>
    %div3A = arith.divf %slice3A_19, %max3A_18 : vector<2048xf32>
    %slice3A_20 = vector.extract_strided_slice %add3A_16 {offsets = [2048], sizes = [2048], strides = [1]} : vector<6144xf32> to vector<2048xf32>
    %div3A_21 = arith.divf %slice3A_20, %max3A_18 : vector<2048xf32>
    %get3A_22 = arith.constant 0 : index
    %get3A_23 = arith.constant 0 : index
    %get3A_24 = vector.load %arg3[%get3A_22, %get3A_23] : memref<2x2048xf32, #tpu.memory_space<vmem>>, vector<2x2048xf32>
    %slice3A_25 = vector.extract_strided_slice %get3A_24 {offsets = [0, 0], sizes = [1, 2048], strides = [1, 1]} : vector<2x2048xf32> to vector<1x2048xf32>
    %squeeze3A = vector.shape_cast %slice3A_25 : vector<1x2048xf32> to vector<2048xf32>
    %reshape3A = vector.shape_cast %squeeze3A : vector<2048xf32> to vector<1x2048xf32>
    %slice3A_26 = vector.extract_strided_slice %get3A_24 {offsets = [1, 0], sizes = [1, 2048], strides = [1, 1]} : vector<2x2048xf32> to vector<1x2048xf32>
    %squeeze3A_27 = vector.shape_cast %slice3A_26 : vector<1x2048xf32> to vector<2048xf32>
    %reshape3A_28 = vector.shape_cast %squeeze3A_27 : vector<2048xf32> to vector<1x2048xf32>
    %reshape3A_29 = vector.shape_cast %div3A : vector<2048xf32> to vector<1x2048xf32>
    %reshape3A_30 = vector.shape_cast %div3A_21 : vector<2048xf32> to vector<1x2048xf32>
    %concatenate3A = tpu.concatenate %reshape3A, %reshape3A_28, %reshape3A_29, %reshape3A_30 in 0 : vector<1x2048xf32>, vector<1x2048xf32>, vector<1x2048xf32>, vector<1x2048xf32> -> vector<4x2048xf32>
    %get3A_31 = arith.constant 0 : index
    %get3A_32 = arith.constant 0 : index
    %get3A_33 = vector.load %arg4[%get3A_31, %get3A_32] : memref<4x4xf32, #tpu.memory_space<vmem>>, vector<4x4xf32>
    %get3A_34 = arith.constant 0 : index
    %get3A_35 = arith.constant 0 : index
    %get3A_36 = vector.load %arg6[%get3A_34, %get3A_35] : memref<4x4xf32, #tpu.memory_space<vmem>>, vector<4x4xf32>
    %get3A_37 = arith.constant 0 : index
    %get3A_38 = vector.load %arg5[%get3A_37] : memref<4xf32, #tpu.memory_space<vmem>>, vector<4xf32>
    %reshape3A_39 = vector.shape_cast %get3A_38 : vector<4xf32> to vector<4x1xf32>
    %get3A_40 = arith.constant 0 : index
    %get3A_41 = vector.load %arg7[%get3A_40] : memref<4xf32, #tpu.memory_space<vmem>>, vector<4xf32>
    %reshape3A_42 = vector.shape_cast %get3A_41 : vector<4xf32> to vector<4x1xf32>
    %dot_general3A = arith.constant dense<0.000000e+00> : vector<4x2048xf32>
    %dot_general3A_43 = tpu.matmul %get3A_33, %concatenate3A, %dot_general3A {dimension_numbers = #tpu.dot_dimension_numbers<[1], [0], [0], [1], [0, 0, 1, 1], [], []>, transpose_lhs_hint = false} : vector<4x4xf32>, vector<4x2048xf32>, vector<4x2048xf32> -> vector<4x2048xf32>
    %add3A_44 = vector.broadcast %reshape3A_39 : vector<4x1xf32> to vector<4x2048xf32>
    %add3A_45 = arith.addf %dot_general3A_43, %add3A_44 : vector<4x2048xf32>
    %max3A_46 = arith.constant 0.000000e+00 : f32
    %max3A_47 = vector.broadcast %max3A_46 : f32 to vector<4x2048xf32>
    %max3A_48 = arith.maximumf %add3A_45, %max3A_47 : vector<4x2048xf32>
    %dot_general3A_49 = arith.constant dense<0.000000e+00> : vector<4x2048xf32>
    %dot_general3A_50 = tpu.matmul %get3A_36, %max3A_48, %dot_general3A_49 {dimension_numbers = #tpu.dot_dimension_numbers<[1], [0], [0], [1], [0, 0, 1, 1], [], []>, transpose_lhs_hint = false} : vector<4x4xf32>, vector<4x2048xf32>, vector<4x2048xf32> -> vector<4x2048xf32>
    %add3A_51 = vector.broadcast %reshape3A_42 : vector<4x1xf32> to vector<4x2048xf32>
    %add3A_52 = arith.addf %dot_general3A_50, %add3A_51 : vector<4x2048xf32>
    %swap3A = arith.constant 0 : index
    %swap3A_53 = arith.constant 0 : index
    %swap3A_54 = vector.load %arg8[%swap3A, %swap3A_53] : memref<4x2048xf32, #tpu.memory_space<vmem>>, vector<4x2048xf32>
    tpu.vector_store %arg8[%swap3A, %swap3A_53], %add3A_52 {strides = array<i32>} : memref<4x2048xf32, #tpu.memory_space<vmem>>, vector<4x2048xf32>,
    return
  }
}

</mosaic_0001>

<sc_bundles>
// kernel: kernel.12.cloned.1.call-start
scs
__scs_entry_jumppad:
0x0: {  	(pc) =	sbr.rel $0x88, $3  }
0x1: {  	(tag) =	ssettag $0x0;
	lr =	simm.s32 $0x1  }
0x2: {  	[smem:$0x3F9A] =	sst lr;
	_ =	strace $0xD0000000  }
0x3: {  	_ = 	snop  }
0x4: {  	_ = 	snop  }
0x5: {  	_ = 	snop  }
0x6: {  	_ = 	snop  }
0x7: {  	_ = 	snop  }
__scs_overlays_trampoline_lowered:
0x8: {  	[smem:$0x3FA9] =	sst s0  }
0x9: {  	[smem:$0x3FAA] =	sst s1  }
0xa: {  	[smem:$0x3FAB] =	sst s2  }
0xb: {  	[smem:$0x3FAC] =	sst s3  }
0xc: {  	[smem:$0x3FAD] =	sst s4  }
0xd: {  	[smem:$0x3FAE] =	sst s5  }
0xe: {  	[smem:$0x3FAF] =	sst s6  }
0xf: {  	[smem:$0x3FB0] =	sst s7  }
0x10: {  	[smem:$0x3FB1] =	sst s8  }
0x11: {  	[smem:$0x3FB2] =	sst s9;
	s0 =	simm.s32 @!p0 $0x0  }
0x12: {  	s1 =	sld [smem:$0x3F98];
	s0 =	simm.s32 @p0 $0x1  }
0x13: {  	[smem:$0x3FB3] =	sst s0;
	s0 =	simm.s32 @!p1 $0x0  }
0x14: {  	s2 =	sld [smem:$0x3F97];
	s0 =	simm.s32 @p1 $0x1  }
0x15: {  	[smem:$0x3FB4] =	sst s0;
	s0 =	simm.s32 @!p2 $0x0  }
0x16: {  	s3 =	sld [smem:$0x3FDB];
	s0 =	simm.s32 @p2 $0x1  }
0x17: {  	s4 =	simm.s32 $0x1BF5;
	[smem:$0x3FB6] =	sst s0  }
0x18: {  	s0 =	sld [smem:$0x3F99];
	_ =	swait.ge [sflag:s4], $0x0  }
0x19: {  	s7 =	sld [smem:$0x3F9A]  }
0x1a: {  	s8 =	sadd.s32 $0xFFFFE003, lr  }
0x1b: {  	s9 =	sadd.s32 $0xFFFFFEF7, lr;
	s5 =	simm.s32 $0xFFFFFFFF;
	p2 =	slt.u32 s8, $0xFFFFF086  }
0x1c: {  	p1 =	slt.u32 s9, $0xF7A;
	s5 =	simm.s32 @!p2 $0x0  }
0x1d: {  	s5 =	simm.s32 @p1 $0x1;
	p0 =	seq.s32 s7, s2  }
0x1e: {  	s7 =	smul.u32 @!p0 $0xF7A, s2;
	p2 =	seq.s32 @!p0 s5, $0x0  }
0x1f: {  	s9 =	smul.u32 $0xF7A, s1;
	s8 =	simm.s32 @!p0 $0x1BF5;
	p2 =	por !p2, p0  }
0x20: {  	[sflag:s8] =	ssyncset.s32 @!p0 $0xFFFFF086;
	s6 =	sadd.s32 @!p0 s3, s7;
	s7 =	simm.s32 @!p0 $0x108  }
0x21: {  	s3 =	sadd.s32 s3, s9;
	s6 =	sadd.s32 @!p0 $0x88, s6;
	s7 =	simm.s32 @p2 $0x1082  }
0x22: {  	[simem:s7], [sflag:s8] =	dma.local @!p0 [hbm:s6], $0xF7A  }
0x23: {  	s9 =	sor.u32 $0xD0000000, s2;
	s6 =	simm.s32 $0x108;
	_ =	swait.ge @!p0 [sflag:s8], $0x0  }
0x24: {  	s3 =	sadd.s32 $0x88, s3;
	s6 =	simm.s32 @!p1 $0x1082;
	[sflag:s4] =	ssyncset.s32 $0xFFFFF086  }
0x25: {  	[simem:s6], [sflag:s4] =	dma.local [hbm:s3], $0xF7A  }
0x26: {  	[smem:$0x3F9A] =	sst s1;
	(tag) =	ssettag s2;
	_ =	strace s9  }
0x27: {  	s1 =	sld [smem:$0x3FAA]  }
0x28: {  	s2 =	sld [smem:$0x3FAB]  }
0x29: {  	s4 =	sld [smem:$0x3FAD]  }
0x2a: {  	p0 =	seq.s32 s5, $0x0;
	s5 =	sld [smem:$0x3FAE]  }
0x2b: {  	s6 =	sld [smem:$0x3FAF]  }
0x2c: {  	s7 =	sld [smem:$0x3FB0]  }
0x2d: {  	s3 =	simm.s32 $0x108;
	s8 =	sld [smem:$0x3FB1]  }
0x2e: {  	s3 =	simm.s32 @!p0 $0x1082;
	s9 =	sld [smem:$0x3FB2]  }
0x2f: {  	lr =	sadd.s32 s0, s3;
	s0 =	sld [smem:$0x3FA9]  }
0x30: {  	s3 =	sld [smem:$0x3FAC]  }
0x31: {  	[smem:$0x3FB5] =	sst s10  }
0x32: {  	s10 =	sld [smem:$0x3FB3];
	_ =	sdelay $0x3  }
0x33: {  	p0 =	seq.s32 s10, $0x1;
	s10 =	sld [smem:$0x3FB5];
	_ =	sdelay $0x3  }
0x34: {  	[smem:$0x3FB5] =	sst s10  }
0x35: {  	s10 =	sld [smem:$0x3FB4];
	_ =	sdelay $0x3  }
0x36: {  	p1 =	seq.s32 s10, $0x1;
	s10 =	sld [smem:$0x3FB5];
	_ =	sdelay $0x3  }
0x37: {  	[smem:$0x3FB5] =	sst s10  }
0x38: {  	s10 =	sld [smem:$0x3FB6]  }
0x39: {  	_ = 	snop;
	(pc) =	sbr.ind lr, $3  }
0x3a: {  	_ = 	snop  }
0x3b: {  	_ = 	snop  }
0x3c: {  	p2 =	seq.s32 s10, $0x1;
	s10 =	sld [smem:$0x3FB5]  }
0x3d: {  	_ =	shalt  }
0x3e: {  	_ =	shalt  }
0x3f: {  	_ =	shalt  }
0x40: {  	_ =	shalt  }
0x41: {  	_ =	shalt  }
0x42: {  	_ =	shalt  }
0x43: {  	_ =	shalt  }
0x44: {  	_ =	shalt  }
0x45: {  	_ =	shalt  }
0x46: {  	_ =	shalt  }
0x47: {  	_ =	shalt  }
0x48: {  	_ =	shalt  }
0x49: {  	_ =	shalt  }
0x4a: {  	_ =	shalt  }
0x4b: {  	_ =	shalt  }
0x4c: {  	_ =	shalt  }
0x4d: {  	_ =	shalt  }
0x4e: {  	_ =	shalt  }
0x4f: {  	_ =	shalt  }
0x50: {  	_ =	shalt  }
0x51: {  	_ =	shalt  }
0x52: {  	_ =	shalt  }
0x53: {  	_ =	shalt  }
0x54: {  	_ =	shalt  }
0x55: {  	_ =	shalt  }
0x56: {  	_ =	shalt  }
0x57: {  	_ =	shalt  }
0x58: {  	_ =	shalt  }
0x59: {  	_ =	shalt  }
0x5a: {  	_ =	shalt  }
0x5b: {  	_ =	shalt  }
0x5c: {  	_ =	shalt  }
0x5d: {  	_ =	shalt  }
0x5e: {  	_ =	shalt  }
0x5f: {  	_ =	shalt  }
0x60: {  	_ =	shalt  }
0x61: {  	_ =	shalt  }
0x62: {  	_ =	shalt  }
0x63: {  	_ =	shalt  }
0x64: {  	_ =	shalt  }
0x65: {  	_ =	shalt  }
0x66: {  	_ =	shalt  }
0x67: {  	_ =	shalt  }
0x68: {  	_ =	shalt  }
0x69: {  	_ =	shalt  }
0x6a: {  	_ =	shalt  }
0x6b: {  	_ =	shalt  }
0x6c: {  	_ =	shalt  }
0x6d: {  	_ =	shalt  }
0x6e: {  	_ =	shalt  }
0x6f: {  	_ =	shalt  }
0x70: {  	_ =	shalt  }
0x71: {  	_ =	shalt  }
0x72: {  	_ =	shalt  }
0x73: {  	_ =	shalt  }
0x74: {  	_ =	shalt  }
0x75: {  	_ =	shalt  }
0x76: {  	_ =	shalt  }
0x77: {  	_ =	shalt  }
0x78: {  	_ =	shalt  }
0x79: {  	_ =	shalt  }
0x7a: {  	_ =	shalt  }
0x7b: {  	_ =	shalt  }
0x7c: {  	_ =	shalt  }
0x7d: {  	_ =	shalt  }
0x7e: {  	_ =	shalt  }
0x7f: {  	_ =	shalt  }
0x80: {  	_ =	shalt  }
0x81: {  	_ =	shalt  }
0x82: {  	_ =	shalt  }
0x83: {  	_ =	shalt  }
0x84: {  	_ =	shalt  }
0x85: {  	_ =	shalt  }
0x86: {  	_ =	shalt  }
0x87: {  	_ =	shalt  }
.Lfunc_end0:
.L_simem_size_0:
called_computation.2_lowered:
.L_overlay_start_0:
0x88: {  	s2 =	sld [smem:$0x3FD9]  }
0x89: {  	s3 =	sld [smem:$0x3FFE];
	_ =	sdelay $0x1  }
0x8a: {  	s1 =	srdreg.scid  }
0x8b: {  	s0 =	sand.u32 $0x1, s1  }
0x8c: {  	s17 =	sshll.u32 s0, $0xA;
	s2 =	sadd.s32 s3, s2  }
0x8d: {  	s2 =	sadd.s32 s2, s17  }
0x8e: {  	[smem:$0x3FC1] =	sst s2  }
0x8f: {  	_ = 	snop  }
0x90: {  	s2 =	sld [smem:$0x3FC7];
	(tm) =	ssettm $0x1  }
0x91: {  	s18 =	sld [smem:$0x3FFB];
	_ =	sdelay $0x3  }
0x92: {  	_ =	strace s18  }
0x93: {  	s3 =	sld [smem:$0x3FFC];
	_ =	sdelay $0x3  }
0x94: {  	_ =	strace s3  }
0x95: {  	s3 =	sld [smem:$0x3FFD];
	_ =	sdelay $0x3  }
0x96: {  	_ =	strace s3  }
0x97: {  	_ =	strace $0x8FFFFFFF  }
0x98: {  	s19 =	sld [smem:$0x3FDB];
	_ =	sdelay $0x1  }
0x99: {  	s4 =	simm.s32 $_scs_section_size  }
0x9a: {  	s5 =	simm.s32 $_size__tile_overlayer_lowered;
	s6 =	simm.s32 $_tile_overlayer_lowered  }
0x9b: {  	s22 =	simm.s32 $0x1BFF;
	s21 =	sshll.u32 s6, $0x1;
	s3 =	sadd.s32 s4, s19  }
0x9c: {  	s7 =	simm.s32 $0x0;
	s20 =	sshll.u32 s5, $0x1;
	s5 =	sadd.s32 s21, s3  }
0x9d: {  	[timem:s7], [sflag:s22] =	dma.local [hbm:s5], s20  }
0x9e: {  	_ =	swait.ge [sflag:s22], s20  }
0x9f: {  	s4 =	ssub.s32 $0x0, s20;
	[sflag:s22] =	ssyncset.done $0x0  }
0xa0: {  	[sflag:s22] =	ssyncadd.s32 s4;
	_ =	sdelay $0x1  }
0xa1: {  	s23 =	simm.s32 $0x1B8B  }
0xa2: {  	_ =	swait.ge [sflag:s23], $0x1  }
0xa3: {  	[sflag:s23] =	ssyncset.done $0x0  }
0xa4: {  	s25 =	simm.s32 $0x1B8E;
	s24 =	sld [smem:$0x3FFE];
	[sflag:s23] =	ssyncadd.s32 $0xFFFFFFFF  }
0xa5: {  	s26 =	simm.s32 $execute0_lowered;
	[smem:$0x3FD2] =	sst s25  }
0xa6: {  	s5 =	sshll.u32 s26, $0x1;
	_ =	strace $0x80000046;
	[dreg:$0x1] =	wrdreg $0xFFFFFFFF  }
0xa7: {  	s28 =	simm.s32 $_size_execute0_lowered;
	s3 =	sadd.s32 s3, s5;
	[dreg:$0x0] =	wrdreg $0x0  }
0xa8: {  	s5 =	sshll.u32 s28, $0x1;
	[dreg:$0x2] =	wrdreg s3  }
0xa9: {  	[dreg:$0x3] =	wrdreg s5  }
0xaa: {  	[dreg:$0x4] =	wrdreg $0xC0  }
0xab: {  	_ =	task [dreg:s7], $0x5FFFF  }
0xac: {  	[dreg:$0x1] =	wrdreg $0xFFFFFFFF  }
0xad: {  	[dreg:$0x0] =	wrdreg $0x60  }
0xae: {  	[dreg:$0x2] =	wrdreg s24  }
0xaf: {  	[dreg:$0x3] =	wrdreg s2  }
0xb0: {  	[dreg:$0x4] =	wrdreg $0xB  }
0xb1: {  	_ =	task.clear_ibuf [dreg:s7], $0x5FFFF;
	_ =	strace $0x90000046  }
0xb2: {  	s29 =	simm.s32 $0xB;
	_ =	strace $0x80000048  }
0xb3: {  	_ =	swait.ge [sflag:s29], $0x1  }
0xb4: {  	[sflag:s29] =	ssyncadd.s32 $0xFFFFFFFF  }
0xb5: {  	_ =	strace $0x90000048  }
0xb6: {  	_ =	sfence  }
0xb7: {  	s30 =	sld [smem:$0x0];
	_ =	sdelay $0x2  }
0xb8: {  	s31 =	sshll.u32 s1, $0xD;
	s1 =	sshrl.u32 s1, $0x2  }
0xb9: {  	s3 =	sand.u32 $0x4000, s31;
	s1 =	sadd.s32 s1, s30  }
0xba: {  	s0 =	sor.u32 s3, s0;
	s1 =	sshll.u32 s1, $0x11  }
0xbb: {  	s0 =	sor.u32 s1, s0  }
0xbc: {  	s0 =	sadd.s32 $0x8F2B, s0  }
0xbd: {  	[sflag:s0] =	ssyncadd.remote.s32 $0x1  }
0xbe: {  	_ =	sfence.sel $0xFFFF  }
0xbf: {  	[dreg:$0x0] =	wrdreg $0xFFFFFFFF;
	(pc) =	sbr.abs _section_cstart, $3  }
0xc0: {  	[dreg:$0x1] =	wrdreg $0xFFFFFFFF  }
0xc1: {  	_ =	task.clear_ibuf [dreg:s7], $0x2FFFF;
	_ =	strace $0x9FFFFFFF  }
0xc2: {  	(tm) =	ssettm $0x7FFFFFFF  }
0xc3: {  	_ =	shalt  }
tec
execute0_lowered:
.L_overlay_start_1:
0x0: {  	(tag) =	ssettag $0x1  }
0x1: {  	s3 =	rddreg [dreg:$0x0]  }
0x2: {  	s4 =	rddreg [dreg:$0x1];
	s2 =	srdreg.scid  }
0x3: {  	s1 =	stileid.u32;
	s0 =	rddreg [dreg:$0x2]  }
0x4: {  	s13 =	simm.s32 $0x1;
	s14 =	simm.s32 $0x2B00;
	s15 =	simm.s32 $0x8100  }
0x5: {  	s16 =	simm.s32 $0xD700;
	s17 =	simm.s32 $0x2;
	s18 =	simm.s32 $0x10200  }
0x6: {  	s19 =	simm.s32 $0x80;
	s20 =	simm.s32 $0x400;
	s21 =	simm.s32 $0x3  }
0x7: {  	s5 =	sand.u32 $0x1, s2;
	s6 =	sshll.u32 s1, $0x1;
	s2 =	simm.s32 $0x0  }
0x8: {  	s7 =	sshrl.u32 s1, $0x2;
	s9 =	sadd.s32 $0x18000, s3;
	s29 =	sadd.s32 $0x2800, s3  }
0x9: {  	s6 =	sor.u32 s5, s6;
	[smem:$0x7FF] =	sst s2;
	s7 =	smul.u32 $0xC000, s7  }
0xa: {  	s5 =	ssub.s32 $0x2, s5;
	s8 =	sshll.u32 s6, $0x7;
	s6 =	smul.u32 $0x55A0, s6  }
0xb: {  	_ =	strace $0x80000047;
	s10 =	sshrl.u32 s5, $0x1;
	s8 =	sand.u32 $0x380, s8  }
0xc: {  	s10 =	ssub.s32 s5, s10;
	s7 =	sor.u32 s7, s8;
	s30 =	sshrl.u32 s6, $0x3  }
.Ltmp0:
0xd: {  	s10 =	smax.u32 s10, $0x1;
	s7 =	sshrl.u32 s7, $0x3;
	(pc) =	sbr.rel .LBB2_1-.Ltmp0, $4  }
0xe: {  	s12 =	sadd.s32 s4, s30;
	s31 =	sadd.s32 $0x55A, s30;
	s4 =	sadd.s32 s29, s30  }
0xf: {  	s11 =	sadd.s32 s7, s3;
	s3 =	sadd.s32 s9, s30;
	s5 =	sadd.s32 $0x1B6C0, s12  }
0x10: {  	v0 =	vimm.f32 $0.0e+00;
	v1 =	vlaneseq.u32;
	s6 =	sadd.s32 s9, s31;
	s7 =	sadd.s32 s29, s31;
	s8 =	sadd.s32 $0x1BC1A, s12  }
0x11: {  	vm0 =	vcmask $0x3F08;
	vm1 =	vcmask $0x3F04;
	v1 =	vmul.u32 $0x800, v1;
	s12 =	simm.s32 $0xAC00;
	s9 =	sadd.s32 $0x2D800, s11;
	s11 =	simm.s32 $0x5600  }
.LBB2_13:
0x12: {  	(xrf2) =	vadd.scan.msk.f32 $0xffff, v3  }
0x13: {  	(xrf2) =	vadd.scan.msk.f32 $0xffff, v2;
	_ =	sdelay $0x8  }
0x14: {  	v2, _, _ =	vpop (xrf2)  }
0x15: {  	v4 =	vadd.s32 s22, v1;
	v3, _, _ =	vpop (xrf2)  }
0x16: {  	v3 =	vbroadcast v3, $0xF  }
0x17: {  	v2 =	vbroadcast v2, $0xF  }
0x18: {  	s2 =	sadd.s32 $0x1, s2;
	v3 =	vsel vm0, s24, v3  }
0x19: {  	p0 =	sne.s32 s2, s10;
	v2 =	vsel vm1, v3, v2  }
.Ltmp1:
0x1a: {  	[tilespmem:v4+s18+$0x0] =	vst.idx.add.f32.msk $0x7, v2;
	(pc) =	sbr.rel @!p0 .LBB2_14-.Ltmp1, $4  }
0x1b: {  	[hbm4b:s9+s19] =	stream.strided.scatter [tilespmem:s18], [sflag:$0x3], $0x1800, s20, s19, $0x38;
	[tilespmem:$0x11A00] =	vst v63  }
0x1c: {  	_ =	swait.ge [sflag:s21], $0x1800  }
0x1d: {  	[sflag:s21] =	ssyncset.done $0x0  }
0x1e: {  	[sflag:s21] =	ssyncadd.s32 $0xFFFFE800  }
.LBB2_1:
0x1f: {  	s22 =	simm.s32 $0x40;
	s23 =	simm.s32 $0x0  }
.LBB2_2:
0x20: {  	p0 =	sne.s32 s22, $0x5FC0;
	[tilespmem:s23+$0x10200] =	vst v0;
	s23 =	smov.u32 s22;
	s22 =	sadd.s32 $0x40, s22  }
.Ltmp2:
0x21: {  	(pc) =	sbr.rel @p0 .LBB2_2-.Ltmp2, $2  }
0x22: {  	_ =	sdelay $0x2  }
0x23: {  	s23 =	sshra.s32 s23, $0x2  }
0x24: {  	[tilespmem:s23+$0x10200] =	vst v0;
	s22 =	simm.s32 $0x0  }
0x25: {  	[tilespmem:s22], [sflag:$0x1] =	stream.linear.gather [hbm4b:s3+s22], $0x2AD0, $0x38;
	[tilespmem:$0x11A00] =	vst v63  }
0x26: {  	_ = 	snop  }
0x27: {  	[tilespmem:s11], [sflag:$0x1] =	stream.linear.gather [hbm4b:s4+s22], $0x2AD0, $0x38;
	[tilespmem:$0x11A00] =	vst v63  }
0x28: {  	_ = 	snop  }
0x29: {  	[tilespmem:s12], [sflag:$0x1] =	stream.linear.gather [hbm4b:s5+s22], $0x2AD0, $0x38;
	[tilespmem:$0x11A00] =	vst v63  }
0x2a: {  	_ =	swait.ge [sflag:s13], $0x2AD0  }
0x2b: {  	[sflag:s13] =	ssyncset.done $0x0  }
0x2c: {  	[sflag:s13] =	ssyncadd.s32 $0xFFFFD530  }
0x2d: {  	_ =	swait.ge [sflag:s13], $0x2AD0  }
0x2e: {  	[sflag:s13] =	ssyncset.done $0x0  }
0x2f: {  	[sflag:s13] =	ssyncadd.s32 $0xFFFFD530  }
0x30: {  	_ =	swait.ge [sflag:s13], $0x2AD0  }
0x31: {  	[sflag:s13] =	ssyncset.done $0x0  }
0x32: {  	[sflag:s13] =	ssyncadd.s32 $0xFFFFD530  }
0x33: {  	[tilespmem:s14], [sflag:$0x2] =	stream.linear.gather [hbm4b:s6+s22], $0x2AD0, $0x38;
	[tilespmem:$0x11A00] =	vst v63  }
.Ltmp3:
0x34: {  	_ = 	snop;
	(pc) =	sbr.rel .LBB2_4-.Ltmp3, $4  }
0x35: {  	_ = 	snop  }
0x36: {  	[tilespmem:s15], [sflag:$0x2] =	stream.linear.gather [hbm4b:s7+s22], $0x2AD0, $0x38;
	[tilespmem:$0x11A00] =	vst v63  }
0x37: {  	s24 =	simm.f32 $0.0e+00;
	s23 =	simm.s32 $0x0  }
0x38: {  	v2 =	vimm.f32 $0.0e+00;
	v3 =	vimm.f32 $0.0e+00;
	[tilespmem:s16], [sflag:$0x2] =	stream.linear.gather [hbm4b:s8+s22], $0x2AD0, $0x38;
	[tilespmem:$0x11A00] =	vst v63  }
.LBB2_6:
0x39: {  	v4 =	vld [tilespmem:s25+$0xAC00];
	_ =	sdelay $0x4  }
0x3a: {  	(v2sf) =	vpush v4, $0xF;
	_ =	sdelay $0xe  }
0x3b: {  	s26 =	spop (v2sf)  }
0x3c: {  	p1 =	sne.s32 s26, s22  }
0x3d: {  	(v2sf) =	vpush @p1 v4, $0x0;
	_ =	sdelay $0x4  }
0x3e: {  	(xrf2) =	vadd.scan.msk.f32 @p1 $0xffff, v3  }
0x3f: {  	(xrf2) =	vadd.scan.msk.f32 @p1 $0xffff, v2;
	_ =	sdelay $0x6  }
0x40: {  	v5 =	vlaneseq.u32 @p1  }
0x41: {  	v5 =	vmul.u32 @p1 $0x800, v5  }
0x42: {  	v6, _, _ =	vpop @p1 (xrf2);
	s28 =	spop @p1 (v2sf)  }
0x43: {  	v5 =	vadd.s32 @p1 s22, v5;
	v7, _, _ =	vpop @p1 (xrf2);
	p2 =	seq.s32 @p1 s28, s26  }
0x44: {  	v8 =	vld [tilespmem:s25+$0x0];
	v7 =	vbroadcast @p1 v7, $0xF;
	p0 =	por p2, !p1  }
0x45: {  	v9 =	vld [tilespmem:s25+$0x5600];
	vm2 =	vcmask @p1 $0x3F08;
	v6 =	vbroadcast @p1 v6, $0xF;
	v10 =	vadd.s32 @!p0 $0x800, v4  }
0x46: {  	v7 =	vsel @p1 vm2, s24, v7;
	vm2 =	vcmask @p1 $0x3F04;
	v11 =	vadd.s32 @!p0 $0x1000, v4  }
0x47: {  	s22 =	simm.s32 @p1 $0x10200;
	v6 =	vsel @p1 vm2, v7, v6  }
0x48: {  	[tilespmem:v5+s22+$0x0] =	vst.idx.add.f32.msk @p1 $0x7, v6;
	s22 =	simm.s32 @!p0 $0x10200  }
0x49: {  	[tilespmem:v4+s22+$0x0] =	vst.idx.add.f32.msk @!p0 $0xffff, v8  }
0x4a: {  	v5 =	vimm.f32 @!p0 $1.000000000e+00;
	[tilespmem:v10+s22+$0x0] =	vst.idx.add.f32.msk @!p0 $0xffff, v9  }
0x4b: {  	[tilespmem:v11+s22+$0x0] =	vst.idx.add.f32.msk @!p0 $0xffff, v5  }
0x4c: {  	v5 =	vld [tilespmem:s25+$0xAC10];
	_ =	sdelay $0x4  }
0x4d: {  	(v2sf) =	vpush v5, $0xF;
	_ =	sdelay $0xe  }
0x4e: {  	s22 =	spop (v2sf)  }
0x4f: {  	p0 =	sne.s32 s22, s26  }
0x50: {  	(v2sf) =	vpush @p0 v5, $0x0;
	_ =	sdelay $0x1  }
0x51: {  	v3 =	vadd.f32 @!p1 v8, v3;
	p3 =	por !p2, !p1  }
0x52: {  	v2 =	vadd.f32 @!p1 v9, v2;
	v59 =	vpsel p3, $0x0, v8  }
0x53: {  	v60 =	vpsel p3, $0x0, v9;
	v3 =	vpsel p1, v59, v3  }
0x54: {  	v2 =	vpsel p1, v60, v2;
	(xrf2) =	vadd.scan.msk.f32 @p0 $0xffff, v3  }
0x55: {  	(xrf2) =	vadd.scan.msk.f32 @p0 $0xffff, v2;
	_ =	sdelay $0x6  }
0x56: {  	v6 =	vlaneseq.u32 @p0  }
0x57: {  	v4 =	vbroadcast @p0 v4, $0xF;
	v6 =	vmul.u32 @p0 $0x800, v6  }
0x58: {  	v7, _, _ =	vpop @p0 (xrf2);
	s26 =	spop @p0 (v2sf)  }
0x59: {  	s24 =	sadd.f32 @!p1 $1.600000000e+01, s24;
	s28 =	simm.f32 @p1 $1.600000000e+01;
	v4 =	vadd.s32 @p0 v6, v4;
	v8, _, _ =	vpop @p0 (xrf2);
	p2 =	seq.s32 @p0 s26, s22  }
0x5a: {  	s28 =	simm.f32 @p3 $0.0e+00;
	v6 =	vld [tilespmem:s25+$0x10];
	v8 =	vbroadcast @p0 v8, $0xF;
	p3 =	por p2, !p0  }
0x5b: {  	s24 =	smov.u32 @p1 s28;
	v9 =	vld [tilespmem:s25+$0x5610];
	vm2 =	vcmask @p0 $0x3F08;
	v7 =	vbroadcast @p0 v7, $0xF;
	v10 =	vadd.s32 @!p3 $0x800, v5  }
0x5c: {  	v8 =	vsel @p0 vm2, s24, v8;
	vm2 =	vcmask @p0 $0x3F04;
	v11 =	vadd.s32 @!p3 $0x1000, v5  }
0x5d: {  	v7 =	vsel @p0 vm2, v8, v7;
	s26 =	simm.s32 @p0 $0x10200  }
0x5e: {  	[tilespmem:v4+s26+$0x0] =	vst.idx.add.f32.msk @p0 $0x7, v7;
	s26 =	simm.s32 @!p3 $0x10200  }
0x5f: {  	[tilespmem:v5+s26+$0x0] =	vst.idx.add.f32.msk @!p3 $0xffff, v6  }
0x60: {  	v4 =	vimm.f32 @!p3 $1.000000000e+00;
	[tilespmem:v10+s26+$0x0] =	vst.idx.add.f32.msk @!p3 $0xffff, v9  }
0x61: {  	[tilespmem:v11+s26+$0x0] =	vst.idx.add.f32.msk @!p3 $0xffff, v4  }
0x62: {  	v4 =	vld [tilespmem:s25+$0xAC20];
	_ =	sdelay $0x4  }
0x63: {  	(v2sf) =	vpush v4, $0xF;
	_ =	sdelay $0xe  }
0x64: {  	s26 =	spop (v2sf)  }
0x65: {  	p1 =	sne.s32 s26, s22  }
0x66: {  	(v2sf) =	vpush @p1 v4, $0x0;
	_ =	sdelay $0x1  }
0x67: {  	v3 =	vadd.f32 @!p0 v6, v3;
	p3 =	por !p2, !p0  }
0x68: {  	v2 =	vadd.f32 @!p0 v9, v2;
	v6 =	vpsel p3, $0x0, v6  }
0x69: {  	v61 =	vpsel p3, $0x0, v9;
	v3 =	vpsel p0, v6, v3  }
0x6a: {  	v2 =	vpsel p0, v61, v2;
	(xrf2) =	vadd.scan.msk.f32 @p1 $0xffff, v3  }
0x6b: {  	(xrf2) =	vadd.scan.msk.f32 @p1 $0xffff, v2;
	_ =	sdelay $0x6  }
0x6c: {  	v6 =	vlaneseq.u32 @p1  }
0x6d: {  	v5 =	vbroadcast @p1 v5, $0xF;
	v6 =	vmul.u32 @p1 $0x800, v6  }
0x6e: {  	v7, _, _ =	vpop @p1 (xrf2);
	s22 =	spop @p1 (v2sf)  }
0x6f: {  	s28 =	simm.f32 @p0 $1.600000000e+01;
	s24 =	sadd.f32 @!p0 $1.600000000e+01, s24;
	v5 =	vadd.s32 @p1 v6, v5;
	v8, _, _ =	vpop @p1 (xrf2);
	p2 =	seq.s32 @p1 s22, s26  }
0x70: {  	s28 =	simm.f32 @p3 $0.0e+00;
	v6 =	vld [tilespmem:s25+$0x20];
	v8 =	vbroadcast @p1 v8, $0xF;
	p3 =	por p2, !p1  }
0x71: {  	v9 =	vld [tilespmem:s25+$0x5620];
	s24 =	smov.u32 @p0 s28;
	vm2 =	vcmask @p1 $0x3F08;
	v7 =	vbroadcast @p1 v7, $0xF;
	v10 =	vadd.s32 @!p3 $0x800, v4  }
0x72: {  	v8 =	vsel @p1 vm2, s24, v8;
	vm2 =	vcmask @p1 $0x3F04;
	v11 =	vadd.s32 @!p3 $0x1000, v4  }
0x73: {  	v7 =	vsel @p1 vm2, v8, v7;
	s22 =	simm.s32 @p1 $0x10200  }
0x74: {  	[tilespmem:v5+s22+$0x0] =	vst.idx.add.f32.msk @p1 $0x7, v7;
	s22 =	simm.s32 @!p3 $0x10200  }
0x75: {  	[tilespmem:v4+s22+$0x0] =	vst.idx.add.f32.msk @!p3 $0xffff, v6  }
0x76: {  	v5 =	vimm.f32 @!p3 $1.000000000e+00;
	[tilespmem:v10+s22+$0x0] =	vst.idx.add.f32.msk @!p3 $0xffff, v9  }
0x77: {  	[tilespmem:v11+s22+$0x0] =	vst.idx.add.f32.msk @!p3 $0xffff, v5  }
0x78: {  	v5 =	vld [tilespmem:s25+$0xAC30];
	_ =	sdelay $0x4  }
0x79: {  	(v2sf) =	vpush v5, $0xF;
	_ =	sdelay $0xe  }
0x7a: {  	s22 =	spop (v2sf)  }
0x7b: {  	p0 =	sne.s32 s22, s26  }
0x7c: {  	(v2sf) =	vpush @p0 v5, $0x0;
	_ =	sdelay $0x1  }
0x7d: {  	v3 =	vadd.f32 @!p1 v6, v3;
	p3 =	por !p2, !p1  }
0x7e: {  	v2 =	vadd.f32 @!p1 v9, v2;
	v6 =	vpsel p3, $0x0, v6  }
0x7f: {  	v62 =	vpsel p3, $0x0, v9;
	v3 =	vpsel p1, v6, v3  }
0x80: {  	v2 =	vpsel p1, v62, v2;
	(xrf2) =	vadd.scan.msk.f32 @p0 $0xffff, v3  }
0x81: {  	(xrf2) =	vadd.scan.msk.f32 @p0 $0xffff, v2;
	_ =	sdelay $0x6  }
0x82: {  	v6 =	vlaneseq.u32 @p0  }
0x83: {  	v4 =	vbroadcast @p0 v4, $0xF;
	v6 =	vmul.u32 @p0 $0x800, v6  }
0x84: {  	v7, _, _ =	vpop @p0 (xrf2);
	s26 =	spop @p0 (v2sf)  }
0x85: {  	s28 =	simm.f32 @p1 $1.600000000e+01;
	s24 =	sadd.f32 @!p1 $1.600000000e+01, s24;
	v4 =	vadd.s32 @p0 v6, v4;
	v8, _, _ =	vpop @p0 (xrf2);
	p2 =	seq.s32 @p0 s26, s22  }
0x86: {  	s28 =	simm.f32 @p3 $0.0e+00;
	v6 =	vld [tilespmem:s25+$0x30];
	v8 =	vbroadcast @p0 v8, $0xF;
	p3 =	por p2, !p0  }
0x87: {  	v9 =	vld [tilespmem:s25+$0x5630];
	s24 =	smov.u32 @p1 s28;
	vm2 =	vcmask @p0 $0x3F08;
	v7 =	vbroadcast @p0 v7, $0xF;
	v10 =	vadd.s32 @!p3 $0x800, v5  }
0x88: {  	v8 =	vsel @p0 vm2, s24, v8;
	vm2 =	vcmask @p0 $0x3F04;
	v11 =	vadd.s32 @!p3 $0x1000, v5  }
0x89: {  	v7 =	vsel @p0 vm2, v8, v7;
	s26 =	simm.s32 @p0 $0x10200  }
0x8a: {  	[tilespmem:v4+s26+$0x0] =	vst.idx.add.f32.msk @p0 $0x7, v7;
	s26 =	simm.s32 @!p3 $0x10200  }
0x8b: {  	[tilespmem:v5+s26+$0x0] =	vst.idx.add.f32.msk @!p3 $0xffff, v6  }
0x8c: {  	v4 =	vimm.f32 @!p3 $1.000000000e+00;
	[tilespmem:v10+s26+$0x0] =	vst.idx.add.f32.msk @!p3 $0xffff, v9  }
0x8d: {  	[tilespmem:v11+s26+$0x0] =	vst.idx.add.f32.msk @!p3 $0xffff, v4  }
0x8e: {  	v4 =	vld [tilespmem:s25+$0xAC40];
	_ =	sdelay $0x4  }
0x8f: {  	(v2sf) =	vpush v4, $0xF;
	_ =	sdelay $0xe  }
0x90: {  	s26 =	spop (v2sf)  }
0x91: {  	p1 =	sne.s32 s26, s22  }
0x92: {  	(v2sf) =	vpush @p1 v4, $0x0;
	_ =	sdelay $0x1  }
0x93: {  	v3 =	vadd.f32 @!p0 v6, v3;
	p3 =	por !p2, !p0  }
0x94: {  	v2 =	vadd.f32 @!p0 v9, v2;
	v6 =	vpsel p3, $0x0, v6  }
0x95: {  	v63 =	vpsel p3, $0x0, v9;
	v3 =	vpsel p0, v6, v3  }
0x96: {  	v2 =	vpsel p0, v63, v2;
	(xrf2) =	vadd.scan.msk.f32 @p1 $0xffff, v3  }
0x97: {  	(xrf2) =	vadd.scan.msk.f32 @p1 $0xffff, v2;
	_ =	sdelay $0x6  }
0x98: {  	v6 =	vlaneseq.u32 @p1  }
0x99: {  	v5 =	vbroadcast @p1 v5, $0xF;
	v6 =	vmul.u32 @p1 $0x800, v6  }
0x9a: {  	v7, _, _ =	vpop @p1 (xrf2);
	s28 =	spop @p1 (v2sf)  }
0x9b: {  	s24 =	sadd.f32 @!p0 $1.600000000e+01, s24;
	v8 =	vld [tilespmem:s25+$0x40];
	v5 =	vadd.s32 @p1 v6, v5;
	v9, _, _ =	vpop @p1 (xrf2);
	p2 =	seq.s32 @p1 s28, s26;
	s28 =	simm.f32 @p0 $1.600000000e+01  }
0x9c: {  	v6 =	vld [tilespmem:s25+$0x5640];
	v9 =	vbroadcast @p1 v9, $0xF;
	s28 =	simm.f32 @p3 $0.0e+00;
	p3 =	por p2, !p1  }
0x9d: {  	vm2 =	vcmask @p1 $0x3F08;
	v7 =	vbroadcast @p1 v7, $0xF;
	s24 =	smov.u32 @p0 s28;
	v10 =	vadd.s32 @!p3 $0x800, v4  }
0x9e: {  	v11 =	vadd.s32 @!p3 $0x1000, v4;
	v9 =	vsel @p1 vm2, s24, v9;
	vm2 =	vcmask @p1 $0x3F04  }
0x9f: {  	s25 =	simm.s32 @p1 $0x10200;
	v7 =	vsel @p1 vm2, v9, v7  }
0xa0: {  	[tilespmem:v5+s25+$0x0] =	vst.idx.add.f32.msk @p1 $0x7, v7;
	s25 =	simm.s32 @!p3 $0x10200  }
0xa1: {  	v3 =	vadd.f32 @!p1 v8, v3;
	v2 =	vadd.f32 @!p1 v6, v2;
	s28 =	simm.f32 @p1 $1.600000000e+01;
	p0 =	por !p2, !p1;
	s24 =	sadd.f32 @!p1 $1.600000000e+01, s24;
	[tilespmem:v4+s25+$0x0] =	vst.idx.add.f32.msk @!p3 $0xffff, v8  }
0xa2: {  	s28 =	simm.f32 @p0 $0.0e+00;
	v5 =	vpsel p0, $0x0, v8;
	v4 =	vimm.f32 @!p3 $1.000000000e+00;
	[tilespmem:v10+s25+$0x0] =	vst.idx.add.f32.msk @!p3 $0xffff, v6;
	v6 =	vpsel p0, $0x0, v6  }
0xa3: {  	s22 =	smov.u32 @p1 s26;
	s24 =	smov.u32 @p1 s28;
	v3 =	vpsel p1, v5, v3;
	[tilespmem:v11+s25+$0x0] =	vst.idx.add.f32.msk @!p3 $0xffff, v4;
	v2 =	vpsel p1, v6, v2  }
.LBB2_7:
0xa4: {  	s23 =	sadd.s32 $0x140, s23  }
0xa5: {  	p0 =	sne.s32 s23, $0xAB40  }
.Ltmp4:
0xa6: {  	_ = 	snop;
	(pc) =	sbr.rel @!p0 .LBB2_8-.Ltmp4, $1  }
0xa7: {  	_ =	sdelay $0x3  }
.LBB2_4:
0xa8: {  	s25 =	sshra.s32 s23, $0x2  }
0xa9: {  	v4 =	vld [tilespmem:s25+$0xAC40];
	_ =	sdelay $0x4  }
0xaa: {  	(v2sf) =	vpush v4, $0xF;
	_ =	sdelay $0xe  }
0xab: {  	s26 =	spop (v2sf)  }
0xac: {  	p0 =	sne.s32 s26, s22  }
.Ltmp5:
0xad: {  	_ = 	snop;
	(pc) =	sbr.rel @p0 .LBB2_6-.Ltmp5, $1  }
0xae: {  	_ =	sdelay $0x3  }
0xaf: {  	v4 =	vld [tilespmem:s25+$0x0]  }
0xb0: {  	v5 =	vld [tilespmem:s25+$0x10]  }
0xb1: {  	v6 =	vld [tilespmem:s25+$0x20]  }
0xb2: {  	v7 =	vld [tilespmem:s25+$0x30]  }
0xb3: {  	v8 =	vld [tilespmem:s25+$0x5600]  }
0xb4: {  	v9 =	vld [tilespmem:s25+$0x5610]  }
0xb5: {  	v10 =	vld [tilespmem:s25+$0x5620]  }
0xb6: {  	v11 =	vld [tilespmem:s25+$0x5630];
	_ =	sdelay $0x2  }
0xb7: {  	v12 =	vld [tilespmem:s25+$0x40]  }
0xb8: {  	v13 =	vld [tilespmem:s25+$0x5640];
	v4 =	vadd.f32 v5, v4;
	v5 =	vadd.f32 v7, v6  }
0xb9: {  	v62 =	vadd.f32 v9, v8;
	v63 =	vadd.f32 v11, v10;
	_ =	sdelay $0x1  }
.Ltmp6:
0xba: {  	v4 =	vadd.f32 v5, v4;
	v5 =	vadd.f32 v63, v62;
	(pc) =	sbr.rel .LBB2_7-.Ltmp6, $3  }
0xbb: {  	_ = 	snop  }
0xbc: {  	v4 =	vadd.f32 v4, v12;
	v5 =	vadd.f32 v5, v13;
	_ =	sdelay $0x1  }
0xbd: {  	s24 =	sadd.f32 $8.000000000e+01, s24;
	v3 =	vadd.f32 v4, v3;
	v2 =	vadd.f32 v5, v2  }
.LBB2_8:
0xbe: {  	_ =	swait.ge [sflag:s17], $0x2AD0  }
0xbf: {  	[sflag:s17] =	ssyncset.done $0x0  }
0xc0: {  	[sflag:s17] =	ssyncadd.s32 $0xFFFFD530  }
0xc1: {  	_ =	swait.ge [sflag:s17], $0x2AD0  }
.Ltmp7:
0xc2: {  	[sflag:s17] =	ssyncset.done $0x0;
	(pc) =	sbr.rel .LBB2_9-.Ltmp7, $4  }
0xc3: {  	[sflag:s17] =	ssyncadd.s32 $0xFFFFD530  }
0xc4: {  	_ =	swait.ge [sflag:s17], $0x2AD0  }
0xc5: {  	[sflag:s17] =	ssyncset.done $0x0  }
0xc6: {  	s23 =	simm.s32 $0x0;
	[sflag:s17] =	ssyncadd.s32 $0xFFFFD530  }
.LBB2_11:
0xc7: {  	v4 =	vld [tilespmem:s25+$0xD700];
	_ =	sdelay $0x4  }
0xc8: {  	(v2sf) =	vpush v4, $0xF;
	_ =	sdelay $0xe  }
0xc9: {  	s26 =	spop (v2sf)  }
0xca: {  	p1 =	sne.s32 s26, s22  }
0xcb: {  	(v2sf) =	vpush @p1 v4, $0x0;
	_ =	sdelay $0x4  }
0xcc: {  	(xrf2) =	vadd.scan.msk.f32 @p1 $0xffff, v3  }
0xcd: {  	(xrf2) =	vadd.scan.msk.f32 @p1 $0xffff, v2;
	_ =	sdelay $0x6  }
0xce: {  	v5 =	vlaneseq.u32 @p1  }
0xcf: {  	v5 =	vmul.u32 @p1 $0x800, v5  }
0xd0: {  	v6, _, _ =	vpop @p1 (xrf2);
	s28 =	spop @p1 (v2sf)  }
0xd1: {  	v5 =	vadd.s32 @p1 s22, v5;
	v7, _, _ =	vpop @p1 (xrf2);
	p2 =	seq.s32 @p1 s28, s26  }
0xd2: {  	v8 =	vld [tilespmem:s25+$0x2B00];
	v7 =	vbroadcast @p1 v7, $0xF;
	p0 =	por p2, !p1  }
0xd3: {  	v9 =	vld [tilespmem:s25+$0x8100];
	vm2 =	vcmask @p1 $0x3F08;
	v6 =	vbroadcast @p1 v6, $0xF;
	v10 =	vadd.s32 @!p0 $0x800, v4  }
0xd4: {  	v7 =	vsel @p1 vm2, s24, v7;
	vm2 =	vcmask @p1 $0x3F04;
	v11 =	vadd.s32 @!p0 $0x1000, v4  }
0xd5: {  	s22 =	simm.s32 @p1 $0x10200;
	v6 =	vsel @p1 vm2, v7, v6  }
0xd6: {  	[tilespmem:v5+s22+$0x0] =	vst.idx.add.f32.msk @p1 $0x7, v6;
	s22 =	simm.s32 @!p0 $0x10200  }
0xd7: {  	[tilespmem:v4+s22+$0x0] =	vst.idx.add.f32.msk @!p0 $0xffff, v8  }
0xd8: {  	v5 =	vimm.f32 @!p0 $1.000000000e+00;
	[tilespmem:v10+s22+$0x0] =	vst.idx.add.f32.msk @!p0 $0xffff, v9  }
0xd9: {  	[tilespmem:v11+s22+$0x0] =	vst.idx.add.f32.msk @!p0 $0xffff, v5  }
0xda: {  	v5 =	vld [tilespmem:s25+$0xD710];
	_ =	sdelay $0x4  }
0xdb: {  	(v2sf) =	vpush v5, $0xF;
	_ =	sdelay $0xe  }
0xdc: {  	s22 =	spop (v2sf)  }
0xdd: {  	p0 =	sne.s32 s22, s26  }
0xde: {  	(v2sf) =	vpush @p0 v5, $0x0;
	_ =	sdelay $0x1  }
0xdf: {  	v3 =	vadd.f32 @!p1 v8, v3;
	p3 =	por !p2, !p1  }
0xe0: {  	v2 =	vadd.f32 @!p1 v9, v2;
	v59 =	vpsel p3, $0x0, v8  }
0xe1: {  	v60 =	vpsel p3, $0x0, v9;
	v3 =	vpsel p1, v59, v3  }
0xe2: {  	v2 =	vpsel p1, v60, v2;
	(xrf2) =	vadd.scan.msk.f32 @p0 $0xffff, v3  }
0xe3: {  	(xrf2) =	vadd.scan.msk.f32 @p0 $0xffff, v2;
	_ =	sdelay $0x6  }
0xe4: {  	v6 =	vlaneseq.u32 @p0  }
0xe5: {  	v4 =	vbroadcast @p0 v4, $0xF;
	v6 =	vmul.u32 @p0 $0x800, v6  }
0xe6: {  	v7, _, _ =	vpop @p0 (xrf2);
	s26 =	spop @p0 (v2sf)  }
0xe7: {  	s24 =	sadd.f32 @!p1 $1.600000000e+01, s24;
	s28 =	simm.f32 @p1 $1.600000000e+01;
	v4 =	vadd.s32 @p0 v6, v4;
	v8, _, _ =	vpop @p0 (xrf2);
	p2 =	seq.s32 @p0 s26, s22  }
0xe8: {  	s28 =	simm.f32 @p3 $0.0e+00;
	v6 =	vld [tilespmem:s25+$0x2B10];
	v8 =	vbroadcast @p0 v8, $0xF;
	p3 =	por p2, !p0  }
0xe9: {  	s24 =	smov.u32 @p1 s28;
	v9 =	vld [tilespmem:s25+$0x8110];
	vm2 =	vcmask @p0 $0x3F08;
	v7 =	vbroadcast @p0 v7, $0xF;
	v10 =	vadd.s32 @!p3 $0x800, v5  }
0xea: {  	v8 =	vsel @p0 vm2, s24, v8;
	vm2 =	vcmask @p0 $0x3F04;
	v11 =	vadd.s32 @!p3 $0x1000, v5  }
0xeb: {  	v7 =	vsel @p0 vm2, v8, v7;
	s26 =	simm.s32 @p0 $0x10200  }
0xec: {  	[tilespmem:v4+s26+$0x0] =	vst.idx.add.f32.msk @p0 $0x7, v7;
	s26 =	simm.s32 @!p3 $0x10200  }
0xed: {  	[tilespmem:v5+s26+$0x0] =	vst.idx.add.f32.msk @!p3 $0xffff, v6  }
0xee: {  	v4 =	vimm.f32 @!p3 $1.000000000e+00;
	[tilespmem:v10+s26+$0x0] =	vst.idx.add.f32.msk @!p3 $0xffff, v9  }
0xef: {  	[tilespmem:v11+s26+$0x0] =	vst.idx.add.f32.msk @!p3 $0xffff, v4  }
0xf0: {  	v4 =	vld [tilespmem:s25+$0xD720];
	_ =	sdelay $0x4  }
0xf1: {  	(v2sf) =	vpush v4, $0xF;
	_ =	sdelay $0xe  }
0xf2: {  	s26 =	spop (v2sf)  }
0xf3: {  	p1 =	sne.s32 s26, s22  }
0xf4: {  	(v2sf) =	vpush @p1 v4, $0x0;
	_ =	sdelay $0x1  }
0xf5: {  	v3 =	vadd.f32 @!p0 v6, v3;
	p3 =	por !p2, !p0  }
0xf6: {  	v2 =	vadd.f32 @!p0 v9, v2;
	v6 =	vpsel p3, $0x0, v6  }
0xf7: {  	v61 =	vpsel p3, $0x0, v9;
	v3 =	vpsel p0, v6, v3  }
0xf8: {  	v2 =	vpsel p0, v61, v2;
	(xrf2) =	vadd.scan.msk.f32 @p1 $0xffff, v3  }
0xf9: {  	(xrf2) =	vadd.scan.msk.f32 @p1 $0xffff, v2;
	_ =	sdelay $0x6  }
0xfa: {  	v6 =	vlaneseq.u32 @p1  }
0xfb: {  	v5 =	vbroadcast @p1 v5, $0xF;
	v6 =	vmul.u32 @p1 $0x800, v6  }
0xfc: {  	v7, _, _ =	vpop @p1 (xrf2);
	s22 =	spop @p1 (v2sf)  }
0xfd: {  	s28 =	simm.f32 @p0 $1.600000000e+01;
	s24 =	sadd.f32 @!p0 $1.600000000e+01, s24;
	v5 =	vadd.s32 @p1 v6, v5;
	v8, _, _ =	vpop @p1 (xrf2);
	p2 =	seq.s32 @p1 s22, s26  }
0xfe: {  	s28 =	simm.f32 @p3 $0.0e+00;
	v6 =	vld [tilespmem:s25+$0x2B20];
	v8 =	vbroadcast @p1 v8, $0xF;
	p3 =	por p2, !p1  }
0xff: {  	v9 =	vld [tilespmem:s25+$0x8120];
	s24 =	smov.u32 @p0 s28;
	vm2 =	vcmask @p1 $0x3F08;
	v7 =	vbroadcast @p1 v7, $0xF;
	v10 =	vadd.s32 @!p3 $0x800, v4  }
0x100: {  	v8 =	vsel @p1 vm2, s24, v8;
	vm2 =	vcmask @p1 $0x3F04;
	v11 =	vadd.s32 @!p3 $0x1000, v4  }
0x101: {  	v7 =	vsel @p1 vm2, v8, v7;
	s22 =	simm.s32 @p1 $0x10200  }
0x102: {  	[tilespmem:v5+s22+$0x0] =	vst.idx.add.f32.msk @p1 $0x7, v7;
	s22 =	simm.s32 @!p3 $0x10200  }
0x103: {  	[tilespmem:v4+s22+$0x0] =	vst.idx.add.f32.msk @!p3 $0xffff, v6  }
0x104: {  	v5 =	vimm.f32 @!p3 $1.000000000e+00;
	[tilespmem:v10+s22+$0x0] =	vst.idx.add.f32.msk @!p3 $0xffff, v9  }
0x105: {  	[tilespmem:v11+s22+$0x0] =	vst.idx.add.f32.msk @!p3 $0xffff, v5  }
0x106: {  	v5 =	vld [tilespmem:s25+$0xD730];
	_ =	sdelay $0x4  }
0x107: {  	(v2sf) =	vpush v5, $0xF;
	_ =	sdelay $0xe  }
0x108: {  	s22 =	spop (v2sf)  }
0x109: {  	p0 =	sne.s32 s22, s26  }
0x10a: {  	(v2sf) =	vpush @p0 v5, $0x0;
	_ =	sdelay $0x1  }
0x10b: {  	v3 =	vadd.f32 @!p1 v6, v3;
	p3 =	por !p2, !p1  }
0x10c: {  	v2 =	vadd.f32 @!p1 v9, v2;
	v6 =	vpsel p3, $0x0, v6  }
0x10d: {  	v62 =	vpsel p3, $0x0, v9;
	v3 =	vpsel p1, v6, v3  }
0x10e: {  	v2 =	vpsel p1, v62, v2;
	(xrf2) =	vadd.scan.msk.f32 @p0 $0xffff, v3  }
0x10f: {  	(xrf2) =	vadd.scan.msk.f32 @p0 $0xffff, v2;
	_ =	sdelay $0x6  }
0x110: {  	v6 =	vlaneseq.u32 @p0  }
0x111: {  	v4 =	vbroadcast @p0 v4, $0xF;
	v6 =	vmul.u32 @p0 $0x800, v6  }
0x112: {  	v7, _, _ =	vpop @p0 (xrf2);
	s26 =	spop @p0 (v2sf)  }
0x113: {  	s28 =	simm.f32 @p1 $1.600000000e+01;
	s24 =	sadd.f32 @!p1 $1.600000000e+01, s24;
	v4 =	vadd.s32 @p0 v6, v4;
	v8, _, _ =	vpop @p0 (xrf2);
	p2 =	seq.s32 @p0 s26, s22  }
0x114: {  	s28 =	simm.f32 @p3 $0.0e+00;
	v6 =	vld [tilespmem:s25+$0x2B30];
	v8 =	vbroadcast @p0 v8, $0xF;
	p3 =	por p2, !p0  }
0x115: {  	v9 =	vld [tilespmem:s25+$0x8130];
	s24 =	smov.u32 @p1 s28;
	vm2 =	vcmask @p0 $0x3F08;
	v7 =	vbroadcast @p0 v7, $0xF;
	v10 =	vadd.s32 @!p3 $0x800, v5  }
0x116: {  	v8 =	vsel @p0 vm2, s24, v8;
	vm2 =	vcmask @p0 $0x3F04;
	v11 =	vadd.s32 @!p3 $0x1000, v5  }
0x117: {  	v7 =	vsel @p0 vm2, v8, v7;
	s26 =	simm.s32 @p0 $0x10200  }
0x118: {  	[tilespmem:v4+s26+$0x0] =	vst.idx.add.f32.msk @p0 $0x7, v7;
	s26 =	simm.s32 @!p3 $0x10200  }
0x119: {  	[tilespmem:v5+s26+$0x0] =	vst.idx.add.f32.msk @!p3 $0xffff, v6  }
0x11a: {  	v4 =	vimm.f32 @!p3 $1.000000000e+00;
	[tilespmem:v10+s26+$0x0] =	vst.idx.add.f32.msk @!p3 $0xffff, v9  }
0x11b: {  	[tilespmem:v11+s26+$0x0] =	vst.idx.add.f32.msk @!p3 $0xffff, v4  }
0x11c: {  	v4 =	vld [tilespmem:s25+$0xD740];
	_ =	sdelay $0x4  }
0x11d: {  	(v2sf) =	vpush v4, $0xF;
	_ =	sdelay $0xe  }
0x11e: {  	s26 =	spop (v2sf)  }
0x11f: {  	p1 =	sne.s32 s26, s22  }
0x120: {  	(v2sf) =	vpush @p1 v4, $0x0;
	_ =	sdelay $0x1  }
0x121: {  	v3 =	vadd.f32 @!p0 v6, v3;
	p3 =	por !p2, !p0  }
0x122: {  	v2 =	vadd.f32 @!p0 v9, v2;
	v6 =	vpsel p3, $0x0, v6  }
0x123: {  	v63 =	vpsel p3, $0x0, v9;
	v3 =	vpsel p0, v6, v3  }
0x124: {  	v2 =	vpsel p0, v63, v2;
	(xrf2) =	vadd.scan.msk.f32 @p1 $0xffff, v3  }
0x125: {  	(xrf2) =	vadd.scan.msk.f32 @p1 $0xffff, v2;
	_ =	sdelay $0x6  }
0x126: {  	v6 =	vlaneseq.u32 @p1  }
0x127: {  	v5 =	vbroadcast @p1 v5, $0xF;
	v6 =	vmul.u32 @p1 $0x800, v6  }
0x128: {  	v7, _, _ =	vpop @p1 (xrf2);
	s28 =	spop @p1 (v2sf)  }
0x129: {  	s24 =	sadd.f32 @!p0 $1.600000000e+01, s24;
	v8 =	vld [tilespmem:s25+$0x2B40];
	v5 =	vadd.s32 @p1 v6, v5;
	v9, _, _ =	vpop @p1 (xrf2);
	p2 =	seq.s32 @p1 s28, s26;
	s28 =	simm.f32 @p0 $1.600000000e+01  }
0x12a: {  	v6 =	vld [tilespmem:s25+$0x8140];
	v9 =	vbroadcast @p1 v9, $0xF;
	s28 =	simm.f32 @p3 $0.0e+00;
	p3 =	por p2, !p1  }
0x12b: {  	vm2 =	vcmask @p1 $0x3F08;
	v7 =	vbroadcast @p1 v7, $0xF;
	s24 =	smov.u32 @p0 s28;
	v10 =	vadd.s32 @!p3 $0x800, v4  }
0x12c: {  	v11 =	vadd.s32 @!p3 $0x1000, v4;
	v9 =	vsel @p1 vm2, s24, v9;
	vm2 =	vcmask @p1 $0x3F04  }
0x12d: {  	s25 =	simm.s32 @p1 $0x10200;
	v7 =	vsel @p1 vm2, v9, v7  }
0x12e: {  	[tilespmem:v5+s25+$0x0] =	vst.idx.add.f32.msk @p1 $0x7, v7;
	s25 =	simm.s32 @!p3 $0x10200  }
0x12f: {  	v3 =	vadd.f32 @!p1 v8, v3;
	v2 =	vadd.f32 @!p1 v6, v2;
	s28 =	simm.f32 @p1 $1.600000000e+01;
	p0 =	por !p2, !p1;
	s24 =	sadd.f32 @!p1 $1.600000000e+01, s24;
	[tilespmem:v4+s25+$0x0] =	vst.idx.add.f32.msk @!p3 $0xffff, v8  }
0x130: {  	s28 =	simm.f32 @p0 $0.0e+00;
	v5 =	vpsel p0, $0x0, v8;
	v4 =	vimm.f32 @!p3 $1.000000000e+00;
	[tilespmem:v10+s25+$0x0] =	vst.idx.add.f32.msk @!p3 $0xffff, v6;
	v6 =	vpsel p0, $0x0, v6  }
0x131: {  	s22 =	smov.u32 @p1 s26;
	s24 =	smov.u32 @p1 s28;
	v3 =	vpsel p1, v5, v3;
	[tilespmem:v11+s25+$0x0] =	vst.idx.add.f32.msk @!p3 $0xffff, v4;
	v2 =	vpsel p1, v6, v2  }
.LBB2_12:
0x132: {  	s23 =	sadd.s32 $0x140, s23  }
0x133: {  	p0 =	sne.s32 s23, $0xAB40  }
.Ltmp8:
0x134: {  	_ = 	snop;
	(pc) =	sbr.rel @!p0 .LBB2_13-.Ltmp8, $1  }
0x135: {  	_ =	sdelay $0x3  }
.LBB2_9:
0x136: {  	s25 =	sshra.s32 s23, $0x2  }
0x137: {  	v4 =	vld [tilespmem:s25+$0xD740];
	_ =	sdelay $0x4  }
0x138: {  	(v2sf) =	vpush v4, $0xF;
	_ =	sdelay $0xe  }
0x139: {  	s26 =	spop (v2sf)  }
0x13a: {  	p0 =	sne.s32 s26, s22  }
.Ltmp9:
0x13b: {  	_ = 	snop;
	(pc) =	sbr.rel @p0 .LBB2_11-.Ltmp9, $1  }
0x13c: {  	_ =	sdelay $0x3  }
0x13d: {  	v4 =	vld [tilespmem:s25+$0x2B00]  }
0x13e: {  	v5 =	vld [tilespmem:s25+$0x2B10]  }
0x13f: {  	v6 =	vld [tilespmem:s25+$0x2B20]  }
0x140: {  	v7 =	vld [tilespmem:s25+$0x2B30]  }
0x141: {  	v8 =	vld [tilespmem:s25+$0x8100]  }
0x142: {  	v9 =	vld [tilespmem:s25+$0x8110]  }
0x143: {  	v10 =	vld [tilespmem:s25+$0x8120]  }
0x144: {  	v11 =	vld [tilespmem:s25+$0x8130];
	_ =	sdelay $0x2  }
0x145: {  	v12 =	vld [tilespmem:s25+$0x2B40]  }
0x146: {  	v13 =	vld [tilespmem:s25+$0x8140];
	v4 =	vadd.f32 v5, v4;
	v5 =	vadd.f32 v7, v6  }
0x147: {  	v62 =	vadd.f32 v9, v8;
	v63 =	vadd.f32 v11, v10  }
0x148: {  	v4 =	vadd.f32 v5, v4  }
.Ltmp10:
0x149: {  	v5 =	vadd.f32 v63, v62;
	(pc) =	sbr.rel .LBB2_12-.Ltmp10, $4  }
0x14a: {  	v4 =	vadd.f32 v4, v12  }
0x14b: {  	v5 =	vadd.f32 v5, v13  }
0x14c: {  	v3 =	vadd.f32 v4, v3  }
0x14d: {  	s24 =	sadd.f32 $8.000000000e+01, s24;
	v2 =	vadd.f32 v5, v2  }
.LBB2_14:
0x14e: {  	_ =	sfence.sel $0x180000  }
0x14f: {  	[bflag:$0x0] =	sbarrier.arrive $0xFFFF  }
0x150: {  	p0 =	sne.s32 s1, $0x0;
	_ =	strace $0x90000047  }
0x151: {  	s0 =	sadd.s32 @!p0 $0x100000, s0;
	[bflag:$0x2] =	sbarrier.arrive $0xFFFF  }
0x152: {  	[sflag:s0] =	ssyncadd.tile.s32 @!p0 $0x1;
	_ =	shalt  }
.Lfunc_end2:
_tile_overlayer_lowered:
.L_overlay_start_2:
0x153: {  	(tag) =	ssettag $0x2  }
0x154: {  	s0 =	rddreg [dreg:$0x0];
	s2 =	stileid.u32  }
0x155: {  	s1 =	rddreg [dreg:$0x1];
	p0 =	sne.s32 s2, $0x0  }
0x156: {  	s3 =	rddreg [dreg:$0x2];
	[bflag:$0x3] =	sbarrier.arrive $0xFFFF;
	s2 =	simm.s32 @!p0 $0x1C03  }
0x157: {  	[timem:s3], [sflag:s2] =	dma.local @!p0 [hbm:s0], s1  }
0x158: {  	s0 =	simm.s32 @!p0 $0x3  }
0x159: {  	_ =	swait.ge @!p0 [sflag:s0], s1  }
0x15a: {  	s1 =	ssub.s32 @!p0 $0x0, s1;
	[sflag:s0] =	ssyncset.done @!p0 $0x0  }
0x15b: {  	[sflag:s0] =	ssyncadd.s32 @!p0 s1  }
0x15c: {  	[bflag:$0x3] =	sbarrier.arrive $0xFFFF  }
0x15d: {  	_ =	shalt  }

// kernel: kernel.6.cloned.1.call-start
scs
__scs_entry_jumppad:
0x0: {  	(pc) =	sbr.rel $0x88, $3  }
0x1: {  	(tag) =	ssettag $0x0;
	lr =	simm.s32 $0x1  }
0x2: {  	[smem:$0x3F9A] =	sst lr;
	_ =	strace $0xD0000000  }
0x3: {  	_ = 	snop  }
0x4: {  	_ = 	snop  }
0x5: {  	_ = 	snop  }
0x6: {  	_ = 	snop  }
0x7: {  	_ = 	snop  }
__scs_overlays_trampoline_lowered:
0x8: {  	[smem:$0x3FA9] =	sst s0  }
0x9: {  	[smem:$0x3FAA] =	sst s1  }
0xa: {  	[smem:$0x3FAB] =	sst s2  }
0xb: {  	[smem:$0x3FAC] =	sst s3  }
0xc: {  	[smem:$0x3FAD] =	sst s4  }
0xd: {  	[smem:$0x3FAE] =	sst s5  }
0xe: {  	[smem:$0x3FAF] =	sst s6  }
0xf: {  	[smem:$0x3FB0] =	sst s7  }
0x10: {  	[smem:$0x3FB1] =	sst s8  }
0x11: {  	[smem:$0x3FB2] =	sst s9;
	s0 =	simm.s32 @!p0 $0x0  }
0x12: {  	s1 =	sld [smem:$0x3F98];
	s0 =	simm.s32 @p0 $0x1  }
0x13: {  	[smem:$0x3FB3] =	sst s0;
	s0 =	simm.s32 @!p1 $0x0  }
0x14: {  	s2 =	sld [smem:$0x3F97];
	s0 =	simm.s32 @p1 $0x1  }
0x15: {  	[smem:$0x3FB4] =	sst s0;
	s0 =	simm.s32 @!p2 $0x0  }
0x16: {  	s3 =	sld [smem:$0x3FDB];
	s0 =	simm.s32 @p2 $0x1  }
0x17: {  	s4 =	simm.s32 $0x1BF5;
	[smem:$0x3FB6] =	sst s0  }
0x18: {  	s0 =	sld [smem:$0x3F99];
	_ =	swait.ge [sflag:s4], $0x0  }
0x19: {  	s7 =	sld [smem:$0x3F9A]  }
0x1a: {  	s8 =	sadd.s32 $0xFFFFE003, lr  }
0x1b: {  	s9 =	sadd.s32 $0xFFFFFEF7, lr;
	s5 =	simm.s32 $0xFFFFFFFF;
	p2 =	slt.u32 s8, $0xFFFFF086  }
0x1c: {  	p1 =	slt.u32 s9, $0xF7A;
	s5 =	simm.s32 @!p2 $0x0  }
0x1d: {  	s5 =	simm.s32 @p1 $0x1;
	p0 =	seq.s32 s7, s2  }
0x1e: {  	s7 =	smul.u32 @!p0 $0xF7A, s2;
	p2 =	seq.s32 @!p0 s5, $0x0  }
0x1f: {  	s9 =	smul.u32 $0xF7A, s1;
	s8 =	simm.s32 @!p0 $0x1BF5;
	p2 =	por !p2, p0  }
0x20: {  	[sflag:s8] =	ssyncset.s32 @!p0 $0xFFFFF086;
	s6 =	sadd.s32 @!p0 s3, s7;
	s7 =	simm.s32 @!p0 $0x108  }
0x21: {  	s3 =	sadd.s32 s3, s9;
	s6 =	sadd.s32 @!p0 $0x88, s6;
	s7 =	simm.s32 @p2 $0x1082  }
0x22: {  	[simem:s7], [sflag:s8] =	dma.local @!p0 [hbm:s6], $0xF7A  }
0x23: {  	s9 =	sor.u32 $0xD0000000, s2;
	s6 =	simm.s32 $0x108;
	_ =	swait.ge @!p0 [sflag:s8], $0x0  }
0x24: {  	s3 =	sadd.s32 $0x88, s3;
	s6 =	simm.s32 @!p1 $0x1082;
	[sflag:s4] =	ssyncset.s32 $0xFFFFF086  }
0x25: {  	[simem:s6], [sflag:s4] =	dma.local [hbm:s3], $0xF7A  }
0x26: {  	[smem:$0x3F9A] =	sst s1;
	(tag) =	ssettag s2;
	_ =	strace s9  }
0x27: {  	s1 =	sld [smem:$0x3FAA]  }
0x28: {  	s2 =	sld [smem:$0x3FAB]  }
0x29: {  	s4 =	sld [smem:$0x3FAD]  }
0x2a: {  	p0 =	seq.s32 s5, $0x0;
	s5 =	sld [smem:$0x3FAE]  }
0x2b: {  	s6 =	sld [smem:$0x3FAF]  }
0x2c: {  	s7 =	sld [smem:$0x3FB0]  }
0x2d: {  	s3 =	simm.s32 $0x108;
	s8 =	sld [smem:$0x3FB1]  }
0x2e: {  	s3 =	simm.s32 @!p0 $0x1082;
	s9 =	sld [smem:$0x3FB2]  }
0x2f: {  	lr =	sadd.s32 s0, s3;
	s0 =	sld [smem:$0x3FA9]  }
0x30: {  	s3 =	sld [smem:$0x3FAC]  }
0x31: {  	[smem:$0x3FB5] =	sst s10  }
0x32: {  	s10 =	sld [smem:$0x3FB3];
	_ =	sdelay $0x3  }
0x33: {  	p0 =	seq.s32 s10, $0x1;
	s10 =	sld [smem:$0x3FB5];
	_ =	sdelay $0x3  }
0x34: {  	[smem:$0x3FB5] =	sst s10  }
0x35: {  	s10 =	sld [smem:$0x3FB4];
	_ =	sdelay $0x3  }
0x36: {  	p1 =	seq.s32 s10, $0x1;
	s10 =	sld [smem:$0x3FB5];
	_ =	sdelay $0x3  }
0x37: {  	[smem:$0x3FB5] =	sst s10  }
0x38: {  	s10 =	sld [smem:$0x3FB6]  }
0x39: {  	_ = 	snop;
	(pc) =	sbr.ind lr, $3  }
0x3a: {  	_ = 	snop  }
0x3b: {  	_ = 	snop  }
0x3c: {  	p2 =	seq.s32 s10, $0x1;
	s10 =	sld [smem:$0x3FB5]  }
0x3d: {  	_ =	shalt  }
0x3e: {  	_ =	shalt  }
0x3f: {  	_ =	shalt  }
0x40: {  	_ =	shalt  }
0x41: {  	_ =	shalt  }
0x42: {  	_ =	shalt  }
0x43: {  	_ =	shalt  }
0x44: {  	_ =	shalt  }
0x45: {  	_ =	shalt  }
0x46: {  	_ =	shalt  }
0x47: {  	_ =	shalt  }
0x48: {  	_ =	shalt  }
0x49: {  	_ =	shalt  }
0x4a: {  	_ =	shalt  }
0x4b: {  	_ =	shalt  }
0x4c: {  	_ =	shalt  }
0x4d: {  	_ =	shalt  }
0x4e: {  	_ =	shalt  }
0x4f: {  	_ =	shalt  }
0x50: {  	_ =	shalt  }
0x51: {  	_ =	shalt  }
0x52: {  	_ =	shalt  }
0x53: {  	_ =	shalt  }
0x54: {  	_ =	shalt  }
0x55: {  	_ =	shalt  }
0x56: {  	_ =	shalt  }
0x57: {  	_ =	shalt  }
0x58: {  	_ =	shalt  }
0x59: {  	_ =	shalt  }
0x5a: {  	_ =	shalt  }
0x5b: {  	_ =	shalt  }
0x5c: {  	_ =	shalt  }
0x5d: {  	_ =	shalt  }
0x5e: {  	_ =	shalt  }
0x5f: {  	_ =	shalt  }
0x60: {  	_ =	shalt  }
0x61: {  	_ =	shalt  }
0x62: {  	_ =	shalt  }
0x63: {  	_ =	shalt  }
0x64: {  	_ =	shalt  }
0x65: {  	_ =	shalt  }
0x66: {  	_ =	shalt  }
0x67: {  	_ =	shalt  }
0x68: {  	_ =	shalt  }
0x69: {  	_ =	shalt  }
0x6a: {  	_ =	shalt  }
0x6b: {  	_ =	shalt  }
0x6c: {  	_ =	shalt  }
0x6d: {  	_ =	shalt  }
0x6e: {  	_ =	shalt  }
0x6f: {  	_ =	shalt  }
0x70: {  	_ =	shalt  }
0x71: {  	_ =	shalt  }
0x72: {  	_ =	shalt  }
0x73: {  	_ =	shalt  }
0x74: {  	_ =	shalt  }
0x75: {  	_ =	shalt  }
0x76: {  	_ =	shalt  }
0x77: {  	_ =	shalt  }
0x78: {  	_ =	shalt  }
0x79: {  	_ =	shalt  }
0x7a: {  	_ =	shalt  }
0x7b: {  	_ =	shalt  }
0x7c: {  	_ =	shalt  }
0x7d: {  	_ =	shalt  }
0x7e: {  	_ =	shalt  }
0x7f: {  	_ =	shalt  }
0x80: {  	_ =	shalt  }
0x81: {  	_ =	shalt  }
0x82: {  	_ =	shalt  }
0x83: {  	_ =	shalt  }
0x84: {  	_ =	shalt  }
0x85: {  	_ =	shalt  }
0x86: {  	_ =	shalt  }
0x87: {  	_ =	shalt  }
.Lfunc_end0:
.L_simem_size_0:
called_computation_lowered:
.L_overlay_start_0:
0x88: {  	s2 =	sld [smem:$0x3FD9]  }
0x89: {  	s3 =	sld [smem:$0x3FFE];
	_ =	sdelay $0x1  }
0x8a: {  	s1 =	srdreg.scid  }
0x8b: {  	s0 =	sand.u32 $0x1, s1  }
0x8c: {  	s17 =	sshll.u32 s0, $0xA;
	s2 =	sadd.s32 s3, s2  }
0x8d: {  	s2 =	sadd.s32 s2, s17  }
0x8e: {  	[smem:$0x3FC1] =	sst s2  }
0x8f: {  	_ = 	snop  }
0x90: {  	s18 =	sld [smem:$0x3FC7];
	(tm) =	ssettm $0x1  }
0x91: {  	s19 =	sld [smem:$0x3FFB];
	_ =	sdelay $0x3  }
0x92: {  	_ =	strace s19  }
0x93: {  	s2 =	sld [smem:$0x3FFC];
	_ =	sdelay $0x3  }
0x94: {  	_ =	strace s2  }
0x95: {  	s2 =	sld [smem:$0x3FFD];
	_ =	sdelay $0x3  }
0x96: {  	_ =	strace s2  }
0x97: {  	_ =	strace $0x8FFFFFFF  }
0x98: {  	s20 =	sld [smem:$0x3FDB];
	_ =	sdelay $0x1  }
0x99: {  	s4 =	simm.s32 $_scs_section_size  }
0x9a: {  	s5 =	simm.s32 $_size__tile_overlayer_lowered;
	s6 =	simm.s32 $_tile_overlayer_lowered  }
0x9b: {  	s7 =	simm.s32 $0x1BFF;
	s21 =	sshll.u32 s6, $0x1;
	s4 =	sadd.s32 s4, s20  }
0x9c: {  	s22 =	simm.s32 $0x0;
	s5 =	sshll.u32 s5, $0x1;
	s6 =	sadd.s32 s21, s4  }
0x9d: {  	[timem:s22], [sflag:s7] =	dma.local [hbm:s6], s5  }
0x9e: {  	_ =	swait.ge [sflag:s7], s5  }
0x9f: {  	s5 =	ssub.s32 $0x0, s5;
	[sflag:s7] =	ssyncset.done $0x0  }
0xa0: {  	[sflag:s7] =	ssyncadd.s32 s5;
	_ =	sdelay $0x1  }
0xa1: {  	s23 =	simm.s32 $0x1B8B  }
0xa2: {  	_ =	swait.ge [sflag:s23], $0x1  }
0xa3: {  	[sflag:s23] =	ssyncset.done $0x0  }
0xa4: {  	[sflag:s23] =	ssyncadd.s32 $0xFFFFFFFF  }
0xa5: {  	s5 =	sld [smem:$0x0]  }
0xa6: {  	s6 =	sand.u32 $0xFFFFFFFE, s1  }
0xa7: {  	p0 =	sne.s32 s1, s6  }
0xa8: {  	s6 =	sshll.u32 @p0 s6, $0xE  }
0xa9: {  	s6 =	sadd.s32 @p0 $0x11B8D, s6;
	s7 =	sshll.u32 @p0 s5, $0x11  }
0xaa: {  	s6 =	sor.u32 @p0 s7, s6  }
0xab: {  	[sflag:s6] =	ssyncadd.remote.s32 @p0 $0x1;
	_ =	sdelay $0x1  }
0xac: {  	s6 =	simm.s32 @p0 $0x1B8D  }
0xad: {  	_ =	swait.eq @p0 [sflag:s6], $0x1  }
0xae: {  	[sflag:s6] =	ssyncadd.s32 @p0 $0xFFFFFFFF  }
0xaf: {  	s7 =	sshll.u32 @!p0 s1, $0xE  }
0xb0: {  	s7 =	sor.u32 @!p0 $0x4000, s7;
	s6 =	simm.s32 @!p0 $0x1B8D  }
0xb1: {  	s5 =	sshll.u32 @!p0 s5, $0x11;
	s7 =	sadd.s32 @!p0 $0x11B8D, s7;
	_ =	swait.eq @!p0 [sflag:s6], $0x1  }
0xb2: {  	s5 =	sor.u32 @!p0 s5, s7;
	[sflag:s6] =	ssyncadd.s32 @!p0 $0xFFFFFFFF  }
0xb3: {  	s25 =	simm.s32 $0x1B8E;
	s24 =	sld [smem:$0x3FFE];
	[sflag:s5] =	ssyncadd.remote.s32 @!p0 $0x1  }
0xb4: {  	s26 =	simm.s32 $execute0_lowered;
	[smem:$0x3FD2] =	sst s25  }
0xb5: {  	s6 =	sshll.u32 s26, $0x1;
	_ =	strace $0x8000004C;
	[dreg:$0x1] =	wrdreg $0xFFFFFFFF  }
0xb6: {  	s28 =	simm.s32 $_size_execute0_lowered;
	s4 =	sadd.s32 s4, s6;
	[dreg:$0x0] =	wrdreg $0x0  }
0xb7: {  	s6 =	sshll.u32 s28, $0x1;
	[dreg:$0x2] =	wrdreg s4  }
0xb8: {  	[dreg:$0x3] =	wrdreg s6  }
0xb9: {  	[dreg:$0x4] =	wrdreg $0xC0  }
0xba: {  	_ =	task [dreg:s22], $0x5FFFF  }
0xbb: {  	[dreg:$0x1] =	wrdreg $0xFFFFFFFF  }
0xbc: {  	[dreg:$0x0] =	wrdreg $0x60  }
0xbd: {  	[dreg:$0x2] =	wrdreg s24  }
0xbe: {  	[dreg:$0x3] =	wrdreg s18  }
0xbf: {  	[dreg:$0x4] =	wrdreg $0x9  }
0xc0: {  	_ =	task.clear_ibuf [dreg:s22], $0x5FFFF;
	_ =	strace $0x9000004C  }
0xc1: {  	s29 =	simm.s32 $0x9;
	_ =	strace $0x8000004E  }
0xc2: {  	_ =	swait.ge [sflag:s29], $0x1  }
0xc3: {  	[sflag:s29] =	ssyncadd.s32 $0xFFFFFFFF  }
0xc4: {  	_ =	strace $0x9000004E  }
0xc5: {  	_ =	sfence  }
0xc6: {  	s30 =	sld [smem:$0x0];
	_ =	sdelay $0x2  }
0xc7: {  	s31 =	sshll.u32 s1, $0xD;
	s1 =	sshrl.u32 s1, $0x2  }
0xc8: {  	s4 =	sand.u32 $0x4000, s31;
	s1 =	sadd.s32 s1, s30  }
0xc9: {  	s0 =	sor.u32 s4, s0;
	s1 =	sshll.u32 s1, $0x11  }
0xca: {  	s0 =	sor.u32 s1, s0  }
0xcb: {  	s0 =	sadd.s32 $0x8F2B, s0  }
0xcc: {  	[sflag:s0] =	ssyncadd.remote.s32 $0x1  }
0xcd: {  	_ =	sfence.sel $0xFFFF  }
0xce: {  	[dreg:$0x0] =	wrdreg $0xFFFFFFFF;
	(pc) =	sbr.abs _section_cstart, $3  }
0xcf: {  	[dreg:$0x1] =	wrdreg $0xFFFFFFFF  }
0xd0: {  	_ =	task.clear_ibuf [dreg:s22], $0x2FFFF;
	_ =	strace $0x9FFFFFFF  }
0xd1: {  	(tm) =	ssettm $0x7FFFFFFF  }
tec
execute0_lowered:
.L_overlay_start_1:
0x0: {  	(tag) =	ssettag $0x1  }
0x1: {  	s3 =	rddreg [dreg:$0x0]  }
0x2: {  	s1 =	srdreg.scid;
	s0 =	stileid.u32  }
0x3: {  	s5 =	rddreg [dreg:$0x1];
	s10 =	simm.s32 $0x1;
	s11 =	simm.s32 $0x4980  }
0x4: {  	s12 =	simm.s32 $0x80;
	s13 =	simm.s32 $0x400;
	s14 =	simm.s32 $0x2  }
0x5: {  	s4 =	sand.u32 $0x1, s1;
	s2 =	sshll.u32 s0, $0x1;
	s1 =	rddreg [dreg:$0x2]  }
0x6: {  	s7 =	sshrl.u32 s0, $0x2;
	s6 =	sor.u32 s4, s2;
	s2 =	simm.s32 $0x0  }
0x7: {  	s7 =	smul.u32 $0xC000, s7;
	s4 =	ssub.s32 $0x2, s4;
	s8 =	sshll.u32 s6, $0x7  }
0x8: {  	[smem:$0x7FF] =	sst s2;
	s6 =	smul.u32 $0x30C, s6;
	s31 =	sshrl.u32 s4, $0x1  }
.Ltmp0:
0x9: {  	s8 =	sand.u32 $0x380, s8;
	_ =	strace $0x8000004D;
	(pc) =	sbr.rel .LBB2_1-.Ltmp0, $4  }
0xa: {  	s7 =	sor.u32 s7, s8;
	s9 =	sadd.s32 s6, s3;
	s8 =	ssub.s32 s4, s31  }
0xb: {  	s5 =	sadd.s32 s5, s6;
	s7 =	sshrl.u32 s7, $0x3;
	s4 =	sadd.s32 $0x64400, s9  }
0xc: {  	v0 =	vimm.f32 $0.0e+00;
	v1 =	vlaneseq.u32;
	s7 =	sadd.s32 s7, s3;
	s3 =	sadd.s32 $0x6A600, s9;
	s9 =	simm.s32 $0x3100  }
0xd: {  	vm0 =	vcmask $0x3F08;
	vm1 =	vcmask $0x3F04;
	v1 =	vmul.u32 $0x800, v1;
	s6 =	sadd.s32 $0x70800, s7;
	s7 =	smax.u32 s8, $0x1;
	s8 =	simm.s32 $0x1880  }
.LBB2_8:
0xe: {  	(xrf2) =	vadd.scan.msk.f32 $0xffff, v3  }
0xf: {  	(xrf2) =	vadd.scan.msk.f32 $0xffff, v2;
	_ =	sdelay $0x8  }
0x10: {  	v2, _, _ =	vpop (xrf2)  }
0x11: {  	v4 =	vadd.s32 s17, v1;
	v3, _, _ =	vpop (xrf2)  }
0x12: {  	v3 =	vbroadcast v3, $0xF  }
0x13: {  	v2 =	vbroadcast v2, $0xF  }
0x14: {  	s2 =	sadd.s32 $0x1, s2;
	v3 =	vsel vm0, s18, v3  }
0x15: {  	p0 =	sne.s32 s2, s7;
	v2 =	vsel vm1, v3, v2  }
.Ltmp1:
0x16: {  	[tilespmem:v4+s11+$0x0] =	vst.idx.add.f32.msk $0x7, v2;
	(pc) =	sbr.rel @!p0 .LBB2_9-.Ltmp1, $4  }
0x17: {  	[hbm4b:s6+s12] =	stream.strided.scatter [tilespmem:s11], [sflag:$0x2], $0x1800, s13, s12, $0x38;
	[tilespmem:$0x6180] =	vst v63  }
0x18: {  	_ =	swait.ge [sflag:s14], $0x1800  }
0x19: {  	[sflag:s14] =	ssyncset.done $0x0  }
0x1a: {  	[sflag:s14] =	ssyncadd.s32 $0xFFFFE800  }
.LBB2_1:
0x1b: {  	s15 =	simm.s32 $0x40;
	s16 =	simm.s32 $0x0  }
.LBB2_2:
0x1c: {  	p0 =	sne.s32 s15, $0x5FC0;
	[tilespmem:s16+$0x4980] =	vst v0;
	s16 =	smov.u32 s15;
	s15 =	sadd.s32 $0x40, s15  }
.Ltmp2:
0x1d: {  	(pc) =	sbr.rel @p0 .LBB2_2-.Ltmp2, $2  }
0x1e: {  	_ =	sdelay $0x2  }
0x1f: {  	s16 =	sshra.s32 s16, $0x2  }
0x20: {  	[tilespmem:s16+$0x4980] =	vst v0;
	s15 =	simm.s32 $0x0  }
0x21: {  	[tilespmem:s15], [sflag:$0x1] =	stream.linear.gather [hbm4b:s3+s15], $0x1860, $0x38;
	[tilespmem:$0x6180] =	vst v63  }
0x22: {  	_ = 	snop  }
0x23: {  	[tilespmem:s8], [sflag:$0x1] =	stream.linear.gather [hbm4b:s4+s15], $0x1860, $0x38;
	[tilespmem:$0x6180] =	vst v63  }
0x24: {  	_ = 	snop  }
0x25: {  	[tilespmem:s9], [sflag:$0x1] =	stream.linear.gather [hbm4b:s5+s15], $0x1860, $0x38;
	[tilespmem:$0x6180] =	vst v63  }
0x26: {  	_ =	swait.ge [sflag:s10], $0x1860  }
0x27: {  	[sflag:s10] =	ssyncset.done $0x0  }
0x28: {  	[sflag:s10] =	ssyncadd.s32 $0xFFFFE7A0  }
0x29: {  	_ =	swait.ge [sflag:s10], $0x1860  }
.Ltmp3:
0x2a: {  	[sflag:s10] =	ssyncset.done $0x0;
	(pc) =	sbr.rel .LBB2_4-.Ltmp3, $4  }
0x2b: {  	[sflag:s10] =	ssyncadd.s32 $0xFFFFE7A0  }
0x2c: {  	_ =	swait.ge [sflag:s10], $0x1860  }
0x2d: {  	[sflag:s10] =	ssyncset.done $0x0  }
0x2e: {  	s18 =	simm.f32 $0.0e+00;
	v2 =	vimm.f32 $0.0e+00;
	v3 =	vimm.f32 $0.0e+00;
	s17 =	simm.s32 $0x0;
	[sflag:s10] =	ssyncadd.s32 $0xFFFFE7A0  }
.LBB2_6:
0x2f: {  	v4 =	vld [tilespmem:s16+$0x3100];
	_ =	sdelay $0x4  }
0x30: {  	(v2sf) =	vpush v4, $0xF;
	_ =	sdelay $0xe  }
0x31: {  	s19 =	spop (v2sf)  }
0x32: {  	p1 =	sne.s32 s19, s17  }
0x33: {  	(v2sf) =	vpush @p1 v4, $0x0;
	_ =	sdelay $0x4  }
0x34: {  	(xrf2) =	vadd.scan.msk.f32 @p1 $0xffff, v3  }
0x35: {  	(xrf2) =	vadd.scan.msk.f32 @p1 $0xffff, v2;
	_ =	sdelay $0x6  }
0x36: {  	v5 =	vlaneseq.u32 @p1  }
0x37: {  	v5 =	vmul.u32 @p1 $0x800, v5  }
0x38: {  	v6, _, _ =	vpop @p1 (xrf2);
	s20 =	spop @p1 (v2sf)  }
0x39: {  	v5 =	vadd.s32 @p1 s17, v5;
	v7, _, _ =	vpop @p1 (xrf2);
	p2 =	seq.s32 @p1 s20, s19  }
0x3a: {  	v8 =	vld [tilespmem:s16+$0x0];
	v7 =	vbroadcast @p1 v7, $0xF;
	p0 =	por p2, !p1  }
0x3b: {  	v9 =	vld [tilespmem:s16+$0x1880];
	vm2 =	vcmask @p1 $0x3F08;
	v6 =	vbroadcast @p1 v6, $0xF;
	v10 =	vadd.s32 @!p0 $0x800, v4  }
0x3c: {  	v7 =	vsel @p1 vm2, s18, v7;
	vm2 =	vcmask @p1 $0x3F04;
	v11 =	vadd.s32 @!p0 $0x1000, v4  }
0x3d: {  	s17 =	simm.s32 @p1 $0x4980;
	v6 =	vsel @p1 vm2, v7, v6  }
0x3e: {  	[tilespmem:v5+s17+$0x0] =	vst.idx.add.f32.msk @p1 $0x7, v6;
	s17 =	simm.s32 @!p0 $0x4980  }
0x3f: {  	[tilespmem:v4+s17+$0x0] =	vst.idx.add.f32.msk @!p0 $0xffff, v8  }
0x40: {  	v5 =	vimm.f32 @!p0 $1.000000000e+00;
	[tilespmem:v10+s17+$0x0] =	vst.idx.add.f32.msk @!p0 $0xffff, v9  }
0x41: {  	[tilespmem:v11+s17+$0x0] =	vst.idx.add.f32.msk @!p0 $0xffff, v5  }
0x42: {  	v5 =	vld [tilespmem:s16+$0x3110];
	_ =	sdelay $0x4  }
0x43: {  	(v2sf) =	vpush v5, $0xF;
	_ =	sdelay $0xe  }
0x44: {  	s17 =	spop (v2sf)  }
0x45: {  	p0 =	sne.s32 s17, s19  }
0x46: {  	(v2sf) =	vpush @p0 v5, $0x0;
	_ =	sdelay $0x1  }
0x47: {  	v3 =	vadd.f32 @!p1 v8, v3;
	p3 =	por !p2, !p1  }
0x48: {  	v2 =	vadd.f32 @!p1 v9, v2;
	v59 =	vpsel p3, $0x0, v8  }
0x49: {  	v60 =	vpsel p3, $0x0, v9;
	v3 =	vpsel p1, v59, v3  }
0x4a: {  	v2 =	vpsel p1, v60, v2;
	(xrf2) =	vadd.scan.msk.f32 @p0 $0xffff, v3  }
0x4b: {  	(xrf2) =	vadd.scan.msk.f32 @p0 $0xffff, v2;
	_ =	sdelay $0x6  }
0x4c: {  	v6 =	vlaneseq.u32 @p0  }
0x4d: {  	v4 =	vbroadcast @p0 v4, $0xF;
	v6 =	vmul.u32 @p0 $0x800, v6  }
0x4e: {  	v7, _, _ =	vpop @p0 (xrf2);
	s19 =	spop @p0 (v2sf)  }
0x4f: {  	s18 =	sadd.f32 @!p1 $1.600000000e+01, s18;
	s20 =	simm.f32 @p1 $1.600000000e+01;
	v4 =	vadd.s32 @p0 v6, v4;
	v8, _, _ =	vpop @p0 (xrf2);
	p2 =	seq.s32 @p0 s19, s17  }
0x50: {  	s20 =	simm.f32 @p3 $0.0e+00;
	v6 =	vld [tilespmem:s16+$0x10];
	v8 =	vbroadcast @p0 v8, $0xF;
	p3 =	por p2, !p0  }
0x51: {  	s18 =	smov.u32 @p1 s20;
	v9 =	vld [tilespmem:s16+$0x1890];
	vm2 =	vcmask @p0 $0x3F08;
	v7 =	vbroadcast @p0 v7, $0xF;
	v10 =	vadd.s32 @!p3 $0x800, v5  }
0x52: {  	v8 =	vsel @p0 vm2, s18, v8;
	vm2 =	vcmask @p0 $0x3F04;
	v11 =	vadd.s32 @!p3 $0x1000, v5  }
0x53: {  	v7 =	vsel @p0 vm2, v8, v7;
	s19 =	simm.s32 @p0 $0x4980  }
0x54: {  	[tilespmem:v4+s19+$0x0] =	vst.idx.add.f32.msk @p0 $0x7, v7;
	s19 =	simm.s32 @!p3 $0x4980  }
0x55: {  	[tilespmem:v5+s19+$0x0] =	vst.idx.add.f32.msk @!p3 $0xffff, v6  }
0x56: {  	v4 =	vimm.f32 @!p3 $1.000000000e+00;
	[tilespmem:v10+s19+$0x0] =	vst.idx.add.f32.msk @!p3 $0xffff, v9  }
0x57: {  	[tilespmem:v11+s19+$0x0] =	vst.idx.add.f32.msk @!p3 $0xffff, v4  }
0x58: {  	v4 =	vld [tilespmem:s16+$0x3120];
	_ =	sdelay $0x4  }
0x59: {  	(v2sf) =	vpush v4, $0xF;
	_ =	sdelay $0xe  }
0x5a: {  	s19 =	spop (v2sf)  }
0x5b: {  	p1 =	sne.s32 s19, s17  }
0x5c: {  	(v2sf) =	vpush @p1 v4, $0x0;
	_ =	sdelay $0x1  }
0x5d: {  	v3 =	vadd.f32 @!p0 v6, v3;
	p3 =	por !p2, !p0  }
0x5e: {  	v2 =	vadd.f32 @!p0 v9, v2;
	v6 =	vpsel p3, $0x0, v6  }
0x5f: {  	v61 =	vpsel p3, $0x0, v9;
	v3 =	vpsel p0, v6, v3  }
0x60: {  	v2 =	vpsel p0, v61, v2;
	(xrf2) =	vadd.scan.msk.f32 @p1 $0xffff, v3  }
0x61: {  	(xrf2) =	vadd.scan.msk.f32 @p1 $0xffff, v2;
	_ =	sdelay $0x6  }
0x62: {  	v6 =	vlaneseq.u32 @p1  }
0x63: {  	v5 =	vbroadcast @p1 v5, $0xF;
	v6 =	vmul.u32 @p1 $0x800, v6  }
0x64: {  	v7, _, _ =	vpop @p1 (xrf2);
	s17 =	spop @p1 (v2sf)  }
0x65: {  	s20 =	simm.f32 @p0 $1.600000000e+01;
	s18 =	sadd.f32 @!p0 $1.600000000e+01, s18;
	v5 =	vadd.s32 @p1 v6, v5;
	v8, _, _ =	vpop @p1 (xrf2);
	p2 =	seq.s32 @p1 s17, s19  }
0x66: {  	s20 =	simm.f32 @p3 $0.0e+00;
	v6 =	vld [tilespmem:s16+$0x20];
	v8 =	vbroadcast @p1 v8, $0xF;
	p3 =	por p2, !p1  }
0x67: {  	v9 =	vld [tilespmem:s16+$0x18A0];
	s18 =	smov.u32 @p0 s20;
	vm2 =	vcmask @p1 $0x3F08;
	v7 =	vbroadcast @p1 v7, $0xF;
	v10 =	vadd.s32 @!p3 $0x800, v4  }
0x68: {  	v8 =	vsel @p1 vm2, s18, v8;
	vm2 =	vcmask @p1 $0x3F04;
	v11 =	vadd.s32 @!p3 $0x1000, v4  }
0x69: {  	v7 =	vsel @p1 vm2, v8, v7;
	s17 =	simm.s32 @p1 $0x4980  }
0x6a: {  	[tilespmem:v5+s17+$0x0] =	vst.idx.add.f32.msk @p1 $0x7, v7;
	s17 =	simm.s32 @!p3 $0x4980  }
0x6b: {  	[tilespmem:v4+s17+$0x0] =	vst.idx.add.f32.msk @!p3 $0xffff, v6  }
0x6c: {  	v5 =	vimm.f32 @!p3 $1.000000000e+00;
	[tilespmem:v10+s17+$0x0] =	vst.idx.add.f32.msk @!p3 $0xffff, v9  }
0x6d: {  	[tilespmem:v11+s17+$0x0] =	vst.idx.add.f32.msk @!p3 $0xffff, v5  }
0x6e: {  	v5 =	vld [tilespmem:s16+$0x3130];
	_ =	sdelay $0x4  }
0x6f: {  	(v2sf) =	vpush v5, $0xF;
	_ =	sdelay $0xe  }
0x70: {  	s17 =	spop (v2sf)  }
0x71: {  	p0 =	sne.s32 s17, s19  }
0x72: {  	(v2sf) =	vpush @p0 v5, $0x0;
	_ =	sdelay $0x1  }
0x73: {  	v3 =	vadd.f32 @!p1 v6, v3;
	p3 =	por !p2, !p1  }
0x74: {  	v2 =	vadd.f32 @!p1 v9, v2;
	v6 =	vpsel p3, $0x0, v6  }
0x75: {  	v62 =	vpsel p3, $0x0, v9;
	v3 =	vpsel p1, v6, v3  }
0x76: {  	v2 =	vpsel p1, v62, v2;
	(xrf2) =	vadd.scan.msk.f32 @p0 $0xffff, v3  }
0x77: {  	(xrf2) =	vadd.scan.msk.f32 @p0 $0xffff, v2;
	_ =	sdelay $0x6  }
0x78: {  	v6 =	vlaneseq.u32 @p0  }
0x79: {  	v4 =	vbroadcast @p0 v4, $0xF;
	v6 =	vmul.u32 @p0 $0x800, v6  }
0x7a: {  	v7, _, _ =	vpop @p0 (xrf2);
	s19 =	spop @p0 (v2sf)  }
0x7b: {  	s20 =	simm.f32 @p1 $1.600000000e+01;
	s18 =	sadd.f32 @!p1 $1.600000000e+01, s18;
	v4 =	vadd.s32 @p0 v6, v4;
	v8, _, _ =	vpop @p0 (xrf2);
	p2 =	seq.s32 @p0 s19, s17  }
0x7c: {  	s20 =	simm.f32 @p3 $0.0e+00;
	v6 =	vld [tilespmem:s16+$0x30];
	v8 =	vbroadcast @p0 v8, $0xF;
	p3 =	por p2, !p0  }
0x7d: {  	v9 =	vld [tilespmem:s16+$0x18B0];
	s18 =	smov.u32 @p1 s20;
	vm2 =	vcmask @p0 $0x3F08;
	v7 =	vbroadcast @p0 v7, $0xF;
	v10 =	vadd.s32 @!p3 $0x800, v5  }
0x7e: {  	v8 =	vsel @p0 vm2, s18, v8;
	vm2 =	vcmask @p0 $0x3F04;
	v11 =	vadd.s32 @!p3 $0x1000, v5  }
0x7f: {  	v7 =	vsel @p0 vm2, v8, v7;
	s19 =	simm.s32 @p0 $0x4980  }
0x80: {  	[tilespmem:v4+s19+$0x0] =	vst.idx.add.f32.msk @p0 $0x7, v7;
	s19 =	simm.s32 @!p3 $0x4980  }
0x81: {  	[tilespmem:v5+s19+$0x0] =	vst.idx.add.f32.msk @!p3 $0xffff, v6  }
0x82: {  	v4 =	vimm.f32 @!p3 $1.000000000e+00;
	[tilespmem:v10+s19+$0x0] =	vst.idx.add.f32.msk @!p3 $0xffff, v9  }
0x83: {  	[tilespmem:v11+s19+$0x0] =	vst.idx.add.f32.msk @!p3 $0xffff, v4  }
0x84: {  	v4 =	vld [tilespmem:s16+$0x3140];
	_ =	sdelay $0x4  }
0x85: {  	(v2sf) =	vpush v4, $0xF;
	_ =	sdelay $0xe  }
0x86: {  	s19 =	spop (v2sf)  }
0x87: {  	p1 =	sne.s32 s19, s17  }
0x88: {  	(v2sf) =	vpush @p1 v4, $0x0;
	_ =	sdelay $0x1  }
0x89: {  	v3 =	vadd.f32 @!p0 v6, v3;
	p3 =	por !p2, !p0  }
0x8a: {  	v2 =	vadd.f32 @!p0 v9, v2;
	v6 =	vpsel p3, $0x0, v6  }
0x8b: {  	v63 =	vpsel p3, $0x0, v9;
	v3 =	vpsel p0, v6, v3  }
0x8c: {  	v2 =	vpsel p0, v63, v2;
	(xrf2) =	vadd.scan.msk.f32 @p1 $0xffff, v3  }
0x8d: {  	(xrf2) =	vadd.scan.msk.f32 @p1 $0xffff, v2;
	_ =	sdelay $0x6  }
0x8e: {  	v6 =	vlaneseq.u32 @p1  }
0x8f: {  	v5 =	vbroadcast @p1 v5, $0xF;
	v6 =	vmul.u32 @p1 $0x800, v6  }
0x90: {  	v7, _, _ =	vpop @p1 (xrf2);
	s20 =	spop @p1 (v2sf)  }
0x91: {  	s18 =	sadd.f32 @!p0 $1.600000000e+01, s18;
	v8 =	vld [tilespmem:s16+$0x40];
	v5 =	vadd.s32 @p1 v6, v5;
	v9, _, _ =	vpop @p1 (xrf2);
	p2 =	seq.s32 @p1 s20, s19;
	s20 =	simm.f32 @p0 $1.600000000e+01  }
0x92: {  	v6 =	vld [tilespmem:s16+$0x18C0];
	v9 =	vbroadcast @p1 v9, $0xF;
	s20 =	simm.f32 @p3 $0.0e+00;
	p3 =	por p2, !p1  }
0x93: {  	vm2 =	vcmask @p1 $0x3F08;
	v7 =	vbroadcast @p1 v7, $0xF;
	s18 =	smov.u32 @p0 s20;
	v10 =	vadd.s32 @!p3 $0x800, v4  }
0x94: {  	v11 =	vadd.s32 @!p3 $0x1000, v4;
	v9 =	vsel @p1 vm2, s18, v9;
	vm2 =	vcmask @p1 $0x3F04  }
0x95: {  	s16 =	simm.s32 @p1 $0x4980;
	v7 =	vsel @p1 vm2, v9, v7  }
0x96: {  	[tilespmem:v5+s16+$0x0] =	vst.idx.add.f32.msk @p1 $0x7, v7;
	s16 =	simm.s32 @!p3 $0x4980  }
0x97: {  	v3 =	vadd.f32 @!p1 v8, v3;
	v2 =	vadd.f32 @!p1 v6, v2;
	s20 =	simm.f32 @p1 $1.600000000e+01;
	p0 =	por !p2, !p1;
	s18 =	sadd.f32 @!p1 $1.600000000e+01, s18;
	[tilespmem:v4+s16+$0x0] =	vst.idx.add.f32.msk @!p3 $0xffff, v8  }
0x98: {  	s20 =	simm.f32 @p0 $0.0e+00;
	v5 =	vpsel p0, $0x0, v8;
	v4 =	vimm.f32 @!p3 $1.000000000e+00;
	[tilespmem:v10+s16+$0x0] =	vst.idx.add.f32.msk @!p3 $0xffff, v6;
	v6 =	vpsel p0, $0x0, v6  }
0x99: {  	s17 =	smov.u32 @p1 s19;
	s18 =	smov.u32 @p1 s20;
	v3 =	vpsel p1, v5, v3;
	[tilespmem:v11+s16+$0x0] =	vst.idx.add.f32.msk @!p3 $0xffff, v4;
	v2 =	vpsel p1, v6, v2  }
.LBB2_7:
0x9a: {  	s15 =	sadd.s32 $0x140, s15  }
0x9b: {  	p0 =	sne.s32 s15, $0x6180  }
.Ltmp4:
0x9c: {  	_ = 	snop;
	(pc) =	sbr.rel @!p0 .LBB2_8-.Ltmp4, $1  }
0x9d: {  	_ =	sdelay $0x3  }
.LBB2_4:
0x9e: {  	s16 =	sshra.s32 s15, $0x2  }
0x9f: {  	v4 =	vld [tilespmem:s16+$0x3140];
	_ =	sdelay $0x4  }
0xa0: {  	(v2sf) =	vpush v4, $0xF;
	_ =	sdelay $0xe  }
0xa1: {  	s19 =	spop (v2sf)  }
0xa2: {  	p0 =	sne.s32 s19, s17  }
.Ltmp5:
0xa3: {  	_ = 	snop;
	(pc) =	sbr.rel @p0 .LBB2_6-.Ltmp5, $1  }
0xa4: {  	_ =	sdelay $0x3  }
0xa5: {  	v4 =	vld [tilespmem:s16+$0x0]  }
0xa6: {  	v5 =	vld [tilespmem:s16+$0x10]  }
0xa7: {  	v6 =	vld [tilespmem:s16+$0x20]  }
0xa8: {  	v7 =	vld [tilespmem:s16+$0x30]  }
0xa9: {  	v8 =	vld [tilespmem:s16+$0x1880]  }
0xaa: {  	v9 =	vld [tilespmem:s16+$0x1890]  }
0xab: {  	v10 =	vld [tilespmem:s16+$0x18A0]  }
0xac: {  	v11 =	vld [tilespmem:s16+$0x18B0];
	_ =	sdelay $0x2  }
0xad: {  	v12 =	vld [tilespmem:s16+$0x40]  }
0xae: {  	v13 =	vld [tilespmem:s16+$0x18C0];
	v4 =	vadd.f32 v5, v4;
	v5 =	vadd.f32 v7, v6  }
0xaf: {  	v62 =	vadd.f32 v9, v8;
	v63 =	vadd.f32 v11, v10  }
0xb0: {  	v4 =	vadd.f32 v5, v4  }
.Ltmp6:
0xb1: {  	v5 =	vadd.f32 v63, v62;
	(pc) =	sbr.rel .LBB2_7-.Ltmp6, $4  }
0xb2: {  	v4 =	vadd.f32 v4, v12  }
0xb3: {  	v5 =	vadd.f32 v5, v13  }
0xb4: {  	v3 =	vadd.f32 v4, v3  }
0xb5: {  	s18 =	sadd.f32 $8.000000000e+01, s18;
	v2 =	vadd.f32 v5, v2  }
.LBB2_9:
0xb6: {  	_ =	sfence.sel $0x180000  }
0xb7: {  	[bflag:$0x0] =	sbarrier.arrive $0xFFFF  }
0xb8: {  	p0 =	sne.s32 s0, $0x0;
	_ =	strace $0x9000004D  }
0xb9: {  	s0 =	sadd.s32 @!p0 $0x100000, s1;
	[bflag:$0x2] =	sbarrier.arrive $0xFFFF  }
0xba: {  	[sflag:s0] =	ssyncadd.tile.s32 @!p0 $0x1;
	_ =	shalt  }
.Lfunc_end2:
_tile_overlayer_lowered:
.L_overlay_start_2:
0xbb: {  	(tag) =	ssettag $0x2  }
0xbc: {  	s0 =	rddreg [dreg:$0x0];
	s2 =	stileid.u32  }
0xbd: {  	s1 =	rddreg [dreg:$0x1];
	p0 =	sne.s32 s2, $0x0  }
0xbe: {  	s3 =	rddreg [dreg:$0x2];
	[bflag:$0x3] =	sbarrier.arrive $0xFFFF;
	s2 =	simm.s32 @!p0 $0x1C02  }
0xbf: {  	[timem:s3], [sflag:s2] =	dma.local @!p0 [hbm:s0], s1  }
0xc0: {  	s0 =	simm.s32 @!p0 $0x2  }
0xc1: {  	_ =	swait.ge @!p0 [sflag:s0], s1  }
0xc2: {  	s1 =	ssub.s32 @!p0 $0x0, s1;
	[sflag:s0] =	ssyncset.done @!p0 $0x0  }
0xc3: {  	[sflag:s0] =	ssyncadd.s32 @!p0 s1  }
0xc4: {  	[bflag:$0x3] =	sbarrier.arrive $0xFFFF  }
0xc5: {  	_ =	shalt  }

// kernel: kernel.9.cloned.1.call-start
scs
__scs_entry_jumppad:
0x0: {  	(pc) =	sbr.rel $0x88, $3  }
0x1: {  	(tag) =	ssettag $0x0;
	lr =	simm.s32 $0x1  }
0x2: {  	[smem:$0x3F9A] =	sst lr;
	_ =	strace $0xD0000000  }
0x3: {  	_ = 	snop  }
0x4: {  	_ = 	snop  }
0x5: {  	_ = 	snop  }
0x6: {  	_ = 	snop  }
0x7: {  	_ = 	snop  }
__scs_overlays_trampoline_lowered:
0x8: {  	[smem:$0x3FA9] =	sst s0  }
0x9: {  	[smem:$0x3FAA] =	sst s1  }
0xa: {  	[smem:$0x3FAB] =	sst s2  }
0xb: {  	[smem:$0x3FAC] =	sst s3  }
0xc: {  	[smem:$0x3FAD] =	sst s4  }
0xd: {  	[smem:$0x3FAE] =	sst s5  }
0xe: {  	[smem:$0x3FAF] =	sst s6  }
0xf: {  	[smem:$0x3FB0] =	sst s7  }
0x10: {  	[smem:$0x3FB1] =	sst s8  }
0x11: {  	[smem:$0x3FB2] =	sst s9;
	s0 =	simm.s32 @!p0 $0x0  }
0x12: {  	s1 =	sld [smem:$0x3F98];
	s0 =	simm.s32 @p0 $0x1  }
0x13: {  	[smem:$0x3FB3] =	sst s0;
	s0 =	simm.s32 @!p1 $0x0  }
0x14: {  	s2 =	sld [smem:$0x3F97];
	s0 =	simm.s32 @p1 $0x1  }
0x15: {  	[smem:$0x3FB4] =	sst s0;
	s0 =	simm.s32 @!p2 $0x0  }
0x16: {  	s3 =	sld [smem:$0x3FDB];
	s0 =	simm.s32 @p2 $0x1  }
0x17: {  	s4 =	simm.s32 $0x1BF5;
	[smem:$0x3FB6] =	sst s0  }
0x18: {  	s0 =	sld [smem:$0x3F99];
	_ =	swait.ge [sflag:s4], $0x0  }
0x19: {  	s7 =	sld [smem:$0x3F9A]  }
0x1a: {  	s8 =	sadd.s32 $0xFFFFE003, lr  }
0x1b: {  	s9 =	sadd.s32 $0xFFFFFEF7, lr;
	s5 =	simm.s32 $0xFFFFFFFF;
	p2 =	slt.u32 s8, $0xFFFFF086  }
0x1c: {  	p1 =	slt.u32 s9, $0xF7A;
	s5 =	simm.s32 @!p2 $0x0  }
0x1d: {  	s5 =	simm.s32 @p1 $0x1;
	p0 =	seq.s32 s7, s2  }
0x1e: {  	s7 =	smul.u32 @!p0 $0xF7A, s2;
	p2 =	seq.s32 @!p0 s5, $0x0  }
0x1f: {  	s9 =	smul.u32 $0xF7A, s1;
	s8 =	simm.s32 @!p0 $0x1BF5;
	p2 =	por !p2, p0  }
0x20: {  	[sflag:s8] =	ssyncset.s32 @!p0 $0xFFFFF086;
	s6 =	sadd.s32 @!p0 s3, s7;
	s7 =	simm.s32 @!p0 $0x108  }
0x21: {  	s3 =	sadd.s32 s3, s9;
	s6 =	sadd.s32 @!p0 $0x88, s6;
	s7 =	simm.s32 @p2 $0x1082  }
0x22: {  	[simem:s7], [sflag:s8] =	dma.local @!p0 [hbm:s6], $0xF7A  }
0x23: {  	s9 =	sor.u32 $0xD0000000, s2;
	s6 =	simm.s32 $0x108;
	_ =	swait.ge @!p0 [sflag:s8], $0x0  }
0x24: {  	s3 =	sadd.s32 $0x88, s3;
	s6 =	simm.s32 @!p1 $0x1082;
	[sflag:s4] =	ssyncset.s32 $0xFFFFF086  }
0x25: {  	[simem:s6], [sflag:s4] =	dma.local [hbm:s3], $0xF7A  }
0x26: {  	[smem:$0x3F9A] =	sst s1;
	(tag) =	ssettag s2;
	_ =	strace s9  }
0x27: {  	s1 =	sld [smem:$0x3FAA]  }
0x28: {  	s2 =	sld [smem:$0x3FAB]  }
0x29: {  	s4 =	sld [smem:$0x3FAD]  }
0x2a: {  	p0 =	seq.s32 s5, $0x0;
	s5 =	sld [smem:$0x3FAE]  }
0x2b: {  	s6 =	sld [smem:$0x3FAF]  }
0x2c: {  	s7 =	sld [smem:$0x3FB0]  }
0x2d: {  	s3 =	simm.s32 $0x108;
	s8 =	sld [smem:$0x3FB1]  }
0x2e: {  	s3 =	simm.s32 @!p0 $0x1082;
	s9 =	sld [smem:$0x3FB2]  }
0x2f: {  	lr =	sadd.s32 s0, s3;
	s0 =	sld [smem:$0x3FA9]  }
0x30: {  	s3 =	sld [smem:$0x3FAC]  }
0x31: {  	[smem:$0x3FB5] =	sst s10  }
0x32: {  	s10 =	sld [smem:$0x3FB3];
	_ =	sdelay $0x3  }
0x33: {  	p0 =	seq.s32 s10, $0x1;
	s10 =	sld [smem:$0x3FB5];
	_ =	sdelay $0x3  }
0x34: {  	[smem:$0x3FB5] =	sst s10  }
0x35: {  	s10 =	sld [smem:$0x3FB4];
	_ =	sdelay $0x3  }
0x36: {  	p1 =	seq.s32 s10, $0x1;
	s10 =	sld [smem:$0x3FB5];
	_ =	sdelay $0x3  }
0x37: {  	[smem:$0x3FB5] =	sst s10  }
0x38: {  	s10 =	sld [smem:$0x3FB6]  }
0x39: {  	_ = 	snop;
	(pc) =	sbr.ind lr, $3  }
0x3a: {  	_ = 	snop  }
0x3b: {  	_ = 	snop  }
0x3c: {  	p2 =	seq.s32 s10, $0x1;
	s10 =	sld [smem:$0x3FB5]  }
0x3d: {  	_ =	shalt  }
0x3e: {  	_ =	shalt  }
0x3f: {  	_ =	shalt  }
0x40: {  	_ =	shalt  }
0x41: {  	_ =	shalt  }
0x42: {  	_ =	shalt  }
0x43: {  	_ =	shalt  }
0x44: {  	_ =	shalt  }
0x45: {  	_ =	shalt  }
0x46: {  	_ =	shalt  }
0x47: {  	_ =	shalt  }
0x48: {  	_ =	shalt  }
0x49: {  	_ =	shalt  }
0x4a: {  	_ =	shalt  }
0x4b: {  	_ =	shalt  }
0x4c: {  	_ =	shalt  }
0x4d: {  	_ =	shalt  }
0x4e: {  	_ =	shalt  }
0x4f: {  	_ =	shalt  }
0x50: {  	_ =	shalt  }
0x51: {  	_ =	shalt  }
0x52: {  	_ =	shalt  }
0x53: {  	_ =	shalt  }
0x54: {  	_ =	shalt  }
0x55: {  	_ =	shalt  }
0x56: {  	_ =	shalt  }
0x57: {  	_ =	shalt  }
0x58: {  	_ =	shalt  }
0x59: {  	_ =	shalt  }
0x5a: {  	_ =	shalt  }
0x5b: {  	_ =	shalt  }
0x5c: {  	_ =	shalt  }
0x5d: {  	_ =	shalt  }
0x5e: {  	_ =	shalt  }
0x5f: {  	_ =	shalt  }
0x60: {  	_ =	shalt  }
0x61: {  	_ =	shalt  }
0x62: {  	_ =	shalt  }
0x63: {  	_ =	shalt  }
0x64: {  	_ =	shalt  }
0x65: {  	_ =	shalt  }
0x66: {  	_ =	shalt  }
0x67: {  	_ =	shalt  }
0x68: {  	_ =	shalt  }
0x69: {  	_ =	shalt  }
0x6a: {  	_ =	shalt  }
0x6b: {  	_ =	shalt  }
0x6c: {  	_ =	shalt  }
0x6d: {  	_ =	shalt  }
0x6e: {  	_ =	shalt  }
0x6f: {  	_ =	shalt  }
0x70: {  	_ =	shalt  }
0x71: {  	_ =	shalt  }
0x72: {  	_ =	shalt  }
0x73: {  	_ =	shalt  }
0x74: {  	_ =	shalt  }
0x75: {  	_ =	shalt  }
0x76: {  	_ =	shalt  }
0x77: {  	_ =	shalt  }
0x78: {  	_ =	shalt  }
0x79: {  	_ =	shalt  }
0x7a: {  	_ =	shalt  }
0x7b: {  	_ =	shalt  }
0x7c: {  	_ =	shalt  }
0x7d: {  	_ =	shalt  }
0x7e: {  	_ =	shalt  }
0x7f: {  	_ =	shalt  }
0x80: {  	_ =	shalt  }
0x81: {  	_ =	shalt  }
0x82: {  	_ =	shalt  }
0x83: {  	_ =	shalt  }
0x84: {  	_ =	shalt  }
0x85: {  	_ =	shalt  }
0x86: {  	_ =	shalt  }
0x87: {  	_ =	shalt  }
.Lfunc_end0:
.L_simem_size_0:
called_computation.1_lowered:
.L_overlay_start_0:
0x88: {  	s2 =	sld [smem:$0x3FD9]  }
0x89: {  	s3 =	sld [smem:$0x3FFE];
	_ =	sdelay $0x1  }
0x8a: {  	s1 =	srdreg.scid  }
0x8b: {  	s0 =	sand.u32 $0x1, s1  }
0x8c: {  	s17 =	sshll.u32 s0, $0xA;
	s2 =	sadd.s32 s3, s2  }
0x8d: {  	s2 =	sadd.s32 s2, s17  }
0x8e: {  	[smem:$0x3FC1] =	sst s2  }
0x8f: {  	_ = 	snop  }
0x90: {  	s18 =	sld [smem:$0x3FC7];
	(tm) =	ssettm $0x1  }
0x91: {  	s19 =	sld [smem:$0x3FFB];
	_ =	sdelay $0x3  }
0x92: {  	_ =	strace s19  }
0x93: {  	s2 =	sld [smem:$0x3FFC];
	_ =	sdelay $0x3  }
0x94: {  	_ =	strace s2  }
0x95: {  	s2 =	sld [smem:$0x3FFD];
	_ =	sdelay $0x3  }
0x96: {  	_ =	strace s2  }
0x97: {  	_ =	strace $0x8FFFFFFF  }
0x98: {  	s20 =	sld [smem:$0x3FDB];
	_ =	sdelay $0x1  }
0x99: {  	s4 =	simm.s32 $_scs_section_size  }
0x9a: {  	s5 =	simm.s32 $_size__tile_overlayer_lowered;
	s6 =	simm.s32 $_tile_overlayer_lowered  }
0x9b: {  	s7 =	simm.s32 $0x1BFF;
	s21 =	sshll.u32 s6, $0x1;
	s4 =	sadd.s32 s4, s20  }
0x9c: {  	s22 =	simm.s32 $0x0;
	s5 =	sshll.u32 s5, $0x1;
	s6 =	sadd.s32 s21, s4  }
0x9d: {  	[timem:s22], [sflag:s7] =	dma.local [hbm:s6], s5  }
0x9e: {  	_ =	swait.ge [sflag:s7], s5  }
0x9f: {  	s5 =	ssub.s32 $0x0, s5;
	[sflag:s7] =	ssyncset.done $0x0  }
0xa0: {  	[sflag:s7] =	ssyncadd.s32 s5;
	_ =	sdelay $0x1  }
0xa1: {  	s23 =	simm.s32 $0x1B8B  }
0xa2: {  	_ =	swait.ge [sflag:s23], $0x1  }
0xa3: {  	[sflag:s23] =	ssyncset.done $0x0  }
0xa4: {  	[sflag:s23] =	ssyncadd.s32 $0xFFFFFFFF  }
0xa5: {  	s5 =	sld [smem:$0x0]  }
0xa6: {  	s6 =	sand.u32 $0xFFFFFFFE, s1  }
0xa7: {  	p0 =	sne.s32 s1, s6  }
0xa8: {  	s6 =	sshll.u32 @p0 s6, $0xE  }
0xa9: {  	s6 =	sadd.s32 @p0 $0x11B8D, s6;
	s7 =	sshll.u32 @p0 s5, $0x11  }
0xaa: {  	s6 =	sor.u32 @p0 s7, s6  }
0xab: {  	[sflag:s6] =	ssyncadd.remote.s32 @p0 $0x1;
	_ =	sdelay $0x1  }
0xac: {  	s6 =	simm.s32 @p0 $0x1B8D  }
0xad: {  	_ =	swait.eq @p0 [sflag:s6], $0x1  }
0xae: {  	[sflag:s6] =	ssyncadd.s32 @p0 $0xFFFFFFFF  }
0xaf: {  	s7 =	sshll.u32 @!p0 s1, $0xE  }
0xb0: {  	s7 =	sor.u32 @!p0 $0x4000, s7;
	s6 =	simm.s32 @!p0 $0x1B8D  }
0xb1: {  	s5 =	sshll.u32 @!p0 s5, $0x11;
	s7 =	sadd.s32 @!p0 $0x11B8D, s7;
	_ =	swait.eq @!p0 [sflag:s6], $0x1  }
0xb2: {  	s5 =	sor.u32 @!p0 s5, s7;
	[sflag:s6] =	ssyncadd.s32 @!p0 $0xFFFFFFFF  }
0xb3: {  	s25 =	simm.s32 $0x1B8E;
	s24 =	sld [smem:$0x3FFE];
	[sflag:s5] =	ssyncadd.remote.s32 @!p0 $0x1  }
0xb4: {  	s26 =	simm.s32 $execute0_lowered;
	[smem:$0x3FD2] =	sst s25  }
0xb5: {  	s6 =	sshll.u32 s26, $0x1;
	_ =	strace $0x80000049;
	[dreg:$0x1] =	wrdreg $0xFFFFFFFF  }
0xb6: {  	s28 =	simm.s32 $_size_execute0_lowered;
	s4 =	sadd.s32 s4, s6;
	[dreg:$0x0] =	wrdreg $0x0  }
0xb7: {  	s6 =	sshll.u32 s28, $0x1;
	[dreg:$0x2] =	wrdreg s4  }
0xb8: {  	[dreg:$0x3] =	wrdreg s6  }
0xb9: {  	[dreg:$0x4] =	wrdreg $0xC0  }
0xba: {  	_ =	task [dreg:s22], $0x5FFFF  }
0xbb: {  	[dreg:$0x1] =	wrdreg $0xFFFFFFFF  }
0xbc: {  	[dreg:$0x0] =	wrdreg $0x60  }
0xbd: {  	[dreg:$0x2] =	wrdreg s24  }
0xbe: {  	[dreg:$0x3] =	wrdreg s18  }
0xbf: {  	[dreg:$0x4] =	wrdreg $0xA  }
0xc0: {  	_ =	task.clear_ibuf [dreg:s22], $0x5FFFF;
	_ =	strace $0x90000049  }
0xc1: {  	s29 =	simm.s32 $0xA;
	_ =	strace $0x8000004B  }
0xc2: {  	_ =	swait.ge [sflag:s29], $0x1  }
0xc3: {  	[sflag:s29] =	ssyncadd.s32 $0xFFFFFFFF  }
0xc4: {  	_ =	strace $0x9000004B  }
0xc5: {  	_ =	sfence  }
0xc6: {  	s30 =	sld [smem:$0x0];
	_ =	sdelay $0x2  }
0xc7: {  	s31 =	sshll.u32 s1, $0xD;
	s1 =	sshrl.u32 s1, $0x2  }
0xc8: {  	s4 =	sand.u32 $0x4000, s31;
	s1 =	sadd.s32 s1, s30  }
0xc9: {  	s0 =	sor.u32 s4, s0;
	s1 =	sshll.u32 s1, $0x11  }
0xca: {  	s0 =	sor.u32 s1, s0  }
0xcb: {  	s0 =	sadd.s32 $0x8F2B, s0  }
0xcc: {  	[sflag:s0] =	ssyncadd.remote.s32 $0x1  }
0xcd: {  	_ =	sfence.sel $0xFFFF  }
0xce: {  	[dreg:$0x0] =	wrdreg $0xFFFFFFFF;
	(pc) =	sbr.abs _section_cstart, $3  }
0xcf: {  	[dreg:$0x1] =	wrdreg $0xFFFFFFFF  }
0xd0: {  	_ =	task.clear_ibuf [dreg:s22], $0x2FFFF;
	_ =	strace $0x9FFFFFFF  }
0xd1: {  	(tm) =	ssettm $0x7FFFFFFF  }
tec
execute0_lowered:
.L_overlay_start_1:
0x0: {  	(tag) =	ssettag $0x1  }
0x1: {  	s3 =	rddreg [dreg:$0x0]  }
0x2: {  	s5 =	rddreg [dreg:$0x1]  }
0x3: {  	s0 =	rddreg [dreg:$0x2]  }
0x4: {  	s4 =	srdreg.scid;
	s1 =	stileid.u32;
	s2 =	simm.s32 $0x0  }
0x5: {  	s15 =	simm.s32 $0x7200;
	s16 =	simm.s32 $0x1;
	s17 =	simm.s32 $0x1C80  }
0x6: {  	s18 =	simm.s32 $0x5580;
	s19 =	simm.s32 $0x8E80;
	s20 =	simm.s32 $0x2  }
0x7: {  	s21 =	simm.s32 $0xAB00;
	s22 =	simm.s32 $0x80;
	s23 =	simm.s32 $0x400  }
0x8: {  	s24 =	simm.s32 $0x3;
	s4 =	sand.u32 $0x1, s4;
	s6 =	sshll.u32 s1, $0x1  }
0x9: {  	[smem:$0x7FF] =	sst s2;
	s7 =	sshrl.u32 s1, $0x2;
	s9 =	sadd.s32 $0x48E00, s3  }
0xa: {  	s10 =	sadd.s32 $0x33800, s3;
	s6 =	sor.u32 s4, s6;
	s7 =	smul.u32 $0xC000, s7  }
0xb: {  	s4 =	ssub.s32 $0x2, s4;
	s8 =	sshll.u32 s6, $0x7;
	s6 =	smul.u32 $0x5550, s6  }
0xc: {  	_ =	strace $0x8000004A;
	s30 =	sshrl.u32 s4, $0x1;
	s8 =	sand.u32 $0x380, s8  }
0xd: {  	s13 =	ssub.s32 s4, s30;
	s7 =	sor.u32 s7, s8;
	s11 =	sshrl.u32 s6, $0x3  }
0xe: {  	s13 =	smax.u32 s13, $0x1;
	s7 =	sshrl.u32 s7, $0x3;
	s4 =	sadd.s32 s10, s11  }
.Ltmp0:
0xf: {  	s14 =	sadd.s32 s5, s11;
	s31 =	sadd.s32 $0x38E, s11;
	(pc) =	sbr.rel .LBB2_1-.Ltmp0, $4  }
0x10: {  	s12 =	sadd.s32 s7, s3;
	s3 =	sadd.s32 s9, s11;
	s5 =	sadd.s32 $0x6180, s14  }
0x11: {  	s6 =	sadd.s32 s9, s31;
	s11 =	sadd.s32 $0x71C, s11;
	s7 =	sadd.s32 s10, s31  }
0x12: {  	v0 =	vimm.f32 $0.0e+00;
	v1 =	vlaneseq.u32;
	s8 =	sadd.s32 $0x650E, s14;
	s9 =	sadd.s32 s9, s11;
	s10 =	sadd.s32 s10, s11  }
0x13: {  	vm0 =	vcmask $0x3F08;
	vm1 =	vcmask $0x3F04;
	v1 =	vmul.u32 $0x800, v1;
	s11 =	sadd.s32 $0x689C, s14;
	s12 =	sadd.s32 $0x5E400, s12;
	s14 =	simm.s32 $0x3900  }
.LBB2_18:
0x14: {  	(xrf2) =	vadd.scan.msk.f32 $0xffff, v3  }
0x15: {  	(xrf2) =	vadd.scan.msk.f32 $0xffff, v2;
	_ =	sdelay $0x8  }
0x16: {  	v2, _, _ =	vpop (xrf2)  }
0x17: {  	v4 =	vadd.s32 s25, v1;
	v3, _, _ =	vpop (xrf2)  }
0x18: {  	v3 =	vbroadcast v3, $0xF  }
0x19: {  	v2 =	vbroadcast v2, $0xF  }
0x1a: {  	s2 =	sadd.s32 $0x1, s2;
	v3 =	vsel vm0, s26, v3  }
0x1b: {  	p0 =	sne.s32 s2, s13;
	v2 =	vsel vm1, v3, v2  }
.Ltmp1:
0x1c: {  	[tilespmem:v4+s21+$0x0] =	vst.idx.add.f32.msk $0x7, v2;
	(pc) =	sbr.rel @!p0 .LBB2_19-.Ltmp1, $4  }
0x1d: {  	[hbm4b:s12+s22] =	stream.strided.scatter [tilespmem:s21], [sflag:$0x3], $0x1800, s23, s22, $0x38;
	[tilespmem:$0xC300] =	vst v63  }
0x1e: {  	_ =	swait.ge [sflag:s24], $0x1800  }
0x1f: {  	[sflag:s24] =	ssyncset.done $0x0  }
0x20: {  	[sflag:s24] =	ssyncadd.s32 $0xFFFFE800  }
.LBB2_1:
0x21: {  	s25 =	simm.s32 $0x40;
	s26 =	simm.s32 $0x0  }
.LBB2_2:
0x22: {  	p0 =	sne.s32 s25, $0x5FC0;
	[tilespmem:s26+$0xAB00] =	vst v0;
	s26 =	smov.u32 s25;
	s25 =	sadd.s32 $0x40, s25  }
.Ltmp2:
0x23: {  	(pc) =	sbr.rel @p0 .LBB2_2-.Ltmp2, $2  }
0x24: {  	_ =	sdelay $0x2  }
0x25: {  	s26 =	sshra.s32 s26, $0x2  }
0x26: {  	[tilespmem:s26+$0xAB00] =	vst v0;
	s25 =	simm.s32 $0x0  }
0x27: {  	[tilespmem:s25], [sflag:$0x1] =	stream.linear.gather [hbm4b:s3+s25], $0x1C70, $0x38;
	[tilespmem:$0xC300] =	vst v63  }
0x28: {  	_ = 	snop  }
0x29: {  	[tilespmem:s14], [sflag:$0x1] =	stream.linear.gather [hbm4b:s4+s25], $0x1C70, $0x38;
	[tilespmem:$0xC300] =	vst v63  }
0x2a: {  	_ = 	snop  }
0x2b: {  	[tilespmem:s15], [sflag:$0x1] =	stream.linear.gather [hbm4b:s5+s25], $0x1C70, $0x38;
	[tilespmem:$0xC300] =	vst v63  }
0x2c: {  	_ =	swait.ge [sflag:s16], $0x1C70  }
0x2d: {  	[sflag:s16] =	ssyncset.done $0x0  }
0x2e: {  	[sflag:s16] =	ssyncadd.s32 $0xFFFFE390  }
0x2f: {  	_ =	swait.ge [sflag:s16], $0x1C70  }
0x30: {  	[sflag:s16] =	ssyncset.done $0x0  }
0x31: {  	[sflag:s16] =	ssyncadd.s32 $0xFFFFE390  }
0x32: {  	_ =	swait.ge [sflag:s16], $0x1C70  }
0x33: {  	[sflag:s16] =	ssyncset.done $0x0  }
0x34: {  	[sflag:s16] =	ssyncadd.s32 $0xFFFFE390  }
0x35: {  	[tilespmem:s17], [sflag:$0x2] =	stream.linear.gather [hbm4b:s6+s25], $0x1C70, $0x38;
	[tilespmem:$0xC300] =	vst v63  }
.Ltmp3:
0x36: {  	_ = 	snop;
	(pc) =	sbr.rel .LBB2_4-.Ltmp3, $4  }
0x37: {  	_ = 	snop  }
0x38: {  	[tilespmem:s18], [sflag:$0x2] =	stream.linear.gather [hbm4b:s7+s25], $0x1C70, $0x38;
	[tilespmem:$0xC300] =	vst v63  }
0x39: {  	s26 =	simm.f32 $0.0e+00;
	s28 =	simm.s32 $0x0  }
0x3a: {  	v2 =	vimm.f32 $0.0e+00;
	v3 =	vimm.f32 $0.0e+00;
	[tilespmem:s19], [sflag:$0x2] =	stream.linear.gather [hbm4b:s8+s25], $0x1C70, $0x38;
	[tilespmem:$0xC300] =	vst v63  }
.LBB2_6:
0x3b: {  	v4 =	vld [tilespmem:s29+$0x7200];
	_ =	sdelay $0x4  }
0x3c: {  	(v2sf) =	vpush v4, $0xF;
	_ =	sdelay $0xe  }
0x3d: {  	s30 =	spop (v2sf)  }
0x3e: {  	p1 =	sne.s32 s30, s25  }
0x3f: {  	(v2sf) =	vpush @p1 v4, $0x0;
	_ =	sdelay $0x4  }
0x40: {  	(xrf2) =	vadd.scan.msk.f32 @p1 $0xffff, v3  }
0x41: {  	(xrf2) =	vadd.scan.msk.f32 @p1 $0xffff, v2;
	_ =	sdelay $0x6  }
0x42: {  	v5 =	vlaneseq.u32 @p1  }
0x43: {  	v5 =	vmul.u32 @p1 $0x800, v5  }
0x44: {  	v6, _, _ =	vpop @p1 (xrf2);
	s31 =	spop @p1 (v2sf)  }
0x45: {  	v5 =	vadd.s32 @p1 s25, v5;
	v7, _, _ =	vpop @p1 (xrf2);
	p2 =	seq.s32 @p1 s31, s30  }
0x46: {  	v8 =	vld [tilespmem:s29+$0x0];
	v7 =	vbroadcast @p1 v7, $0xF;
	p0 =	por p2, !p1  }
0x47: {  	v9 =	vld [tilespmem:s29+$0x3900];
	vm2 =	vcmask @p1 $0x3F08;
	v6 =	vbroadcast @p1 v6, $0xF;
	v10 =	vadd.s32 @!p0 $0x800, v4  }
0x48: {  	v7 =	vsel @p1 vm2, s26, v7;
	vm2 =	vcmask @p1 $0x3F04;
	v11 =	vadd.s32 @!p0 $0x1000, v4  }
0x49: {  	s25 =	simm.s32 @p1 $0xAB00;
	v6 =	vsel @p1 vm2, v7, v6  }
0x4a: {  	[tilespmem:v5+s25+$0x0] =	vst.idx.add.f32.msk @p1 $0x7, v6;
	s25 =	simm.s32 @!p0 $0xAB00  }
0x4b: {  	[tilespmem:v4+s25+$0x0] =	vst.idx.add.f32.msk @!p0 $0xffff, v8  }
0x4c: {  	v5 =	vimm.f32 @!p0 $1.000000000e+00;
	[tilespmem:v10+s25+$0x0] =	vst.idx.add.f32.msk @!p0 $0xffff, v9  }
0x4d: {  	[tilespmem:v11+s25+$0x0] =	vst.idx.add.f32.msk @!p0 $0xffff, v5  }
0x4e: {  	v5 =	vld [tilespmem:s29+$0x7210];
	_ =	sdelay $0x4  }
0x4f: {  	(v2sf) =	vpush v5, $0xF;
	_ =	sdelay $0xe  }
0x50: {  	s25 =	spop (v2sf)  }
0x51: {  	p0 =	sne.s32 s25, s30  }
0x52: {  	(v2sf) =	vpush @p0 v5, $0x0;
	_ =	sdelay $0x1  }
0x53: {  	v3 =	vadd.f32 @!p1 v8, v3;
	p3 =	por !p2, !p1  }
0x54: {  	v2 =	vadd.f32 @!p1 v9, v2;
	v59 =	vpsel p3, $0x0, v8  }
0x55: {  	v60 =	vpsel p3, $0x0, v9;
	v3 =	vpsel p1, v59, v3  }
0x56: {  	v2 =	vpsel p1, v60, v2;
	(xrf2) =	vadd.scan.msk.f32 @p0 $0xffff, v3  }
0x57: {  	(xrf2) =	vadd.scan.msk.f32 @p0 $0xffff, v2;
	_ =	sdelay $0x6  }
0x58: {  	v6 =	vlaneseq.u32 @p0  }
0x59: {  	v4 =	vbroadcast @p0 v4, $0xF;
	v6 =	vmul.u32 @p0 $0x800, v6  }
0x5a: {  	v7, _, _ =	vpop @p0 (xrf2);
	s30 =	spop @p0 (v2sf)  }
0x5b: {  	s26 =	sadd.f32 @!p1 $1.600000000e+01, s26;
	s31 =	simm.f32 @p1 $1.600000000e+01;
	v4 =	vadd.s32 @p0 v6, v4;
	v8, _, _ =	vpop @p0 (xrf2);
	p2 =	seq.s32 @p0 s30, s25  }
0x5c: {  	s31 =	simm.f32 @p3 $0.0e+00;
	v6 =	vld [tilespmem:s29+$0x10];
	v8 =	vbroadcast @p0 v8, $0xF;
	p3 =	por p2, !p0  }
0x5d: {  	s26 =	smov.u32 @p1 s31;
	v9 =	vld [tilespmem:s29+$0x3910];
	vm2 =	vcmask @p0 $0x3F08;
	v7 =	vbroadcast @p0 v7, $0xF;
	v10 =	vadd.s32 @!p3 $0x800, v5  }
0x5e: {  	v8 =	vsel @p0 vm2, s26, v8;
	vm2 =	vcmask @p0 $0x3F04;
	v11 =	vadd.s32 @!p3 $0x1000, v5  }
0x5f: {  	v7 =	vsel @p0 vm2, v8, v7;
	s30 =	simm.s32 @p0 $0xAB00  }
0x60: {  	[tilespmem:v4+s30+$0x0] =	vst.idx.add.f32.msk @p0 $0x7, v7;
	s30 =	simm.s32 @!p3 $0xAB00  }
0x61: {  	[tilespmem:v5+s30+$0x0] =	vst.idx.add.f32.msk @!p3 $0xffff, v6  }
0x62: {  	v4 =	vimm.f32 @!p3 $1.000000000e+00;
	[tilespmem:v10+s30+$0x0] =	vst.idx.add.f32.msk @!p3 $0xffff, v9  }
0x63: {  	[tilespmem:v11+s30+$0x0] =	vst.idx.add.f32.msk @!p3 $0xffff, v4  }
0x64: {  	v4 =	vld [tilespmem:s29+$0x7220];
	_ =	sdelay $0x4  }
0x65: {  	(v2sf) =	vpush v4, $0xF;
	_ =	sdelay $0xe  }
0x66: {  	s30 =	spop (v2sf)  }
0x67: {  	p1 =	sne.s32 s30, s25  }
0x68: {  	(v2sf) =	vpush @p1 v4, $0x0;
	_ =	sdelay $0x1  }
0x69: {  	v3 =	vadd.f32 @!p0 v6, v3;
	p3 =	por !p2, !p0  }
0x6a: {  	v2 =	vadd.f32 @!p0 v9, v2;
	v6 =	vpsel p3, $0x0, v6  }
0x6b: {  	v61 =	vpsel p3, $0x0, v9;
	v3 =	vpsel p0, v6, v3  }
0x6c: {  	v2 =	vpsel p0, v61, v2;
	(xrf2) =	vadd.scan.msk.f32 @p1 $0xffff, v3  }
0x6d: {  	(xrf2) =	vadd.scan.msk.f32 @p1 $0xffff, v2;
	_ =	sdelay $0x6  }
0x6e: {  	v6 =	vlaneseq.u32 @p1  }
0x6f: {  	v5 =	vbroadcast @p1 v5, $0xF;
	v6 =	vmul.u32 @p1 $0x800, v6  }
0x70: {  	v7, _, _ =	vpop @p1 (xrf2);
	s25 =	spop @p1 (v2sf)  }
0x71: {  	s31 =	simm.f32 @p0 $1.600000000e+01;
	s26 =	sadd.f32 @!p0 $1.600000000e+01, s26;
	v5 =	vadd.s32 @p1 v6, v5;
	v8, _, _ =	vpop @p1 (xrf2);
	p2 =	seq.s32 @p1 s25, s30  }
0x72: {  	s31 =	simm.f32 @p3 $0.0e+00;
	v6 =	vld [tilespmem:s29+$0x20];
	v8 =	vbroadcast @p1 v8, $0xF;
	p3 =	por p2, !p1  }
0x73: {  	v9 =	vld [tilespmem:s29+$0x3920];
	s26 =	smov.u32 @p0 s31;
	vm2 =	vcmask @p1 $0x3F08;
	v7 =	vbroadcast @p1 v7, $0xF;
	v10 =	vadd.s32 @!p3 $0x800, v4  }
0x74: {  	v8 =	vsel @p1 vm2, s26, v8;
	vm2 =	vcmask @p1 $0x3F04;
	v11 =	vadd.s32 @!p3 $0x1000, v4  }
0x75: {  	v7 =	vsel @p1 vm2, v8, v7;
	s25 =	simm.s32 @p1 $0xAB00  }
0x76: {  	[tilespmem:v5+s25+$0x0] =	vst.idx.add.f32.msk @p1 $0x7, v7;
	s25 =	simm.s32 @!p3 $0xAB00  }
0x77: {  	[tilespmem:v4+s25+$0x0] =	vst.idx.add.f32.msk @!p3 $0xffff, v6  }
0x78: {  	v5 =	vimm.f32 @!p3 $1.000000000e+00;
	[tilespmem:v10+s25+$0x0] =	vst.idx.add.f32.msk @!p3 $0xffff, v9  }
0x79: {  	[tilespmem:v11+s25+$0x0] =	vst.idx.add.f32.msk @!p3 $0xffff, v5  }
0x7a: {  	v5 =	vld [tilespmem:s29+$0x7230];
	_ =	sdelay $0x4  }
0x7b: {  	(v2sf) =	vpush v5, $0xF;
	_ =	sdelay $0xe  }
0x7c: {  	s25 =	spop (v2sf)  }
0x7d: {  	p0 =	sne.s32 s25, s30  }
0x7e: {  	(v2sf) =	vpush @p0 v5, $0x0;
	_ =	sdelay $0x1  }
0x7f: {  	v3 =	vadd.f32 @!p1 v6, v3;
	p3 =	por !p2, !p1  }
0x80: {  	v2 =	vadd.f32 @!p1 v9, v2;
	v6 =	vpsel p3, $0x0, v6  }
0x81: {  	v62 =	vpsel p3, $0x0, v9;
	v3 =	vpsel p1, v6, v3  }
0x82: {  	v2 =	vpsel p1, v62, v2;
	(xrf2) =	vadd.scan.msk.f32 @p0 $0xffff, v3  }
0x83: {  	(xrf2) =	vadd.scan.msk.f32 @p0 $0xffff, v2;
	_ =	sdelay $0x6  }
0x84: {  	v6 =	vlaneseq.u32 @p0  }
0x85: {  	v4 =	vbroadcast @p0 v4, $0xF;
	v6 =	vmul.u32 @p0 $0x800, v6  }
0x86: {  	v7, _, _ =	vpop @p0 (xrf2);
	s30 =	spop @p0 (v2sf)  }
0x87: {  	s31 =	simm.f32 @p1 $1.600000000e+01;
	s26 =	sadd.f32 @!p1 $1.600000000e+01, s26;
	v4 =	vadd.s32 @p0 v6, v4;
	v8, _, _ =	vpop @p0 (xrf2);
	p2 =	seq.s32 @p0 s30, s25  }
0x88: {  	s31 =	simm.f32 @p3 $0.0e+00;
	v6 =	vld [tilespmem:s29+$0x30];
	v8 =	vbroadcast @p0 v8, $0xF;
	p3 =	por p2, !p0  }
0x89: {  	v9 =	vld [tilespmem:s29+$0x3930];
	s26 =	smov.u32 @p1 s31;
	vm2 =	vcmask @p0 $0x3F08;
	v7 =	vbroadcast @p0 v7, $0xF;
	v10 =	vadd.s32 @!p3 $0x800, v5  }
0x8a: {  	v8 =	vsel @p0 vm2, s26, v8;
	vm2 =	vcmask @p0 $0x3F04;
	v11 =	vadd.s32 @!p3 $0x1000, v5  }
0x8b: {  	v7 =	vsel @p0 vm2, v8, v7;
	s30 =	simm.s32 @p0 $0xAB00  }
0x8c: {  	[tilespmem:v4+s30+$0x0] =	vst.idx.add.f32.msk @p0 $0x7, v7;
	s30 =	simm.s32 @!p3 $0xAB00  }
0x8d: {  	[tilespmem:v5+s30+$0x0] =	vst.idx.add.f32.msk @!p3 $0xffff, v6  }
0x8e: {  	v4 =	vimm.f32 @!p3 $1.000000000e+00;
	[tilespmem:v10+s30+$0x0] =	vst.idx.add.f32.msk @!p3 $0xffff, v9  }
0x8f: {  	[tilespmem:v11+s30+$0x0] =	vst.idx.add.f32.msk @!p3 $0xffff, v4  }
0x90: {  	v4 =	vld [tilespmem:s29+$0x7240];
	_ =	sdelay $0x4  }
0x91: {  	(v2sf) =	vpush v4, $0xF;
	_ =	sdelay $0xe  }
0x92: {  	s30 =	spop (v2sf)  }
0x93: {  	p1 =	sne.s32 s30, s25  }
0x94: {  	(v2sf) =	vpush @p1 v4, $0x0;
	_ =	sdelay $0x1  }
0x95: {  	v3 =	vadd.f32 @!p0 v6, v3;
	p3 =	por !p2, !p0  }
0x96: {  	v2 =	vadd.f32 @!p0 v9, v2;
	v6 =	vpsel p3, $0x0, v6  }
0x97: {  	v63 =	vpsel p3, $0x0, v9;
	v3 =	vpsel p0, v6, v3  }
0x98: {  	v2 =	vpsel p0, v63, v2;
	(xrf2) =	vadd.scan.msk.f32 @p1 $0xffff, v3  }
0x99: {  	(xrf2) =	vadd.scan.msk.f32 @p1 $0xffff, v2;
	_ =	sdelay $0x6  }
0x9a: {  	v6 =	vlaneseq.u32 @p1  }
0x9b: {  	v5 =	vbroadcast @p1 v5, $0xF;
	v6 =	vmul.u32 @p1 $0x800, v6  }
0x9c: {  	v7, _, _ =	vpop @p1 (xrf2);
	s31 =	spop @p1 (v2sf)  }
0x9d: {  	s26 =	sadd.f32 @!p0 $1.600000000e+01, s26;
	v8 =	vld [tilespmem:s29+$0x40];
	v5 =	vadd.s32 @p1 v6, v5;
	v9, _, _ =	vpop @p1 (xrf2);
	p2 =	seq.s32 @p1 s31, s30;
	s31 =	simm.f32 @p0 $1.600000000e+01  }
0x9e: {  	v6 =	vld [tilespmem:s29+$0x3940];
	v9 =	vbroadcast @p1 v9, $0xF;
	s31 =	simm.f32 @p3 $0.0e+00;
	p3 =	por p2, !p1  }
0x9f: {  	vm2 =	vcmask @p1 $0x3F08;
	v7 =	vbroadcast @p1 v7, $0xF;
	s26 =	smov.u32 @p0 s31;
	v10 =	vadd.s32 @!p3 $0x800, v4  }
0xa0: {  	v11 =	vadd.s32 @!p3 $0x1000, v4;
	v9 =	vsel @p1 vm2, s26, v9;
	vm2 =	vcmask @p1 $0x3F04  }
0xa1: {  	s29 =	simm.s32 @p1 $0xAB00;
	v7 =	vsel @p1 vm2, v9, v7  }
0xa2: {  	[tilespmem:v5+s29+$0x0] =	vst.idx.add.f32.msk @p1 $0x7, v7;
	s29 =	simm.s32 @!p3 $0xAB00  }
0xa3: {  	v3 =	vadd.f32 @!p1 v8, v3;
	v2 =	vadd.f32 @!p1 v6, v2;
	s31 =	simm.f32 @p1 $1.600000000e+01;
	p0 =	por !p2, !p1;
	s26 =	sadd.f32 @!p1 $1.600000000e+01, s26;
	[tilespmem:v4+s29+$0x0] =	vst.idx.add.f32.msk @!p3 $0xffff, v8  }
0xa4: {  	s31 =	simm.f32 @p0 $0.0e+00;
	v5 =	vpsel p0, $0x0, v8;
	v4 =	vimm.f32 @!p3 $1.000000000e+00;
	[tilespmem:v10+s29+$0x0] =	vst.idx.add.f32.msk @!p3 $0xffff, v6;
	v6 =	vpsel p0, $0x0, v6  }
0xa5: {  	s25 =	smov.u32 @p1 s30;
	s26 =	smov.u32 @p1 s31;
	v3 =	vpsel p1, v5, v3;
	[tilespmem:v11+s29+$0x0] =	vst.idx.add.f32.msk @!p3 $0xffff, v4;
	v2 =	vpsel p1, v6, v2  }
.LBB2_7:
0xa6: {  	s28 =	sadd.s32 $0x140, s28  }
0xa7: {  	p0 =	sne.s32 s28, $0x71C0  }
.Ltmp4:
0xa8: {  	_ = 	snop;
	(pc) =	sbr.rel @!p0 .LBB2_8-.Ltmp4, $1  }
0xa9: {  	_ =	sdelay $0x3  }
.LBB2_4:
0xaa: {  	s29 =	sshra.s32 s28, $0x2  }
0xab: {  	v4 =	vld [tilespmem:s29+$0x7240];
	_ =	sdelay $0x4  }
0xac: {  	(v2sf) =	vpush v4, $0xF;
	_ =	sdelay $0xe  }
0xad: {  	s30 =	spop (v2sf)  }
0xae: {  	p0 =	sne.s32 s30, s25  }
.Ltmp5:
0xaf: {  	_ = 	snop;
	(pc) =	sbr.rel @p0 .LBB2_6-.Ltmp5, $1  }
0xb0: {  	_ =	sdelay $0x3  }
0xb1: {  	v4 =	vld [tilespmem:s29+$0x0]  }
0xb2: {  	v5 =	vld [tilespmem:s29+$0x10]  }
0xb3: {  	v6 =	vld [tilespmem:s29+$0x20]  }
0xb4: {  	v7 =	vld [tilespmem:s29+$0x30]  }
0xb5: {  	v8 =	vld [tilespmem:s29+$0x3900]  }
0xb6: {  	v9 =	vld [tilespmem:s29+$0x3910]  }
0xb7: {  	v10 =	vld [tilespmem:s29+$0x3920]  }
0xb8: {  	v11 =	vld [tilespmem:s29+$0x3930];
	_ =	sdelay $0x2  }
0xb9: {  	v12 =	vld [tilespmem:s29+$0x40]  }
0xba: {  	v13 =	vld [tilespmem:s29+$0x3940];
	v4 =	vadd.f32 v5, v4;
	v5 =	vadd.f32 v7, v6  }
0xbb: {  	v62 =	vadd.f32 v9, v8;
	v63 =	vadd.f32 v11, v10;
	_ =	sdelay $0x1  }
.Ltmp6:
0xbc: {  	v4 =	vadd.f32 v5, v4;
	v5 =	vadd.f32 v63, v62;
	(pc) =	sbr.rel .LBB2_7-.Ltmp6, $3  }
0xbd: {  	_ = 	snop  }
0xbe: {  	v4 =	vadd.f32 v4, v12;
	v5 =	vadd.f32 v5, v13;
	_ =	sdelay $0x1  }
0xbf: {  	s26 =	sadd.f32 $8.000000000e+01, s26;
	v3 =	vadd.f32 v4, v3;
	v2 =	vadd.f32 v5, v2  }
.LBB2_8:
0xc0: {  	_ =	swait.ge [sflag:s20], $0x1C70  }
0xc1: {  	[sflag:s20] =	ssyncset.done $0x0  }
0xc2: {  	[sflag:s20] =	ssyncadd.s32 $0xFFFFE390  }
0xc3: {  	_ =	swait.ge [sflag:s20], $0x1C70  }
0xc4: {  	[sflag:s20] =	ssyncset.done $0x0  }
0xc5: {  	[sflag:s20] =	ssyncadd.s32 $0xFFFFE390  }
0xc6: {  	_ =	swait.ge [sflag:s20], $0x1C70  }
0xc7: {  	[sflag:s20] =	ssyncset.done $0x0  }
0xc8: {  	s28 =	simm.s32 $0x0;
	[sflag:s20] =	ssyncadd.s32 $0xFFFFE390  }
0xc9: {  	[tilespmem:s28], [sflag:$0x1] =	stream.linear.gather [hbm4b:s9+s28], $0x1C70, $0x38;
	[tilespmem:$0xC300] =	vst v63  }
.Ltmp7:
0xca: {  	_ = 	snop;
	(pc) =	sbr.rel .LBB2_9-.Ltmp7, $4  }
0xcb: {  	_ = 	snop  }
0xcc: {  	[tilespmem:s14], [sflag:$0x1] =	stream.linear.gather [hbm4b:s10+s28], $0x1C70, $0x38;
	[tilespmem:$0xC300] =	vst v63  }
0xcd: {  	_ = 	snop  }
0xce: {  	[tilespmem:s15], [sflag:$0x1] =	stream.linear.gather [hbm4b:s11+s28], $0x1C70, $0x38;
	[tilespmem:$0xC300] =	vst v63  }
.LBB2_11:
0xcf: {  	v4 =	vld [tilespmem:s29+$0x8E80];
	_ =	sdelay $0x4  }
0xd0: {  	(v2sf) =	vpush v4, $0xF;
	_ =	sdelay $0xe  }
0xd1: {  	s30 =	spop (v2sf)  }
0xd2: {  	p1 =	sne.s32 s30, s25  }
0xd3: {  	(v2sf) =	vpush @p1 v4, $0x0;
	_ =	sdelay $0x4  }
0xd4: {  	(xrf2) =	vadd.scan.msk.f32 @p1 $0xffff, v3  }
0xd5: {  	(xrf2) =	vadd.scan.msk.f32 @p1 $0xffff, v2;
	_ =	sdelay $0x6  }
0xd6: {  	v5 =	vlaneseq.u32 @p1  }
0xd7: {  	v5 =	vmul.u32 @p1 $0x800, v5  }
0xd8: {  	v6, _, _ =	vpop @p1 (xrf2);
	s31 =	spop @p1 (v2sf)  }
0xd9: {  	v5 =	vadd.s32 @p1 s25, v5;
	v7, _, _ =	vpop @p1 (xrf2);
	p2 =	seq.s32 @p1 s31, s30  }
0xda: {  	v8 =	vld [tilespmem:s29+$0x1C80];
	v7 =	vbroadcast @p1 v7, $0xF;
	p0 =	por p2, !p1  }
0xdb: {  	v9 =	vld [tilespmem:s29+$0x5580];
	vm2 =	vcmask @p1 $0x3F08;
	v6 =	vbroadcast @p1 v6, $0xF;
	v10 =	vadd.s32 @!p0 $0x800, v4  }
0xdc: {  	v7 =	vsel @p1 vm2, s26, v7;
	vm2 =	vcmask @p1 $0x3F04;
	v11 =	vadd.s32 @!p0 $0x1000, v4  }
0xdd: {  	s25 =	simm.s32 @p1 $0xAB00;
	v6 =	vsel @p1 vm2, v7, v6  }
0xde: {  	[tilespmem:v5+s25+$0x0] =	vst.idx.add.f32.msk @p1 $0x7, v6;
	s25 =	simm.s32 @!p0 $0xAB00  }
0xdf: {  	[tilespmem:v4+s25+$0x0] =	vst.idx.add.f32.msk @!p0 $0xffff, v8  }
0xe0: {  	v5 =	vimm.f32 @!p0 $1.000000000e+00;
	[tilespmem:v10+s25+$0x0] =	vst.idx.add.f32.msk @!p0 $0xffff, v9  }
0xe1: {  	[tilespmem:v11+s25+$0x0] =	vst.idx.add.f32.msk @!p0 $0xffff, v5  }
0xe2: {  	v5 =	vld [tilespmem:s29+$0x8E90];
	_ =	sdelay $0x4  }
0xe3: {  	(v2sf) =	vpush v5, $0xF;
	_ =	sdelay $0xe  }
0xe4: {  	s25 =	spop (v2sf)  }
0xe5: {  	p0 =	sne.s32 s25, s30  }
0xe6: {  	(v2sf) =	vpush @p0 v5, $0x0;
	_ =	sdelay $0x1  }
0xe7: {  	v3 =	vadd.f32 @!p1 v8, v3;
	p3 =	por !p2, !p1  }
0xe8: {  	v2 =	vadd.f32 @!p1 v9, v2;
	v59 =	vpsel p3, $0x0, v8  }
0xe9: {  	v60 =	vpsel p3, $0x0, v9;
	v3 =	vpsel p1, v59, v3  }
0xea: {  	v2 =	vpsel p1, v60, v2;
	(xrf2) =	vadd.scan.msk.f32 @p0 $0xffff, v3  }
0xeb: {  	(xrf2) =	vadd.scan.msk.f32 @p0 $0xffff, v2;
	_ =	sdelay $0x6  }
0xec: {  	v6 =	vlaneseq.u32 @p0  }
0xed: {  	v4 =	vbroadcast @p0 v4, $0xF;
	v6 =	vmul.u32 @p0 $0x800, v6  }
0xee: {  	v7, _, _ =	vpop @p0 (xrf2);
	s30 =	spop @p0 (v2sf)  }
0xef: {  	s26 =	sadd.f32 @!p1 $1.600000000e+01, s26;
	s31 =	simm.f32 @p1 $1.600000000e+01;
	v4 =	vadd.s32 @p0 v6, v4;
	v8, _, _ =	vpop @p0 (xrf2);
	p2 =	seq.s32 @p0 s30, s25  }
0xf0: {  	s31 =	simm.f32 @p3 $0.0e+00;
	v6 =	vld [tilespmem:s29+$0x1C90];
	v8 =	vbroadcast @p0 v8, $0xF;
	p3 =	por p2, !p0  }
0xf1: {  	s26 =	smov.u32 @p1 s31;
	v9 =	vld [tilespmem:s29+$0x5590];
	vm2 =	vcmask @p0 $0x3F08;
	v7 =	vbroadcast @p0 v7, $0xF;
	v10 =	vadd.s32 @!p3 $0x800, v5  }
0xf2: {  	v8 =	vsel @p0 vm2, s26, v8;
	vm2 =	vcmask @p0 $0x3F04;
	v11 =	vadd.s32 @!p3 $0x1000, v5  }
0xf3: {  	v7 =	vsel @p0 vm2, v8, v7;
	s30 =	simm.s32 @p0 $0xAB00  }
0xf4: {  	[tilespmem:v4+s30+$0x0] =	vst.idx.add.f32.msk @p0 $0x7, v7;
	s30 =	simm.s32 @!p3 $0xAB00  }
0xf5: {  	[tilespmem:v5+s30+$0x0] =	vst.idx.add.f32.msk @!p3 $0xffff, v6  }
0xf6: {  	v4 =	vimm.f32 @!p3 $1.000000000e+00;
	[tilespmem:v10+s30+$0x0] =	vst.idx.add.f32.msk @!p3 $0xffff, v9  }
0xf7: {  	[tilespmem:v11+s30+$0x0] =	vst.idx.add.f32.msk @!p3 $0xffff, v4  }
0xf8: {  	v4 =	vld [tilespmem:s29+$0x8EA0];
	_ =	sdelay $0x4  }
0xf9: {  	(v2sf) =	vpush v4, $0xF;
	_ =	sdelay $0xe  }
0xfa: {  	s30 =	spop (v2sf)  }
0xfb: {  	p1 =	sne.s32 s30, s25  }
0xfc: {  	(v2sf) =	vpush @p1 v4, $0x0;
	_ =	sdelay $0x1  }
0xfd: {  	v3 =	vadd.f32 @!p0 v6, v3;
	p3 =	por !p2, !p0  }
0xfe: {  	v2 =	vadd.f32 @!p0 v9, v2;
	v6 =	vpsel p3, $0x0, v6  }
0xff: {  	v61 =	vpsel p3, $0x0, v9;
	v3 =	vpsel p0, v6, v3  }
0x100: {  	v2 =	vpsel p0, v61, v2;
	(xrf2) =	vadd.scan.msk.f32 @p1 $0xffff, v3  }
0x101: {  	(xrf2) =	vadd.scan.msk.f32 @p1 $0xffff, v2;
	_ =	sdelay $0x6  }
0x102: {  	v6 =	vlaneseq.u32 @p1  }
0x103: {  	v5 =	vbroadcast @p1 v5, $0xF;
	v6 =	vmul.u32 @p1 $0x800, v6  }
0x104: {  	v7, _, _ =	vpop @p1 (xrf2);
	s25 =	spop @p1 (v2sf)  }
0x105: {  	s31 =	simm.f32 @p0 $1.600000000e+01;
	s26 =	sadd.f32 @!p0 $1.600000000e+01, s26;
	v5 =	vadd.s32 @p1 v6, v5;
	v8, _, _ =	vpop @p1 (xrf2);
	p2 =	seq.s32 @p1 s25, s30  }
0x106: {  	s31 =	simm.f32 @p3 $0.0e+00;
	v6 =	vld [tilespmem:s29+$0x1CA0];
	v8 =	vbroadcast @p1 v8, $0xF;
	p3 =	por p2, !p1  }
0x107: {  	v9 =	vld [tilespmem:s29+$0x55A0];
	s26 =	smov.u32 @p0 s31;
	vm2 =	vcmask @p1 $0x3F08;
	v7 =	vbroadcast @p1 v7, $0xF;
	v10 =	vadd.s32 @!p3 $0x800, v4  }
0x108: {  	v8 =	vsel @p1 vm2, s26, v8;
	vm2 =	vcmask @p1 $0x3F04;
	v11 =	vadd.s32 @!p3 $0x1000, v4  }
0x109: {  	v7 =	vsel @p1 vm2, v8, v7;
	s25 =	simm.s32 @p1 $0xAB00  }
0x10a: {  	[tilespmem:v5+s25+$0x0] =	vst.idx.add.f32.msk @p1 $0x7, v7;
	s25 =	simm.s32 @!p3 $0xAB00  }
0x10b: {  	[tilespmem:v4+s25+$0x0] =	vst.idx.add.f32.msk @!p3 $0xffff, v6  }
0x10c: {  	v5 =	vimm.f32 @!p3 $1.000000000e+00;
	[tilespmem:v10+s25+$0x0] =	vst.idx.add.f32.msk @!p3 $0xffff, v9  }
0x10d: {  	[tilespmem:v11+s25+$0x0] =	vst.idx.add.f32.msk @!p3 $0xffff, v5  }
0x10e: {  	v5 =	vld [tilespmem:s29+$0x8EB0];
	_ =	sdelay $0x4  }
0x10f: {  	(v2sf) =	vpush v5, $0xF;
	_ =	sdelay $0xe  }
0x110: {  	s25 =	spop (v2sf)  }
0x111: {  	p0 =	sne.s32 s25, s30  }
0x112: {  	(v2sf) =	vpush @p0 v5, $0x0;
	_ =	sdelay $0x1  }
0x113: {  	v3 =	vadd.f32 @!p1 v6, v3;
	p3 =	por !p2, !p1  }
0x114: {  	v2 =	vadd.f32 @!p1 v9, v2;
	v6 =	vpsel p3, $0x0, v6  }
0x115: {  	v62 =	vpsel p3, $0x0, v9;
	v3 =	vpsel p1, v6, v3  }
0x116: {  	v2 =	vpsel p1, v62, v2;
	(xrf2) =	vadd.scan.msk.f32 @p0 $0xffff, v3  }
0x117: {  	(xrf2) =	vadd.scan.msk.f32 @p0 $0xffff, v2;
	_ =	sdelay $0x6  }
0x118: {  	v6 =	vlaneseq.u32 @p0  }
0x119: {  	v4 =	vbroadcast @p0 v4, $0xF;
	v6 =	vmul.u32 @p0 $0x800, v6  }
0x11a: {  	v7, _, _ =	vpop @p0 (xrf2);
	s30 =	spop @p0 (v2sf)  }
0x11b: {  	s31 =	simm.f32 @p1 $1.600000000e+01;
	s26 =	sadd.f32 @!p1 $1.600000000e+01, s26;
	v4 =	vadd.s32 @p0 v6, v4;
	v8, _, _ =	vpop @p0 (xrf2);
	p2 =	seq.s32 @p0 s30, s25  }
0x11c: {  	s31 =	simm.f32 @p3 $0.0e+00;
	v6 =	vld [tilespmem:s29+$0x1CB0];
	v8 =	vbroadcast @p0 v8, $0xF;
	p3 =	por p2, !p0  }
0x11d: {  	v9 =	vld [tilespmem:s29+$0x55B0];
	s26 =	smov.u32 @p1 s31;
	vm2 =	vcmask @p0 $0x3F08;
	v7 =	vbroadcast @p0 v7, $0xF;
	v10 =	vadd.s32 @!p3 $0x800, v5  }
0x11e: {  	v8 =	vsel @p0 vm2, s26, v8;
	vm2 =	vcmask @p0 $0x3F04;
	v11 =	vadd.s32 @!p3 $0x1000, v5  }
0x11f: {  	v7 =	vsel @p0 vm2, v8, v7;
	s30 =	simm.s32 @p0 $0xAB00  }
0x120: {  	[tilespmem:v4+s30+$0x0] =	vst.idx.add.f32.msk @p0 $0x7, v7;
	s30 =	simm.s32 @!p3 $0xAB00  }
0x121: {  	[tilespmem:v5+s30+$0x0] =	vst.idx.add.f32.msk @!p3 $0xffff, v6  }
0x122: {  	v4 =	vimm.f32 @!p3 $1.000000000e+00;
	[tilespmem:v10+s30+$0x0] =	vst.idx.add.f32.msk @!p3 $0xffff, v9  }
0x123: {  	[tilespmem:v11+s30+$0x0] =	vst.idx.add.f32.msk @!p3 $0xffff, v4  }
0x124: {  	v4 =	vld [tilespmem:s29+$0x8EC0];
	_ =	sdelay $0x4  }
0x125: {  	(v2sf) =	vpush v4, $0xF;
	_ =	sdelay $0xe  }
0x126: {  	s30 =	spop (v2sf)  }
0x127: {  	p1 =	sne.s32 s30, s25  }
0x128: {  	(v2sf) =	vpush @p1 v4, $0x0;
	_ =	sdelay $0x1  }
0x129: {  	v3 =	vadd.f32 @!p0 v6, v3;
	p3 =	por !p2, !p0  }
0x12a: {  	v2 =	vadd.f32 @!p0 v9, v2;
	v6 =	vpsel p3, $0x0, v6  }
0x12b: {  	v63 =	vpsel p3, $0x0, v9;
	v3 =	vpsel p0, v6, v3  }
0x12c: {  	v2 =	vpsel p0, v63, v2;
	(xrf2) =	vadd.scan.msk.f32 @p1 $0xffff, v3  }
0x12d: {  	(xrf2) =	vadd.scan.msk.f32 @p1 $0xffff, v2;
	_ =	sdelay $0x6  }
0x12e: {  	v6 =	vlaneseq.u32 @p1  }
0x12f: {  	v5 =	vbroadcast @p1 v5, $0xF;
	v6 =	vmul.u32 @p1 $0x800, v6  }
0x130: {  	v7, _, _ =	vpop @p1 (xrf2);
	s31 =	spop @p1 (v2sf)  }
0x131: {  	s26 =	sadd.f32 @!p0 $1.600000000e+01, s26;
	v8 =	vld [tilespmem:s29+$0x1CC0];
	v5 =	vadd.s32 @p1 v6, v5;
	v9, _, _ =	vpop @p1 (xrf2);
	p2 =	seq.s32 @p1 s31, s30;
	s31 =	simm.f32 @p0 $1.600000000e+01  }
0x132: {  	v6 =	vld [tilespmem:s29+$0x55C0];
	v9 =	vbroadcast @p1 v9, $0xF;
	s31 =	simm.f32 @p3 $0.0e+00;
	p3 =	por p2, !p1  }
0x133: {  	vm2 =	vcmask @p1 $0x3F08;
	v7 =	vbroadcast @p1 v7, $0xF;
	s26 =	smov.u32 @p0 s31;
	v10 =	vadd.s32 @!p3 $0x800, v4  }
0x134: {  	v11 =	vadd.s32 @!p3 $0x1000, v4;
	v9 =	vsel @p1 vm2, s26, v9;
	vm2 =	vcmask @p1 $0x3F04  }
0x135: {  	s29 =	simm.s32 @p1 $0xAB00;
	v7 =	vsel @p1 vm2, v9, v7  }
0x136: {  	[tilespmem:v5+s29+$0x0] =	vst.idx.add.f32.msk @p1 $0x7, v7;
	s29 =	simm.s32 @!p3 $0xAB00  }
0x137: {  	v3 =	vadd.f32 @!p1 v8, v3;
	v2 =	vadd.f32 @!p1 v6, v2;
	s31 =	simm.f32 @p1 $1.600000000e+01;
	p0 =	por !p2, !p1;
	s26 =	sadd.f32 @!p1 $1.600000000e+01, s26;
	[tilespmem:v4+s29+$0x0] =	vst.idx.add.f32.msk @!p3 $0xffff, v8  }
0x138: {  	s31 =	simm.f32 @p0 $0.0e+00;
	v5 =	vpsel p0, $0x0, v8;
	v4 =	vimm.f32 @!p3 $1.000000000e+00;
	[tilespmem:v10+s29+$0x0] =	vst.idx.add.f32.msk @!p3 $0xffff, v6;
	v6 =	vpsel p0, $0x0, v6  }
0x139: {  	s25 =	smov.u32 @p1 s30;
	s26 =	smov.u32 @p1 s31;
	v3 =	vpsel p1, v5, v3;
	[tilespmem:v11+s29+$0x0] =	vst.idx.add.f32.msk @!p3 $0xffff, v4;
	v2 =	vpsel p1, v6, v2  }
.LBB2_12:
0x13a: {  	s28 =	sadd.s32 $0x140, s28  }
0x13b: {  	p0 =	sne.s32 s28, $0x71C0  }
.Ltmp8:
0x13c: {  	_ = 	snop;
	(pc) =	sbr.rel @!p0 .LBB2_13-.Ltmp8, $1  }
0x13d: {  	_ =	sdelay $0x3  }
.LBB2_9:
0x13e: {  	s29 =	sshra.s32 s28, $0x2  }
0x13f: {  	v4 =	vld [tilespmem:s29+$0x8EC0];
	_ =	sdelay $0x4  }
0x140: {  	(v2sf) =	vpush v4, $0xF;
	_ =	sdelay $0xe  }
0x141: {  	s30 =	spop (v2sf)  }
0x142: {  	p0 =	sne.s32 s30, s25  }
.Ltmp9:
0x143: {  	_ = 	snop;
	(pc) =	sbr.rel @p0 .LBB2_11-.Ltmp9, $1  }
0x144: {  	_ =	sdelay $0x3  }
0x145: {  	v4 =	vld [tilespmem:s29+$0x1C80]  }
0x146: {  	v5 =	vld [tilespmem:s29+$0x1C90]  }
0x147: {  	v6 =	vld [tilespmem:s29+$0x1CA0]  }
0x148: {  	v7 =	vld [tilespmem:s29+$0x1CB0]  }
0x149: {  	v8 =	vld [tilespmem:s29+$0x5580]  }
0x14a: {  	v9 =	vld [tilespmem:s29+$0x5590]  }
0x14b: {  	v10 =	vld [tilespmem:s29+$0x55A0]  }
0x14c: {  	v11 =	vld [tilespmem:s29+$0x55B0];
	_ =	sdelay $0x2  }
0x14d: {  	v12 =	vld [tilespmem:s29+$0x1CC0]  }
0x14e: {  	v13 =	vld [tilespmem:s29+$0x55C0];
	v4 =	vadd.f32 v5, v4;
	v5 =	vadd.f32 v7, v6  }
0x14f: {  	v62 =	vadd.f32 v9, v8;
	v63 =	vadd.f32 v11, v10;
	_ =	sdelay $0x1  }
.Ltmp10:
0x150: {  	v4 =	vadd.f32 v5, v4;
	v5 =	vadd.f32 v63, v62;
	(pc) =	sbr.rel .LBB2_12-.Ltmp10, $3  }
0x151: {  	_ = 	snop  }
0x152: {  	v4 =	vadd.f32 v4, v12;
	v5 =	vadd.f32 v5, v13;
	_ =	sdelay $0x1  }
0x153: {  	s26 =	sadd.f32 $8.000000000e+01, s26;
	v3 =	vadd.f32 v4, v3;
	v2 =	vadd.f32 v5, v2  }
.LBB2_13:
0x154: {  	_ =	swait.ge [sflag:s16], $0x1C70  }
0x155: {  	[sflag:s16] =	ssyncset.done $0x0  }
0x156: {  	[sflag:s16] =	ssyncadd.s32 $0xFFFFE390  }
0x157: {  	_ =	swait.ge [sflag:s16], $0x1C70  }
.Ltmp11:
0x158: {  	[sflag:s16] =	ssyncset.done $0x0;
	(pc) =	sbr.rel .LBB2_14-.Ltmp11, $4  }
0x159: {  	[sflag:s16] =	ssyncadd.s32 $0xFFFFE390  }
0x15a: {  	_ =	swait.ge [sflag:s16], $0x1C70  }
0x15b: {  	[sflag:s16] =	ssyncset.done $0x0  }
0x15c: {  	s28 =	simm.s32 $0x0;
	[sflag:s16] =	ssyncadd.s32 $0xFFFFE390  }
.LBB2_16:
0x15d: {  	v4 =	vld [tilespmem:s29+$0x7200];
	_ =	sdelay $0x4  }
0x15e: {  	(v2sf) =	vpush v4, $0xF;
	_ =	sdelay $0xe  }
0x15f: {  	s30 =	spop (v2sf)  }
0x160: {  	p1 =	sne.s32 s30, s25  }
0x161: {  	(v2sf) =	vpush @p1 v4, $0x0;
	_ =	sdelay $0x4  }
0x162: {  	(xrf2) =	vadd.scan.msk.f32 @p1 $0xffff, v3  }
0x163: {  	(xrf2) =	vadd.scan.msk.f32 @p1 $0xffff, v2;
	_ =	sdelay $0x6  }
0x164: {  	v5 =	vlaneseq.u32 @p1  }
0x165: {  	v5 =	vmul.u32 @p1 $0x800, v5  }
0x166: {  	v6, _, _ =	vpop @p1 (xrf2);
	s31 =	spop @p1 (v2sf)  }
0x167: {  	v5 =	vadd.s32 @p1 s25, v5;
	v7, _, _ =	vpop @p1 (xrf2);
	p2 =	seq.s32 @p1 s31, s30  }
0x168: {  	v8 =	vld [tilespmem:s29+$0x0];
	v7 =	vbroadcast @p1 v7, $0xF;
	p0 =	por p2, !p1  }
0x169: {  	v9 =	vld [tilespmem:s29+$0x3900];
	vm2 =	vcmask @p1 $0x3F08;
	v6 =	vbroadcast @p1 v6, $0xF;
	v10 =	vadd.s32 @!p0 $0x800, v4  }
0x16a: {  	v7 =	vsel @p1 vm2, s26, v7;
	vm2 =	vcmask @p1 $0x3F04;
	v11 =	vadd.s32 @!p0 $0x1000, v4  }
0x16b: {  	s25 =	simm.s32 @p1 $0xAB00;
	v6 =	vsel @p1 vm2, v7, v6  }
0x16c: {  	[tilespmem:v5+s25+$0x0] =	vst.idx.add.f32.msk @p1 $0x7, v6;
	s25 =	simm.s32 @!p0 $0xAB00  }
0x16d: {  	[tilespmem:v4+s25+$0x0] =	vst.idx.add.f32.msk @!p0 $0xffff, v8  }
0x16e: {  	v5 =	vimm.f32 @!p0 $1.000000000e+00;
	[tilespmem:v10+s25+$0x0] =	vst.idx.add.f32.msk @!p0 $0xffff, v9  }
0x16f: {  	[tilespmem:v11+s25+$0x0] =	vst.idx.add.f32.msk @!p0 $0xffff, v5  }
0x170: {  	v5 =	vld [tilespmem:s29+$0x7210];
	_ =	sdelay $0x4  }
0x171: {  	(v2sf) =	vpush v5, $0xF;
	_ =	sdelay $0xe  }
0x172: {  	s25 =	spop (v2sf)  }
0x173: {  	p0 =	sne.s32 s25, s30  }
0x174: {  	(v2sf) =	vpush @p0 v5, $0x0;
	_ =	sdelay $0x1  }
0x175: {  	v3 =	vadd.f32 @!p1 v8, v3;
	p3 =	por !p2, !p1  }
0x176: {  	v2 =	vadd.f32 @!p1 v9, v2;
	v59 =	vpsel p3, $0x0, v8  }
0x177: {  	v60 =	vpsel p3, $0x0, v9;
	v3 =	vpsel p1, v59, v3  }
0x178: {  	v2 =	vpsel p1, v60, v2;
	(xrf2) =	vadd.scan.msk.f32 @p0 $0xffff, v3  }
0x179: {  	(xrf2) =	vadd.scan.msk.f32 @p0 $0xffff, v2;
	_ =	sdelay $0x6  }
0x17a: {  	v6 =	vlaneseq.u32 @p0  }
0x17b: {  	v4 =	vbroadcast @p0 v4, $0xF;
	v6 =	vmul.u32 @p0 $0x800, v6  }
0x17c: {  	v7, _, _ =	vpop @p0 (xrf2);
	s30 =	spop @p0 (v2sf)  }
0x17d: {  	s26 =	sadd.f32 @!p1 $1.600000000e+01, s26;
	s31 =	simm.f32 @p1 $1.600000000e+01;
	v4 =	vadd.s32 @p0 v6, v4;
	v8, _, _ =	vpop @p0 (xrf2);
	p2 =	seq.s32 @p0 s30, s25  }
0x17e: {  	s31 =	simm.f32 @p3 $0.0e+00;
	v6 =	vld [tilespmem:s29+$0x10];
	v8 =	vbroadcast @p0 v8, $0xF;
	p3 =	por p2, !p0  }
0x17f: {  	s26 =	smov.u32 @p1 s31;
	v9 =	vld [tilespmem:s29+$0x3910];
	vm2 =	vcmask @p0 $0x3F08;
	v7 =	vbroadcast @p0 v7, $0xF;
	v10 =	vadd.s32 @!p3 $0x800, v5  }
0x180: {  	v8 =	vsel @p0 vm2, s26, v8;
	vm2 =	vcmask @p0 $0x3F04;
	v11 =	vadd.s32 @!p3 $0x1000, v5  }
0x181: {  	v7 =	vsel @p0 vm2, v8, v7;
	s30 =	simm.s32 @p0 $0xAB00  }
0x182: {  	[tilespmem:v4+s30+$0x0] =	vst.idx.add.f32.msk @p0 $0x7, v7;
	s30 =	simm.s32 @!p3 $0xAB00  }
0x183: {  	[tilespmem:v5+s30+$0x0] =	vst.idx.add.f32.msk @!p3 $0xffff, v6  }
0x184: {  	v4 =	vimm.f32 @!p3 $1.000000000e+00;
	[tilespmem:v10+s30+$0x0] =	vst.idx.add.f32.msk @!p3 $0xffff, v9  }
0x185: {  	[tilespmem:v11+s30+$0x0] =	vst.idx.add.f32.msk @!p3 $0xffff, v4  }
0x186: {  	v4 =	vld [tilespmem:s29+$0x7220];
	_ =	sdelay $0x4  }
0x187: {  	(v2sf) =	vpush v4, $0xF;
	_ =	sdelay $0xe  }
0x188: {  	s30 =	spop (v2sf)  }
0x189: {  	p1 =	sne.s32 s30, s25  }
0x18a: {  	(v2sf) =	vpush @p1 v4, $0x0;
	_ =	sdelay $0x1  }
0x18b: {  	v3 =	vadd.f32 @!p0 v6, v3;
	p3 =	por !p2, !p0  }
0x18c: {  	v2 =	vadd.f32 @!p0 v9, v2;
	v6 =	vpsel p3, $0x0, v6  }
0x18d: {  	v61 =	vpsel p3, $0x0, v9;
	v3 =	vpsel p0, v6, v3  }
0x18e: {  	v2 =	vpsel p0, v61, v2;
	(xrf2) =	vadd.scan.msk.f32 @p1 $0xffff, v3  }
0x18f: {  	(xrf2) =	vadd.scan.msk.f32 @p1 $0xffff, v2;
	_ =	sdelay $0x6  }
0x190: {  	v6 =	vlaneseq.u32 @p1  }
0x191: {  	v5 =	vbroadcast @p1 v5, $0xF;
	v6 =	vmul.u32 @p1 $0x800, v6  }
0x192: {  	v7, _, _ =	vpop @p1 (xrf2);
	s25 =	spop @p1 (v2sf)  }
0x193: {  	s31 =	simm.f32 @p0 $1.600000000e+01;
	s26 =	sadd.f32 @!p0 $1.600000000e+01, s26;
	v5 =	vadd.s32 @p1 v6, v5;
	v8, _, _ =	vpop @p1 (xrf2);
	p2 =	seq.s32 @p1 s25, s30  }
0x194: {  	s31 =	simm.f32 @p3 $0.0e+00;
	v6 =	vld [tilespmem:s29+$0x20];
	v8 =	vbroadcast @p1 v8, $0xF;
	p3 =	por p2, !p1  }
0x195: {  	v9 =	vld [tilespmem:s29+$0x3920];
	s26 =	smov.u32 @p0 s31;
	vm2 =	vcmask @p1 $0x3F08;
	v7 =	vbroadcast @p1 v7, $0xF;
	v10 =	vadd.s32 @!p3 $0x800, v4  }
0x196: {  	v8 =	vsel @p1 vm2, s26, v8;
	vm2 =	vcmask @p1 $0x3F04;
	v11 =	vadd.s32 @!p3 $0x1000, v4  }
0x197: {  	v7 =	vsel @p1 vm2, v8, v7;
	s25 =	simm.s32 @p1 $0xAB00  }
0x198: {  	[tilespmem:v5+s25+$0x0] =	vst.idx.add.f32.msk @p1 $0x7, v7;
	s25 =	simm.s32 @!p3 $0xAB00  }
0x199: {  	[tilespmem:v4+s25+$0x0] =	vst.idx.add.f32.msk @!p3 $0xffff, v6  }
0x19a: {  	v5 =	vimm.f32 @!p3 $1.000000000e+00;
	[tilespmem:v10+s25+$0x0] =	vst.idx.add.f32.msk @!p3 $0xffff, v9  }
0x19b: {  	[tilespmem:v11+s25+$0x0] =	vst.idx.add.f32.msk @!p3 $0xffff, v5  }
0x19c: {  	v5 =	vld [tilespmem:s29+$0x7230];
	_ =	sdelay $0x4  }
0x19d: {  	(v2sf) =	vpush v5, $0xF;
	_ =	sdelay $0xe  }
0x19e: {  	s25 =	spop (v2sf)  }
0x19f: {  	p0 =	sne.s32 s25, s30  }
0x1a0: {  	(v2sf) =	vpush @p0 v5, $0x0;
	_ =	sdelay $0x1  }
0x1a1: {  	v3 =	vadd.f32 @!p1 v6, v3;
	p3 =	por !p2, !p1  }
0x1a2: {  	v2 =	vadd.f32 @!p1 v9, v2;
	v6 =	vpsel p3, $0x0, v6  }
0x1a3: {  	v62 =	vpsel p3, $0x0, v9;
	v3 =	vpsel p1, v6, v3  }
0x1a4: {  	v2 =	vpsel p1, v62, v2;
	(xrf2) =	vadd.scan.msk.f32 @p0 $0xffff, v3  }
0x1a5: {  	(xrf2) =	vadd.scan.msk.f32 @p0 $0xffff, v2;
	_ =	sdelay $0x6  }
0x1a6: {  	v6 =	vlaneseq.u32 @p0  }
0x1a7: {  	v4 =	vbroadcast @p0 v4, $0xF;
	v6 =	vmul.u32 @p0 $0x800, v6  }
0x1a8: {  	v7, _, _ =	vpop @p0 (xrf2);
	s30 =	spop @p0 (v2sf)  }
0x1a9: {  	s31 =	simm.f32 @p1 $1.600000000e+01;
	s26 =	sadd.f32 @!p1 $1.600000000e+01, s26;
	v4 =	vadd.s32 @p0 v6, v4;
	v8, _, _ =	vpop @p0 (xrf2);
	p2 =	seq.s32 @p0 s30, s25  }
0x1aa: {  	s31 =	simm.f32 @p3 $0.0e+00;
	v6 =	vld [tilespmem:s29+$0x30];
	v8 =	vbroadcast @p0 v8, $0xF;
	p3 =	por p2, !p0  }
0x1ab: {  	v9 =	vld [tilespmem:s29+$0x3930];
	s26 =	smov.u32 @p1 s31;
	vm2 =	vcmask @p0 $0x3F08;
	v7 =	vbroadcast @p0 v7, $0xF;
	v10 =	vadd.s32 @!p3 $0x800, v5  }
0x1ac: {  	v8 =	vsel @p0 vm2, s26, v8;
	vm2 =	vcmask @p0 $0x3F04;
	v11 =	vadd.s32 @!p3 $0x1000, v5  }
0x1ad: {  	v7 =	vsel @p0 vm2, v8, v7;
	s30 =	simm.s32 @p0 $0xAB00  }
0x1ae: {  	[tilespmem:v4+s30+$0x0] =	vst.idx.add.f32.msk @p0 $0x7, v7;
	s30 =	simm.s32 @!p3 $0xAB00  }
0x1af: {  	[tilespmem:v5+s30+$0x0] =	vst.idx.add.f32.msk @!p3 $0xffff, v6  }
0x1b0: {  	v4 =	vimm.f32 @!p3 $1.000000000e+00;
	[tilespmem:v10+s30+$0x0] =	vst.idx.add.f32.msk @!p3 $0xffff, v9  }
0x1b1: {  	[tilespmem:v11+s30+$0x0] =	vst.idx.add.f32.msk @!p3 $0xffff, v4  }
0x1b2: {  	v4 =	vld [tilespmem:s29+$0x7240];
	_ =	sdelay $0x4  }
0x1b3: {  	(v2sf) =	vpush v4, $0xF;
	_ =	sdelay $0xe  }
0x1b4: {  	s30 =	spop (v2sf)  }
0x1b5: {  	p1 =	sne.s32 s30, s25  }
0x1b6: {  	(v2sf) =	vpush @p1 v4, $0x0;
	_ =	sdelay $0x1  }
0x1b7: {  	v3 =	vadd.f32 @!p0 v6, v3;
	p3 =	por !p2, !p0  }
0x1b8: {  	v2 =	vadd.f32 @!p0 v9, v2;
	v6 =	vpsel p3, $0x0, v6  }
0x1b9: {  	v63 =	vpsel p3, $0x0, v9;
	v3 =	vpsel p0, v6, v3  }
0x1ba: {  	v2 =	vpsel p0, v63, v2;
	(xrf2) =	vadd.scan.msk.f32 @p1 $0xffff, v3  }
0x1bb: {  	(xrf2) =	vadd.scan.msk.f32 @p1 $0xffff, v2;
	_ =	sdelay $0x6  }
0x1bc: {  	v6 =	vlaneseq.u32 @p1  }
0x1bd: {  	v5 =	vbroadcast @p1 v5, $0xF;
	v6 =	vmul.u32 @p1 $0x800, v6  }
0x1be: {  	v7, _, _ =	vpop @p1 (xrf2);
	s31 =	spop @p1 (v2sf)  }
0x1bf: {  	s26 =	sadd.f32 @!p0 $1.600000000e+01, s26;
	v8 =	vld [tilespmem:s29+$0x40];
	v5 =	vadd.s32 @p1 v6, v5;
	v9, _, _ =	vpop @p1 (xrf2);
	p2 =	seq.s32 @p1 s31, s30;
	s31 =	simm.f32 @p0 $1.600000000e+01  }
0x1c0: {  	v6 =	vld [tilespmem:s29+$0x3940];
	v9 =	vbroadcast @p1 v9, $0xF;
	s31 =	simm.f32 @p3 $0.0e+00;
	p3 =	por p2, !p1  }
0x1c1: {  	vm2 =	vcmask @p1 $0x3F08;
	v7 =	vbroadcast @p1 v7, $0xF;
	s26 =	smov.u32 @p0 s31;
	v10 =	vadd.s32 @!p3 $0x800, v4  }
0x1c2: {  	v11 =	vadd.s32 @!p3 $0x1000, v4;
	v9 =	vsel @p1 vm2, s26, v9;
	vm2 =	vcmask @p1 $0x3F04  }
0x1c3: {  	s29 =	simm.s32 @p1 $0xAB00;
	v7 =	vsel @p1 vm2, v9, v7  }
0x1c4: {  	[tilespmem:v5+s29+$0x0] =	vst.idx.add.f32.msk @p1 $0x7, v7;
	s29 =	simm.s32 @!p3 $0xAB00  }
0x1c5: {  	v3 =	vadd.f32 @!p1 v8, v3;
	v2 =	vadd.f32 @!p1 v6, v2;
	s31 =	simm.f32 @p1 $1.600000000e+01;
	p0 =	por !p2, !p1;
	s26 =	sadd.f32 @!p1 $1.600000000e+01, s26;
	[tilespmem:v4+s29+$0x0] =	vst.idx.add.f32.msk @!p3 $0xffff, v8  }
0x1c6: {  	s31 =	simm.f32 @p0 $0.0e+00;
	v5 =	vpsel p0, $0x0, v8;
	v4 =	vimm.f32 @!p3 $1.000000000e+00;
	[tilespmem:v10+s29+$0x0] =	vst.idx.add.f32.msk @!p3 $0xffff, v6;
	v6 =	vpsel p0, $0x0, v6  }
0x1c7: {  	s25 =	smov.u32 @p1 s30;
	s26 =	smov.u32 @p1 s31;
	v3 =	vpsel p1, v5, v3;
	[tilespmem:v11+s29+$0x0] =	vst.idx.add.f32.msk @!p3 $0xffff, v4;
	v2 =	vpsel p1, v6, v2  }
.LBB2_17:
0x1c8: {  	s28 =	sadd.s32 $0x140, s28  }
0x1c9: {  	p0 =	sne.s32 s28, $0x71C0  }
.Ltmp12:
0x1ca: {  	_ = 	snop;
	(pc) =	sbr.rel @!p0 .LBB2_18-.Ltmp12, $1  }
0x1cb: {  	_ =	sdelay $0x3  }
.LBB2_14:
0x1cc: {  	s29 =	sshra.s32 s28, $0x2  }
0x1cd: {  	v4 =	vld [tilespmem:s29+$0x7240];
	_ =	sdelay $0x4  }
0x1ce: {  	(v2sf) =	vpush v4, $0xF;
	_ =	sdelay $0xe  }
0x1cf: {  	s30 =	spop (v2sf)  }
0x1d0: {  	p0 =	sne.s32 s30, s25  }
.Ltmp13:
0x1d1: {  	_ = 	snop;
	(pc) =	sbr.rel @p0 .LBB2_16-.Ltmp13, $1  }
0x1d2: {  	_ =	sdelay $0x3  }
0x1d3: {  	v4 =	vld [tilespmem:s29+$0x0]  }
0x1d4: {  	v5 =	vld [tilespmem:s29+$0x10]  }
0x1d5: {  	v6 =	vld [tilespmem:s29+$0x20]  }
0x1d6: {  	v7 =	vld [tilespmem:s29+$0x30]  }
0x1d7: {  	v8 =	vld [tilespmem:s29+$0x3900]  }
0x1d8: {  	v9 =	vld [tilespmem:s29+$0x3910]  }
0x1d9: {  	v10 =	vld [tilespmem:s29+$0x3920]  }
0x1da: {  	v11 =	vld [tilespmem:s29+$0x3930];
	_ =	sdelay $0x2  }
0x1db: {  	v12 =	vld [tilespmem:s29+$0x40]  }
0x1dc: {  	v13 =	vld [tilespmem:s29+$0x3940];
	v4 =	vadd.f32 v5, v4;
	v5 =	vadd.f32 v7, v6  }
0x1dd: {  	v62 =	vadd.f32 v9, v8;
	v63 =	vadd.f32 v11, v10  }
0x1de: {  	v4 =	vadd.f32 v5, v4  }
.Ltmp14:
0x1df: {  	v5 =	vadd.f32 v63, v62;
	(pc) =	sbr.rel .LBB2_17-.Ltmp14, $4  }
0x1e0: {  	v4 =	vadd.f32 v4, v12  }
0x1e1: {  	v5 =	vadd.f32 v5, v13  }
0x1e2: {  	v3 =	vadd.f32 v4, v3  }
0x1e3: {  	s26 =	sadd.f32 $8.000000000e+01, s26;
	v2 =	vadd.f32 v5, v2  }
.LBB2_19:
0x1e4: {  	_ =	sfence.sel $0x180000  }
0x1e5: {  	[bflag:$0x0] =	sbarrier.arrive $0xFFFF  }
0x1e6: {  	p0 =	sne.s32 s1, $0x0;
	_ =	strace $0x9000004A  }
0x1e7: {  	s0 =	sadd.s32 @!p0 $0x100000, s0;
	[bflag:$0x2] =	sbarrier.arrive $0xFFFF  }
0x1e8: {  	[sflag:s0] =	ssyncadd.tile.s32 @!p0 $0x1;
	_ =	shalt  }
.Lfunc_end2:
_tile_overlayer_lowered:
.L_overlay_start_2:
0x1e9: {  	(tag) =	ssettag $0x2  }
0x1ea: {  	s0 =	rddreg [dreg:$0x0];
	s2 =	stileid.u32  }
0x1eb: {  	s1 =	rddreg [dreg:$0x1];
	p0 =	sne.s32 s2, $0x0  }
0x1ec: {  	s3 =	rddreg [dreg:$0x2];
	[bflag:$0x3] =	sbarrier.arrive $0xFFFF;
	s2 =	simm.s32 @!p0 $0x1C03  }
0x1ed: {  	[timem:s3], [sflag:s2] =	dma.local @!p0 [hbm:s0], s1  }
0x1ee: {  	s0 =	simm.s32 @!p0 $0x3  }
0x1ef: {  	_ =	swait.ge @!p0 [sflag:s0], s1  }
0x1f0: {  	s1 =	ssub.s32 @!p0 $0x0, s1;
	[sflag:s0] =	ssyncset.done @!p0 $0x0  }
0x1f1: {  	[sflag:s0] =	ssyncadd.s32 @!p0 s1  }
0x1f2: {  	[bflag:$0x3] =	sbarrier.arrive $0xFFFF  }
0x1f3: {  	_ =	shalt  }

</sc_bundles>
